<compile_context>
chip_gen: v7x
topology: tpu7x:2x2x1
jax: 0.10.2.dev20260603
libtpu: 0.0.44.dev20260713+nightly
codegen_flags: <defaults>
</compile_context>

<pallas_src>
import functools

import jax
import jax.numpy as jnp
from jax import lax
from jax.experimental import pallas as pl
from jax.experimental.pallas import tpu as pltpu
from jax.experimental.pallas import tpu_sc as plsc

N_TABLE = 100000
EMBED_DIM = 64
NUM_BAGS = 4096
TOTAL_INDICES = 204800

NC = 2
NS = 16
NW = NC * NS
CHUNK = 256
SCAT = 128
NBUF = 3
PER_W = TOTAL_INDICES // NW
N_CHUNKS = PER_W // CHUNK
LOG2_BAGS = 12


def _sc_partials():
    mesh = plsc.VectorSubcoreMesh(core_axis_name="c", subcore_axis_name="s")

    @functools.partial(
        pl.kernel,
        mesh=mesh,
        compiler_params=pltpu.CompilerParams(
            needs_layout_passes=False, use_tc_tiling_on_sc=False),
        out_type=jax.ShapeDtypeStruct((NC * NUM_BAGS, EMBED_DIM), jnp.float32),
        scratch_types=[
            pltpu.VMEM((NUM_BAGS,), jnp.int32),
            pltpu.VMEM((PER_W,), jnp.int32),
            pltpu.VMEM((SCAT,), jnp.int32),
            pltpu.VMEM((SCAT,), jnp.int32),
            pltpu.VMEM((SCAT,), jnp.int32),
            pltpu.VMEM((SCAT,), jnp.int32),
            pltpu.VMEM((SCAT,), jnp.int32),
            pltpu.VMEM((SCAT,), jnp.int32),
            pltpu.VMEM((CHUNK, EMBED_DIM), jnp.float32),
            pltpu.VMEM((CHUNK, EMBED_DIM), jnp.float32),
            pltpu.VMEM((CHUNK, EMBED_DIM), jnp.float32),
            pltpu.VMEM_SHARED((NUM_BAGS, EMBED_DIM), jnp.float32),
            pltpu.SemaphoreType.DMA,
            pltpu.SemaphoreType.DMA,
            pltpu.SemaphoreType.DMA,
            pltpu.SemaphoreType.DMA,
            pltpu.SemaphoreType.DMA,
            pltpu.SemaphoreType.DMA,
        ],
    )
    def body(weight_hbm, idx_hbm, offs_hbm, out_hbm, offs_v, idx_all,
             seg0a, seg0b, seg1a, seg1b, seg2a, seg2b, rows0, rows1, rows2,
             acc_sh, sem_g0, sem_g1, sem_g2, sem_s0, sem_s1, sem_s2):
        c = lax.axis_index("c")
        s = lax.axis_index("s")
        wid = s * NC + c

        pltpu.sync_copy(idx_hbm.at[pl.ds(wid * PER_W, PER_W)], idx_all)
        pltpu.sync_copy(offs_hbm, offs_v)

        bufs = (((seg0a, seg0b), rows0, sem_g0, sem_s0),
                ((seg1a, seg1b), rows1, sem_g1, sem_s1),
                ((seg2a, seg2b), rows2, sem_g2, sem_s2))

        def idx_slice(g):
            return idx_all.at[pl.ds(g * CHUNK, CHUNK)]

        def fire_gather(g, b):
            _, rows, semg, _ = bufs[b]
            pltpu.async_copy(weight_hbm.at[idx_slice(g)], rows, semg)

        def wait_gather(g, b):
            _, rows, semg, _ = bufs[b]
            pltpu.make_async_copy(
                weight_hbm.at[idx_slice(g)], rows, semg).wait()

        def fire_scatter(b):
            segs, rows, _, sems = bufs[b]
            pltpu.async_copy(
                rows.at[pl.ds(0, SCAT)], acc_sh.at[segs[0]], sems, add=True)
            pltpu.async_copy(
                rows.at[pl.ds(SCAT, SCAT)], acc_sh.at[segs[1]], sems, add=True)

        def wait_scatter(b):
            segs, rows, _, sems = bufs[b]
            pltpu.make_async_copy(
                rows.at[pl.ds(0, SCAT)], acc_sh.at[segs[0]], sems).wait()
            pltpu.make_async_copy(
                rows.at[pl.ds(SCAT, SCAT)], acc_sh.at[segs[1]], sems).wait()

        fire_gather(0, 0)

        zeros16 = jnp.zeros((16,), jnp.float32)
        rows_per_tile = NUM_BAGS // NS

        def zero_row(r, _):
            for d in range(EMBED_DIM // 16):
                rows1[r, pl.ds(d * 16, 16)] = zeros16
            return _

        lax.fori_loop(0, rows_per_tile, zero_row, None)
        pltpu.sync_copy(rows1.at[pl.ds(0, rows_per_tile)],
                        acc_sh.at[pl.ds(s * rows_per_tile, rows_per_tile)])
        plsc.subcore_barrier()

        iota16 = lax.broadcasted_iota(jnp.int32, (16,), 0)
        n_vecs = CHUNK // 16

        def compute_segs(g, seg_refs):
            base = wid * PER_W + g * CHUNK
            pos0 = base + iota16
            lo = jnp.zeros((16,), jnp.int32)
            hi = jnp.full((16,), NUM_BAGS, jnp.int32)
            for _step in range(LOG2_BAGS):
                mid = (lo + hi) >> 1
                val = plsc.load_gather(offs_v, [mid])
                go_right = val <= pos0
                lo = jnp.where(go_right, mid + 1, lo)
                hi = jnp.where(go_right, hi, mid)
            s0 = jnp.maximum(lo[0] - 1, 0)
            max_pos = base + CHUNK - 1

            def offs_at(k):
                kc = jnp.minimum(k, NUM_BAGS - 1)
                return plsc.load_gather(
                    offs_v, [jnp.full((16,), kc, jnp.int32)])[0]

            def w_cond(carry):
                k, vk = carry[0], carry[1]
                return (k < NUM_BAGS) & (vk <= max_pos)

            def w_body(carry):
                k, vk = carry[0], carry[1]
                cs = carry[2:]
                vkv = jnp.full((16,), vk, jnp.int32)
                cs = tuple(
                    cs[v] + jnp.where(vkv <= base + v * 16 + iota16, 1, 0)
                    for v in range(n_vecs))
                return (k + 1, offs_at(k + 1)) + cs

            init = (s0 + 1, offs_at(s0 + 1)) + tuple(
                jnp.zeros((16,), jnp.int32) for _ in range(n_vecs))
            out = lax.while_loop(w_cond, w_body, init)
            cs = out[2:]
            for v in range(n_vecs):
                seg = jnp.minimum(s0 + cs[v], NUM_BAGS - 1)
                half, off = divmod(v, SCAT // 16)
                seg_refs[half][pl.ds(off * 16, 16)] = seg

        def stage(g, b, fire_next, wait_old):
            bn = (b + 1) % NBUF
            wait_gather(g, b)
            if wait_old:
                wait_scatter(bn)
            if fire_next:
                fire_gather(g + 1, bn)
            compute_segs(g, bufs[b][0])
            fire_scatter(b)

        stage(0, 0, True, False)
        stage(1, 1, True, False)

        def triple(i, _):
            g = 3 * i + 2
            stage(g, 2, True, True)
            stage(g + 1, 0, True, True)
            stage(g + 2, 1, True, True)
            return _

        lax.fori_loop(0, (N_CHUNKS - 4) // 3, triple, None)
        stage(N_CHUNKS - 2, (N_CHUNKS - 2) % NBUF, True, True)
        stage(N_CHUNKS - 1, (N_CHUNKS - 1) % NBUF, False, True)
        wait_scatter((N_CHUNKS - 2) % NBUF)
        wait_scatter((N_CHUNKS - 1) % NBUF)
        plsc.subcore_barrier()

        pltpu.sync_copy(
            acc_sh.at[pl.ds(s * rows_per_tile, rows_per_tile)],
            out_hbm.at[pl.ds(c * NUM_BAGS + s * rows_per_tile,
                             rows_per_tile)])

    return body


def _combine_body(a_ref, b_ref, o_ref):
    o_ref[...] = a_ref[...] + b_ref[...]


@jax.jit
def kernel(weight, indices_fwd, offsets):
    partials = _sc_partials()(weight, indices_fwd, offsets)
    return pl.pallas_call(
        _combine_body,
        out_shape=jax.ShapeDtypeStruct((NUM_BAGS, EMBED_DIM), jnp.float32),
    )(partials[:NUM_BAGS], partials[NUM_BAGS:])

# --- scband reference (transcript-rebuilt; emitter-appended) ---
"""Pipeline reference for scband-habana-embedding-bag-12463995093194 (READ-ONLY COPY).

The authoritative reference and input builder live on the scoring server;
editing this copy changes nothing except your own understanding.
"""

import jax, jax.numpy as jnp
import numpy as np

N_TABLE = 100000
EMBED_DIM = 64
NUM_BAGS = 4096
TOTAL_INDICES = 204800


def setup_inputs(seed: int = 0) -> dict:
    key = jax.random.key(seed)
    k1, k2, k3 = jax.random.split(key, 3)
    weight = jax.random.normal(k1, (N_TABLE, EMBED_DIM), dtype=jnp.float32) * 0.01
    indices_fwd = jax.random.randint(k2, (TOTAL_INDICES,), 0, N_TABLE, dtype=jnp.int32)
    offsets = jnp.sort(jax.random.randint(k3, (NUM_BAGS,), 0, TOTAL_INDICES, dtype=jnp.int32))
    offsets = offsets.at[0].set(0)  # embedding_bag convention: first bag starts at 0
    return {"weight": weight, "indices_fwd": indices_fwd, "offsets": offsets}


def reference(weight, indices_fwd, offsets):
    # EmbeddingBag sum mode: out[b] = sum over weight[indices_fwd[offsets[b]:offsets[b+1]]]
    gathered = jnp.take(weight, indices_fwd, axis=0)  # [TOTAL, D] gather
    positions = jnp.arange(indices_fwd.shape[0])
    # bag id for each flat index position
    seg_ids = jnp.searchsorted(offsets, positions, side='right') - 1
    out = jax.ops.segment_sum(gathered, seg_ids, num_segments=offsets.shape[0])
    return out

if __name__ == "__main__":
    import jax
    _d = setup_inputs()
    print(jax.jit(kernel)(*tuple(_d.values())))

</pallas_src>

<mosaic_0001>
#map = affine_map<(d0, d1) -> (0, 0)>
#map1 = affine_map<(d0, d1) -> (0)>
module attributes {stable_mosaic.version = 14 : i64} {
  func.func @body(%arg0: i32, %arg1: i32, %arg2: memref<100000x64xf32, #tpu.memory_space<hbm>>, %arg3: memref<204800xi32, #tpu.memory_space<hbm>>, %arg4: memref<4096xi32, #tpu.memory_space<hbm>>, %arg5: memref<8192x64xf32, #tpu.memory_space<hbm>>, %arg6: memref<4096xi32, #tpu.memory_space<vmem>>, %arg7: memref<6400xi32, #tpu.memory_space<vmem>>, %arg8: memref<128xi32, #tpu.memory_space<vmem>>, %arg9: memref<128xi32, #tpu.memory_space<vmem>>, %arg10: memref<128xi32, #tpu.memory_space<vmem>>, %arg11: memref<128xi32, #tpu.memory_space<vmem>>, %arg12: memref<128xi32, #tpu.memory_space<vmem>>, %arg13: memref<128xi32, #tpu.memory_space<vmem>>, %arg14: memref<256x64xf32, #tpu.memory_space<vmem>>, %arg15: memref<256x64xf32, #tpu.memory_space<vmem>>, %arg16: memref<256x64xf32, #tpu.memory_space<vmem>>, %arg17: memref<4096x64xf32, #tpu.memory_space<vmem_shared>>, %arg18: memref<!tpu.dma_semaphore, #tpu.memory_space<semaphore_mem>>, %arg19: memref<!tpu.dma_semaphore, #tpu.memory_space<semaphore_mem>>, %arg20: memref<!tpu.dma_semaphore, #tpu.memory_space<semaphore_mem>>, %arg21: memref<!tpu.dma_semaphore, #tpu.memory_space<semaphore_mem>>, %arg22: memref<!tpu.dma_semaphore, #tpu.memory_space<semaphore_mem>>, %arg23: memref<!tpu.dma_semaphore, #tpu.memory_space<semaphore_mem>>) attributes {dimension_semantics = [#tpu.dimension_semantics<core_parallel>, #tpu.dimension_semantics<subcore_parallel>], iteration_bounds = array<i64: 2, 16>, scalar_prefetch = 0 : i64, scratch_operands = 18 : i64, tpu.core_type = #tpu.core_type<sc_vector_subcore>, window_params = [{transform_indices = #map}, {transform_indices = #map1}, {transform_indices = #map1}, {transform_indices = #map}]} {
    %mul3A = arith.constant 2 : i32
    %mul3A_0 = arith.muli %arg1, %mul3A : i32
    %add3A = arith.addi %mul3A_0, %arg0 : i32
    %mul3A_1 = arith.constant 6400 : i32
    %mul3A_2 = arith.muli %add3A, %mul3A_1 : i32
    "tpu.region"() ({
      %run_scoped3A = tpu.sem_alloc : memref<!tpu.dma_semaphore, #tpu.memory_space<semaphore_mem>>
      %dma_start3A_1374 = tpu.memref_slice %arg3[%mul3A_2] : memref<204800xi32, #tpu.memory_space<hbm>> -> memref<6400xi32, #tpu.memory_space<hbm>>
      %dma_start3A_1375 = tpu.memref_slice %arg3[%mul3A_2] : memref<204800xi32, #tpu.memory_space<hbm>> -> memref<6400xi32, #tpu.memory_space<hbm>>
      tpu.enqueue_dma source(%dma_start3A_1375 : memref<6400xi32, #tpu.memory_space<hbm>>) target(%arg7 : memref<6400xi32, #tpu.memory_space<vmem>>) target_semaphore(%run_scoped3A : memref<!tpu.dma_semaphore, #tpu.memory_space<semaphore_mem>>)
      %dma_wait3A_1376 = tpu.memref_slice %arg3[%mul3A_2] : memref<204800xi32, #tpu.memory_space<hbm>> -> memref<6400xi32, #tpu.memory_space<hbm>>
      %dma_wait3A_1377 = tpu.memref_slice %arg3[%mul3A_2] : memref<204800xi32, #tpu.memory_space<hbm>> -> memref<6400xi32, #tpu.memory_space<hbm>>
      tpu.wait_dma2 semaphore(%run_scoped3A : memref<!tpu.dma_semaphore, #tpu.memory_space<semaphore_mem>>) src(%dma_wait3A_1377 : memref<6400xi32, #tpu.memory_space<hbm>>) dst(%arg7 : memref<6400xi32, #tpu.memory_space<vmem>>)
      tpu.yield
    }) : () -> ()
    "tpu.region"() ({
      %run_scoped3A = tpu.sem_alloc : memref<!tpu.dma_semaphore, #tpu.memory_space<semaphore_mem>>
      tpu.enqueue_dma source(%arg4 : memref<4096xi32, #tpu.memory_space<hbm>>) target(%arg6 : memref<4096xi32, #tpu.memory_space<vmem>>) target_semaphore(%run_scoped3A : memref<!tpu.dma_semaphore, #tpu.memory_space<semaphore_mem>>)
      tpu.wait_dma2 semaphore(%run_scoped3A : memref<!tpu.dma_semaphore, #tpu.memory_space<semaphore_mem>>) src(%arg4 : memref<4096xi32, #tpu.memory_space<hbm>>) dst(%arg6 : memref<4096xi32, #tpu.memory_space<vmem>>)
      tpu.yield
    }) : () -> ()
    %dma_start3A = arith.constant 0 : i32
    %dma_start3A_3 = tpu.memref_slice %arg7[%dma_start3A] : memref<6400xi32, #tpu.memory_space<vmem>> -> memref<256xi32, #tpu.memory_space<vmem>>
    %dma_start3A_4 = arith.constant 0 : i32
    %dma_start3A_5 = arith.constant 0 : i32
    %dma_start3A_6 = tpu.memref_slice %arg2[%dma_start3A_4, %dma_start3A_5] : memref<100000x64xf32, #tpu.memory_space<hbm>> -> memref<100000x64xf32, #tpu.memory_space<hbm>>
    tpu.enqueue_indirect_dma source(%dma_start3A_6 : memref<100000x64xf32, #tpu.memory_space<hbm>>) target(%arg14 : memref<256x64xf32, #tpu.memory_space<vmem>>) offsets(%dma_start3A_3 : memref<256xi32, #tpu.memory_space<vmem>>) semaphore(%arg18 : memref<!tpu.dma_semaphore, #tpu.memory_space<semaphore_mem>>)
    %broadcast_in_dim3A = arith.constant 0.000000e+00 : f32
    %broadcast_in_dim3A_7 = vector.broadcast %broadcast_in_dim3A : f32 to vector<16xf32>
    %scan3A = arith.constant 0 : i32
    %scan3A_8 = arith.constant 256 : i32
    %scan3A_9 = arith.addi %scan3A, %scan3A_8 : i32
    %scan3A_10 = arith.constant 1 : i32
    scf.for %scan3A_1374 = %scan3A to %scan3A_9 step %scan3A_10  : i32 {
      %swap3A_1375 = arith.index_cast %scan3A_1374 : i32 to index
      %swap3A_1376 = arith.constant 0 : index
      %swap3A_1377 = tpu.vector_load %arg15[%swap3A_1375, %swap3A_1376] {strides = array<i32>} : memref<256x64xf32, #tpu.memory_space<vmem>>, vector<16xf32>,
      tpu.vector_store %arg15[%swap3A_1375, %swap3A_1376], %broadcast_in_dim3A_7 {strides = array<i32>} : memref<256x64xf32, #tpu.memory_space<vmem>>, vector<16xf32>,
      %swap3A_1378 = arith.index_cast %scan3A_1374 : i32 to index
      %swap3A_1379 = arith.constant 16 : index
      %swap3A_1380 = tpu.vector_load %arg15[%swap3A_1378, %swap3A_1379] {strides = array<i32>} : memref<256x64xf32, #tpu.memory_space<vmem>>, vector<16xf32>,
      tpu.vector_store %arg15[%swap3A_1378, %swap3A_1379], %broadcast_in_dim3A_7 {strides = array<i32>} : memref<256x64xf32, #tpu.memory_space<vmem>>, vector<16xf32>,
      %swap3A_1381 = arith.index_cast %scan3A_1374 : i32 to index
      %swap3A_1382 = arith.constant 32 : index
      %swap3A_1383 = tpu.vector_load %arg15[%swap3A_1381, %swap3A_1382] {strides = array<i32>} : memref<256x64xf32, #tpu.memory_space<vmem>>, vector<16xf32>,
      tpu.vector_store %arg15[%swap3A_1381, %swap3A_1382], %broadcast_in_dim3A_7 {strides = array<i32>} : memref<256x64xf32, #tpu.memory_space<vmem>>, vector<16xf32>,
      %swap3A_1384 = arith.index_cast %scan3A_1374 : i32 to index
      %swap3A_1385 = arith.constant 48 : index
      %swap3A_1386 = tpu.vector_load %arg15[%swap3A_1384, %swap3A_1385] {strides = array<i32>} : memref<256x64xf32, #tpu.memory_space<vmem>>, vector<16xf32>,
      tpu.vector_store %arg15[%swap3A_1384, %swap3A_1385], %broadcast_in_dim3A_7 {strides = array<i32>} : memref<256x64xf32, #tpu.memory_space<vmem>>, vector<16xf32>,
    }
    %scan3A_11 = arith.constant 256 : i32
    %mul3A_12 = arith.constant 256 : i32
    %mul3A_13 = arith.muli %arg1, %mul3A_12 : i32
    "tpu.region"() ({
      %run_scoped3A = tpu.sem_alloc : memref<!tpu.dma_semaphore, #tpu.memory_space<semaphore_mem>>
      %dma_start3A_1374 = arith.constant 0 : i32
      %dma_start3A_1375 = arith.constant 0 : i32
      %dma_start3A_1376 = tpu.memref_slice %arg15[%dma_start3A_1374, %dma_start3A_1375] : memref<256x64xf32, #tpu.memory_space<vmem>> -> memref<256x64xf32, #tpu.memory_space<vmem>>
      %dma_start3A_1377 = arith.constant 0 : i32
      %dma_start3A_1378 = tpu.memref_slice %arg17[%mul3A_13, %dma_start3A_1377] : memref<4096x64xf32, #tpu.memory_space<vmem_shared>> -> memref<256x64xf32, #tpu.memory_space<vmem_shared>>
      %dma_start3A_1379 = arith.constant 0 : i32
      %dma_start3A_1380 = tpu.memref_slice %arg17[%mul3A_13, %dma_start3A_1379] : memref<4096x64xf32, #tpu.memory_space<vmem_shared>> -> memref<256x64xf32, #tpu.memory_space<vmem_shared>>
      %dma_start3A_1381 = arith.constant 0 : i32
      %dma_start3A_1382 = arith.constant 0 : i32
      %dma_start3A_1383 = tpu.memref_slice %arg15[%dma_start3A_1381, %dma_start3A_1382] : memref<256x64xf32, #tpu.memory_space<vmem>> -> memref<256x64xf32, #tpu.memory_space<vmem>>
      tpu.enqueue_dma source(%dma_start3A_1383 : memref<256x64xf32, #tpu.memory_space<vmem>>) target(%dma_start3A_1380 : memref<256x64xf32, #tpu.memory_space<vmem_shared>>) target_semaphore(%run_scoped3A : memref<!tpu.dma_semaphore, #tpu.memory_space<semaphore_mem>>)
      %dma_wait3A_1384 = arith.constant 0 : i32
      %dma_wait3A_1385 = arith.constant 0 : i32
      %dma_wait3A_1386 = tpu.memref_slice %arg15[%dma_wait3A_1384, %dma_wait3A_1385] : memref<256x64xf32, #tpu.memory_space<vmem>> -> memref<256x64xf32, #tpu.memory_space<vmem>>
      %dma_wait3A_1387 = arith.constant 0 : i32
      %dma_wait3A_1388 = tpu.memref_slice %arg17[%mul3A_13, %dma_wait3A_1387] : memref<4096x64xf32, #tpu.memory_space<vmem_shared>> -> memref<256x64xf32, #tpu.memory_space<vmem_shared>>
      %dma_wait3A_1389 = arith.constant 0 : i32
      %dma_wait3A_1390 = tpu.memref_slice %arg17[%mul3A_13, %dma_wait3A_1389] : memref<4096x64xf32, #tpu.memory_space<vmem_shared>> -> memref<256x64xf32, #tpu.memory_space<vmem_shared>>
      %dma_wait3A_1391 = arith.constant 0 : i32
      %dma_wait3A_1392 = arith.constant 0 : i32
      %dma_wait3A_1393 = tpu.memref_slice %arg15[%dma_wait3A_1391, %dma_wait3A_1392] : memref<256x64xf32, #tpu.memory_space<vmem>> -> memref<256x64xf32, #tpu.memory_space<vmem>>
      tpu.wait_dma2 semaphore(%run_scoped3A : memref<!tpu.dma_semaphore, #tpu.memory_space<semaphore_mem>>) src(%dma_wait3A_1393 : memref<256x64xf32, #tpu.memory_space<vmem>>) dst(%dma_wait3A_1390 : memref<256x64xf32, #tpu.memory_space<vmem_shared>>)
      tpu.yield
    }) : () -> ()
    %barrier3A = arith.constant 0 : index
    tpu.barrier barrier_id(%barrier3A)
    %iota3A = tpu.iota {dimensions = array<i32: 0>} : vector<16xi32>
    %dma_wait3A = arith.constant 0 : i32
    %dma_wait3A_14 = tpu.memref_slice %arg7[%dma_wait3A] : memref<6400xi32, #tpu.memory_space<vmem>> -> memref<256xi32, #tpu.memory_space<vmem>>
    %dma_wait3A_15 = arith.constant 0 : i32
    %dma_wait3A_16 = arith.constant 0 : i32
    %dma_wait3A_17 = tpu.memref_slice %arg2[%dma_wait3A_15, %dma_wait3A_16] : memref<100000x64xf32, #tpu.memory_space<hbm>> -> memref<100000x64xf32, #tpu.memory_space<hbm>>
    tpu.wait_indirect_dma semaphore(%arg18 : memref<!tpu.dma_semaphore, #tpu.memory_space<semaphore_mem>>) src(%dma_wait3A_17 : memref<100000x64xf32, #tpu.memory_space<hbm>>) dst(%arg14 : memref<256x64xf32, #tpu.memory_space<vmem>>)
    %dma_start3A_18 = arith.constant 256 : i32
    %dma_start3A_19 = tpu.memref_slice %arg7[%dma_start3A_18] : memref<6400xi32, #tpu.memory_space<vmem>> -> memref<256xi32, #tpu.memory_space<vmem>>
    %dma_start3A_20 = arith.constant 0 : i32
    %dma_start3A_21 = arith.constant 0 : i32
    %dma_start3A_22 = tpu.memref_slice %arg2[%dma_start3A_20, %dma_start3A_21] : memref<100000x64xf32, #tpu.memory_space<hbm>> -> memref<100000x64xf32, #tpu.memory_space<hbm>>
    tpu.enqueue_indirect_dma source(%dma_start3A_22 : memref<100000x64xf32, #tpu.memory_space<hbm>>) target(%arg15 : memref<256x64xf32, #tpu.memory_space<vmem>>) offsets(%dma_start3A_19 : memref<256xi32, #tpu.memory_space<vmem>>) semaphore(%arg19 : memref<!tpu.dma_semaphore, #tpu.memory_space<semaphore_mem>>)
    %mul3A_23 = arith.constant 6400 : i32
    %mul3A_24 = arith.muli %add3A, %mul3A_23 : i32
    %add3A_25 = arith.constant 0 : i32
    %add3A_26 = arith.addi %mul3A_24, %add3A_25 : i32
    %add3A_27 = vector.broadcast %add3A_26 : i32 to vector<16xi32>
    %add3A_28 = arith.addi %add3A_27, %iota3A : vector<16xi32>
    %broadcast_in_dim3A_29 = arith.constant 0 : i32
    %broadcast_in_dim3A_30 = vector.broadcast %broadcast_in_dim3A_29 : i32 to vector<16xi32>
    %broadcast_in_dim3A_31 = arith.constant 4096 : i32
    %broadcast_in_dim3A_32 = vector.broadcast %broadcast_in_dim3A_31 : i32 to vector<16xi32>
    %add3A_33 = arith.addi %broadcast_in_dim3A_30, %broadcast_in_dim3A_32 : vector<16xi32>
    %shift_right_arithmetic3A = arith.constant 1 : i32
    %shift_right_arithmetic3A_34 = vector.broadcast %shift_right_arithmetic3A : i32 to vector<16xi32>
    %shift_right_arithmetic3A_35 = arith.shrsi %add3A_33, %shift_right_arithmetic3A_34 : vector<16xi32>
    %gather3A = tpu.vector_load_idx %arg6[%shift_right_arithmetic3A_35] : memref<4096xi32, #tpu.memory_space<vmem>>[vector<16xi32>], vector<16xi32>,
    %le3A = arith.cmpi sle, %gather3A, %add3A_28 : vector<16xi32>
    %add3A_36 = arith.constant 1 : i32
    %add3A_37 = vector.broadcast %add3A_36 : i32 to vector<16xi32>
    %add3A_38 = arith.addi %shift_right_arithmetic3A_35, %add3A_37 : vector<16xi32>
    %select_n3A = arith.select %le3A, %add3A_38, %broadcast_in_dim3A_30 : vector<16xi1>, vector<16xi32>
    %select_n3A_39 = arith.select %le3A, %broadcast_in_dim3A_32, %shift_right_arithmetic3A_35 : vector<16xi1>, vector<16xi32>
    %add3A_40 = arith.addi %select_n3A, %select_n3A_39 : vector<16xi32>
    %shift_right_arithmetic3A_41 = arith.constant 1 : i32
    %shift_right_arithmetic3A_42 = vector.broadcast %shift_right_arithmetic3A_41 : i32 to vector<16xi32>
    %shift_right_arithmetic3A_43 = arith.shrsi %add3A_40, %shift_right_arithmetic3A_42 : vector<16xi32>
    %gather3A_44 = tpu.vector_load_idx %arg6[%shift_right_arithmetic3A_43] : memref<4096xi32, #tpu.memory_space<vmem>>[vector<16xi32>], vector<16xi32>,
    %le3A_45 = arith.cmpi sle, %gather3A_44, %add3A_28 : vector<16xi32>
    %add3A_46 = arith.constant 1 : i32
    %add3A_47 = vector.broadcast %add3A_46 : i32 to vector<16xi32>
    %add3A_48 = arith.addi %shift_right_arithmetic3A_43, %add3A_47 : vector<16xi32>
    %select_n3A_49 = arith.select %le3A_45, %add3A_48, %select_n3A : vector<16xi1>, vector<16xi32>
    %select_n3A_50 = arith.select %le3A_45, %select_n3A_39, %shift_right_arithmetic3A_43 : vector<16xi1>, vector<16xi32>
    %add3A_51 = arith.addi %select_n3A_49, %select_n3A_50 : vector<16xi32>
    %shift_right_arithmetic3A_52 = arith.constant 1 : i32
    %shift_right_arithmetic3A_53 = vector.broadcast %shift_right_arithmetic3A_52 : i32 to vector<16xi32>
    %shift_right_arithmetic3A_54 = arith.shrsi %add3A_51, %shift_right_arithmetic3A_53 : vector<16xi32>
    %gather3A_55 = tpu.vector_load_idx %arg6[%shift_right_arithmetic3A_54] : memref<4096xi32, #tpu.memory_space<vmem>>[vector<16xi32>], vector<16xi32>,
    %le3A_56 = arith.cmpi sle, %gather3A_55, %add3A_28 : vector<16xi32>
    %add3A_57 = arith.constant 1 : i32
    %add3A_58 = vector.broadcast %add3A_57 : i32 to vector<16xi32>
    %add3A_59 = arith.addi %shift_right_arithmetic3A_54, %add3A_58 : vector<16xi32>
    %select_n3A_60 = arith.select %le3A_56, %add3A_59, %select_n3A_49 : vector<16xi1>, vector<16xi32>
    %select_n3A_61 = arith.select %le3A_56, %select_n3A_50, %shift_right_arithmetic3A_54 : vector<16xi1>, vector<16xi32>
    %add3A_62 = arith.addi %select_n3A_60, %select_n3A_61 : vector<16xi32>
    %shift_right_arithmetic3A_63 = arith.constant 1 : i32
    %shift_right_arithmetic3A_64 = vector.broadcast %shift_right_arithmetic3A_63 : i32 to vector<16xi32>
    %shift_right_arithmetic3A_65 = arith.shrsi %add3A_62, %shift_right_arithmetic3A_64 : vector<16xi32>
    %gather3A_66 = tpu.vector_load_idx %arg6[%shift_right_arithmetic3A_65] : memref<4096xi32, #tpu.memory_space<vmem>>[vector<16xi32>], vector<16xi32>,
    %le3A_67 = arith.cmpi sle, %gather3A_66, %add3A_28 : vector<16xi32>
    %add3A_68 = arith.constant 1 : i32
    %add3A_69 = vector.broadcast %add3A_68 : i32 to vector<16xi32>
    %add3A_70 = arith.addi %shift_right_arithmetic3A_65, %add3A_69 : vector<16xi32>
    %select_n3A_71 = arith.select %le3A_67, %add3A_70, %select_n3A_60 : vector<16xi1>, vector<16xi32>
    %select_n3A_72 = arith.select %le3A_67, %select_n3A_61, %shift_right_arithmetic3A_65 : vector<16xi1>, vector<16xi32>
    %add3A_73 = arith.addi %select_n3A_71, %select_n3A_72 : vector<16xi32>
    %shift_right_arithmetic3A_74 = arith.constant 1 : i32
    %shift_right_arithmetic3A_75 = vector.broadcast %shift_right_arithmetic3A_74 : i32 to vector<16xi32>
    %shift_right_arithmetic3A_76 = arith.shrsi %add3A_73, %shift_right_arithmetic3A_75 : vector<16xi32>
    %gather3A_77 = tpu.vector_load_idx %arg6[%shift_right_arithmetic3A_76] : memref<4096xi32, #tpu.memory_space<vmem>>[vector<16xi32>], vector<16xi32>,
    %le3A_78 = arith.cmpi sle, %gather3A_77, %add3A_28 : vector<16xi32>
    %add3A_79 = arith.constant 1 : i32
    %add3A_80 = vector.broadcast %add3A_79 : i32 to vector<16xi32>
    %add3A_81 = arith.addi %shift_right_arithmetic3A_76, %add3A_80 : vector<16xi32>
    %select_n3A_82 = arith.select %le3A_78, %add3A_81, %select_n3A_71 : vector<16xi1>, vector<16xi32>
    %select_n3A_83 = arith.select %le3A_78, %select_n3A_72, %shift_right_arithmetic3A_76 : vector<16xi1>, vector<16xi32>
    %add3A_84 = arith.addi %select_n3A_82, %select_n3A_83 : vector<16xi32>
    %shift_right_arithmetic3A_85 = arith.constant 1 : i32
    %shift_right_arithmetic3A_86 = vector.broadcast %shift_right_arithmetic3A_85 : i32 to vector<16xi32>
    %shift_right_arithmetic3A_87 = arith.shrsi %add3A_84, %shift_right_arithmetic3A_86 : vector<16xi32>
    %gather3A_88 = tpu.vector_load_idx %arg6[%shift_right_arithmetic3A_87] : memref<4096xi32, #tpu.memory_space<vmem>>[vector<16xi32>], vector<16xi32>,
    %le3A_89 = arith.cmpi sle, %gather3A_88, %add3A_28 : vector<16xi32>
    %add3A_90 = arith.constant 1 : i32
    %add3A_91 = vector.broadcast %add3A_90 : i32 to vector<16xi32>
    %add3A_92 = arith.addi %shift_right_arithmetic3A_87, %add3A_91 : vector<16xi32>
    %select_n3A_93 = arith.select %le3A_89, %add3A_92, %select_n3A_82 : vector<16xi1>, vector<16xi32>
    %select_n3A_94 = arith.select %le3A_89, %select_n3A_83, %shift_right_arithmetic3A_87 : vector<16xi1>, vector<16xi32>
    %add3A_95 = arith.addi %select_n3A_93, %select_n3A_94 : vector<16xi32>
    %shift_right_arithmetic3A_96 = arith.constant 1 : i32
    %shift_right_arithmetic3A_97 = vector.broadcast %shift_right_arithmetic3A_96 : i32 to vector<16xi32>
    %shift_right_arithmetic3A_98 = arith.shrsi %add3A_95, %shift_right_arithmetic3A_97 : vector<16xi32>
    %gather3A_99 = tpu.vector_load_idx %arg6[%shift_right_arithmetic3A_98] : memref<4096xi32, #tpu.memory_space<vmem>>[vector<16xi32>], vector<16xi32>,
    %le3A_100 = arith.cmpi sle, %gather3A_99, %add3A_28 : vector<16xi32>
    %add3A_101 = arith.constant 1 : i32
    %add3A_102 = vector.broadcast %add3A_101 : i32 to vector<16xi32>
    %add3A_103 = arith.addi %shift_right_arithmetic3A_98, %add3A_102 : vector<16xi32>
    %select_n3A_104 = arith.select %le3A_100, %add3A_103, %select_n3A_93 : vector<16xi1>, vector<16xi32>
    %select_n3A_105 = arith.select %le3A_100, %select_n3A_94, %shift_right_arithmetic3A_98 : vector<16xi1>, vector<16xi32>
    %add3A_106 = arith.addi %select_n3A_104, %select_n3A_105 : vector<16xi32>
    %shift_right_arithmetic3A_107 = arith.constant 1 : i32
    %shift_right_arithmetic3A_108 = vector.broadcast %shift_right_arithmetic3A_107 : i32 to vector<16xi32>
    %shift_right_arithmetic3A_109 = arith.shrsi %add3A_106, %shift_right_arithmetic3A_108 : vector<16xi32>
    %gather3A_110 = tpu.vector_load_idx %arg6[%shift_right_arithmetic3A_109] : memref<4096xi32, #tpu.memory_space<vmem>>[vector<16xi32>], vector<16xi32>,
    %le3A_111 = arith.cmpi sle, %gather3A_110, %add3A_28 : vector<16xi32>
    %add3A_112 = arith.constant 1 : i32
    %add3A_113 = vector.broadcast %add3A_112 : i32 to vector<16xi32>
    %add3A_114 = arith.addi %shift_right_arithmetic3A_109, %add3A_113 : vector<16xi32>
    %select_n3A_115 = arith.select %le3A_111, %add3A_114, %select_n3A_104 : vector<16xi1>, vector<16xi32>
    %select_n3A_116 = arith.select %le3A_111, %select_n3A_105, %shift_right_arithmetic3A_109 : vector<16xi1>, vector<16xi32>
    %add3A_117 = arith.addi %select_n3A_115, %select_n3A_116 : vector<16xi32>
    %shift_right_arithmetic3A_118 = arith.constant 1 : i32
    %shift_right_arithmetic3A_119 = vector.broadcast %shift_right_arithmetic3A_118 : i32 to vector<16xi32>
    %shift_right_arithmetic3A_120 = arith.shrsi %add3A_117, %shift_right_arithmetic3A_119 : vector<16xi32>
    %gather3A_121 = tpu.vector_load_idx %arg6[%shift_right_arithmetic3A_120] : memref<4096xi32, #tpu.memory_space<vmem>>[vector<16xi32>], vector<16xi32>,
    %le3A_122 = arith.cmpi sle, %gather3A_121, %add3A_28 : vector<16xi32>
    %add3A_123 = arith.constant 1 : i32
    %add3A_124 = vector.broadcast %add3A_123 : i32 to vector<16xi32>
    %add3A_125 = arith.addi %shift_right_arithmetic3A_120, %add3A_124 : vector<16xi32>
    %select_n3A_126 = arith.select %le3A_122, %add3A_125, %select_n3A_115 : vector<16xi1>, vector<16xi32>
    %select_n3A_127 = arith.select %le3A_122, %select_n3A_116, %shift_right_arithmetic3A_120 : vector<16xi1>, vector<16xi32>
    %add3A_128 = arith.addi %select_n3A_126, %select_n3A_127 : vector<16xi32>
    %shift_right_arithmetic3A_129 = arith.constant 1 : i32
    %shift_right_arithmetic3A_130 = vector.broadcast %shift_right_arithmetic3A_129 : i32 to vector<16xi32>
    %shift_right_arithmetic3A_131 = arith.shrsi %add3A_128, %shift_right_arithmetic3A_130 : vector<16xi32>
    %gather3A_132 = tpu.vector_load_idx %arg6[%shift_right_arithmetic3A_131] : memref<4096xi32, #tpu.memory_space<vmem>>[vector<16xi32>], vector<16xi32>,
    %le3A_133 = arith.cmpi sle, %gather3A_132, %add3A_28 : vector<16xi32>
    %add3A_134 = arith.constant 1 : i32
    %add3A_135 = vector.broadcast %add3A_134 : i32 to vector<16xi32>
    %add3A_136 = arith.addi %shift_right_arithmetic3A_131, %add3A_135 : vector<16xi32>
    %select_n3A_137 = arith.select %le3A_133, %add3A_136, %select_n3A_126 : vector<16xi1>, vector<16xi32>
    %select_n3A_138 = arith.select %le3A_133, %select_n3A_127, %shift_right_arithmetic3A_131 : vector<16xi1>, vector<16xi32>
    %add3A_139 = arith.addi %select_n3A_137, %select_n3A_138 : vector<16xi32>
    %shift_right_arithmetic3A_140 = arith.constant 1 : i32
    %shift_right_arithmetic3A_141 = vector.broadcast %shift_right_arithmetic3A_140 : i32 to vector<16xi32>
    %shift_right_arithmetic3A_142 = arith.shrsi %add3A_139, %shift_right_arithmetic3A_141 : vector<16xi32>
    %gather3A_143 = tpu.vector_load_idx %arg6[%shift_right_arithmetic3A_142] : memref<4096xi32, #tpu.memory_space<vmem>>[vector<16xi32>], vector<16xi32>,
    %le3A_144 = arith.cmpi sle, %gather3A_143, %add3A_28 : vector<16xi32>
    %add3A_145 = arith.constant 1 : i32
    %add3A_146 = vector.broadcast %add3A_145 : i32 to vector<16xi32>
    %add3A_147 = arith.addi %shift_right_arithmetic3A_142, %add3A_146 : vector<16xi32>
    %select_n3A_148 = arith.select %le3A_144, %add3A_147, %select_n3A_137 : vector<16xi1>, vector<16xi32>
    %select_n3A_149 = arith.select %le3A_144, %select_n3A_138, %shift_right_arithmetic3A_142 : vector<16xi1>, vector<16xi32>
    %add3A_150 = arith.addi %select_n3A_148, %select_n3A_149 : vector<16xi32>
    %shift_right_arithmetic3A_151 = arith.constant 1 : i32
    %shift_right_arithmetic3A_152 = vector.broadcast %shift_right_arithmetic3A_151 : i32 to vector<16xi32>
    %shift_right_arithmetic3A_153 = arith.shrsi %add3A_150, %shift_right_arithmetic3A_152 : vector<16xi32>
    %gather3A_154 = tpu.vector_load_idx %arg6[%shift_right_arithmetic3A_153] : memref<4096xi32, #tpu.memory_space<vmem>>[vector<16xi32>], vector<16xi32>,
    %le3A_155 = arith.cmpi sle, %gather3A_154, %add3A_28 : vector<16xi32>
    %add3A_156 = arith.constant 1 : i32
    %add3A_157 = vector.broadcast %add3A_156 : i32 to vector<16xi32>
    %add3A_158 = arith.addi %shift_right_arithmetic3A_153, %add3A_157 : vector<16xi32>
    %select_n3A_159 = arith.select %le3A_155, %add3A_158, %select_n3A_148 : vector<16xi1>, vector<16xi32>
    %select_n3A_160 = arith.select %le3A_155, %select_n3A_149, %shift_right_arithmetic3A_153 : vector<16xi1>, vector<16xi32>
    %slice3A = vector.extract_strided_slice %select_n3A_159 {offsets = [0], sizes = [1], strides = [1]} : vector<16xi32> to vector<1xi32>
    %squeeze3A = vector.extract %slice3A[0] : i32 from vector<1xi32>
    %sub3A = arith.constant 1 : i32
    %sub3A_161 = arith.subi %squeeze3A, %sub3A : i32
    %max3A = arith.constant 0 : i32
    %max3A_162 = arith.maxsi %sub3A_161, %max3A : i32
    %add3A_163 = arith.constant 256 : i32
    %add3A_164 = arith.addi %add3A_26, %add3A_163 : i32
    %sub3A_165 = arith.constant 1 : i32
    %sub3A_166 = arith.subi %add3A_164, %sub3A_165 : i32
    %add3A_167 = arith.constant 1 : i32
    %add3A_168 = arith.addi %max3A_162, %add3A_167 : i32
    %add3A_169 = arith.constant 1 : i32
    %add3A_170 = arith.addi %max3A_162, %add3A_169 : i32
    %min3A = arith.constant 4095 : i32
    %min3A_171 = arith.minsi %add3A_170, %min3A : i32
    %broadcast_in_dim3A_172 = vector.broadcast %min3A_171 : i32 to vector<16xi32>
    %gather3A_173 = tpu.vector_load_idx %arg6[%broadcast_in_dim3A_172] : memref<4096xi32, #tpu.memory_space<vmem>>[vector<16xi32>], vector<16xi32>,
    %slice3A_174 = vector.extract_strided_slice %gather3A_173 {offsets = [0], sizes = [1], strides = [1]} : vector<16xi32> to vector<1xi32>
    %squeeze3A_175 = vector.extract %slice3A_174[0] : i32 from vector<1xi32>
    %broadcast_in_dim3A_176 = arith.constant 0 : i32
    %broadcast_in_dim3A_177 = vector.broadcast %broadcast_in_dim3A_176 : i32 to vector<16xi32>
    %broadcast_in_dim3A_178 = arith.constant 0 : i32
    %broadcast_in_dim3A_179 = vector.broadcast %broadcast_in_dim3A_178 : i32 to vector<16xi32>
    %broadcast_in_dim3A_180 = arith.constant 0 : i32
    %broadcast_in_dim3A_181 = vector.broadcast %broadcast_in_dim3A_180 : i32 to vector<16xi32>
    %broadcast_in_dim3A_182 = arith.constant 0 : i32
    %broadcast_in_dim3A_183 = vector.broadcast %broadcast_in_dim3A_182 : i32 to vector<16xi32>
    %broadcast_in_dim3A_184 = arith.constant 0 : i32
    %broadcast_in_dim3A_185 = vector.broadcast %broadcast_in_dim3A_184 : i32 to vector<16xi32>
    %broadcast_in_dim3A_186 = arith.constant 0 : i32
    %broadcast_in_dim3A_187 = vector.broadcast %broadcast_in_dim3A_186 : i32 to vector<16xi32>
    %broadcast_in_dim3A_188 = arith.constant 0 : i32
    %broadcast_in_dim3A_189 = vector.broadcast %broadcast_in_dim3A_188 : i32 to vector<16xi32>
    %broadcast_in_dim3A_190 = arith.constant 0 : i32
    %broadcast_in_dim3A_191 = vector.broadcast %broadcast_in_dim3A_190 : i32 to vector<16xi32>
    %broadcast_in_dim3A_192 = arith.constant 0 : i32
    %broadcast_in_dim3A_193 = vector.broadcast %broadcast_in_dim3A_192 : i32 to vector<16xi32>
    %broadcast_in_dim3A_194 = arith.constant 0 : i32
    %broadcast_in_dim3A_195 = vector.broadcast %broadcast_in_dim3A_194 : i32 to vector<16xi32>
    %broadcast_in_dim3A_196 = arith.constant 0 : i32
    %broadcast_in_dim3A_197 = vector.broadcast %broadcast_in_dim3A_196 : i32 to vector<16xi32>
    %broadcast_in_dim3A_198 = arith.constant 0 : i32
    %broadcast_in_dim3A_199 = vector.broadcast %broadcast_in_dim3A_198 : i32 to vector<16xi32>
    %broadcast_in_dim3A_200 = arith.constant 0 : i32
    %broadcast_in_dim3A_201 = vector.broadcast %broadcast_in_dim3A_200 : i32 to vector<16xi32>
    %broadcast_in_dim3A_202 = arith.constant 0 : i32
    %broadcast_in_dim3A_203 = vector.broadcast %broadcast_in_dim3A_202 : i32 to vector<16xi32>
    %broadcast_in_dim3A_204 = arith.constant 0 : i32
    %broadcast_in_dim3A_205 = vector.broadcast %broadcast_in_dim3A_204 : i32 to vector<16xi32>
    %broadcast_in_dim3A_206 = arith.constant 0 : i32
    %broadcast_in_dim3A_207 = vector.broadcast %broadcast_in_dim3A_206 : i32 to vector<16xi32>
    %while3A:18 = scf.while (%while3A_1374 = %add3A_168, %while3A_1375 = %squeeze3A_175, %while3A_1376 = %broadcast_in_dim3A_177, %while3A_1377 = %broadcast_in_dim3A_179, %while3A_1378 = %broadcast_in_dim3A_181, %while3A_1379 = %broadcast_in_dim3A_183, %while3A_1380 = %broadcast_in_dim3A_185, %while3A_1381 = %broadcast_in_dim3A_187, %while3A_1382 = %broadcast_in_dim3A_189, %while3A_1383 = %broadcast_in_dim3A_191, %while3A_1384 = %broadcast_in_dim3A_193, %while3A_1385 = %broadcast_in_dim3A_195, %while3A_1386 = %broadcast_in_dim3A_197, %while3A_1387 = %broadcast_in_dim3A_199, %while3A_1388 = %broadcast_in_dim3A_201, %while3A_1389 = %broadcast_in_dim3A_203, %while3A_1390 = %broadcast_in_dim3A_205, %while3A_1391 = %broadcast_in_dim3A_207) : (i32, i32, vector<16xi32>, vector<16xi32>, vector<16xi32>, vector<16xi32>, vector<16xi32>, vector<16xi32>, vector<16xi32>, vector<16xi32>, vector<16xi32>, vector<16xi32>, vector<16xi32>, vector<16xi32>, vector<16xi32>, vector<16xi32>, vector<16xi32>, vector<16xi32>) -> (i32, i32, vector<16xi32>, vector<16xi32>, vector<16xi32>, vector<16xi32>, vector<16xi32>, vector<16xi32>, vector<16xi32>, vector<16xi32>, vector<16xi32>, vector<16xi32>, vector<16xi32>, vector<16xi32>, vector<16xi32>, vector<16xi32>, vector<16xi32>, vector<16xi32>) {
      %lt3A = arith.constant 4096 : i32
      %lt3A_1392 = arith.cmpi slt, %while3A_1374, %lt3A : i32
      %le3A_1393 = arith.cmpi sle, %while3A_1375, %sub3A_166 : i32
      %and3A = arith.andi %lt3A_1392, %le3A_1393 : i1
      scf.condition(%and3A) %while3A_1374, %while3A_1375, %while3A_1376, %while3A_1377, %while3A_1378, %while3A_1379, %while3A_1380, %while3A_1381, %while3A_1382, %while3A_1383, %while3A_1384, %while3A_1385, %while3A_1386, %while3A_1387, %while3A_1388, %while3A_1389, %while3A_1390, %while3A_1391 : i32, i32, vector<16xi32>, vector<16xi32>, vector<16xi32>, vector<16xi32>, vector<16xi32>, vector<16xi32>, vector<16xi32>, vector<16xi32>, vector<16xi32>, vector<16xi32>, vector<16xi32>, vector<16xi32>, vector<16xi32>, vector<16xi32>, vector<16xi32>, vector<16xi32>
    } do {
    ^bb0(%while3A_1374: i32, %while3A_1375: i32, %while3A_1376: vector<16xi32>, %while3A_1377: vector<16xi32>, %while3A_1378: vector<16xi32>, %while3A_1379: vector<16xi32>, %while3A_1380: vector<16xi32>, %while3A_1381: vector<16xi32>, %while3A_1382: vector<16xi32>, %while3A_1383: vector<16xi32>, %while3A_1384: vector<16xi32>, %while3A_1385: vector<16xi32>, %while3A_1386: vector<16xi32>, %while3A_1387: vector<16xi32>, %while3A_1388: vector<16xi32>, %while3A_1389: vector<16xi32>, %while3A_1390: vector<16xi32>, %while3A_1391: vector<16xi32>):
      %broadcast_in_dim3A_1392 = vector.broadcast %while3A_1375 : i32 to vector<16xi32>
      %add3A_1393 = arith.constant 0 : i32
      %add3A_1394 = arith.addi %add3A_26, %add3A_1393 : i32
      %add3A_1395 = vector.broadcast %add3A_1394 : i32 to vector<16xi32>
      %add3A_1396 = arith.addi %add3A_1395, %iota3A : vector<16xi32>
      %le3A_1397 = arith.cmpi sle, %broadcast_in_dim3A_1392, %add3A_1396 : vector<16xi32>
      %jit3A = arith.constant 1 : i32
      %jit3A_1398 = arith.constant 0 : i32
      %broadcast_in_dim3A_1399 = vector.broadcast %jit3A : i32 to vector<16xi32>
      %broadcast_in_dim3A_1400 = vector.broadcast %jit3A_1398 : i32 to vector<16xi32>
      %select_n3A_1401 = arith.select %le3A_1397, %broadcast_in_dim3A_1399, %broadcast_in_dim3A_1400 : vector<16xi1>, vector<16xi32>
      %add3A_1402 = arith.addi %while3A_1376, %select_n3A_1401 : vector<16xi32>
      %add3A_1403 = arith.constant 16 : i32
      %add3A_1404 = arith.addi %add3A_26, %add3A_1403 : i32
      %add3A_1405 = vector.broadcast %add3A_1404 : i32 to vector<16xi32>
      %add3A_1406 = arith.addi %add3A_1405, %iota3A : vector<16xi32>
      %le3A_1407 = arith.cmpi sle, %broadcast_in_dim3A_1392, %add3A_1406 : vector<16xi32>
      %jit3A_1408 = arith.constant 1 : i32
      %jit3A_1409 = arith.constant 0 : i32
      %broadcast_in_dim3A_1410 = vector.broadcast %jit3A_1408 : i32 to vector<16xi32>
      %broadcast_in_dim3A_1411 = vector.broadcast %jit3A_1409 : i32 to vector<16xi32>
      %select_n3A_1412 = arith.select %le3A_1407, %broadcast_in_dim3A_1410, %broadcast_in_dim3A_1411 : vector<16xi1>, vector<16xi32>
      %add3A_1413 = arith.addi %while3A_1377, %select_n3A_1412 : vector<16xi32>
      %add3A_1414 = arith.constant 32 : i32
      %add3A_1415 = arith.addi %add3A_26, %add3A_1414 : i32
      %add3A_1416 = vector.broadcast %add3A_1415 : i32 to vector<16xi32>
      %add3A_1417 = arith.addi %add3A_1416, %iota3A : vector<16xi32>
      %le3A_1418 = arith.cmpi sle, %broadcast_in_dim3A_1392, %add3A_1417 : vector<16xi32>
      %jit3A_1419 = arith.constant 1 : i32
      %jit3A_1420 = arith.constant 0 : i32
      %broadcast_in_dim3A_1421 = vector.broadcast %jit3A_1419 : i32 to vector<16xi32>
      %broadcast_in_dim3A_1422 = vector.broadcast %jit3A_1420 : i32 to vector<16xi32>
      %select_n3A_1423 = arith.select %le3A_1418, %broadcast_in_dim3A_1421, %broadcast_in_dim3A_1422 : vector<16xi1>, vector<16xi32>
      %add3A_1424 = arith.addi %while3A_1378, %select_n3A_1423 : vector<16xi32>
      %add3A_1425 = arith.constant 48 : i32
      %add3A_1426 = arith.addi %add3A_26, %add3A_1425 : i32
      %add3A_1427 = vector.broadcast %add3A_1426 : i32 to vector<16xi32>
      %add3A_1428 = arith.addi %add3A_1427, %iota3A : vector<16xi32>
      %le3A_1429 = arith.cmpi sle, %broadcast_in_dim3A_1392, %add3A_1428 : vector<16xi32>
      %jit3A_1430 = arith.constant 1 : i32
      %jit3A_1431 = arith.constant 0 : i32
      %broadcast_in_dim3A_1432 = vector.broadcast %jit3A_1430 : i32 to vector<16xi32>
      %broadcast_in_dim3A_1433 = vector.broadcast %jit3A_1431 : i32 to vector<16xi32>
      %select_n3A_1434 = arith.select %le3A_1429, %broadcast_in_dim3A_1432, %broadcast_in_dim3A_1433 : vector<16xi1>, vector<16xi32>
      %add3A_1435 = arith.addi %while3A_1379, %select_n3A_1434 : vector<16xi32>
      %add3A_1436 = arith.constant 64 : i32
      %add3A_1437 = arith.addi %add3A_26, %add3A_1436 : i32
      %add3A_1438 = vector.broadcast %add3A_1437 : i32 to vector<16xi32>
      %add3A_1439 = arith.addi %add3A_1438, %iota3A : vector<16xi32>
      %le3A_1440 = arith.cmpi sle, %broadcast_in_dim3A_1392, %add3A_1439 : vector<16xi32>
      %jit3A_1441 = arith.constant 1 : i32
      %jit3A_1442 = arith.constant 0 : i32
      %broadcast_in_dim3A_1443 = vector.broadcast %jit3A_1441 : i32 to vector<16xi32>
      %broadcast_in_dim3A_1444 = vector.broadcast %jit3A_1442 : i32 to vector<16xi32>
      %select_n3A_1445 = arith.select %le3A_1440, %broadcast_in_dim3A_1443, %broadcast_in_dim3A_1444 : vector<16xi1>, vector<16xi32>
      %add3A_1446 = arith.addi %while3A_1380, %select_n3A_1445 : vector<16xi32>
      %add3A_1447 = arith.constant 80 : i32
      %add3A_1448 = arith.addi %add3A_26, %add3A_1447 : i32
      %add3A_1449 = vector.broadcast %add3A_1448 : i32 to vector<16xi32>
      %add3A_1450 = arith.addi %add3A_1449, %iota3A : vector<16xi32>
      %le3A_1451 = arith.cmpi sle, %broadcast_in_dim3A_1392, %add3A_1450 : vector<16xi32>
      %jit3A_1452 = arith.constant 1 : i32
      %jit3A_1453 = arith.constant 0 : i32
      %broadcast_in_dim3A_1454 = vector.broadcast %jit3A_1452 : i32 to vector<16xi32>
      %broadcast_in_dim3A_1455 = vector.broadcast %jit3A_1453 : i32 to vector<16xi32>
      %select_n3A_1456 = arith.select %le3A_1451, %broadcast_in_dim3A_1454, %broadcast_in_dim3A_1455 : vector<16xi1>, vector<16xi32>
      %add3A_1457 = arith.addi %while3A_1381, %select_n3A_1456 : vector<16xi32>
      %add3A_1458 = arith.constant 96 : i32
      %add3A_1459 = arith.addi %add3A_26, %add3A_1458 : i32
      %add3A_1460 = vector.broadcast %add3A_1459 : i32 to vector<16xi32>
      %add3A_1461 = arith.addi %add3A_1460, %iota3A : vector<16xi32>
      %le3A_1462 = arith.cmpi sle, %broadcast_in_dim3A_1392, %add3A_1461 : vector<16xi32>
      %jit3A_1463 = arith.constant 1 : i32
      %jit3A_1464 = arith.constant 0 : i32
      %broadcast_in_dim3A_1465 = vector.broadcast %jit3A_1463 : i32 to vector<16xi32>
      %broadcast_in_dim3A_1466 = vector.broadcast %jit3A_1464 : i32 to vector<16xi32>
      %select_n3A_1467 = arith.select %le3A_1462, %broadcast_in_dim3A_1465, %broadcast_in_dim3A_1466 : vector<16xi1>, vector<16xi32>
      %add3A_1468 = arith.addi %while3A_1382, %select_n3A_1467 : vector<16xi32>
      %add3A_1469 = arith.constant 112 : i32
      %add3A_1470 = arith.addi %add3A_26, %add3A_1469 : i32
      %add3A_1471 = vector.broadcast %add3A_1470 : i32 to vector<16xi32>
      %add3A_1472 = arith.addi %add3A_1471, %iota3A : vector<16xi32>
      %le3A_1473 = arith.cmpi sle, %broadcast_in_dim3A_1392, %add3A_1472 : vector<16xi32>
      %jit3A_1474 = arith.constant 1 : i32
      %jit3A_1475 = arith.constant 0 : i32
      %broadcast_in_dim3A_1476 = vector.broadcast %jit3A_1474 : i32 to vector<16xi32>
      %broadcast_in_dim3A_1477 = vector.broadcast %jit3A_1475 : i32 to vector<16xi32>
      %select_n3A_1478 = arith.select %le3A_1473, %broadcast_in_dim3A_1476, %broadcast_in_dim3A_1477 : vector<16xi1>, vector<16xi32>
      %add3A_1479 = arith.addi %while3A_1383, %select_n3A_1478 : vector<16xi32>
      %add3A_1480 = arith.constant 128 : i32
      %add3A_1481 = arith.addi %add3A_26, %add3A_1480 : i32
      %add3A_1482 = vector.broadcast %add3A_1481 : i32 to vector<16xi32>
      %add3A_1483 = arith.addi %add3A_1482, %iota3A : vector<16xi32>
      %le3A_1484 = arith.cmpi sle, %broadcast_in_dim3A_1392, %add3A_1483 : vector<16xi32>
      %jit3A_1485 = arith.constant 1 : i32
      %jit3A_1486 = arith.constant 0 : i32
      %broadcast_in_dim3A_1487 = vector.broadcast %jit3A_1485 : i32 to vector<16xi32>
      %broadcast_in_dim3A_1488 = vector.broadcast %jit3A_1486 : i32 to vector<16xi32>
      %select_n3A_1489 = arith.select %le3A_1484, %broadcast_in_dim3A_1487, %broadcast_in_dim3A_1488 : vector<16xi1>, vector<16xi32>
      %add3A_1490 = arith.addi %while3A_1384, %select_n3A_1489 : vector<16xi32>
      %add3A_1491 = arith.constant 144 : i32
      %add3A_1492 = arith.addi %add3A_26, %add3A_1491 : i32
      %add3A_1493 = vector.broadcast %add3A_1492 : i32 to vector<16xi32>
      %add3A_1494 = arith.addi %add3A_1493, %iota3A : vector<16xi32>
      %le3A_1495 = arith.cmpi sle, %broadcast_in_dim3A_1392, %add3A_1494 : vector<16xi32>
      %jit3A_1496 = arith.constant 1 : i32
      %jit3A_1497 = arith.constant 0 : i32
      %broadcast_in_dim3A_1498 = vector.broadcast %jit3A_1496 : i32 to vector<16xi32>
      %broadcast_in_dim3A_1499 = vector.broadcast %jit3A_1497 : i32 to vector<16xi32>
      %select_n3A_1500 = arith.select %le3A_1495, %broadcast_in_dim3A_1498, %broadcast_in_dim3A_1499 : vector<16xi1>, vector<16xi32>
      %add3A_1501 = arith.addi %while3A_1385, %select_n3A_1500 : vector<16xi32>
      %add3A_1502 = arith.constant 160 : i32
      %add3A_1503 = arith.addi %add3A_26, %add3A_1502 : i32
      %add3A_1504 = vector.broadcast %add3A_1503 : i32 to vector<16xi32>
      %add3A_1505 = arith.addi %add3A_1504, %iota3A : vector<16xi32>
      %le3A_1506 = arith.cmpi sle, %broadcast_in_dim3A_1392, %add3A_1505 : vector<16xi32>
      %jit3A_1507 = arith.constant 1 : i32
      %jit3A_1508 = arith.constant 0 : i32
      %broadcast_in_dim3A_1509 = vector.broadcast %jit3A_1507 : i32 to vector<16xi32>
      %broadcast_in_dim3A_1510 = vector.broadcast %jit3A_1508 : i32 to vector<16xi32>
      %select_n3A_1511 = arith.select %le3A_1506, %broadcast_in_dim3A_1509, %broadcast_in_dim3A_1510 : vector<16xi1>, vector<16xi32>
      %add3A_1512 = arith.addi %while3A_1386, %select_n3A_1511 : vector<16xi32>
      %add3A_1513 = arith.constant 176 : i32
      %add3A_1514 = arith.addi %add3A_26, %add3A_1513 : i32
      %add3A_1515 = vector.broadcast %add3A_1514 : i32 to vector<16xi32>
      %add3A_1516 = arith.addi %add3A_1515, %iota3A : vector<16xi32>
      %le3A_1517 = arith.cmpi sle, %broadcast_in_dim3A_1392, %add3A_1516 : vector<16xi32>
      %jit3A_1518 = arith.constant 1 : i32
      %jit3A_1519 = arith.constant 0 : i32
      %broadcast_in_dim3A_1520 = vector.broadcast %jit3A_1518 : i32 to vector<16xi32>
      %broadcast_in_dim3A_1521 = vector.broadcast %jit3A_1519 : i32 to vector<16xi32>
      %select_n3A_1522 = arith.select %le3A_1517, %broadcast_in_dim3A_1520, %broadcast_in_dim3A_1521 : vector<16xi1>, vector<16xi32>
      %add3A_1523 = arith.addi %while3A_1387, %select_n3A_1522 : vector<16xi32>
      %add3A_1524 = arith.constant 192 : i32
      %add3A_1525 = arith.addi %add3A_26, %add3A_1524 : i32
      %add3A_1526 = vector.broadcast %add3A_1525 : i32 to vector<16xi32>
      %add3A_1527 = arith.addi %add3A_1526, %iota3A : vector<16xi32>
      %le3A_1528 = arith.cmpi sle, %broadcast_in_dim3A_1392, %add3A_1527 : vector<16xi32>
      %jit3A_1529 = arith.constant 1 : i32
      %jit3A_1530 = arith.constant 0 : i32
      %broadcast_in_dim3A_1531 = vector.broadcast %jit3A_1529 : i32 to vector<16xi32>
      %broadcast_in_dim3A_1532 = vector.broadcast %jit3A_1530 : i32 to vector<16xi32>
      %select_n3A_1533 = arith.select %le3A_1528, %broadcast_in_dim3A_1531, %broadcast_in_dim3A_1532 : vector<16xi1>, vector<16xi32>
      %add3A_1534 = arith.addi %while3A_1388, %select_n3A_1533 : vector<16xi32>
      %add3A_1535 = arith.constant 208 : i32
      %add3A_1536 = arith.addi %add3A_26, %add3A_1535 : i32
      %add3A_1537 = vector.broadcast %add3A_1536 : i32 to vector<16xi32>
      %add3A_1538 = arith.addi %add3A_1537, %iota3A : vector<16xi32>
      %le3A_1539 = arith.cmpi sle, %broadcast_in_dim3A_1392, %add3A_1538 : vector<16xi32>
      %jit3A_1540 = arith.constant 1 : i32
      %jit3A_1541 = arith.constant 0 : i32
      %broadcast_in_dim3A_1542 = vector.broadcast %jit3A_1540 : i32 to vector<16xi32>
      %broadcast_in_dim3A_1543 = vector.broadcast %jit3A_1541 : i32 to vector<16xi32>
      %select_n3A_1544 = arith.select %le3A_1539, %broadcast_in_dim3A_1542, %broadcast_in_dim3A_1543 : vector<16xi1>, vector<16xi32>
      %add3A_1545 = arith.addi %while3A_1389, %select_n3A_1544 : vector<16xi32>
      %add3A_1546 = arith.constant 224 : i32
      %add3A_1547 = arith.addi %add3A_26, %add3A_1546 : i32
      %add3A_1548 = vector.broadcast %add3A_1547 : i32 to vector<16xi32>
      %add3A_1549 = arith.addi %add3A_1548, %iota3A : vector<16xi32>
      %le3A_1550 = arith.cmpi sle, %broadcast_in_dim3A_1392, %add3A_1549 : vector<16xi32>
      %jit3A_1551 = arith.constant 1 : i32
      %jit3A_1552 = arith.constant 0 : i32
      %broadcast_in_dim3A_1553 = vector.broadcast %jit3A_1551 : i32 to vector<16xi32>
      %broadcast_in_dim3A_1554 = vector.broadcast %jit3A_1552 : i32 to vector<16xi32>
      %select_n3A_1555 = arith.select %le3A_1550, %broadcast_in_dim3A_1553, %broadcast_in_dim3A_1554 : vector<16xi1>, vector<16xi32>
      %add3A_1556 = arith.addi %while3A_1390, %select_n3A_1555 : vector<16xi32>
      %add3A_1557 = arith.constant 240 : i32
      %add3A_1558 = arith.addi %add3A_26, %add3A_1557 : i32
      %add3A_1559 = vector.broadcast %add3A_1558 : i32 to vector<16xi32>
      %add3A_1560 = arith.addi %add3A_1559, %iota3A : vector<16xi32>
      %le3A_1561 = arith.cmpi sle, %broadcast_in_dim3A_1392, %add3A_1560 : vector<16xi32>
      %jit3A_1562 = arith.constant 1 : i32
      %jit3A_1563 = arith.constant 0 : i32
      %broadcast_in_dim3A_1564 = vector.broadcast %jit3A_1562 : i32 to vector<16xi32>
      %broadcast_in_dim3A_1565 = vector.broadcast %jit3A_1563 : i32 to vector<16xi32>
      %select_n3A_1566 = arith.select %le3A_1561, %broadcast_in_dim3A_1564, %broadcast_in_dim3A_1565 : vector<16xi1>, vector<16xi32>
      %add3A_1567 = arith.addi %while3A_1391, %select_n3A_1566 : vector<16xi32>
      %add3A_1568 = arith.constant 1 : i32
      %add3A_1569 = arith.addi %while3A_1374, %add3A_1568 : i32
      %add3A_1570 = arith.constant 1 : i32
      %add3A_1571 = arith.addi %while3A_1374, %add3A_1570 : i32
      %min3A_1572 = arith.constant 4095 : i32
      %min3A_1573 = arith.minsi %add3A_1571, %min3A_1572 : i32
      %broadcast_in_dim3A_1574 = vector.broadcast %min3A_1573 : i32 to vector<16xi32>
      %gather3A_1575 = tpu.vector_load_idx %arg6[%broadcast_in_dim3A_1574] : memref<4096xi32, #tpu.memory_space<vmem>>[vector<16xi32>], vector<16xi32>,
      %slice3A_1576 = vector.extract_strided_slice %gather3A_1575 {offsets = [0], sizes = [1], strides = [1]} : vector<16xi32> to vector<1xi32>
      %squeeze3A_1577 = vector.extract %slice3A_1576[0] : i32 from vector<1xi32>
      scf.yield %add3A_1569, %squeeze3A_1577, %add3A_1402, %add3A_1413, %add3A_1424, %add3A_1435, %add3A_1446, %add3A_1457, %add3A_1468, %add3A_1479, %add3A_1490, %add3A_1501, %add3A_1512, %add3A_1523, %add3A_1534, %add3A_1545, %add3A_1556, %add3A_1567 : i32, i32, vector<16xi32>, vector<16xi32>, vector<16xi32>, vector<16xi32>, vector<16xi32>, vector<16xi32>, vector<16xi32>, vector<16xi32>, vector<16xi32>, vector<16xi32>, vector<16xi32>, vector<16xi32>, vector<16xi32>, vector<16xi32>, vector<16xi32>, vector<16xi32>
    }
    %add3A_208 = vector.broadcast %max3A_162 : i32 to vector<16xi32>
    %add3A_209 = arith.addi %add3A_208, %while3A#2 : vector<16xi32>
    %min3A_210 = arith.constant 4095 : i32
    %min3A_211 = vector.broadcast %min3A_210 : i32 to vector<16xi32>
    %min3A_212 = arith.minsi %add3A_209, %min3A_211 : vector<16xi32>
    %swap3A = arith.constant 0 : index
    %swap3A_213 = tpu.vector_load %arg8[%swap3A] {strides = array<i32>} : memref<128xi32, #tpu.memory_space<vmem>>, vector<16xi32>,
    tpu.vector_store %arg8[%swap3A], %min3A_212 {strides = array<i32>} : memref<128xi32, #tpu.memory_space<vmem>>, vector<16xi32>,
    %add3A_214 = vector.broadcast %max3A_162 : i32 to vector<16xi32>
    %add3A_215 = arith.addi %add3A_214, %while3A#3 : vector<16xi32>
    %min3A_216 = arith.constant 4095 : i32
    %min3A_217 = vector.broadcast %min3A_216 : i32 to vector<16xi32>
    %min3A_218 = arith.minsi %add3A_215, %min3A_217 : vector<16xi32>
    %swap3A_219 = arith.constant 16 : index
    %swap3A_220 = tpu.vector_load %arg8[%swap3A_219] {strides = array<i32>} : memref<128xi32, #tpu.memory_space<vmem>>, vector<16xi32>,
    tpu.vector_store %arg8[%swap3A_219], %min3A_218 {strides = array<i32>} : memref<128xi32, #tpu.memory_space<vmem>>, vector<16xi32>,
    %add3A_221 = vector.broadcast %max3A_162 : i32 to vector<16xi32>
    %add3A_222 = arith.addi %add3A_221, %while3A#4 : vector<16xi32>
    %min3A_223 = arith.constant 4095 : i32
    %min3A_224 = vector.broadcast %min3A_223 : i32 to vector<16xi32>
    %min3A_225 = arith.minsi %add3A_222, %min3A_224 : vector<16xi32>
    %swap3A_226 = arith.constant 32 : index
    %swap3A_227 = tpu.vector_load %arg8[%swap3A_226] {strides = array<i32>} : memref<128xi32, #tpu.memory_space<vmem>>, vector<16xi32>,
    tpu.vector_store %arg8[%swap3A_226], %min3A_225 {strides = array<i32>} : memref<128xi32, #tpu.memory_space<vmem>>, vector<16xi32>,
    %add3A_228 = vector.broadcast %max3A_162 : i32 to vector<16xi32>
    %add3A_229 = arith.addi %add3A_228, %while3A#5 : vector<16xi32>
    %min3A_230 = arith.constant 4095 : i32
    %min3A_231 = vector.broadcast %min3A_230 : i32 to vector<16xi32>
    %min3A_232 = arith.minsi %add3A_229, %min3A_231 : vector<16xi32>
    %swap3A_233 = arith.constant 48 : index
    %swap3A_234 = tpu.vector_load %arg8[%swap3A_233] {strides = array<i32>} : memref<128xi32, #tpu.memory_space<vmem>>, vector<16xi32>,
    tpu.vector_store %arg8[%swap3A_233], %min3A_232 {strides = array<i32>} : memref<128xi32, #tpu.memory_space<vmem>>, vector<16xi32>,
    %add3A_235 = vector.broadcast %max3A_162 : i32 to vector<16xi32>
    %add3A_236 = arith.addi %add3A_235, %while3A#6 : vector<16xi32>
    %min3A_237 = arith.constant 4095 : i32
    %min3A_238 = vector.broadcast %min3A_237 : i32 to vector<16xi32>
    %min3A_239 = arith.minsi %add3A_236, %min3A_238 : vector<16xi32>
    %swap3A_240 = arith.constant 64 : index
    %swap3A_241 = tpu.vector_load %arg8[%swap3A_240] {strides = array<i32>} : memref<128xi32, #tpu.memory_space<vmem>>, vector<16xi32>,
    tpu.vector_store %arg8[%swap3A_240], %min3A_239 {strides = array<i32>} : memref<128xi32, #tpu.memory_space<vmem>>, vector<16xi32>,
    %add3A_242 = vector.broadcast %max3A_162 : i32 to vector<16xi32>
    %add3A_243 = arith.addi %add3A_242, %while3A#7 : vector<16xi32>
    %min3A_244 = arith.constant 4095 : i32
    %min3A_245 = vector.broadcast %min3A_244 : i32 to vector<16xi32>
    %min3A_246 = arith.minsi %add3A_243, %min3A_245 : vector<16xi32>
    %swap3A_247 = arith.constant 80 : index
    %swap3A_248 = tpu.vector_load %arg8[%swap3A_247] {strides = array<i32>} : memref<128xi32, #tpu.memory_space<vmem>>, vector<16xi32>,
    tpu.vector_store %arg8[%swap3A_247], %min3A_246 {strides = array<i32>} : memref<128xi32, #tpu.memory_space<vmem>>, vector<16xi32>,
    %add3A_249 = vector.broadcast %max3A_162 : i32 to vector<16xi32>
    %add3A_250 = arith.addi %add3A_249, %while3A#8 : vector<16xi32>
    %min3A_251 = arith.constant 4095 : i32
    %min3A_252 = vector.broadcast %min3A_251 : i32 to vector<16xi32>
    %min3A_253 = arith.minsi %add3A_250, %min3A_252 : vector<16xi32>
    %swap3A_254 = arith.constant 96 : index
    %swap3A_255 = tpu.vector_load %arg8[%swap3A_254] {strides = array<i32>} : memref<128xi32, #tpu.memory_space<vmem>>, vector<16xi32>,
    tpu.vector_store %arg8[%swap3A_254], %min3A_253 {strides = array<i32>} : memref<128xi32, #tpu.memory_space<vmem>>, vector<16xi32>,
    %add3A_256 = vector.broadcast %max3A_162 : i32 to vector<16xi32>
    %add3A_257 = arith.addi %add3A_256, %while3A#9 : vector<16xi32>
    %min3A_258 = arith.constant 4095 : i32
    %min3A_259 = vector.broadcast %min3A_258 : i32 to vector<16xi32>
    %min3A_260 = arith.minsi %add3A_257, %min3A_259 : vector<16xi32>
    %swap3A_261 = arith.constant 112 : index
    %swap3A_262 = tpu.vector_load %arg8[%swap3A_261] {strides = array<i32>} : memref<128xi32, #tpu.memory_space<vmem>>, vector<16xi32>,
    tpu.vector_store %arg8[%swap3A_261], %min3A_260 {strides = array<i32>} : memref<128xi32, #tpu.memory_space<vmem>>, vector<16xi32>,
    %add3A_263 = vector.broadcast %max3A_162 : i32 to vector<16xi32>
    %add3A_264 = arith.addi %add3A_263, %while3A#10 : vector<16xi32>
    %min3A_265 = arith.constant 4095 : i32
    %min3A_266 = vector.broadcast %min3A_265 : i32 to vector<16xi32>
    %min3A_267 = arith.minsi %add3A_264, %min3A_266 : vector<16xi32>
    %swap3A_268 = arith.constant 0 : index
    %swap3A_269 = tpu.vector_load %arg9[%swap3A_268] {strides = array<i32>} : memref<128xi32, #tpu.memory_space<vmem>>, vector<16xi32>,
    tpu.vector_store %arg9[%swap3A_268], %min3A_267 {strides = array<i32>} : memref<128xi32, #tpu.memory_space<vmem>>, vector<16xi32>,
    %add3A_270 = vector.broadcast %max3A_162 : i32 to vector<16xi32>
    %add3A_271 = arith.addi %add3A_270, %while3A#11 : vector<16xi32>
    %min3A_272 = arith.constant 4095 : i32
    %min3A_273 = vector.broadcast %min3A_272 : i32 to vector<16xi32>
    %min3A_274 = arith.minsi %add3A_271, %min3A_273 : vector<16xi32>
    %swap3A_275 = arith.constant 16 : index
    %swap3A_276 = tpu.vector_load %arg9[%swap3A_275] {strides = array<i32>} : memref<128xi32, #tpu.memory_space<vmem>>, vector<16xi32>,
    tpu.vector_store %arg9[%swap3A_275], %min3A_274 {strides = array<i32>} : memref<128xi32, #tpu.memory_space<vmem>>, vector<16xi32>,
    %add3A_277 = vector.broadcast %max3A_162 : i32 to vector<16xi32>
    %add3A_278 = arith.addi %add3A_277, %while3A#12 : vector<16xi32>
    %min3A_279 = arith.constant 4095 : i32
    %min3A_280 = vector.broadcast %min3A_279 : i32 to vector<16xi32>
    %min3A_281 = arith.minsi %add3A_278, %min3A_280 : vector<16xi32>
    %swap3A_282 = arith.constant 32 : index
    %swap3A_283 = tpu.vector_load %arg9[%swap3A_282] {strides = array<i32>} : memref<128xi32, #tpu.memory_space<vmem>>, vector<16xi32>,
    tpu.vector_store %arg9[%swap3A_282], %min3A_281 {strides = array<i32>} : memref<128xi32, #tpu.memory_space<vmem>>, vector<16xi32>,
    %add3A_284 = vector.broadcast %max3A_162 : i32 to vector<16xi32>
    %add3A_285 = arith.addi %add3A_284, %while3A#13 : vector<16xi32>
    %min3A_286 = arith.constant 4095 : i32
    %min3A_287 = vector.broadcast %min3A_286 : i32 to vector<16xi32>
    %min3A_288 = arith.minsi %add3A_285, %min3A_287 : vector<16xi32>
    %swap3A_289 = arith.constant 48 : index
    %swap3A_290 = tpu.vector_load %arg9[%swap3A_289] {strides = array<i32>} : memref<128xi32, #tpu.memory_space<vmem>>, vector<16xi32>,
    tpu.vector_store %arg9[%swap3A_289], %min3A_288 {strides = array<i32>} : memref<128xi32, #tpu.memory_space<vmem>>, vector<16xi32>,
    %add3A_291 = vector.broadcast %max3A_162 : i32 to vector<16xi32>
    %add3A_292 = arith.addi %add3A_291, %while3A#14 : vector<16xi32>
    %min3A_293 = arith.constant 4095 : i32
    %min3A_294 = vector.broadcast %min3A_293 : i32 to vector<16xi32>
    %min3A_295 = arith.minsi %add3A_292, %min3A_294 : vector<16xi32>
    %swap3A_296 = arith.constant 64 : index
    %swap3A_297 = tpu.vector_load %arg9[%swap3A_296] {strides = array<i32>} : memref<128xi32, #tpu.memory_space<vmem>>, vector<16xi32>,
    tpu.vector_store %arg9[%swap3A_296], %min3A_295 {strides = array<i32>} : memref<128xi32, #tpu.memory_space<vmem>>, vector<16xi32>,
    %add3A_298 = vector.broadcast %max3A_162 : i32 to vector<16xi32>
    %add3A_299 = arith.addi %add3A_298, %while3A#15 : vector<16xi32>
    %min3A_300 = arith.constant 4095 : i32
    %min3A_301 = vector.broadcast %min3A_300 : i32 to vector<16xi32>
    %min3A_302 = arith.minsi %add3A_299, %min3A_301 : vector<16xi32>
    %swap3A_303 = arith.constant 80 : index
    %swap3A_304 = tpu.vector_load %arg9[%swap3A_303] {strides = array<i32>} : memref<128xi32, #tpu.memory_space<vmem>>, vector<16xi32>,
    tpu.vector_store %arg9[%swap3A_303], %min3A_302 {strides = array<i32>} : memref<128xi32, #tpu.memory_space<vmem>>, vector<16xi32>,
    %add3A_305 = vector.broadcast %max3A_162 : i32 to vector<16xi32>
    %add3A_306 = arith.addi %add3A_305, %while3A#16 : vector<16xi32>
    %min3A_307 = arith.constant 4095 : i32
    %min3A_308 = vector.broadcast %min3A_307 : i32 to vector<16xi32>
    %min3A_309 = arith.minsi %add3A_306, %min3A_308 : vector<16xi32>
    %swap3A_310 = arith.constant 96 : index
    %swap3A_311 = tpu.vector_load %arg9[%swap3A_310] {strides = array<i32>} : memref<128xi32, #tpu.memory_space<vmem>>, vector<16xi32>,
    tpu.vector_store %arg9[%swap3A_310], %min3A_309 {strides = array<i32>} : memref<128xi32, #tpu.memory_space<vmem>>, vector<16xi32>,
    %add3A_312 = vector.broadcast %max3A_162 : i32 to vector<16xi32>
    %add3A_313 = arith.addi %add3A_312, %while3A#17 : vector<16xi32>
    %min3A_314 = arith.constant 4095 : i32
    %min3A_315 = vector.broadcast %min3A_314 : i32 to vector<16xi32>
    %min3A_316 = arith.minsi %add3A_313, %min3A_315 : vector<16xi32>
    %swap3A_317 = arith.constant 112 : index
    %swap3A_318 = tpu.vector_load %arg9[%swap3A_317] {strides = array<i32>} : memref<128xi32, #tpu.memory_space<vmem>>, vector<16xi32>,
    tpu.vector_store %arg9[%swap3A_317], %min3A_316 {strides = array<i32>} : memref<128xi32, #tpu.memory_space<vmem>>, vector<16xi32>,
    %dma_start3A_319 = arith.constant 0 : i32
    %dma_start3A_320 = arith.constant 0 : i32
    %dma_start3A_321 = tpu.memref_slice %arg14[%dma_start3A_319, %dma_start3A_320] : memref<256x64xf32, #tpu.memory_space<vmem>> -> memref<128x64xf32, #tpu.memory_space<vmem>>
    %dma_start3A_322 = arith.constant 0 : i32
    %dma_start3A_323 = arith.constant 0 : i32
    %dma_start3A_324 = tpu.memref_slice %arg17[%dma_start3A_322, %dma_start3A_323] : memref<4096x64xf32, #tpu.memory_space<vmem_shared>> -> memref<4096x64xf32, #tpu.memory_space<vmem_shared>>
    tpu.enqueue_indirect_dma source(%dma_start3A_321 : memref<128x64xf32, #tpu.memory_space<vmem>>) target(%dma_start3A_324 : memref<4096x64xf32, #tpu.memory_space<vmem_shared>>) offsets(%arg8 : memref<128xi32, #tpu.memory_space<vmem>>) semaphore(%arg21 : memref<!tpu.dma_semaphore, #tpu.memory_space<semaphore_mem>>) {add = true}
    %dma_start3A_325 = arith.constant 128 : i32
    %dma_start3A_326 = arith.constant 0 : i32
    %dma_start3A_327 = tpu.memref_slice %arg14[%dma_start3A_325, %dma_start3A_326] : memref<256x64xf32, #tpu.memory_space<vmem>> -> memref<128x64xf32, #tpu.memory_space<vmem>>
    %dma_start3A_328 = arith.constant 0 : i32
    %dma_start3A_329 = arith.constant 0 : i32
    %dma_start3A_330 = tpu.memref_slice %arg17[%dma_start3A_328, %dma_start3A_329] : memref<4096x64xf32, #tpu.memory_space<vmem_shared>> -> memref<4096x64xf32, #tpu.memory_space<vmem_shared>>
    tpu.enqueue_indirect_dma source(%dma_start3A_327 : memref<128x64xf32, #tpu.memory_space<vmem>>) target(%dma_start3A_330 : memref<4096x64xf32, #tpu.memory_space<vmem_shared>>) offsets(%arg9 : memref<128xi32, #tpu.memory_space<vmem>>) semaphore(%arg21 : memref<!tpu.dma_semaphore, #tpu.memory_space<semaphore_mem>>) {add = true}
    %dma_wait3A_331 = arith.constant 256 : i32
    %dma_wait3A_332 = tpu.memref_slice %arg7[%dma_wait3A_331] : memref<6400xi32, #tpu.memory_space<vmem>> -> memref<256xi32, #tpu.memory_space<vmem>>
    %dma_wait3A_333 = arith.constant 0 : i32
    %dma_wait3A_334 = arith.constant 0 : i32
    %dma_wait3A_335 = tpu.memref_slice %arg2[%dma_wait3A_333, %dma_wait3A_334] : memref<100000x64xf32, #tpu.memory_space<hbm>> -> memref<100000x64xf32, #tpu.memory_space<hbm>>
    tpu.wait_indirect_dma semaphore(%arg19 : memref<!tpu.dma_semaphore, #tpu.memory_space<semaphore_mem>>) src(%dma_wait3A_335 : memref<100000x64xf32, #tpu.memory_space<hbm>>) dst(%arg15 : memref<256x64xf32, #tpu.memory_space<vmem>>)
    %dma_start3A_336 = arith.constant 512 : i32
    %dma_start3A_337 = tpu.memref_slice %arg7[%dma_start3A_336] : memref<6400xi32, #tpu.memory_space<vmem>> -> memref<256xi32, #tpu.memory_space<vmem>>
    %dma_start3A_338 = arith.constant 0 : i32
    %dma_start3A_339 = arith.constant 0 : i32
    %dma_start3A_340 = tpu.memref_slice %arg2[%dma_start3A_338, %dma_start3A_339] : memref<100000x64xf32, #tpu.memory_space<hbm>> -> memref<100000x64xf32, #tpu.memory_space<hbm>>
    tpu.enqueue_indirect_dma source(%dma_start3A_340 : memref<100000x64xf32, #tpu.memory_space<hbm>>) target(%arg16 : memref<256x64xf32, #tpu.memory_space<vmem>>) offsets(%dma_start3A_337 : memref<256xi32, #tpu.memory_space<vmem>>) semaphore(%arg20 : memref<!tpu.dma_semaphore, #tpu.memory_space<semaphore_mem>>)
    %mul3A_341 = arith.constant 6400 : i32
    %mul3A_342 = arith.muli %add3A, %mul3A_341 : i32
    %add3A_343 = arith.constant 256 : i32
    %add3A_344 = arith.addi %mul3A_342, %add3A_343 : i32
    %add3A_345 = vector.broadcast %add3A_344 : i32 to vector<16xi32>
    %add3A_346 = arith.addi %add3A_345, %iota3A : vector<16xi32>
    %broadcast_in_dim3A_347 = arith.constant 0 : i32
    %broadcast_in_dim3A_348 = vector.broadcast %broadcast_in_dim3A_347 : i32 to vector<16xi32>
    %broadcast_in_dim3A_349 = arith.constant 4096 : i32
    %broadcast_in_dim3A_350 = vector.broadcast %broadcast_in_dim3A_349 : i32 to vector<16xi32>
    %add3A_351 = arith.addi %broadcast_in_dim3A_348, %broadcast_in_dim3A_350 : vector<16xi32>
    %shift_right_arithmetic3A_352 = arith.constant 1 : i32
    %shift_right_arithmetic3A_353 = vector.broadcast %shift_right_arithmetic3A_352 : i32 to vector<16xi32>
    %shift_right_arithmetic3A_354 = arith.shrsi %add3A_351, %shift_right_arithmetic3A_353 : vector<16xi32>
    %gather3A_355 = tpu.vector_load_idx %arg6[%shift_right_arithmetic3A_354] : memref<4096xi32, #tpu.memory_space<vmem>>[vector<16xi32>], vector<16xi32>,
    %le3A_356 = arith.cmpi sle, %gather3A_355, %add3A_346 : vector<16xi32>
    %add3A_357 = arith.constant 1 : i32
    %add3A_358 = vector.broadcast %add3A_357 : i32 to vector<16xi32>
    %add3A_359 = arith.addi %shift_right_arithmetic3A_354, %add3A_358 : vector<16xi32>
    %select_n3A_360 = arith.select %le3A_356, %add3A_359, %broadcast_in_dim3A_348 : vector<16xi1>, vector<16xi32>
    %select_n3A_361 = arith.select %le3A_356, %broadcast_in_dim3A_350, %shift_right_arithmetic3A_354 : vector<16xi1>, vector<16xi32>
    %add3A_362 = arith.addi %select_n3A_360, %select_n3A_361 : vector<16xi32>
    %shift_right_arithmetic3A_363 = arith.constant 1 : i32
    %shift_right_arithmetic3A_364 = vector.broadcast %shift_right_arithmetic3A_363 : i32 to vector<16xi32>
    %shift_right_arithmetic3A_365 = arith.shrsi %add3A_362, %shift_right_arithmetic3A_364 : vector<16xi32>
    %gather3A_366 = tpu.vector_load_idx %arg6[%shift_right_arithmetic3A_365] : memref<4096xi32, #tpu.memory_space<vmem>>[vector<16xi32>], vector<16xi32>,
    %le3A_367 = arith.cmpi sle, %gather3A_366, %add3A_346 : vector<16xi32>
    %add3A_368 = arith.constant 1 : i32
    %add3A_369 = vector.broadcast %add3A_368 : i32 to vector<16xi32>
    %add3A_370 = arith.addi %shift_right_arithmetic3A_365, %add3A_369 : vector<16xi32>
    %select_n3A_371 = arith.select %le3A_367, %add3A_370, %select_n3A_360 : vector<16xi1>, vector<16xi32>
    %select_n3A_372 = arith.select %le3A_367, %select_n3A_361, %shift_right_arithmetic3A_365 : vector<16xi1>, vector<16xi32>
    %add3A_373 = arith.addi %select_n3A_371, %select_n3A_372 : vector<16xi32>
    %shift_right_arithmetic3A_374 = arith.constant 1 : i32
    %shift_right_arithmetic3A_375 = vector.broadcast %shift_right_arithmetic3A_374 : i32 to vector<16xi32>
    %shift_right_arithmetic3A_376 = arith.shrsi %add3A_373, %shift_right_arithmetic3A_375 : vector<16xi32>
    %gather3A_377 = tpu.vector_load_idx %arg6[%shift_right_arithmetic3A_376] : memref<4096xi32, #tpu.memory_space<vmem>>[vector<16xi32>], vector<16xi32>,
    %le3A_378 = arith.cmpi sle, %gather3A_377, %add3A_346 : vector<16xi32>
    %add3A_379 = arith.constant 1 : i32
    %add3A_380 = vector.broadcast %add3A_379 : i32 to vector<16xi32>
    %add3A_381 = arith.addi %shift_right_arithmetic3A_376, %add3A_380 : vector<16xi32>
    %select_n3A_382 = arith.select %le3A_378, %add3A_381, %select_n3A_371 : vector<16xi1>, vector<16xi32>
    %select_n3A_383 = arith.select %le3A_378, %select_n3A_372, %shift_right_arithmetic3A_376 : vector<16xi1>, vector<16xi32>
    %add3A_384 = arith.addi %select_n3A_382, %select_n3A_383 : vector<16xi32>
    %shift_right_arithmetic3A_385 = arith.constant 1 : i32
    %shift_right_arithmetic3A_386 = vector.broadcast %shift_right_arithmetic3A_385 : i32 to vector<16xi32>
    %shift_right_arithmetic3A_387 = arith.shrsi %add3A_384, %shift_right_arithmetic3A_386 : vector<16xi32>
    %gather3A_388 = tpu.vector_load_idx %arg6[%shift_right_arithmetic3A_387] : memref<4096xi32, #tpu.memory_space<vmem>>[vector<16xi32>], vector<16xi32>,
    %le3A_389 = arith.cmpi sle, %gather3A_388, %add3A_346 : vector<16xi32>
    %add3A_390 = arith.constant 1 : i32
    %add3A_391 = vector.broadcast %add3A_390 : i32 to vector<16xi32>
    %add3A_392 = arith.addi %shift_right_arithmetic3A_387, %add3A_391 : vector<16xi32>
    %select_n3A_393 = arith.select %le3A_389, %add3A_392, %select_n3A_382 : vector<16xi1>, vector<16xi32>
    %select_n3A_394 = arith.select %le3A_389, %select_n3A_383, %shift_right_arithmetic3A_387 : vector<16xi1>, vector<16xi32>
    %add3A_395 = arith.addi %select_n3A_393, %select_n3A_394 : vector<16xi32>
    %shift_right_arithmetic3A_396 = arith.constant 1 : i32
    %shift_right_arithmetic3A_397 = vector.broadcast %shift_right_arithmetic3A_396 : i32 to vector<16xi32>
    %shift_right_arithmetic3A_398 = arith.shrsi %add3A_395, %shift_right_arithmetic3A_397 : vector<16xi32>
    %gather3A_399 = tpu.vector_load_idx %arg6[%shift_right_arithmetic3A_398] : memref<4096xi32, #tpu.memory_space<vmem>>[vector<16xi32>], vector<16xi32>,
    %le3A_400 = arith.cmpi sle, %gather3A_399, %add3A_346 : vector<16xi32>
    %add3A_401 = arith.constant 1 : i32
    %add3A_402 = vector.broadcast %add3A_401 : i32 to vector<16xi32>
    %add3A_403 = arith.addi %shift_right_arithmetic3A_398, %add3A_402 : vector<16xi32>
    %select_n3A_404 = arith.select %le3A_400, %add3A_403, %select_n3A_393 : vector<16xi1>, vector<16xi32>
    %select_n3A_405 = arith.select %le3A_400, %select_n3A_394, %shift_right_arithmetic3A_398 : vector<16xi1>, vector<16xi32>
    %add3A_406 = arith.addi %select_n3A_404, %select_n3A_405 : vector<16xi32>
    %shift_right_arithmetic3A_407 = arith.constant 1 : i32
    %shift_right_arithmetic3A_408 = vector.broadcast %shift_right_arithmetic3A_407 : i32 to vector<16xi32>
    %shift_right_arithmetic3A_409 = arith.shrsi %add3A_406, %shift_right_arithmetic3A_408 : vector<16xi32>
    %gather3A_410 = tpu.vector_load_idx %arg6[%shift_right_arithmetic3A_409] : memref<4096xi32, #tpu.memory_space<vmem>>[vector<16xi32>], vector<16xi32>,
    %le3A_411 = arith.cmpi sle, %gather3A_410, %add3A_346 : vector<16xi32>
    %add3A_412 = arith.constant 1 : i32
    %add3A_413 = vector.broadcast %add3A_412 : i32 to vector<16xi32>
    %add3A_414 = arith.addi %shift_right_arithmetic3A_409, %add3A_413 : vector<16xi32>
    %select_n3A_415 = arith.select %le3A_411, %add3A_414, %select_n3A_404 : vector<16xi1>, vector<16xi32>
    %select_n3A_416 = arith.select %le3A_411, %select_n3A_405, %shift_right_arithmetic3A_409 : vector<16xi1>, vector<16xi32>
    %add3A_417 = arith.addi %select_n3A_415, %select_n3A_416 : vector<16xi32>
    %shift_right_arithmetic3A_418 = arith.constant 1 : i32
    %shift_right_arithmetic3A_419 = vector.broadcast %shift_right_arithmetic3A_418 : i32 to vector<16xi32>
    %shift_right_arithmetic3A_420 = arith.shrsi %add3A_417, %shift_right_arithmetic3A_419 : vector<16xi32>
    %gather3A_421 = tpu.vector_load_idx %arg6[%shift_right_arithmetic3A_420] : memref<4096xi32, #tpu.memory_space<vmem>>[vector<16xi32>], vector<16xi32>,
    %le3A_422 = arith.cmpi sle, %gather3A_421, %add3A_346 : vector<16xi32>
    %add3A_423 = arith.constant 1 : i32
    %add3A_424 = vector.broadcast %add3A_423 : i32 to vector<16xi32>
    %add3A_425 = arith.addi %shift_right_arithmetic3A_420, %add3A_424 : vector<16xi32>
    %select_n3A_426 = arith.select %le3A_422, %add3A_425, %select_n3A_415 : vector<16xi1>, vector<16xi32>
    %select_n3A_427 = arith.select %le3A_422, %select_n3A_416, %shift_right_arithmetic3A_420 : vector<16xi1>, vector<16xi32>
    %add3A_428 = arith.addi %select_n3A_426, %select_n3A_427 : vector<16xi32>
    %shift_right_arithmetic3A_429 = arith.constant 1 : i32
    %shift_right_arithmetic3A_430 = vector.broadcast %shift_right_arithmetic3A_429 : i32 to vector<16xi32>
    %shift_right_arithmetic3A_431 = arith.shrsi %add3A_428, %shift_right_arithmetic3A_430 : vector<16xi32>
    %gather3A_432 = tpu.vector_load_idx %arg6[%shift_right_arithmetic3A_431] : memref<4096xi32, #tpu.memory_space<vmem>>[vector<16xi32>], vector<16xi32>,
    %le3A_433 = arith.cmpi sle, %gather3A_432, %add3A_346 : vector<16xi32>
    %add3A_434 = arith.constant 1 : i32
    %add3A_435 = vector.broadcast %add3A_434 : i32 to vector<16xi32>
    %add3A_436 = arith.addi %shift_right_arithmetic3A_431, %add3A_435 : vector<16xi32>
    %select_n3A_437 = arith.select %le3A_433, %add3A_436, %select_n3A_426 : vector<16xi1>, vector<16xi32>
    %select_n3A_438 = arith.select %le3A_433, %select_n3A_427, %shift_right_arithmetic3A_431 : vector<16xi1>, vector<16xi32>
    %add3A_439 = arith.addi %select_n3A_437, %select_n3A_438 : vector<16xi32>
    %shift_right_arithmetic3A_440 = arith.constant 1 : i32
    %shift_right_arithmetic3A_441 = vector.broadcast %shift_right_arithmetic3A_440 : i32 to vector<16xi32>
    %shift_right_arithmetic3A_442 = arith.shrsi %add3A_439, %shift_right_arithmetic3A_441 : vector<16xi32>
    %gather3A_443 = tpu.vector_load_idx %arg6[%shift_right_arithmetic3A_442] : memref<4096xi32, #tpu.memory_space<vmem>>[vector<16xi32>], vector<16xi32>,
    %le3A_444 = arith.cmpi sle, %gather3A_443, %add3A_346 : vector<16xi32>
    %add3A_445 = arith.constant 1 : i32
    %add3A_446 = vector.broadcast %add3A_445 : i32 to vector<16xi32>
    %add3A_447 = arith.addi %shift_right_arithmetic3A_442, %add3A_446 : vector<16xi32>
    %select_n3A_448 = arith.select %le3A_444, %add3A_447, %select_n3A_437 : vector<16xi1>, vector<16xi32>
    %select_n3A_449 = arith.select %le3A_444, %select_n3A_438, %shift_right_arithmetic3A_442 : vector<16xi1>, vector<16xi32>
    %add3A_450 = arith.addi %select_n3A_448, %select_n3A_449 : vector<16xi32>
    %shift_right_arithmetic3A_451 = arith.constant 1 : i32
    %shift_right_arithmetic3A_452 = vector.broadcast %shift_right_arithmetic3A_451 : i32 to vector<16xi32>
    %shift_right_arithmetic3A_453 = arith.shrsi %add3A_450, %shift_right_arithmetic3A_452 : vector<16xi32>
    %gather3A_454 = tpu.vector_load_idx %arg6[%shift_right_arithmetic3A_453] : memref<4096xi32, #tpu.memory_space<vmem>>[vector<16xi32>], vector<16xi32>,
    %le3A_455 = arith.cmpi sle, %gather3A_454, %add3A_346 : vector<16xi32>
    %add3A_456 = arith.constant 1 : i32
    %add3A_457 = vector.broadcast %add3A_456 : i32 to vector<16xi32>
    %add3A_458 = arith.addi %shift_right_arithmetic3A_453, %add3A_457 : vector<16xi32>
    %select_n3A_459 = arith.select %le3A_455, %add3A_458, %select_n3A_448 : vector<16xi1>, vector<16xi32>
    %select_n3A_460 = arith.select %le3A_455, %select_n3A_449, %shift_right_arithmetic3A_453 : vector<16xi1>, vector<16xi32>
    %add3A_461 = arith.addi %select_n3A_459, %select_n3A_460 : vector<16xi32>
    %shift_right_arithmetic3A_462 = arith.constant 1 : i32
    %shift_right_arithmetic3A_463 = vector.broadcast %shift_right_arithmetic3A_462 : i32 to vector<16xi32>
    %shift_right_arithmetic3A_464 = arith.shrsi %add3A_461, %shift_right_arithmetic3A_463 : vector<16xi32>
    %gather3A_465 = tpu.vector_load_idx %arg6[%shift_right_arithmetic3A_464] : memref<4096xi32, #tpu.memory_space<vmem>>[vector<16xi32>], vector<16xi32>,
    %le3A_466 = arith.cmpi sle, %gather3A_465, %add3A_346 : vector<16xi32>
    %add3A_467 = arith.constant 1 : i32
    %add3A_468 = vector.broadcast %add3A_467 : i32 to vector<16xi32>
    %add3A_469 = arith.addi %shift_right_arithmetic3A_464, %add3A_468 : vector<16xi32>
    %select_n3A_470 = arith.select %le3A_466, %add3A_469, %select_n3A_459 : vector<16xi1>, vector<16xi32>
    %select_n3A_471 = arith.select %le3A_466, %select_n3A_460, %shift_right_arithmetic3A_464 : vector<16xi1>, vector<16xi32>
    %add3A_472 = arith.addi %select_n3A_470, %select_n3A_471 : vector<16xi32>
    %shift_right_arithmetic3A_473 = arith.constant 1 : i32
    %shift_right_arithmetic3A_474 = vector.broadcast %shift_right_arithmetic3A_473 : i32 to vector<16xi32>
    %shift_right_arithmetic3A_475 = arith.shrsi %add3A_472, %shift_right_arithmetic3A_474 : vector<16xi32>
    %gather3A_476 = tpu.vector_load_idx %arg6[%shift_right_arithmetic3A_475] : memref<4096xi32, #tpu.memory_space<vmem>>[vector<16xi32>], vector<16xi32>,
    %le3A_477 = arith.cmpi sle, %gather3A_476, %add3A_346 : vector<16xi32>
    %add3A_478 = arith.constant 1 : i32
    %add3A_479 = vector.broadcast %add3A_478 : i32 to vector<16xi32>
    %add3A_480 = arith.addi %shift_right_arithmetic3A_475, %add3A_479 : vector<16xi32>
    %select_n3A_481 = arith.select %le3A_477, %add3A_480, %select_n3A_470 : vector<16xi1>, vector<16xi32>
    %select_n3A_482 = arith.select %le3A_477, %select_n3A_471, %shift_right_arithmetic3A_475 : vector<16xi1>, vector<16xi32>
    %slice3A_483 = vector.extract_strided_slice %select_n3A_481 {offsets = [0], sizes = [1], strides = [1]} : vector<16xi32> to vector<1xi32>
    %squeeze3A_484 = vector.extract %slice3A_483[0] : i32 from vector<1xi32>
    %sub3A_485 = arith.constant 1 : i32
    %sub3A_486 = arith.subi %squeeze3A_484, %sub3A_485 : i32
    %max3A_487 = arith.constant 0 : i32
    %max3A_488 = arith.maxsi %sub3A_486, %max3A_487 : i32
    %add3A_489 = arith.constant 256 : i32
    %add3A_490 = arith.addi %add3A_344, %add3A_489 : i32
    %sub3A_491 = arith.constant 1 : i32
    %sub3A_492 = arith.subi %add3A_490, %sub3A_491 : i32
    %add3A_493 = arith.constant 1 : i32
    %add3A_494 = arith.addi %max3A_488, %add3A_493 : i32
    %add3A_495 = arith.constant 1 : i32
    %add3A_496 = arith.addi %max3A_488, %add3A_495 : i32
    %min3A_497 = arith.constant 4095 : i32
    %min3A_498 = arith.minsi %add3A_496, %min3A_497 : i32
    %broadcast_in_dim3A_499 = vector.broadcast %min3A_498 : i32 to vector<16xi32>
    %gather3A_500 = tpu.vector_load_idx %arg6[%broadcast_in_dim3A_499] : memref<4096xi32, #tpu.memory_space<vmem>>[vector<16xi32>], vector<16xi32>,
    %slice3A_501 = vector.extract_strided_slice %gather3A_500 {offsets = [0], sizes = [1], strides = [1]} : vector<16xi32> to vector<1xi32>
    %squeeze3A_502 = vector.extract %slice3A_501[0] : i32 from vector<1xi32>
    %broadcast_in_dim3A_503 = arith.constant 0 : i32
    %broadcast_in_dim3A_504 = vector.broadcast %broadcast_in_dim3A_503 : i32 to vector<16xi32>
    %broadcast_in_dim3A_505 = arith.constant 0 : i32
    %broadcast_in_dim3A_506 = vector.broadcast %broadcast_in_dim3A_505 : i32 to vector<16xi32>
    %broadcast_in_dim3A_507 = arith.constant 0 : i32
    %broadcast_in_dim3A_508 = vector.broadcast %broadcast_in_dim3A_507 : i32 to vector<16xi32>
    %broadcast_in_dim3A_509 = arith.constant 0 : i32
    %broadcast_in_dim3A_510 = vector.broadcast %broadcast_in_dim3A_509 : i32 to vector<16xi32>
    %broadcast_in_dim3A_511 = arith.constant 0 : i32
    %broadcast_in_dim3A_512 = vector.broadcast %broadcast_in_dim3A_511 : i32 to vector<16xi32>
    %broadcast_in_dim3A_513 = arith.constant 0 : i32
    %broadcast_in_dim3A_514 = vector.broadcast %broadcast_in_dim3A_513 : i32 to vector<16xi32>
    %broadcast_in_dim3A_515 = arith.constant 0 : i32
    %broadcast_in_dim3A_516 = vector.broadcast %broadcast_in_dim3A_515 : i32 to vector<16xi32>
    %broadcast_in_dim3A_517 = arith.constant 0 : i32
    %broadcast_in_dim3A_518 = vector.broadcast %broadcast_in_dim3A_517 : i32 to vector<16xi32>
    %broadcast_in_dim3A_519 = arith.constant 0 : i32
    %broadcast_in_dim3A_520 = vector.broadcast %broadcast_in_dim3A_519 : i32 to vector<16xi32>
    %broadcast_in_dim3A_521 = arith.constant 0 : i32
    %broadcast_in_dim3A_522 = vector.broadcast %broadcast_in_dim3A_521 : i32 to vector<16xi32>
    %broadcast_in_dim3A_523 = arith.constant 0 : i32
    %broadcast_in_dim3A_524 = vector.broadcast %broadcast_in_dim3A_523 : i32 to vector<16xi32>
    %broadcast_in_dim3A_525 = arith.constant 0 : i32
    %broadcast_in_dim3A_526 = vector.broadcast %broadcast_in_dim3A_525 : i32 to vector<16xi32>
    %broadcast_in_dim3A_527 = arith.constant 0 : i32
    %broadcast_in_dim3A_528 = vector.broadcast %broadcast_in_dim3A_527 : i32 to vector<16xi32>
    %broadcast_in_dim3A_529 = arith.constant 0 : i32
    %broadcast_in_dim3A_530 = vector.broadcast %broadcast_in_dim3A_529 : i32 to vector<16xi32>
    %broadcast_in_dim3A_531 = arith.constant 0 : i32
    %broadcast_in_dim3A_532 = vector.broadcast %broadcast_in_dim3A_531 : i32 to vector<16xi32>
    %broadcast_in_dim3A_533 = arith.constant 0 : i32
    %broadcast_in_dim3A_534 = vector.broadcast %broadcast_in_dim3A_533 : i32 to vector<16xi32>
    %while3A_535:18 = scf.while (%while3A_1374 = %add3A_494, %while3A_1375 = %squeeze3A_502, %while3A_1376 = %broadcast_in_dim3A_504, %while3A_1377 = %broadcast_in_dim3A_506, %while3A_1378 = %broadcast_in_dim3A_508, %while3A_1379 = %broadcast_in_dim3A_510, %while3A_1380 = %broadcast_in_dim3A_512, %while3A_1381 = %broadcast_in_dim3A_514, %while3A_1382 = %broadcast_in_dim3A_516, %while3A_1383 = %broadcast_in_dim3A_518, %while3A_1384 = %broadcast_in_dim3A_520, %while3A_1385 = %broadcast_in_dim3A_522, %while3A_1386 = %broadcast_in_dim3A_524, %while3A_1387 = %broadcast_in_dim3A_526, %while3A_1388 = %broadcast_in_dim3A_528, %while3A_1389 = %broadcast_in_dim3A_530, %while3A_1390 = %broadcast_in_dim3A_532, %while3A_1391 = %broadcast_in_dim3A_534) : (i32, i32, vector<16xi32>, vector<16xi32>, vector<16xi32>, vector<16xi32>, vector<16xi32>, vector<16xi32>, vector<16xi32>, vector<16xi32>, vector<16xi32>, vector<16xi32>, vector<16xi32>, vector<16xi32>, vector<16xi32>, vector<16xi32>, vector<16xi32>, vector<16xi32>) -> (i32, i32, vector<16xi32>, vector<16xi32>, vector<16xi32>, vector<16xi32>, vector<16xi32>, vector<16xi32>, vector<16xi32>, vector<16xi32>, vector<16xi32>, vector<16xi32>, vector<16xi32>, vector<16xi32>, vector<16xi32>, vector<16xi32>, vector<16xi32>, vector<16xi32>) {
      %lt3A = arith.constant 4096 : i32
      %lt3A_1392 = arith.cmpi slt, %while3A_1374, %lt3A : i32
      %le3A_1393 = arith.cmpi sle, %while3A_1375, %sub3A_492 : i32
      %and3A = arith.andi %lt3A_1392, %le3A_1393 : i1
      scf.condition(%and3A) %while3A_1374, %while3A_1375, %while3A_1376, %while3A_1377, %while3A_1378, %while3A_1379, %while3A_1380, %while3A_1381, %while3A_1382, %while3A_1383, %while3A_1384, %while3A_1385, %while3A_1386, %while3A_1387, %while3A_1388, %while3A_1389, %while3A_1390, %while3A_1391 : i32, i32, vector<16xi32>, vector<16xi32>, vector<16xi32>, vector<16xi32>, vector<16xi32>, vector<16xi32>, vector<16xi32>, vector<16xi32>, vector<16xi32>, vector<16xi32>, vector<16xi32>, vector<16xi32>, vector<16xi32>, vector<16xi32>, vector<16xi32>, vector<16xi32>
    } do {
    ^bb0(%while3A_1374: i32, %while3A_1375: i32, %while3A_1376: vector<16xi32>, %while3A_1377: vector<16xi32>, %while3A_1378: vector<16xi32>, %while3A_1379: vector<16xi32>, %while3A_1380: vector<16xi32>, %while3A_1381: vector<16xi32>, %while3A_1382: vector<16xi32>, %while3A_1383: vector<16xi32>, %while3A_1384: vector<16xi32>, %while3A_1385: vector<16xi32>, %while3A_1386: vector<16xi32>, %while3A_1387: vector<16xi32>, %while3A_1388: vector<16xi32>, %while3A_1389: vector<16xi32>, %while3A_1390: vector<16xi32>, %while3A_1391: vector<16xi32>):
      %broadcast_in_dim3A_1392 = vector.broadcast %while3A_1375 : i32 to vector<16xi32>
      %add3A_1393 = arith.constant 0 : i32
      %add3A_1394 = arith.addi %add3A_344, %add3A_1393 : i32
      %add3A_1395 = vector.broadcast %add3A_1394 : i32 to vector<16xi32>
      %add3A_1396 = arith.addi %add3A_1395, %iota3A : vector<16xi32>
      %le3A_1397 = arith.cmpi sle, %broadcast_in_dim3A_1392, %add3A_1396 : vector<16xi32>
      %jit3A = arith.constant 1 : i32
      %jit3A_1398 = arith.constant 0 : i32
      %broadcast_in_dim3A_1399 = vector.broadcast %jit3A : i32 to vector<16xi32>
      %broadcast_in_dim3A_1400 = vector.broadcast %jit3A_1398 : i32 to vector<16xi32>
      %select_n3A_1401 = arith.select %le3A_1397, %broadcast_in_dim3A_1399, %broadcast_in_dim3A_1400 : vector<16xi1>, vector<16xi32>
      %add3A_1402 = arith.addi %while3A_1376, %select_n3A_1401 : vector<16xi32>
      %add3A_1403 = arith.constant 16 : i32
      %add3A_1404 = arith.addi %add3A_344, %add3A_1403 : i32
      %add3A_1405 = vector.broadcast %add3A_1404 : i32 to vector<16xi32>
      %add3A_1406 = arith.addi %add3A_1405, %iota3A : vector<16xi32>
      %le3A_1407 = arith.cmpi sle, %broadcast_in_dim3A_1392, %add3A_1406 : vector<16xi32>
      %jit3A_1408 = arith.constant 1 : i32
      %jit3A_1409 = arith.constant 0 : i32
      %broadcast_in_dim3A_1410 = vector.broadcast %jit3A_1408 : i32 to vector<16xi32>
      %broadcast_in_dim3A_1411 = vector.broadcast %jit3A_1409 : i32 to vector<16xi32>
      %select_n3A_1412 = arith.select %le3A_1407, %broadcast_in_dim3A_1410, %broadcast_in_dim3A_1411 : vector<16xi1>, vector<16xi32>
      %add3A_1413 = arith.addi %while3A_1377, %select_n3A_1412 : vector<16xi32>
      %add3A_1414 = arith.constant 32 : i32
      %add3A_1415 = arith.addi %add3A_344, %add3A_1414 : i32
      %add3A_1416 = vector.broadcast %add3A_1415 : i32 to vector<16xi32>
      %add3A_1417 = arith.addi %add3A_1416, %iota3A : vector<16xi32>
      %le3A_1418 = arith.cmpi sle, %broadcast_in_dim3A_1392, %add3A_1417 : vector<16xi32>
      %jit3A_1419 = arith.constant 1 : i32
      %jit3A_1420 = arith.constant 0 : i32
      %broadcast_in_dim3A_1421 = vector.broadcast %jit3A_1419 : i32 to vector<16xi32>
      %broadcast_in_dim3A_1422 = vector.broadcast %jit3A_1420 : i32 to vector<16xi32>
      %select_n3A_1423 = arith.select %le3A_1418, %broadcast_in_dim3A_1421, %broadcast_in_dim3A_1422 : vector<16xi1>, vector<16xi32>
      %add3A_1424 = arith.addi %while3A_1378, %select_n3A_1423 : vector<16xi32>
      %add3A_1425 = arith.constant 48 : i32
      %add3A_1426 = arith.addi %add3A_344, %add3A_1425 : i32
      %add3A_1427 = vector.broadcast %add3A_1426 : i32 to vector<16xi32>
      %add3A_1428 = arith.addi %add3A_1427, %iota3A : vector<16xi32>
      %le3A_1429 = arith.cmpi sle, %broadcast_in_dim3A_1392, %add3A_1428 : vector<16xi32>
      %jit3A_1430 = arith.constant 1 : i32
      %jit3A_1431 = arith.constant 0 : i32
      %broadcast_in_dim3A_1432 = vector.broadcast %jit3A_1430 : i32 to vector<16xi32>
      %broadcast_in_dim3A_1433 = vector.broadcast %jit3A_1431 : i32 to vector<16xi32>
      %select_n3A_1434 = arith.select %le3A_1429, %broadcast_in_dim3A_1432, %broadcast_in_dim3A_1433 : vector<16xi1>, vector<16xi32>
      %add3A_1435 = arith.addi %while3A_1379, %select_n3A_1434 : vector<16xi32>
      %add3A_1436 = arith.constant 64 : i32
      %add3A_1437 = arith.addi %add3A_344, %add3A_1436 : i32
      %add3A_1438 = vector.broadcast %add3A_1437 : i32 to vector<16xi32>
      %add3A_1439 = arith.addi %add3A_1438, %iota3A : vector<16xi32>
      %le3A_1440 = arith.cmpi sle, %broadcast_in_dim3A_1392, %add3A_1439 : vector<16xi32>
      %jit3A_1441 = arith.constant 1 : i32
      %jit3A_1442 = arith.constant 0 : i32
      %broadcast_in_dim3A_1443 = vector.broadcast %jit3A_1441 : i32 to vector<16xi32>
      %broadcast_in_dim3A_1444 = vector.broadcast %jit3A_1442 : i32 to vector<16xi32>
      %select_n3A_1445 = arith.select %le3A_1440, %broadcast_in_dim3A_1443, %broadcast_in_dim3A_1444 : vector<16xi1>, vector<16xi32>
      %add3A_1446 = arith.addi %while3A_1380, %select_n3A_1445 : vector<16xi32>
      %add3A_1447 = arith.constant 80 : i32
      %add3A_1448 = arith.addi %add3A_344, %add3A_1447 : i32
      %add3A_1449 = vector.broadcast %add3A_1448 : i32 to vector<16xi32>
      %add3A_1450 = arith.addi %add3A_1449, %iota3A : vector<16xi32>
      %le3A_1451 = arith.cmpi sle, %broadcast_in_dim3A_1392, %add3A_1450 : vector<16xi32>
      %jit3A_1452 = arith.constant 1 : i32
      %jit3A_1453 = arith.constant 0 : i32
      %broadcast_in_dim3A_1454 = vector.broadcast %jit3A_1452 : i32 to vector<16xi32>
      %broadcast_in_dim3A_1455 = vector.broadcast %jit3A_1453 : i32 to vector<16xi32>
      %select_n3A_1456 = arith.select %le3A_1451, %broadcast_in_dim3A_1454, %broadcast_in_dim3A_1455 : vector<16xi1>, vector<16xi32>
      %add3A_1457 = arith.addi %while3A_1381, %select_n3A_1456 : vector<16xi32>
      %add3A_1458 = arith.constant 96 : i32
      %add3A_1459 = arith.addi %add3A_344, %add3A_1458 : i32
      %add3A_1460 = vector.broadcast %add3A_1459 : i32 to vector<16xi32>
      %add3A_1461 = arith.addi %add3A_1460, %iota3A : vector<16xi32>
      %le3A_1462 = arith.cmpi sle, %broadcast_in_dim3A_1392, %add3A_1461 : vector<16xi32>
      %jit3A_1463 = arith.constant 1 : i32
      %jit3A_1464 = arith.constant 0 : i32
      %broadcast_in_dim3A_1465 = vector.broadcast %jit3A_1463 : i32 to vector<16xi32>
      %broadcast_in_dim3A_1466 = vector.broadcast %jit3A_1464 : i32 to vector<16xi32>
      %select_n3A_1467 = arith.select %le3A_1462, %broadcast_in_dim3A_1465, %broadcast_in_dim3A_1466 : vector<16xi1>, vector<16xi32>
      %add3A_1468 = arith.addi %while3A_1382, %select_n3A_1467 : vector<16xi32>
      %add3A_1469 = arith.constant 112 : i32
      %add3A_1470 = arith.addi %add3A_344, %add3A_1469 : i32
      %add3A_1471 = vector.broadcast %add3A_1470 : i32 to vector<16xi32>
      %add3A_1472 = arith.addi %add3A_1471, %iota3A : vector<16xi32>
      %le3A_1473 = arith.cmpi sle, %broadcast_in_dim3A_1392, %add3A_1472 : vector<16xi32>
      %jit3A_1474 = arith.constant 1 : i32
      %jit3A_1475 = arith.constant 0 : i32
      %broadcast_in_dim3A_1476 = vector.broadcast %jit3A_1474 : i32 to vector<16xi32>
      %broadcast_in_dim3A_1477 = vector.broadcast %jit3A_1475 : i32 to vector<16xi32>
      %select_n3A_1478 = arith.select %le3A_1473, %broadcast_in_dim3A_1476, %broadcast_in_dim3A_1477 : vector<16xi1>, vector<16xi32>
      %add3A_1479 = arith.addi %while3A_1383, %select_n3A_1478 : vector<16xi32>
      %add3A_1480 = arith.constant 128 : i32
      %add3A_1481 = arith.addi %add3A_344, %add3A_1480 : i32
      %add3A_1482 = vector.broadcast %add3A_1481 : i32 to vector<16xi32>
      %add3A_1483 = arith.addi %add3A_1482, %iota3A : vector<16xi32>
      %le3A_1484 = arith.cmpi sle, %broadcast_in_dim3A_1392, %add3A_1483 : vector<16xi32>
      %jit3A_1485 = arith.constant 1 : i32
      %jit3A_1486 = arith.constant 0 : i32
      %broadcast_in_dim3A_1487 = vector.broadcast %jit3A_1485 : i32 to vector<16xi32>
      %broadcast_in_dim3A_1488 = vector.broadcast %jit3A_1486 : i32 to vector<16xi32>
      %select_n3A_1489 = arith.select %le3A_1484, %broadcast_in_dim3A_1487, %broadcast_in_dim3A_1488 : vector<16xi1>, vector<16xi32>
      %add3A_1490 = arith.addi %while3A_1384, %select_n3A_1489 : vector<16xi32>
      %add3A_1491 = arith.constant 144 : i32
      %add3A_1492 = arith.addi %add3A_344, %add3A_1491 : i32
      %add3A_1493 = vector.broadcast %add3A_1492 : i32 to vector<16xi32>
      %add3A_1494 = arith.addi %add3A_1493, %iota3A : vector<16xi32>
      %le3A_1495 = arith.cmpi sle, %broadcast_in_dim3A_1392, %add3A_1494 : vector<16xi32>
      %jit3A_1496 = arith.constant 1 : i32
      %jit3A_1497 = arith.constant 0 : i32
      %broadcast_in_dim3A_1498 = vector.broadcast %jit3A_1496 : i32 to vector<16xi32>
      %broadcast_in_dim3A_1499 = vector.broadcast %jit3A_1497 : i32 to vector<16xi32>
      %select_n3A_1500 = arith.select %le3A_1495, %broadcast_in_dim3A_1498, %broadcast_in_dim3A_1499 : vector<16xi1>, vector<16xi32>
      %add3A_1501 = arith.addi %while3A_1385, %select_n3A_1500 : vector<16xi32>
      %add3A_1502 = arith.constant 160 : i32
      %add3A_1503 = arith.addi %add3A_344, %add3A_1502 : i32
      %add3A_1504 = vector.broadcast %add3A_1503 : i32 to vector<16xi32>
      %add3A_1505 = arith.addi %add3A_1504, %iota3A : vector<16xi32>
      %le3A_1506 = arith.cmpi sle, %broadcast_in_dim3A_1392, %add3A_1505 : vector<16xi32>
      %jit3A_1507 = arith.constant 1 : i32
      %jit3A_1508 = arith.constant 0 : i32
      %broadcast_in_dim3A_1509 = vector.broadcast %jit3A_1507 : i32 to vector<16xi32>
      %broadcast_in_dim3A_1510 = vector.broadcast %jit3A_1508 : i32 to vector<16xi32>
      %select_n3A_1511 = arith.select %le3A_1506, %broadcast_in_dim3A_1509, %broadcast_in_dim3A_1510 : vector<16xi1>, vector<16xi32>
      %add3A_1512 = arith.addi %while3A_1386, %select_n3A_1511 : vector<16xi32>
      %add3A_1513 = arith.constant 176 : i32
      %add3A_1514 = arith.addi %add3A_344, %add3A_1513 : i32
      %add3A_1515 = vector.broadcast %add3A_1514 : i32 to vector<16xi32>
      %add3A_1516 = arith.addi %add3A_1515, %iota3A : vector<16xi32>
      %le3A_1517 = arith.cmpi sle, %broadcast_in_dim3A_1392, %add3A_1516 : vector<16xi32>
      %jit3A_1518 = arith.constant 1 : i32
      %jit3A_1519 = arith.constant 0 : i32
      %broadcast_in_dim3A_1520 = vector.broadcast %jit3A_1518 : i32 to vector<16xi32>
      %broadcast_in_dim3A_1521 = vector.broadcast %jit3A_1519 : i32 to vector<16xi32>
      %select_n3A_1522 = arith.select %le3A_1517, %broadcast_in_dim3A_1520, %broadcast_in_dim3A_1521 : vector<16xi1>, vector<16xi32>
      %add3A_1523 = arith.addi %while3A_1387, %select_n3A_1522 : vector<16xi32>
      %add3A_1524 = arith.constant 192 : i32
      %add3A_1525 = arith.addi %add3A_344, %add3A_1524 : i32
      %add3A_1526 = vector.broadcast %add3A_1525 : i32 to vector<16xi32>
      %add3A_1527 = arith.addi %add3A_1526, %iota3A : vector<16xi32>
      %le3A_1528 = arith.cmpi sle, %broadcast_in_dim3A_1392, %add3A_1527 : vector<16xi32>
      %jit3A_1529 = arith.constant 1 : i32
      %jit3A_1530 = arith.constant 0 : i32
      %broadcast_in_dim3A_1531 = vector.broadcast %jit3A_1529 : i32 to vector<16xi32>
      %broadcast_in_dim3A_1532 = vector.broadcast %jit3A_1530 : i32 to vector<16xi32>
      %select_n3A_1533 = arith.select %le3A_1528, %broadcast_in_dim3A_1531, %broadcast_in_dim3A_1532 : vector<16xi1>, vector<16xi32>
      %add3A_1534 = arith.addi %while3A_1388, %select_n3A_1533 : vector<16xi32>
      %add3A_1535 = arith.constant 208 : i32
      %add3A_1536 = arith.addi %add3A_344, %add3A_1535 : i32
      %add3A_1537 = vector.broadcast %add3A_1536 : i32 to vector<16xi32>
      %add3A_1538 = arith.addi %add3A_1537, %iota3A : vector<16xi32>
      %le3A_1539 = arith.cmpi sle, %broadcast_in_dim3A_1392, %add3A_1538 : vector<16xi32>
      %jit3A_1540 = arith.constant 1 : i32
      %jit3A_1541 = arith.constant 0 : i32
      %broadcast_in_dim3A_1542 = vector.broadcast %jit3A_1540 : i32 to vector<16xi32>
      %broadcast_in_dim3A_1543 = vector.broadcast %jit3A_1541 : i32 to vector<16xi32>
      %select_n3A_1544 = arith.select %le3A_1539, %broadcast_in_dim3A_1542, %broadcast_in_dim3A_1543 : vector<16xi1>, vector<16xi32>
      %add3A_1545 = arith.addi %while3A_1389, %select_n3A_1544 : vector<16xi32>
      %add3A_1546 = arith.constant 224 : i32
      %add3A_1547 = arith.addi %add3A_344, %add3A_1546 : i32
      %add3A_1548 = vector.broadcast %add3A_1547 : i32 to vector<16xi32>
      %add3A_1549 = arith.addi %add3A_1548, %iota3A : vector<16xi32>
      %le3A_1550 = arith.cmpi sle, %broadcast_in_dim3A_1392, %add3A_1549 : vector<16xi32>
      %jit3A_1551 = arith.constant 1 : i32
      %jit3A_1552 = arith.constant 0 : i32
      %broadcast_in_dim3A_1553 = vector.broadcast %jit3A_1551 : i32 to vector<16xi32>
      %broadcast_in_dim3A_1554 = vector.broadcast %jit3A_1552 : i32 to vector<16xi32>
      %select_n3A_1555 = arith.select %le3A_1550, %broadcast_in_dim3A_1553, %broadcast_in_dim3A_1554 : vector<16xi1>, vector<16xi32>
      %add3A_1556 = arith.addi %while3A_1390, %select_n3A_1555 : vector<16xi32>
      %add3A_1557 = arith.constant 240 : i32
      %add3A_1558 = arith.addi %add3A_344, %add3A_1557 : i32
      %add3A_1559 = vector.broadcast %add3A_1558 : i32 to vector<16xi32>
      %add3A_1560 = arith.addi %add3A_1559, %iota3A : vector<16xi32>
      %le3A_1561 = arith.cmpi sle, %broadcast_in_dim3A_1392, %add3A_1560 : vector<16xi32>
      %jit3A_1562 = arith.constant 1 : i32
      %jit3A_1563 = arith.constant 0 : i32
      %broadcast_in_dim3A_1564 = vector.broadcast %jit3A_1562 : i32 to vector<16xi32>
      %broadcast_in_dim3A_1565 = vector.broadcast %jit3A_1563 : i32 to vector<16xi32>
      %select_n3A_1566 = arith.select %le3A_1561, %broadcast_in_dim3A_1564, %broadcast_in_dim3A_1565 : vector<16xi1>, vector<16xi32>
      %add3A_1567 = arith.addi %while3A_1391, %select_n3A_1566 : vector<16xi32>
      %add3A_1568 = arith.constant 1 : i32
      %add3A_1569 = arith.addi %while3A_1374, %add3A_1568 : i32
      %add3A_1570 = arith.constant 1 : i32
      %add3A_1571 = arith.addi %while3A_1374, %add3A_1570 : i32
      %min3A_1572 = arith.constant 4095 : i32
      %min3A_1573 = arith.minsi %add3A_1571, %min3A_1572 : i32
      %broadcast_in_dim3A_1574 = vector.broadcast %min3A_1573 : i32 to vector<16xi32>
      %gather3A_1575 = tpu.vector_load_idx %arg6[%broadcast_in_dim3A_1574] : memref<4096xi32, #tpu.memory_space<vmem>>[vector<16xi32>], vector<16xi32>,
      %slice3A_1576 = vector.extract_strided_slice %gather3A_1575 {offsets = [0], sizes = [1], strides = [1]} : vector<16xi32> to vector<1xi32>
      %squeeze3A_1577 = vector.extract %slice3A_1576[0] : i32 from vector<1xi32>
      scf.yield %add3A_1569, %squeeze3A_1577, %add3A_1402, %add3A_1413, %add3A_1424, %add3A_1435, %add3A_1446, %add3A_1457, %add3A_1468, %add3A_1479, %add3A_1490, %add3A_1501, %add3A_1512, %add3A_1523, %add3A_1534, %add3A_1545, %add3A_1556, %add3A_1567 : i32, i32, vector<16xi32>, vector<16xi32>, vector<16xi32>, vector<16xi32>, vector<16xi32>, vector<16xi32>, vector<16xi32>, vector<16xi32>, vector<16xi32>, vector<16xi32>, vector<16xi32>, vector<16xi32>, vector<16xi32>, vector<16xi32>, vector<16xi32>, vector<16xi32>
    }
    %add3A_536 = vector.broadcast %max3A_488 : i32 to vector<16xi32>
    %add3A_537 = arith.addi %add3A_536, %while3A_535#2 : vector<16xi32>
    %min3A_538 = arith.constant 4095 : i32
    %min3A_539 = vector.broadcast %min3A_538 : i32 to vector<16xi32>
    %min3A_540 = arith.minsi %add3A_537, %min3A_539 : vector<16xi32>
    %swap3A_541 = arith.constant 0 : index
    %swap3A_542 = tpu.vector_load %arg10[%swap3A_541] {strides = array<i32>} : memref<128xi32, #tpu.memory_space<vmem>>, vector<16xi32>,
    tpu.vector_store %arg10[%swap3A_541], %min3A_540 {strides = array<i32>} : memref<128xi32, #tpu.memory_space<vmem>>, vector<16xi32>,
    %add3A_543 = vector.broadcast %max3A_488 : i32 to vector<16xi32>
    %add3A_544 = arith.addi %add3A_543, %while3A_535#3 : vector<16xi32>
    %min3A_545 = arith.constant 4095 : i32
    %min3A_546 = vector.broadcast %min3A_545 : i32 to vector<16xi32>
    %min3A_547 = arith.minsi %add3A_544, %min3A_546 : vector<16xi32>
    %swap3A_548 = arith.constant 16 : index
    %swap3A_549 = tpu.vector_load %arg10[%swap3A_548] {strides = array<i32>} : memref<128xi32, #tpu.memory_space<vmem>>, vector<16xi32>,
    tpu.vector_store %arg10[%swap3A_548], %min3A_547 {strides = array<i32>} : memref<128xi32, #tpu.memory_space<vmem>>, vector<16xi32>,
    %add3A_550 = vector.broadcast %max3A_488 : i32 to vector<16xi32>
    %add3A_551 = arith.addi %add3A_550, %while3A_535#4 : vector<16xi32>
    %min3A_552 = arith.constant 4095 : i32
    %min3A_553 = vector.broadcast %min3A_552 : i32 to vector<16xi32>
    %min3A_554 = arith.minsi %add3A_551, %min3A_553 : vector<16xi32>
    %swap3A_555 = arith.constant 32 : index
    %swap3A_556 = tpu.vector_load %arg10[%swap3A_555] {strides = array<i32>} : memref<128xi32, #tpu.memory_space<vmem>>, vector<16xi32>,
    tpu.vector_store %arg10[%swap3A_555], %min3A_554 {strides = array<i32>} : memref<128xi32, #tpu.memory_space<vmem>>, vector<16xi32>,
    %add3A_557 = vector.broadcast %max3A_488 : i32 to vector<16xi32>
    %add3A_558 = arith.addi %add3A_557, %while3A_535#5 : vector<16xi32>
    %min3A_559 = arith.constant 4095 : i32
    %min3A_560 = vector.broadcast %min3A_559 : i32 to vector<16xi32>
    %min3A_561 = arith.minsi %add3A_558, %min3A_560 : vector<16xi32>
    %swap3A_562 = arith.constant 48 : index
    %swap3A_563 = tpu.vector_load %arg10[%swap3A_562] {strides = array<i32>} : memref<128xi32, #tpu.memory_space<vmem>>, vector<16xi32>,
    tpu.vector_store %arg10[%swap3A_562], %min3A_561 {strides = array<i32>} : memref<128xi32, #tpu.memory_space<vmem>>, vector<16xi32>,
    %add3A_564 = vector.broadcast %max3A_488 : i32 to vector<16xi32>
    %add3A_565 = arith.addi %add3A_564, %while3A_535#6 : vector<16xi32>
    %min3A_566 = arith.constant 4095 : i32
    %min3A_567 = vector.broadcast %min3A_566 : i32 to vector<16xi32>
    %min3A_568 = arith.minsi %add3A_565, %min3A_567 : vector<16xi32>
    %swap3A_569 = arith.constant 64 : index
    %swap3A_570 = tpu.vector_load %arg10[%swap3A_569] {strides = array<i32>} : memref<128xi32, #tpu.memory_space<vmem>>, vector<16xi32>,
    tpu.vector_store %arg10[%swap3A_569], %min3A_568 {strides = array<i32>} : memref<128xi32, #tpu.memory_space<vmem>>, vector<16xi32>,
    %add3A_571 = vector.broadcast %max3A_488 : i32 to vector<16xi32>
    %add3A_572 = arith.addi %add3A_571, %while3A_535#7 : vector<16xi32>
    %min3A_573 = arith.constant 4095 : i32
    %min3A_574 = vector.broadcast %min3A_573 : i32 to vector<16xi32>
    %min3A_575 = arith.minsi %add3A_572, %min3A_574 : vector<16xi32>
    %swap3A_576 = arith.constant 80 : index
    %swap3A_577 = tpu.vector_load %arg10[%swap3A_576] {strides = array<i32>} : memref<128xi32, #tpu.memory_space<vmem>>, vector<16xi32>,
    tpu.vector_store %arg10[%swap3A_576], %min3A_575 {strides = array<i32>} : memref<128xi32, #tpu.memory_space<vmem>>, vector<16xi32>,
    %add3A_578 = vector.broadcast %max3A_488 : i32 to vector<16xi32>
    %add3A_579 = arith.addi %add3A_578, %while3A_535#8 : vector<16xi32>
    %min3A_580 = arith.constant 4095 : i32
    %min3A_581 = vector.broadcast %min3A_580 : i32 to vector<16xi32>
    %min3A_582 = arith.minsi %add3A_579, %min3A_581 : vector<16xi32>
    %swap3A_583 = arith.constant 96 : index
    %swap3A_584 = tpu.vector_load %arg10[%swap3A_583] {strides = array<i32>} : memref<128xi32, #tpu.memory_space<vmem>>, vector<16xi32>,
    tpu.vector_store %arg10[%swap3A_583], %min3A_582 {strides = array<i32>} : memref<128xi32, #tpu.memory_space<vmem>>, vector<16xi32>,
    %add3A_585 = vector.broadcast %max3A_488 : i32 to vector<16xi32>
    %add3A_586 = arith.addi %add3A_585, %while3A_535#9 : vector<16xi32>
    %min3A_587 = arith.constant 4095 : i32
    %min3A_588 = vector.broadcast %min3A_587 : i32 to vector<16xi32>
    %min3A_589 = arith.minsi %add3A_586, %min3A_588 : vector<16xi32>
    %swap3A_590 = arith.constant 112 : index
    %swap3A_591 = tpu.vector_load %arg10[%swap3A_590] {strides = array<i32>} : memref<128xi32, #tpu.memory_space<vmem>>, vector<16xi32>,
    tpu.vector_store %arg10[%swap3A_590], %min3A_589 {strides = array<i32>} : memref<128xi32, #tpu.memory_space<vmem>>, vector<16xi32>,
    %add3A_592 = vector.broadcast %max3A_488 : i32 to vector<16xi32>
    %add3A_593 = arith.addi %add3A_592, %while3A_535#10 : vector<16xi32>
    %min3A_594 = arith.constant 4095 : i32
    %min3A_595 = vector.broadcast %min3A_594 : i32 to vector<16xi32>
    %min3A_596 = arith.minsi %add3A_593, %min3A_595 : vector<16xi32>
    %swap3A_597 = arith.constant 0 : index
    %swap3A_598 = tpu.vector_load %arg11[%swap3A_597] {strides = array<i32>} : memref<128xi32, #tpu.memory_space<vmem>>, vector<16xi32>,
    tpu.vector_store %arg11[%swap3A_597], %min3A_596 {strides = array<i32>} : memref<128xi32, #tpu.memory_space<vmem>>, vector<16xi32>,
    %add3A_599 = vector.broadcast %max3A_488 : i32 to vector<16xi32>
    %add3A_600 = arith.addi %add3A_599, %while3A_535#11 : vector<16xi32>
    %min3A_601 = arith.constant 4095 : i32
    %min3A_602 = vector.broadcast %min3A_601 : i32 to vector<16xi32>
    %min3A_603 = arith.minsi %add3A_600, %min3A_602 : vector<16xi32>
    %swap3A_604 = arith.constant 16 : index
    %swap3A_605 = tpu.vector_load %arg11[%swap3A_604] {strides = array<i32>} : memref<128xi32, #tpu.memory_space<vmem>>, vector<16xi32>,
    tpu.vector_store %arg11[%swap3A_604], %min3A_603 {strides = array<i32>} : memref<128xi32, #tpu.memory_space<vmem>>, vector<16xi32>,
    %add3A_606 = vector.broadcast %max3A_488 : i32 to vector<16xi32>
    %add3A_607 = arith.addi %add3A_606, %while3A_535#12 : vector<16xi32>
    %min3A_608 = arith.constant 4095 : i32
    %min3A_609 = vector.broadcast %min3A_608 : i32 to vector<16xi32>
    %min3A_610 = arith.minsi %add3A_607, %min3A_609 : vector<16xi32>
    %swap3A_611 = arith.constant 32 : index
    %swap3A_612 = tpu.vector_load %arg11[%swap3A_611] {strides = array<i32>} : memref<128xi32, #tpu.memory_space<vmem>>, vector<16xi32>,
    tpu.vector_store %arg11[%swap3A_611], %min3A_610 {strides = array<i32>} : memref<128xi32, #tpu.memory_space<vmem>>, vector<16xi32>,
    %add3A_613 = vector.broadcast %max3A_488 : i32 to vector<16xi32>
    %add3A_614 = arith.addi %add3A_613, %while3A_535#13 : vector<16xi32>
    %min3A_615 = arith.constant 4095 : i32
    %min3A_616 = vector.broadcast %min3A_615 : i32 to vector<16xi32>
    %min3A_617 = arith.minsi %add3A_614, %min3A_616 : vector<16xi32>
    %swap3A_618 = arith.constant 48 : index
    %swap3A_619 = tpu.vector_load %arg11[%swap3A_618] {strides = array<i32>} : memref<128xi32, #tpu.memory_space<vmem>>, vector<16xi32>,
    tpu.vector_store %arg11[%swap3A_618], %min3A_617 {strides = array<i32>} : memref<128xi32, #tpu.memory_space<vmem>>, vector<16xi32>,
    %add3A_620 = vector.broadcast %max3A_488 : i32 to vector<16xi32>
    %add3A_621 = arith.addi %add3A_620, %while3A_535#14 : vector<16xi32>
    %min3A_622 = arith.constant 4095 : i32
    %min3A_623 = vector.broadcast %min3A_622 : i32 to vector<16xi32>
    %min3A_624 = arith.minsi %add3A_621, %min3A_623 : vector<16xi32>
    %swap3A_625 = arith.constant 64 : index
    %swap3A_626 = tpu.vector_load %arg11[%swap3A_625] {strides = array<i32>} : memref<128xi32, #tpu.memory_space<vmem>>, vector<16xi32>,
    tpu.vector_store %arg11[%swap3A_625], %min3A_624 {strides = array<i32>} : memref<128xi32, #tpu.memory_space<vmem>>, vector<16xi32>,
    %add3A_627 = vector.broadcast %max3A_488 : i32 to vector<16xi32>
    %add3A_628 = arith.addi %add3A_627, %while3A_535#15 : vector<16xi32>
    %min3A_629 = arith.constant 4095 : i32
    %min3A_630 = vector.broadcast %min3A_629 : i32 to vector<16xi32>
    %min3A_631 = arith.minsi %add3A_628, %min3A_630 : vector<16xi32>
    %swap3A_632 = arith.constant 80 : index
    %swap3A_633 = tpu.vector_load %arg11[%swap3A_632] {strides = array<i32>} : memref<128xi32, #tpu.memory_space<vmem>>, vector<16xi32>,
    tpu.vector_store %arg11[%swap3A_632], %min3A_631 {strides = array<i32>} : memref<128xi32, #tpu.memory_space<vmem>>, vector<16xi32>,
    %add3A_634 = vector.broadcast %max3A_488 : i32 to vector<16xi32>
    %add3A_635 = arith.addi %add3A_634, %while3A_535#16 : vector<16xi32>
    %min3A_636 = arith.constant 4095 : i32
    %min3A_637 = vector.broadcast %min3A_636 : i32 to vector<16xi32>
    %min3A_638 = arith.minsi %add3A_635, %min3A_637 : vector<16xi32>
    %swap3A_639 = arith.constant 96 : index
    %swap3A_640 = tpu.vector_load %arg11[%swap3A_639] {strides = array<i32>} : memref<128xi32, #tpu.memory_space<vmem>>, vector<16xi32>,
    tpu.vector_store %arg11[%swap3A_639], %min3A_638 {strides = array<i32>} : memref<128xi32, #tpu.memory_space<vmem>>, vector<16xi32>,
    %add3A_641 = vector.broadcast %max3A_488 : i32 to vector<16xi32>
    %add3A_642 = arith.addi %add3A_641, %while3A_535#17 : vector<16xi32>
    %min3A_643 = arith.constant 4095 : i32
    %min3A_644 = vector.broadcast %min3A_643 : i32 to vector<16xi32>
    %min3A_645 = arith.minsi %add3A_642, %min3A_644 : vector<16xi32>
    %swap3A_646 = arith.constant 112 : index
    %swap3A_647 = tpu.vector_load %arg11[%swap3A_646] {strides = array<i32>} : memref<128xi32, #tpu.memory_space<vmem>>, vector<16xi32>,
    tpu.vector_store %arg11[%swap3A_646], %min3A_645 {strides = array<i32>} : memref<128xi32, #tpu.memory_space<vmem>>, vector<16xi32>,
    %dma_start3A_648 = arith.constant 0 : i32
    %dma_start3A_649 = arith.constant 0 : i32
    %dma_start3A_650 = tpu.memref_slice %arg15[%dma_start3A_648, %dma_start3A_649] : memref<256x64xf32, #tpu.memory_space<vmem>> -> memref<128x64xf32, #tpu.memory_space<vmem>>
    %dma_start3A_651 = arith.constant 0 : i32
    %dma_start3A_652 = arith.constant 0 : i32
    %dma_start3A_653 = tpu.memref_slice %arg17[%dma_start3A_651, %dma_start3A_652] : memref<4096x64xf32, #tpu.memory_space<vmem_shared>> -> memref<4096x64xf32, #tpu.memory_space<vmem_shared>>
    tpu.enqueue_indirect_dma source(%dma_start3A_650 : memref<128x64xf32, #tpu.memory_space<vmem>>) target(%dma_start3A_653 : memref<4096x64xf32, #tpu.memory_space<vmem_shared>>) offsets(%arg10 : memref<128xi32, #tpu.memory_space<vmem>>) semaphore(%arg22 : memref<!tpu.dma_semaphore, #tpu.memory_space<semaphore_mem>>) {add = true}
    %dma_start3A_654 = arith.constant 128 : i32
    %dma_start3A_655 = arith.constant 0 : i32
    %dma_start3A_656 = tpu.memref_slice %arg15[%dma_start3A_654, %dma_start3A_655] : memref<256x64xf32, #tpu.memory_space<vmem>> -> memref<128x64xf32, #tpu.memory_space<vmem>>
    %dma_start3A_657 = arith.constant 0 : i32
    %dma_start3A_658 = arith.constant 0 : i32
    %dma_start3A_659 = tpu.memref_slice %arg17[%dma_start3A_657, %dma_start3A_658] : memref<4096x64xf32, #tpu.memory_space<vmem_shared>> -> memref<4096x64xf32, #tpu.memory_space<vmem_shared>>
    tpu.enqueue_indirect_dma source(%dma_start3A_656 : memref<128x64xf32, #tpu.memory_space<vmem>>) target(%dma_start3A_659 : memref<4096x64xf32, #tpu.memory_space<vmem_shared>>) offsets(%arg11 : memref<128xi32, #tpu.memory_space<vmem>>) semaphore(%arg22 : memref<!tpu.dma_semaphore, #tpu.memory_space<semaphore_mem>>) {add = true}
    %scan3A_660 = arith.constant 0 : i32
    %scan3A_661 = arith.constant 7 : i32
    %scan3A_662 = arith.addi %scan3A_660, %scan3A_661 : i32
    %scan3A_663 = arith.constant 1 : i32
    scf.for %scan3A_1374 = %scan3A_660 to %scan3A_662 step %scan3A_663  : i32 {
      %mul3A_1375 = arith.constant 3 : i32
      %mul3A_1376 = arith.muli %mul3A_1375, %scan3A_1374 : i32
      %add3A_1377 = arith.constant 2 : i32
      %add3A_1378 = arith.addi %mul3A_1376, %add3A_1377 : i32
      %mul3A_1379 = arith.constant 256 : i32
      %mul3A_1380 = arith.muli %add3A_1378, %mul3A_1379 : i32
      %dma_wait3A_1381 = tpu.memref_slice %arg7[%mul3A_1380] : memref<6400xi32, #tpu.memory_space<vmem>> -> memref<256xi32, #tpu.memory_space<vmem>>
      %dma_wait3A_1382 = arith.constant 0 : i32
      %dma_wait3A_1383 = arith.constant 0 : i32
      %dma_wait3A_1384 = tpu.memref_slice %arg2[%dma_wait3A_1382, %dma_wait3A_1383] : memref<100000x64xf32, #tpu.memory_space<hbm>> -> memref<100000x64xf32, #tpu.memory_space<hbm>>
      tpu.wait_indirect_dma semaphore(%arg20 : memref<!tpu.dma_semaphore, #tpu.memory_space<semaphore_mem>>) src(%dma_wait3A_1384 : memref<100000x64xf32, #tpu.memory_space<hbm>>) dst(%arg16 : memref<256x64xf32, #tpu.memory_space<vmem>>)
      %dma_wait3A_1385 = arith.constant 0 : i32
      %dma_wait3A_1386 = arith.constant 0 : i32
      %dma_wait3A_1387 = tpu.memref_slice %arg14[%dma_wait3A_1385, %dma_wait3A_1386] : memref<256x64xf32, #tpu.memory_space<vmem>> -> memref<128x64xf32, #tpu.memory_space<vmem>>
      %dma_wait3A_1388 = arith.constant 0 : i32
      %dma_wait3A_1389 = arith.constant 0 : i32
      %dma_wait3A_1390 = tpu.memref_slice %arg17[%dma_wait3A_1388, %dma_wait3A_1389] : memref<4096x64xf32, #tpu.memory_space<vmem_shared>> -> memref<4096x64xf32, #tpu.memory_space<vmem_shared>>
      tpu.wait_indirect_dma semaphore(%arg21 : memref<!tpu.dma_semaphore, #tpu.memory_space<semaphore_mem>>) src(%dma_wait3A_1387 : memref<128x64xf32, #tpu.memory_space<vmem>>) dst(%dma_wait3A_1390 : memref<4096x64xf32, #tpu.memory_space<vmem_shared>>)
      %dma_wait3A_1391 = arith.constant 128 : i32
      %dma_wait3A_1392 = arith.constant 0 : i32
      %dma_wait3A_1393 = tpu.memref_slice %arg14[%dma_wait3A_1391, %dma_wait3A_1392] : memref<256x64xf32, #tpu.memory_space<vmem>> -> memref<128x64xf32, #tpu.memory_space<vmem>>
      %dma_wait3A_1394 = arith.constant 0 : i32
      %dma_wait3A_1395 = arith.constant 0 : i32
      %dma_wait3A_1396 = tpu.memref_slice %arg17[%dma_wait3A_1394, %dma_wait3A_1395] : memref<4096x64xf32, #tpu.memory_space<vmem_shared>> -> memref<4096x64xf32, #tpu.memory_space<vmem_shared>>
      tpu.wait_indirect_dma semaphore(%arg21 : memref<!tpu.dma_semaphore, #tpu.memory_space<semaphore_mem>>) src(%dma_wait3A_1393 : memref<128x64xf32, #tpu.memory_space<vmem>>) dst(%dma_wait3A_1396 : memref<4096x64xf32, #tpu.memory_space<vmem_shared>>)
      %add3A_1397 = arith.constant 1 : i32
      %add3A_1398 = arith.addi %add3A_1378, %add3A_1397 : i32
      %mul3A_1399 = arith.constant 256 : i32
      %mul3A_1400 = arith.muli %add3A_1398, %mul3A_1399 : i32
      %dma_start3A_1401 = tpu.memref_slice %arg7[%mul3A_1400] : memref<6400xi32, #tpu.memory_space<vmem>> -> memref<256xi32, #tpu.memory_space<vmem>>
      %dma_start3A_1402 = arith.constant 0 : i32
      %dma_start3A_1403 = arith.constant 0 : i32
      %dma_start3A_1404 = tpu.memref_slice %arg2[%dma_start3A_1402, %dma_start3A_1403] : memref<100000x64xf32, #tpu.memory_space<hbm>> -> memref<100000x64xf32, #tpu.memory_space<hbm>>
      tpu.enqueue_indirect_dma source(%dma_start3A_1404 : memref<100000x64xf32, #tpu.memory_space<hbm>>) target(%arg14 : memref<256x64xf32, #tpu.memory_space<vmem>>) offsets(%dma_start3A_1401 : memref<256xi32, #tpu.memory_space<vmem>>) semaphore(%arg18 : memref<!tpu.dma_semaphore, #tpu.memory_space<semaphore_mem>>)
      %mul3A_1405 = arith.constant 6400 : i32
      %mul3A_1406 = arith.muli %add3A, %mul3A_1405 : i32
      %mul3A_1407 = arith.constant 256 : i32
      %mul3A_1408 = arith.muli %add3A_1378, %mul3A_1407 : i32
      %add3A_1409 = arith.addi %mul3A_1406, %mul3A_1408 : i32
      %add3A_1410 = vector.broadcast %add3A_1409 : i32 to vector<16xi32>
      %add3A_1411 = arith.addi %add3A_1410, %iota3A : vector<16xi32>
      %broadcast_in_dim3A_1412 = arith.constant 0 : i32
      %broadcast_in_dim3A_1413 = vector.broadcast %broadcast_in_dim3A_1412 : i32 to vector<16xi32>
      %broadcast_in_dim3A_1414 = arith.constant 4096 : i32
      %broadcast_in_dim3A_1415 = vector.broadcast %broadcast_in_dim3A_1414 : i32 to vector<16xi32>
      %add3A_1416 = arith.addi %broadcast_in_dim3A_1413, %broadcast_in_dim3A_1415 : vector<16xi32>
      %shift_right_arithmetic3A_1417 = arith.constant 1 : i32
      %shift_right_arithmetic3A_1418 = vector.broadcast %shift_right_arithmetic3A_1417 : i32 to vector<16xi32>
      %shift_right_arithmetic3A_1419 = arith.shrsi %add3A_1416, %shift_right_arithmetic3A_1418 : vector<16xi32>
      %gather3A_1420 = tpu.vector_load_idx %arg6[%shift_right_arithmetic3A_1419] : memref<4096xi32, #tpu.memory_space<vmem>>[vector<16xi32>], vector<16xi32>,
      %le3A_1421 = arith.cmpi sle, %gather3A_1420, %add3A_1411 : vector<16xi32>
      %add3A_1422 = arith.constant 1 : i32
      %add3A_1423 = vector.broadcast %add3A_1422 : i32 to vector<16xi32>
      %add3A_1424 = arith.addi %shift_right_arithmetic3A_1419, %add3A_1423 : vector<16xi32>
      %select_n3A_1425 = arith.select %le3A_1421, %add3A_1424, %broadcast_in_dim3A_1413 : vector<16xi1>, vector<16xi32>
      %select_n3A_1426 = arith.select %le3A_1421, %broadcast_in_dim3A_1415, %shift_right_arithmetic3A_1419 : vector<16xi1>, vector<16xi32>
      %add3A_1427 = arith.addi %select_n3A_1425, %select_n3A_1426 : vector<16xi32>
      %shift_right_arithmetic3A_1428 = arith.constant 1 : i32
      %shift_right_arithmetic3A_1429 = vector.broadcast %shift_right_arithmetic3A_1428 : i32 to vector<16xi32>
      %shift_right_arithmetic3A_1430 = arith.shrsi %add3A_1427, %shift_right_arithmetic3A_1429 : vector<16xi32>
      %gather3A_1431 = tpu.vector_load_idx %arg6[%shift_right_arithmetic3A_1430] : memref<4096xi32, #tpu.memory_space<vmem>>[vector<16xi32>], vector<16xi32>,
      %le3A_1432 = arith.cmpi sle, %gather3A_1431, %add3A_1411 : vector<16xi32>
      %add3A_1433 = arith.constant 1 : i32
      %add3A_1434 = vector.broadcast %add3A_1433 : i32 to vector<16xi32>
      %add3A_1435 = arith.addi %shift_right_arithmetic3A_1430, %add3A_1434 : vector<16xi32>
      %select_n3A_1436 = arith.select %le3A_1432, %add3A_1435, %select_n3A_1425 : vector<16xi1>, vector<16xi32>
      %select_n3A_1437 = arith.select %le3A_1432, %select_n3A_1426, %shift_right_arithmetic3A_1430 : vector<16xi1>, vector<16xi32>
      %add3A_1438 = arith.addi %select_n3A_1436, %select_n3A_1437 : vector<16xi32>
      %shift_right_arithmetic3A_1439 = arith.constant 1 : i32
      %shift_right_arithmetic3A_1440 = vector.broadcast %shift_right_arithmetic3A_1439 : i32 to vector<16xi32>
      %shift_right_arithmetic3A_1441 = arith.shrsi %add3A_1438, %shift_right_arithmetic3A_1440 : vector<16xi32>
      %gather3A_1442 = tpu.vector_load_idx %arg6[%shift_right_arithmetic3A_1441] : memref<4096xi32, #tpu.memory_space<vmem>>[vector<16xi32>], vector<16xi32>,
      %le3A_1443 = arith.cmpi sle, %gather3A_1442, %add3A_1411 : vector<16xi32>
      %add3A_1444 = arith.constant 1 : i32
      %add3A_1445 = vector.broadcast %add3A_1444 : i32 to vector<16xi32>
      %add3A_1446 = arith.addi %shift_right_arithmetic3A_1441, %add3A_1445 : vector<16xi32>
      %select_n3A_1447 = arith.select %le3A_1443, %add3A_1446, %select_n3A_1436 : vector<16xi1>, vector<16xi32>
      %select_n3A_1448 = arith.select %le3A_1443, %select_n3A_1437, %shift_right_arithmetic3A_1441 : vector<16xi1>, vector<16xi32>
      %add3A_1449 = arith.addi %select_n3A_1447, %select_n3A_1448 : vector<16xi32>
      %shift_right_arithmetic3A_1450 = arith.constant 1 : i32
      %shift_right_arithmetic3A_1451 = vector.broadcast %shift_right_arithmetic3A_1450 : i32 to vector<16xi32>
      %shift_right_arithmetic3A_1452 = arith.shrsi %add3A_1449, %shift_right_arithmetic3A_1451 : vector<16xi32>
      %gather3A_1453 = tpu.vector_load_idx %arg6[%shift_right_arithmetic3A_1452] : memref<4096xi32, #tpu.memory_space<vmem>>[vector<16xi32>], vector<16xi32>,
      %le3A_1454 = arith.cmpi sle, %gather3A_1453, %add3A_1411 : vector<16xi32>
      %add3A_1455 = arith.constant 1 : i32
      %add3A_1456 = vector.broadcast %add3A_1455 : i32 to vector<16xi32>
      %add3A_1457 = arith.addi %shift_right_arithmetic3A_1452, %add3A_1456 : vector<16xi32>
      %select_n3A_1458 = arith.select %le3A_1454, %add3A_1457, %select_n3A_1447 : vector<16xi1>, vector<16xi32>
      %select_n3A_1459 = arith.select %le3A_1454, %select_n3A_1448, %shift_right_arithmetic3A_1452 : vector<16xi1>, vector<16xi32>
      %add3A_1460 = arith.addi %select_n3A_1458, %select_n3A_1459 : vector<16xi32>
      %shift_right_arithmetic3A_1461 = arith.constant 1 : i32
      %shift_right_arithmetic3A_1462 = vector.broadcast %shift_right_arithmetic3A_1461 : i32 to vector<16xi32>
      %shift_right_arithmetic3A_1463 = arith.shrsi %add3A_1460, %shift_right_arithmetic3A_1462 : vector<16xi32>
      %gather3A_1464 = tpu.vector_load_idx %arg6[%shift_right_arithmetic3A_1463] : memref<4096xi32, #tpu.memory_space<vmem>>[vector<16xi32>], vector<16xi32>,
      %le3A_1465 = arith.cmpi sle, %gather3A_1464, %add3A_1411 : vector<16xi32>
      %add3A_1466 = arith.constant 1 : i32
      %add3A_1467 = vector.broadcast %add3A_1466 : i32 to vector<16xi32>
      %add3A_1468 = arith.addi %shift_right_arithmetic3A_1463, %add3A_1467 : vector<16xi32>
      %select_n3A_1469 = arith.select %le3A_1465, %add3A_1468, %select_n3A_1458 : vector<16xi1>, vector<16xi32>
      %select_n3A_1470 = arith.select %le3A_1465, %select_n3A_1459, %shift_right_arithmetic3A_1463 : vector<16xi1>, vector<16xi32>
      %add3A_1471 = arith.addi %select_n3A_1469, %select_n3A_1470 : vector<16xi32>
      %shift_right_arithmetic3A_1472 = arith.constant 1 : i32
      %shift_right_arithmetic3A_1473 = vector.broadcast %shift_right_arithmetic3A_1472 : i32 to vector<16xi32>
      %shift_right_arithmetic3A_1474 = arith.shrsi %add3A_1471, %shift_right_arithmetic3A_1473 : vector<16xi32>
      %gather3A_1475 = tpu.vector_load_idx %arg6[%shift_right_arithmetic3A_1474] : memref<4096xi32, #tpu.memory_space<vmem>>[vector<16xi32>], vector<16xi32>,
      %le3A_1476 = arith.cmpi sle, %gather3A_1475, %add3A_1411 : vector<16xi32>
      %add3A_1477 = arith.constant 1 : i32
      %add3A_1478 = vector.broadcast %add3A_1477 : i32 to vector<16xi32>
      %add3A_1479 = arith.addi %shift_right_arithmetic3A_1474, %add3A_1478 : vector<16xi32>
      %select_n3A_1480 = arith.select %le3A_1476, %add3A_1479, %select_n3A_1469 : vector<16xi1>, vector<16xi32>
      %select_n3A_1481 = arith.select %le3A_1476, %select_n3A_1470, %shift_right_arithmetic3A_1474 : vector<16xi1>, vector<16xi32>
      %add3A_1482 = arith.addi %select_n3A_1480, %select_n3A_1481 : vector<16xi32>
      %shift_right_arithmetic3A_1483 = arith.constant 1 : i32
      %shift_right_arithmetic3A_1484 = vector.broadcast %shift_right_arithmetic3A_1483 : i32 to vector<16xi32>
      %shift_right_arithmetic3A_1485 = arith.shrsi %add3A_1482, %shift_right_arithmetic3A_1484 : vector<16xi32>
      %gather3A_1486 = tpu.vector_load_idx %arg6[%shift_right_arithmetic3A_1485] : memref<4096xi32, #tpu.memory_space<vmem>>[vector<16xi32>], vector<16xi32>,
      %le3A_1487 = arith.cmpi sle, %gather3A_1486, %add3A_1411 : vector<16xi32>
      %add3A_1488 = arith.constant 1 : i32
      %add3A_1489 = vector.broadcast %add3A_1488 : i32 to vector<16xi32>
      %add3A_1490 = arith.addi %shift_right_arithmetic3A_1485, %add3A_1489 : vector<16xi32>
      %select_n3A_1491 = arith.select %le3A_1487, %add3A_1490, %select_n3A_1480 : vector<16xi1>, vector<16xi32>
      %select_n3A_1492 = arith.select %le3A_1487, %select_n3A_1481, %shift_right_arithmetic3A_1485 : vector<16xi1>, vector<16xi32>
      %add3A_1493 = arith.addi %select_n3A_1491, %select_n3A_1492 : vector<16xi32>
      %shift_right_arithmetic3A_1494 = arith.constant 1 : i32
      %shift_right_arithmetic3A_1495 = vector.broadcast %shift_right_arithmetic3A_1494 : i32 to vector<16xi32>
      %shift_right_arithmetic3A_1496 = arith.shrsi %add3A_1493, %shift_right_arithmetic3A_1495 : vector<16xi32>
      %gather3A_1497 = tpu.vector_load_idx %arg6[%shift_right_arithmetic3A_1496] : memref<4096xi32, #tpu.memory_space<vmem>>[vector<16xi32>], vector<16xi32>,
      %le3A_1498 = arith.cmpi sle, %gather3A_1497, %add3A_1411 : vector<16xi32>
      %add3A_1499 = arith.constant 1 : i32
      %add3A_1500 = vector.broadcast %add3A_1499 : i32 to vector<16xi32>
      %add3A_1501 = arith.addi %shift_right_arithmetic3A_1496, %add3A_1500 : vector<16xi32>
      %select_n3A_1502 = arith.select %le3A_1498, %add3A_1501, %select_n3A_1491 : vector<16xi1>, vector<16xi32>
      %select_n3A_1503 = arith.select %le3A_1498, %select_n3A_1492, %shift_right_arithmetic3A_1496 : vector<16xi1>, vector<16xi32>
      %add3A_1504 = arith.addi %select_n3A_1502, %select_n3A_1503 : vector<16xi32>
      %shift_right_arithmetic3A_1505 = arith.constant 1 : i32
      %shift_right_arithmetic3A_1506 = vector.broadcast %shift_right_arithmetic3A_1505 : i32 to vector<16xi32>
      %shift_right_arithmetic3A_1507 = arith.shrsi %add3A_1504, %shift_right_arithmetic3A_1506 : vector<16xi32>
      %gather3A_1508 = tpu.vector_load_idx %arg6[%shift_right_arithmetic3A_1507] : memref<4096xi32, #tpu.memory_space<vmem>>[vector<16xi32>], vector<16xi32>,
      %le3A_1509 = arith.cmpi sle, %gather3A_1508, %add3A_1411 : vector<16xi32>
      %add3A_1510 = arith.constant 1 : i32
      %add3A_1511 = vector.broadcast %add3A_1510 : i32 to vector<16xi32>
      %add3A_1512 = arith.addi %shift_right_arithmetic3A_1507, %add3A_1511 : vector<16xi32>
      %select_n3A_1513 = arith.select %le3A_1509, %add3A_1512, %select_n3A_1502 : vector<16xi1>, vector<16xi32>
      %select_n3A_1514 = arith.select %le3A_1509, %select_n3A_1503, %shift_right_arithmetic3A_1507 : vector<16xi1>, vector<16xi32>
      %add3A_1515 = arith.addi %select_n3A_1513, %select_n3A_1514 : vector<16xi32>
      %shift_right_arithmetic3A_1516 = arith.constant 1 : i32
      %shift_right_arithmetic3A_1517 = vector.broadcast %shift_right_arithmetic3A_1516 : i32 to vector<16xi32>
      %shift_right_arithmetic3A_1518 = arith.shrsi %add3A_1515, %shift_right_arithmetic3A_1517 : vector<16xi32>
      %gather3A_1519 = tpu.vector_load_idx %arg6[%shift_right_arithmetic3A_1518] : memref<4096xi32, #tpu.memory_space<vmem>>[vector<16xi32>], vector<16xi32>,
      %le3A_1520 = arith.cmpi sle, %gather3A_1519, %add3A_1411 : vector<16xi32>
      %add3A_1521 = arith.constant 1 : i32
      %add3A_1522 = vector.broadcast %add3A_1521 : i32 to vector<16xi32>
      %add3A_1523 = arith.addi %shift_right_arithmetic3A_1518, %add3A_1522 : vector<16xi32>
      %select_n3A_1524 = arith.select %le3A_1520, %add3A_1523, %select_n3A_1513 : vector<16xi1>, vector<16xi32>
      %select_n3A_1525 = arith.select %le3A_1520, %select_n3A_1514, %shift_right_arithmetic3A_1518 : vector<16xi1>, vector<16xi32>
      %add3A_1526 = arith.addi %select_n3A_1524, %select_n3A_1525 : vector<16xi32>
      %shift_right_arithmetic3A_1527 = arith.constant 1 : i32
      %shift_right_arithmetic3A_1528 = vector.broadcast %shift_right_arithmetic3A_1527 : i32 to vector<16xi32>
      %shift_right_arithmetic3A_1529 = arith.shrsi %add3A_1526, %shift_right_arithmetic3A_1528 : vector<16xi32>
      %gather3A_1530 = tpu.vector_load_idx %arg6[%shift_right_arithmetic3A_1529] : memref<4096xi32, #tpu.memory_space<vmem>>[vector<16xi32>], vector<16xi32>,
      %le3A_1531 = arith.cmpi sle, %gather3A_1530, %add3A_1411 : vector<16xi32>
      %add3A_1532 = arith.constant 1 : i32
      %add3A_1533 = vector.broadcast %add3A_1532 : i32 to vector<16xi32>
      %add3A_1534 = arith.addi %shift_right_arithmetic3A_1529, %add3A_1533 : vector<16xi32>
      %select_n3A_1535 = arith.select %le3A_1531, %add3A_1534, %select_n3A_1524 : vector<16xi1>, vector<16xi32>
      %select_n3A_1536 = arith.select %le3A_1531, %select_n3A_1525, %shift_right_arithmetic3A_1529 : vector<16xi1>, vector<16xi32>
      %add3A_1537 = arith.addi %select_n3A_1535, %select_n3A_1536 : vector<16xi32>
      %shift_right_arithmetic3A_1538 = arith.constant 1 : i32
      %shift_right_arithmetic3A_1539 = vector.broadcast %shift_right_arithmetic3A_1538 : i32 to vector<16xi32>
      %shift_right_arithmetic3A_1540 = arith.shrsi %add3A_1537, %shift_right_arithmetic3A_1539 : vector<16xi32>
      %gather3A_1541 = tpu.vector_load_idx %arg6[%shift_right_arithmetic3A_1540] : memref<4096xi32, #tpu.memory_space<vmem>>[vector<16xi32>], vector<16xi32>,
      %le3A_1542 = arith.cmpi sle, %gather3A_1541, %add3A_1411 : vector<16xi32>
      %add3A_1543 = arith.constant 1 : i32
      %add3A_1544 = vector.broadcast %add3A_1543 : i32 to vector<16xi32>
      %add3A_1545 = arith.addi %shift_right_arithmetic3A_1540, %add3A_1544 : vector<16xi32>
      %select_n3A_1546 = arith.select %le3A_1542, %add3A_1545, %select_n3A_1535 : vector<16xi1>, vector<16xi32>
      %select_n3A_1547 = arith.select %le3A_1542, %select_n3A_1536, %shift_right_arithmetic3A_1540 : vector<16xi1>, vector<16xi32>
      %slice3A_1548 = vector.extract_strided_slice %select_n3A_1546 {offsets = [0], sizes = [1], strides = [1]} : vector<16xi32> to vector<1xi32>
      %squeeze3A_1549 = vector.extract %slice3A_1548[0] : i32 from vector<1xi32>
      %sub3A_1550 = arith.constant 1 : i32
      %sub3A_1551 = arith.subi %squeeze3A_1549, %sub3A_1550 : i32
      %max3A_1552 = arith.constant 0 : i32
      %max3A_1553 = arith.maxsi %sub3A_1551, %max3A_1552 : i32
      %add3A_1554 = arith.constant 256 : i32
      %add3A_1555 = arith.addi %add3A_1409, %add3A_1554 : i32
      %sub3A_1556 = arith.constant 1 : i32
      %sub3A_1557 = arith.subi %add3A_1555, %sub3A_1556 : i32
      %add3A_1558 = arith.constant 1 : i32
      %add3A_1559 = arith.addi %max3A_1553, %add3A_1558 : i32
      %add3A_1560 = arith.constant 1 : i32
      %add3A_1561 = arith.addi %max3A_1553, %add3A_1560 : i32
      %min3A_1562 = arith.constant 4095 : i32
      %min3A_1563 = arith.minsi %add3A_1561, %min3A_1562 : i32
      %broadcast_in_dim3A_1564 = vector.broadcast %min3A_1563 : i32 to vector<16xi32>
      %gather3A_1565 = tpu.vector_load_idx %arg6[%broadcast_in_dim3A_1564] : memref<4096xi32, #tpu.memory_space<vmem>>[vector<16xi32>], vector<16xi32>,
      %slice3A_1566 = vector.extract_strided_slice %gather3A_1565 {offsets = [0], sizes = [1], strides = [1]} : vector<16xi32> to vector<1xi32>
      %squeeze3A_1567 = vector.extract %slice3A_1566[0] : i32 from vector<1xi32>
      %broadcast_in_dim3A_1568 = arith.constant 0 : i32
      %broadcast_in_dim3A_1569 = vector.broadcast %broadcast_in_dim3A_1568 : i32 to vector<16xi32>
      %broadcast_in_dim3A_1570 = arith.constant 0 : i32
      %broadcast_in_dim3A_1571 = vector.broadcast %broadcast_in_dim3A_1570 : i32 to vector<16xi32>
      %broadcast_in_dim3A_1572 = arith.constant 0 : i32
      %broadcast_in_dim3A_1573 = vector.broadcast %broadcast_in_dim3A_1572 : i32 to vector<16xi32>
      %broadcast_in_dim3A_1574 = arith.constant 0 : i32
      %broadcast_in_dim3A_1575 = vector.broadcast %broadcast_in_dim3A_1574 : i32 to vector<16xi32>
      %broadcast_in_dim3A_1576 = arith.constant 0 : i32
      %broadcast_in_dim3A_1577 = vector.broadcast %broadcast_in_dim3A_1576 : i32 to vector<16xi32>
      %broadcast_in_dim3A_1578 = arith.constant 0 : i32
      %broadcast_in_dim3A_1579 = vector.broadcast %broadcast_in_dim3A_1578 : i32 to vector<16xi32>
      %broadcast_in_dim3A_1580 = arith.constant 0 : i32
      %broadcast_in_dim3A_1581 = vector.broadcast %broadcast_in_dim3A_1580 : i32 to vector<16xi32>
      %broadcast_in_dim3A_1582 = arith.constant 0 : i32
      %broadcast_in_dim3A_1583 = vector.broadcast %broadcast_in_dim3A_1582 : i32 to vector<16xi32>
      %broadcast_in_dim3A_1584 = arith.constant 0 : i32
      %broadcast_in_dim3A_1585 = vector.broadcast %broadcast_in_dim3A_1584 : i32 to vector<16xi32>
      %broadcast_in_dim3A_1586 = arith.constant 0 : i32
      %broadcast_in_dim3A_1587 = vector.broadcast %broadcast_in_dim3A_1586 : i32 to vector<16xi32>
      %broadcast_in_dim3A_1588 = arith.constant 0 : i32
      %broadcast_in_dim3A_1589 = vector.broadcast %broadcast_in_dim3A_1588 : i32 to vector<16xi32>
      %broadcast_in_dim3A_1590 = arith.constant 0 : i32
      %broadcast_in_dim3A_1591 = vector.broadcast %broadcast_in_dim3A_1590 : i32 to vector<16xi32>
      %broadcast_in_dim3A_1592 = arith.constant 0 : i32
      %broadcast_in_dim3A_1593 = vector.broadcast %broadcast_in_dim3A_1592 : i32 to vector<16xi32>
      %broadcast_in_dim3A_1594 = arith.constant 0 : i32
      %broadcast_in_dim3A_1595 = vector.broadcast %broadcast_in_dim3A_1594 : i32 to vector<16xi32>
      %broadcast_in_dim3A_1596 = arith.constant 0 : i32
      %broadcast_in_dim3A_1597 = vector.broadcast %broadcast_in_dim3A_1596 : i32 to vector<16xi32>
      %broadcast_in_dim3A_1598 = arith.constant 0 : i32
      %broadcast_in_dim3A_1599 = vector.broadcast %broadcast_in_dim3A_1598 : i32 to vector<16xi32>
      %while3A_1600:18 = scf.while (%while3A_2421 = %add3A_1559, %while3A_2422 = %squeeze3A_1567, %while3A_2423 = %broadcast_in_dim3A_1569, %while3A_2424 = %broadcast_in_dim3A_1571, %while3A_2425 = %broadcast_in_dim3A_1573, %while3A_2426 = %broadcast_in_dim3A_1575, %while3A_2427 = %broadcast_in_dim3A_1577, %while3A_2428 = %broadcast_in_dim3A_1579, %while3A_2429 = %broadcast_in_dim3A_1581, %while3A_2430 = %broadcast_in_dim3A_1583, %while3A_2431 = %broadcast_in_dim3A_1585, %while3A_2432 = %broadcast_in_dim3A_1587, %while3A_2433 = %broadcast_in_dim3A_1589, %while3A_2434 = %broadcast_in_dim3A_1591, %while3A_2435 = %broadcast_in_dim3A_1593, %while3A_2436 = %broadcast_in_dim3A_1595, %while3A_2437 = %broadcast_in_dim3A_1597, %while3A_2438 = %broadcast_in_dim3A_1599) : (i32, i32, vector<16xi32>, vector<16xi32>, vector<16xi32>, vector<16xi32>, vector<16xi32>, vector<16xi32>, vector<16xi32>, vector<16xi32>, vector<16xi32>, vector<16xi32>, vector<16xi32>, vector<16xi32>, vector<16xi32>, vector<16xi32>, vector<16xi32>, vector<16xi32>) -> (i32, i32, vector<16xi32>, vector<16xi32>, vector<16xi32>, vector<16xi32>, vector<16xi32>, vector<16xi32>, vector<16xi32>, vector<16xi32>, vector<16xi32>, vector<16xi32>, vector<16xi32>, vector<16xi32>, vector<16xi32>, vector<16xi32>, vector<16xi32>, vector<16xi32>) {
        %lt3A = arith.constant 4096 : i32
        %lt3A_2439 = arith.cmpi slt, %while3A_2421, %lt3A : i32
        %le3A_2440 = arith.cmpi sle, %while3A_2422, %sub3A_1557 : i32
        %and3A = arith.andi %lt3A_2439, %le3A_2440 : i1
        scf.condition(%and3A) %while3A_2421, %while3A_2422, %while3A_2423, %while3A_2424, %while3A_2425, %while3A_2426, %while3A_2427, %while3A_2428, %while3A_2429, %while3A_2430, %while3A_2431, %while3A_2432, %while3A_2433, %while3A_2434, %while3A_2435, %while3A_2436, %while3A_2437, %while3A_2438 : i32, i32, vector<16xi32>, vector<16xi32>, vector<16xi32>, vector<16xi32>, vector<16xi32>, vector<16xi32>, vector<16xi32>, vector<16xi32>, vector<16xi32>, vector<16xi32>, vector<16xi32>, vector<16xi32>, vector<16xi32>, vector<16xi32>, vector<16xi32>, vector<16xi32>
      } do {
      ^bb0(%while3A_2421: i32, %while3A_2422: i32, %while3A_2423: vector<16xi32>, %while3A_2424: vector<16xi32>, %while3A_2425: vector<16xi32>, %while3A_2426: vector<16xi32>, %while3A_2427: vector<16xi32>, %while3A_2428: vector<16xi32>, %while3A_2429: vector<16xi32>, %while3A_2430: vector<16xi32>, %while3A_2431: vector<16xi32>, %while3A_2432: vector<16xi32>, %while3A_2433: vector<16xi32>, %while3A_2434: vector<16xi32>, %while3A_2435: vector<16xi32>, %while3A_2436: vector<16xi32>, %while3A_2437: vector<16xi32>, %while3A_2438: vector<16xi32>):
        %broadcast_in_dim3A_2439 = vector.broadcast %while3A_2422 : i32 to vector<16xi32>
        %add3A_2440 = arith.constant 0 : i32
        %add3A_2441 = arith.addi %add3A_1409, %add3A_2440 : i32
        %add3A_2442 = vector.broadcast %add3A_2441 : i32 to vector<16xi32>
        %add3A_2443 = arith.addi %add3A_2442, %iota3A : vector<16xi32>
        %le3A_2444 = arith.cmpi sle, %broadcast_in_dim3A_2439, %add3A_2443 : vector<16xi32>
        %jit3A = arith.constant 1 : i32
        %jit3A_2445 = arith.constant 0 : i32
        %broadcast_in_dim3A_2446 = vector.broadcast %jit3A : i32 to vector<16xi32>
        %broadcast_in_dim3A_2447 = vector.broadcast %jit3A_2445 : i32 to vector<16xi32>
        %select_n3A_2448 = arith.select %le3A_2444, %broadcast_in_dim3A_2446, %broadcast_in_dim3A_2447 : vector<16xi1>, vector<16xi32>
        %add3A_2449 = arith.addi %while3A_2423, %select_n3A_2448 : vector<16xi32>
        %add3A_2450 = arith.constant 16 : i32
        %add3A_2451 = arith.addi %add3A_1409, %add3A_2450 : i32
        %add3A_2452 = vector.broadcast %add3A_2451 : i32 to vector<16xi32>
        %add3A_2453 = arith.addi %add3A_2452, %iota3A : vector<16xi32>
        %le3A_2454 = arith.cmpi sle, %broadcast_in_dim3A_2439, %add3A_2453 : vector<16xi32>
        %jit3A_2455 = arith.constant 1 : i32
        %jit3A_2456 = arith.constant 0 : i32
        %broadcast_in_dim3A_2457 = vector.broadcast %jit3A_2455 : i32 to vector<16xi32>
        %broadcast_in_dim3A_2458 = vector.broadcast %jit3A_2456 : i32 to vector<16xi32>
        %select_n3A_2459 = arith.select %le3A_2454, %broadcast_in_dim3A_2457, %broadcast_in_dim3A_2458 : vector<16xi1>, vector<16xi32>
        %add3A_2460 = arith.addi %while3A_2424, %select_n3A_2459 : vector<16xi32>
        %add3A_2461 = arith.constant 32 : i32
        %add3A_2462 = arith.addi %add3A_1409, %add3A_2461 : i32
        %add3A_2463 = vector.broadcast %add3A_2462 : i32 to vector<16xi32>
        %add3A_2464 = arith.addi %add3A_2463, %iota3A : vector<16xi32>
        %le3A_2465 = arith.cmpi sle, %broadcast_in_dim3A_2439, %add3A_2464 : vector<16xi32>
        %jit3A_2466 = arith.constant 1 : i32
        %jit3A_2467 = arith.constant 0 : i32
        %broadcast_in_dim3A_2468 = vector.broadcast %jit3A_2466 : i32 to vector<16xi32>
        %broadcast_in_dim3A_2469 = vector.broadcast %jit3A_2467 : i32 to vector<16xi32>
        %select_n3A_2470 = arith.select %le3A_2465, %broadcast_in_dim3A_2468, %broadcast_in_dim3A_2469 : vector<16xi1>, vector<16xi32>
        %add3A_2471 = arith.addi %while3A_2425, %select_n3A_2470 : vector<16xi32>
        %add3A_2472 = arith.constant 48 : i32
        %add3A_2473 = arith.addi %add3A_1409, %add3A_2472 : i32
        %add3A_2474 = vector.broadcast %add3A_2473 : i32 to vector<16xi32>
        %add3A_2475 = arith.addi %add3A_2474, %iota3A : vector<16xi32>
        %le3A_2476 = arith.cmpi sle, %broadcast_in_dim3A_2439, %add3A_2475 : vector<16xi32>
        %jit3A_2477 = arith.constant 1 : i32
        %jit3A_2478 = arith.constant 0 : i32
        %broadcast_in_dim3A_2479 = vector.broadcast %jit3A_2477 : i32 to vector<16xi32>
        %broadcast_in_dim3A_2480 = vector.broadcast %jit3A_2478 : i32 to vector<16xi32>
        %select_n3A_2481 = arith.select %le3A_2476, %broadcast_in_dim3A_2479, %broadcast_in_dim3A_2480 : vector<16xi1>, vector<16xi32>
        %add3A_2482 = arith.addi %while3A_2426, %select_n3A_2481 : vector<16xi32>
        %add3A_2483 = arith.constant 64 : i32
        %add3A_2484 = arith.addi %add3A_1409, %add3A_2483 : i32
        %add3A_2485 = vector.broadcast %add3A_2484 : i32 to vector<16xi32>
        %add3A_2486 = arith.addi %add3A_2485, %iota3A : vector<16xi32>
        %le3A_2487 = arith.cmpi sle, %broadcast_in_dim3A_2439, %add3A_2486 : vector<16xi32>
        %jit3A_2488 = arith.constant 1 : i32
        %jit3A_2489 = arith.constant 0 : i32
        %broadcast_in_dim3A_2490 = vector.broadcast %jit3A_2488 : i32 to vector<16xi32>
        %broadcast_in_dim3A_2491 = vector.broadcast %jit3A_2489 : i32 to vector<16xi32>
        %select_n3A_2492 = arith.select %le3A_2487, %broadcast_in_dim3A_2490, %broadcast_in_dim3A_2491 : vector<16xi1>, vector<16xi32>
        %add3A_2493 = arith.addi %while3A_2427, %select_n3A_2492 : vector<16xi32>
        %add3A_2494 = arith.constant 80 : i32
        %add3A_2495 = arith.addi %add3A_1409, %add3A_2494 : i32
        %add3A_2496 = vector.broadcast %add3A_2495 : i32 to vector<16xi32>
        %add3A_2497 = arith.addi %add3A_2496, %iota3A : vector<16xi32>
        %le3A_2498 = arith.cmpi sle, %broadcast_in_dim3A_2439, %add3A_2497 : vector<16xi32>
        %jit3A_2499 = arith.constant 1 : i32
        %jit3A_2500 = arith.constant 0 : i32
        %broadcast_in_dim3A_2501 = vector.broadcast %jit3A_2499 : i32 to vector<16xi32>
        %broadcast_in_dim3A_2502 = vector.broadcast %jit3A_2500 : i32 to vector<16xi32>
        %select_n3A_2503 = arith.select %le3A_2498, %broadcast_in_dim3A_2501, %broadcast_in_dim3A_2502 : vector<16xi1>, vector<16xi32>
        %add3A_2504 = arith.addi %while3A_2428, %select_n3A_2503 : vector<16xi32>
        %add3A_2505 = arith.constant 96 : i32
        %add3A_2506 = arith.addi %add3A_1409, %add3A_2505 : i32
        %add3A_2507 = vector.broadcast %add3A_2506 : i32 to vector<16xi32>
        %add3A_2508 = arith.addi %add3A_2507, %iota3A : vector<16xi32>
        %le3A_2509 = arith.cmpi sle, %broadcast_in_dim3A_2439, %add3A_2508 : vector<16xi32>
        %jit3A_2510 = arith.constant 1 : i32
        %jit3A_2511 = arith.constant 0 : i32
        %broadcast_in_dim3A_2512 = vector.broadcast %jit3A_2510 : i32 to vector<16xi32>
        %broadcast_in_dim3A_2513 = vector.broadcast %jit3A_2511 : i32 to vector<16xi32>
        %select_n3A_2514 = arith.select %le3A_2509, %broadcast_in_dim3A_2512, %broadcast_in_dim3A_2513 : vector<16xi1>, vector<16xi32>
        %add3A_2515 = arith.addi %while3A_2429, %select_n3A_2514 : vector<16xi32>
        %add3A_2516 = arith.constant 112 : i32
        %add3A_2517 = arith.addi %add3A_1409, %add3A_2516 : i32
        %add3A_2518 = vector.broadcast %add3A_2517 : i32 to vector<16xi32>
        %add3A_2519 = arith.addi %add3A_2518, %iota3A : vector<16xi32>
        %le3A_2520 = arith.cmpi sle, %broadcast_in_dim3A_2439, %add3A_2519 : vector<16xi32>
        %jit3A_2521 = arith.constant 1 : i32
        %jit3A_2522 = arith.constant 0 : i32
        %broadcast_in_dim3A_2523 = vector.broadcast %jit3A_2521 : i32 to vector<16xi32>
        %broadcast_in_dim3A_2524 = vector.broadcast %jit3A_2522 : i32 to vector<16xi32>
        %select_n3A_2525 = arith.select %le3A_2520, %broadcast_in_dim3A_2523, %broadcast_in_dim3A_2524 : vector<16xi1>, vector<16xi32>
        %add3A_2526 = arith.addi %while3A_2430, %select_n3A_2525 : vector<16xi32>
        %add3A_2527 = arith.constant 128 : i32
        %add3A_2528 = arith.addi %add3A_1409, %add3A_2527 : i32
        %add3A_2529 = vector.broadcast %add3A_2528 : i32 to vector<16xi32>
        %add3A_2530 = arith.addi %add3A_2529, %iota3A : vector<16xi32>
        %le3A_2531 = arith.cmpi sle, %broadcast_in_dim3A_2439, %add3A_2530 : vector<16xi32>
        %jit3A_2532 = arith.constant 1 : i32
        %jit3A_2533 = arith.constant 0 : i32
        %broadcast_in_dim3A_2534 = vector.broadcast %jit3A_2532 : i32 to vector<16xi32>
        %broadcast_in_dim3A_2535 = vector.broadcast %jit3A_2533 : i32 to vector<16xi32>
        %select_n3A_2536 = arith.select %le3A_2531, %broadcast_in_dim3A_2534, %broadcast_in_dim3A_2535 : vector<16xi1>, vector<16xi32>
        %add3A_2537 = arith.addi %while3A_2431, %select_n3A_2536 : vector<16xi32>
        %add3A_2538 = arith.constant 144 : i32
        %add3A_2539 = arith.addi %add3A_1409, %add3A_2538 : i32
        %add3A_2540 = vector.broadcast %add3A_2539 : i32 to vector<16xi32>
        %add3A_2541 = arith.addi %add3A_2540, %iota3A : vector<16xi32>
        %le3A_2542 = arith.cmpi sle, %broadcast_in_dim3A_2439, %add3A_2541 : vector<16xi32>
        %jit3A_2543 = arith.constant 1 : i32
        %jit3A_2544 = arith.constant 0 : i32
        %broadcast_in_dim3A_2545 = vector.broadcast %jit3A_2543 : i32 to vector<16xi32>
        %broadcast_in_dim3A_2546 = vector.broadcast %jit3A_2544 : i32 to vector<16xi32>
        %select_n3A_2547 = arith.select %le3A_2542, %broadcast_in_dim3A_2545, %broadcast_in_dim3A_2546 : vector<16xi1>, vector<16xi32>
        %add3A_2548 = arith.addi %while3A_2432, %select_n3A_2547 : vector<16xi32>
        %add3A_2549 = arith.constant 160 : i32
        %add3A_2550 = arith.addi %add3A_1409, %add3A_2549 : i32
        %add3A_2551 = vector.broadcast %add3A_2550 : i32 to vector<16xi32>
        %add3A_2552 = arith.addi %add3A_2551, %iota3A : vector<16xi32>
        %le3A_2553 = arith.cmpi sle, %broadcast_in_dim3A_2439, %add3A_2552 : vector<16xi32>
        %jit3A_2554 = arith.constant 1 : i32
        %jit3A_2555 = arith.constant 0 : i32
        %broadcast_in_dim3A_2556 = vector.broadcast %jit3A_2554 : i32 to vector<16xi32>
        %broadcast_in_dim3A_2557 = vector.broadcast %jit3A_2555 : i32 to vector<16xi32>
        %select_n3A_2558 = arith.select %le3A_2553, %broadcast_in_dim3A_2556, %broadcast_in_dim3A_2557 : vector<16xi1>, vector<16xi32>
        %add3A_2559 = arith.addi %while3A_2433, %select_n3A_2558 : vector<16xi32>
        %add3A_2560 = arith.constant 176 : i32
        %add3A_2561 = arith.addi %add3A_1409, %add3A_2560 : i32
        %add3A_2562 = vector.broadcast %add3A_2561 : i32 to vector<16xi32>
        %add3A_2563 = arith.addi %add3A_2562, %iota3A : vector<16xi32>
        %le3A_2564 = arith.cmpi sle, %broadcast_in_dim3A_2439, %add3A_2563 : vector<16xi32>
        %jit3A_2565 = arith.constant 1 : i32
        %jit3A_2566 = arith.constant 0 : i32
        %broadcast_in_dim3A_2567 = vector.broadcast %jit3A_2565 : i32 to vector<16xi32>
        %broadcast_in_dim3A_2568 = vector.broadcast %jit3A_2566 : i32 to vector<16xi32>
        %select_n3A_2569 = arith.select %le3A_2564, %broadcast_in_dim3A_2567, %broadcast_in_dim3A_2568 : vector<16xi1>, vector<16xi32>
        %add3A_2570 = arith.addi %while3A_2434, %select_n3A_2569 : vector<16xi32>
        %add3A_2571 = arith.constant 192 : i32
        %add3A_2572 = arith.addi %add3A_1409, %add3A_2571 : i32
        %add3A_2573 = vector.broadcast %add3A_2572 : i32 to vector<16xi32>
        %add3A_2574 = arith.addi %add3A_2573, %iota3A : vector<16xi32>
        %le3A_2575 = arith.cmpi sle, %broadcast_in_dim3A_2439, %add3A_2574 : vector<16xi32>
        %jit3A_2576 = arith.constant 1 : i32
        %jit3A_2577 = arith.constant 0 : i32
        %broadcast_in_dim3A_2578 = vector.broadcast %jit3A_2576 : i32 to vector<16xi32>
        %broadcast_in_dim3A_2579 = vector.broadcast %jit3A_2577 : i32 to vector<16xi32>
        %select_n3A_2580 = arith.select %le3A_2575, %broadcast_in_dim3A_2578, %broadcast_in_dim3A_2579 : vector<16xi1>, vector<16xi32>
        %add3A_2581 = arith.addi %while3A_2435, %select_n3A_2580 : vector<16xi32>
        %add3A_2582 = arith.constant 208 : i32
        %add3A_2583 = arith.addi %add3A_1409, %add3A_2582 : i32
        %add3A_2584 = vector.broadcast %add3A_2583 : i32 to vector<16xi32>
        %add3A_2585 = arith.addi %add3A_2584, %iota3A : vector<16xi32>
        %le3A_2586 = arith.cmpi sle, %broadcast_in_dim3A_2439, %add3A_2585 : vector<16xi32>
        %jit3A_2587 = arith.constant 1 : i32
        %jit3A_2588 = arith.constant 0 : i32
        %broadcast_in_dim3A_2589 = vector.broadcast %jit3A_2587 : i32 to vector<16xi32>
        %broadcast_in_dim3A_2590 = vector.broadcast %jit3A_2588 : i32 to vector<16xi32>
        %select_n3A_2591 = arith.select %le3A_2586, %broadcast_in_dim3A_2589, %broadcast_in_dim3A_2590 : vector<16xi1>, vector<16xi32>
        %add3A_2592 = arith.addi %while3A_2436, %select_n3A_2591 : vector<16xi32>
        %add3A_2593 = arith.constant 224 : i32
        %add3A_2594 = arith.addi %add3A_1409, %add3A_2593 : i32
        %add3A_2595 = vector.broadcast %add3A_2594 : i32 to vector<16xi32>
        %add3A_2596 = arith.addi %add3A_2595, %iota3A : vector<16xi32>
        %le3A_2597 = arith.cmpi sle, %broadcast_in_dim3A_2439, %add3A_2596 : vector<16xi32>
        %jit3A_2598 = arith.constant 1 : i32
        %jit3A_2599 = arith.constant 0 : i32
        %broadcast_in_dim3A_2600 = vector.broadcast %jit3A_2598 : i32 to vector<16xi32>
        %broadcast_in_dim3A_2601 = vector.broadcast %jit3A_2599 : i32 to vector<16xi32>
        %select_n3A_2602 = arith.select %le3A_2597, %broadcast_in_dim3A_2600, %broadcast_in_dim3A_2601 : vector<16xi1>, vector<16xi32>
        %add3A_2603 = arith.addi %while3A_2437, %select_n3A_2602 : vector<16xi32>
        %add3A_2604 = arith.constant 240 : i32
        %add3A_2605 = arith.addi %add3A_1409, %add3A_2604 : i32
        %add3A_2606 = vector.broadcast %add3A_2605 : i32 to vector<16xi32>
        %add3A_2607 = arith.addi %add3A_2606, %iota3A : vector<16xi32>
        %le3A_2608 = arith.cmpi sle, %broadcast_in_dim3A_2439, %add3A_2607 : vector<16xi32>
        %jit3A_2609 = arith.constant 1 : i32
        %jit3A_2610 = arith.constant 0 : i32
        %broadcast_in_dim3A_2611 = vector.broadcast %jit3A_2609 : i32 to vector<16xi32>
        %broadcast_in_dim3A_2612 = vector.broadcast %jit3A_2610 : i32 to vector<16xi32>
        %select_n3A_2613 = arith.select %le3A_2608, %broadcast_in_dim3A_2611, %broadcast_in_dim3A_2612 : vector<16xi1>, vector<16xi32>
        %add3A_2614 = arith.addi %while3A_2438, %select_n3A_2613 : vector<16xi32>
        %add3A_2615 = arith.constant 1 : i32
        %add3A_2616 = arith.addi %while3A_2421, %add3A_2615 : i32
        %add3A_2617 = arith.constant 1 : i32
        %add3A_2618 = arith.addi %while3A_2421, %add3A_2617 : i32
        %min3A_2619 = arith.constant 4095 : i32
        %min3A_2620 = arith.minsi %add3A_2618, %min3A_2619 : i32
        %broadcast_in_dim3A_2621 = vector.broadcast %min3A_2620 : i32 to vector<16xi32>
        %gather3A_2622 = tpu.vector_load_idx %arg6[%broadcast_in_dim3A_2621] : memref<4096xi32, #tpu.memory_space<vmem>>[vector<16xi32>], vector<16xi32>,
        %slice3A_2623 = vector.extract_strided_slice %gather3A_2622 {offsets = [0], sizes = [1], strides = [1]} : vector<16xi32> to vector<1xi32>
        %squeeze3A_2624 = vector.extract %slice3A_2623[0] : i32 from vector<1xi32>
        scf.yield %add3A_2616, %squeeze3A_2624, %add3A_2449, %add3A_2460, %add3A_2471, %add3A_2482, %add3A_2493, %add3A_2504, %add3A_2515, %add3A_2526, %add3A_2537, %add3A_2548, %add3A_2559, %add3A_2570, %add3A_2581, %add3A_2592, %add3A_2603, %add3A_2614 : i32, i32, vector<16xi32>, vector<16xi32>, vector<16xi32>, vector<16xi32>, vector<16xi32>, vector<16xi32>, vector<16xi32>, vector<16xi32>, vector<16xi32>, vector<16xi32>, vector<16xi32>, vector<16xi32>, vector<16xi32>, vector<16xi32>, vector<16xi32>, vector<16xi32>
      }
      %add3A_1601 = vector.broadcast %max3A_1553 : i32 to vector<16xi32>
      %add3A_1602 = arith.addi %add3A_1601, %while3A_1600#2 : vector<16xi32>
      %min3A_1603 = arith.constant 4095 : i32
      %min3A_1604 = vector.broadcast %min3A_1603 : i32 to vector<16xi32>
      %min3A_1605 = arith.minsi %add3A_1602, %min3A_1604 : vector<16xi32>
      %swap3A_1606 = arith.constant 0 : index
      %swap3A_1607 = tpu.vector_load %arg12[%swap3A_1606] {strides = array<i32>} : memref<128xi32, #tpu.memory_space<vmem>>, vector<16xi32>,
      tpu.vector_store %arg12[%swap3A_1606], %min3A_1605 {strides = array<i32>} : memref<128xi32, #tpu.memory_space<vmem>>, vector<16xi32>,
      %add3A_1608 = vector.broadcast %max3A_1553 : i32 to vector<16xi32>
      %add3A_1609 = arith.addi %add3A_1608, %while3A_1600#3 : vector<16xi32>
      %min3A_1610 = arith.constant 4095 : i32
      %min3A_1611 = vector.broadcast %min3A_1610 : i32 to vector<16xi32>
      %min3A_1612 = arith.minsi %add3A_1609, %min3A_1611 : vector<16xi32>
      %swap3A_1613 = arith.constant 16 : index
      %swap3A_1614 = tpu.vector_load %arg12[%swap3A_1613] {strides = array<i32>} : memref<128xi32, #tpu.memory_space<vmem>>, vector<16xi32>,
      tpu.vector_store %arg12[%swap3A_1613], %min3A_1612 {strides = array<i32>} : memref<128xi32, #tpu.memory_space<vmem>>, vector<16xi32>,
      %add3A_1615 = vector.broadcast %max3A_1553 : i32 to vector<16xi32>
      %add3A_1616 = arith.addi %add3A_1615, %while3A_1600#4 : vector<16xi32>
      %min3A_1617 = arith.constant 4095 : i32
      %min3A_1618 = vector.broadcast %min3A_1617 : i32 to vector<16xi32>
      %min3A_1619 = arith.minsi %add3A_1616, %min3A_1618 : vector<16xi32>
      %swap3A_1620 = arith.constant 32 : index
      %swap3A_1621 = tpu.vector_load %arg12[%swap3A_1620] {strides = array<i32>} : memref<128xi32, #tpu.memory_space<vmem>>, vector<16xi32>,
      tpu.vector_store %arg12[%swap3A_1620], %min3A_1619 {strides = array<i32>} : memref<128xi32, #tpu.memory_space<vmem>>, vector<16xi32>,
      %add3A_1622 = vector.broadcast %max3A_1553 : i32 to vector<16xi32>
      %add3A_1623 = arith.addi %add3A_1622, %while3A_1600#5 : vector<16xi32>
      %min3A_1624 = arith.constant 4095 : i32
      %min3A_1625 = vector.broadcast %min3A_1624 : i32 to vector<16xi32>
      %min3A_1626 = arith.minsi %add3A_1623, %min3A_1625 : vector<16xi32>
      %swap3A_1627 = arith.constant 48 : index
      %swap3A_1628 = tpu.vector_load %arg12[%swap3A_1627] {strides = array<i32>} : memref<128xi32, #tpu.memory_space<vmem>>, vector<16xi32>,
      tpu.vector_store %arg12[%swap3A_1627], %min3A_1626 {strides = array<i32>} : memref<128xi32, #tpu.memory_space<vmem>>, vector<16xi32>,
      %add3A_1629 = vector.broadcast %max3A_1553 : i32 to vector<16xi32>
      %add3A_1630 = arith.addi %add3A_1629, %while3A_1600#6 : vector<16xi32>
      %min3A_1631 = arith.constant 4095 : i32
      %min3A_1632 = vector.broadcast %min3A_1631 : i32 to vector<16xi32>
      %min3A_1633 = arith.minsi %add3A_1630, %min3A_1632 : vector<16xi32>
      %swap3A_1634 = arith.constant 64 : index
      %swap3A_1635 = tpu.vector_load %arg12[%swap3A_1634] {strides = array<i32>} : memref<128xi32, #tpu.memory_space<vmem>>, vector<16xi32>,
      tpu.vector_store %arg12[%swap3A_1634], %min3A_1633 {strides = array<i32>} : memref<128xi32, #tpu.memory_space<vmem>>, vector<16xi32>,
      %add3A_1636 = vector.broadcast %max3A_1553 : i32 to vector<16xi32>
      %add3A_1637 = arith.addi %add3A_1636, %while3A_1600#7 : vector<16xi32>
      %min3A_1638 = arith.constant 4095 : i32
      %min3A_1639 = vector.broadcast %min3A_1638 : i32 to vector<16xi32>
      %min3A_1640 = arith.minsi %add3A_1637, %min3A_1639 : vector<16xi32>
      %swap3A_1641 = arith.constant 80 : index
      %swap3A_1642 = tpu.vector_load %arg12[%swap3A_1641] {strides = array<i32>} : memref<128xi32, #tpu.memory_space<vmem>>, vector<16xi32>,
      tpu.vector_store %arg12[%swap3A_1641], %min3A_1640 {strides = array<i32>} : memref<128xi32, #tpu.memory_space<vmem>>, vector<16xi32>,
      %add3A_1643 = vector.broadcast %max3A_1553 : i32 to vector<16xi32>
      %add3A_1644 = arith.addi %add3A_1643, %while3A_1600#8 : vector<16xi32>
      %min3A_1645 = arith.constant 4095 : i32
      %min3A_1646 = vector.broadcast %min3A_1645 : i32 to vector<16xi32>
      %min3A_1647 = arith.minsi %add3A_1644, %min3A_1646 : vector<16xi32>
      %swap3A_1648 = arith.constant 96 : index
      %swap3A_1649 = tpu.vector_load %arg12[%swap3A_1648] {strides = array<i32>} : memref<128xi32, #tpu.memory_space<vmem>>, vector<16xi32>,
      tpu.vector_store %arg12[%swap3A_1648], %min3A_1647 {strides = array<i32>} : memref<128xi32, #tpu.memory_space<vmem>>, vector<16xi32>,
      %add3A_1650 = vector.broadcast %max3A_1553 : i32 to vector<16xi32>
      %add3A_1651 = arith.addi %add3A_1650, %while3A_1600#9 : vector<16xi32>
      %min3A_1652 = arith.constant 4095 : i32
      %min3A_1653 = vector.broadcast %min3A_1652 : i32 to vector<16xi32>
      %min3A_1654 = arith.minsi %add3A_1651, %min3A_1653 : vector<16xi32>
      %swap3A_1655 = arith.constant 112 : index
      %swap3A_1656 = tpu.vector_load %arg12[%swap3A_1655] {strides = array<i32>} : memref<128xi32, #tpu.memory_space<vmem>>, vector<16xi32>,
      tpu.vector_store %arg12[%swap3A_1655], %min3A_1654 {strides = array<i32>} : memref<128xi32, #tpu.memory_space<vmem>>, vector<16xi32>,
      %add3A_1657 = vector.broadcast %max3A_1553 : i32 to vector<16xi32>
      %add3A_1658 = arith.addi %add3A_1657, %while3A_1600#10 : vector<16xi32>
      %min3A_1659 = arith.constant 4095 : i32
      %min3A_1660 = vector.broadcast %min3A_1659 : i32 to vector<16xi32>
      %min3A_1661 = arith.minsi %add3A_1658, %min3A_1660 : vector<16xi32>
      %swap3A_1662 = arith.constant 0 : index
      %swap3A_1663 = tpu.vector_load %arg13[%swap3A_1662] {strides = array<i32>} : memref<128xi32, #tpu.memory_space<vmem>>, vector<16xi32>,
      tpu.vector_store %arg13[%swap3A_1662], %min3A_1661 {strides = array<i32>} : memref<128xi32, #tpu.memory_space<vmem>>, vector<16xi32>,
      %add3A_1664 = vector.broadcast %max3A_1553 : i32 to vector<16xi32>
      %add3A_1665 = arith.addi %add3A_1664, %while3A_1600#11 : vector<16xi32>
      %min3A_1666 = arith.constant 4095 : i32
      %min3A_1667 = vector.broadcast %min3A_1666 : i32 to vector<16xi32>
      %min3A_1668 = arith.minsi %add3A_1665, %min3A_1667 : vector<16xi32>
      %swap3A_1669 = arith.constant 16 : index
      %swap3A_1670 = tpu.vector_load %arg13[%swap3A_1669] {strides = array<i32>} : memref<128xi32, #tpu.memory_space<vmem>>, vector<16xi32>,
      tpu.vector_store %arg13[%swap3A_1669], %min3A_1668 {strides = array<i32>} : memref<128xi32, #tpu.memory_space<vmem>>, vector<16xi32>,
      %add3A_1671 = vector.broadcast %max3A_1553 : i32 to vector<16xi32>
      %add3A_1672 = arith.addi %add3A_1671, %while3A_1600#12 : vector<16xi32>
      %min3A_1673 = arith.constant 4095 : i32
      %min3A_1674 = vector.broadcast %min3A_1673 : i32 to vector<16xi32>
      %min3A_1675 = arith.minsi %add3A_1672, %min3A_1674 : vector<16xi32>
      %swap3A_1676 = arith.constant 32 : index
      %swap3A_1677 = tpu.vector_load %arg13[%swap3A_1676] {strides = array<i32>} : memref<128xi32, #tpu.memory_space<vmem>>, vector<16xi32>,
      tpu.vector_store %arg13[%swap3A_1676], %min3A_1675 {strides = array<i32>} : memref<128xi32, #tpu.memory_space<vmem>>, vector<16xi32>,
      %add3A_1678 = vector.broadcast %max3A_1553 : i32 to vector<16xi32>
      %add3A_1679 = arith.addi %add3A_1678, %while3A_1600#13 : vector<16xi32>
      %min3A_1680 = arith.constant 4095 : i32
      %min3A_1681 = vector.broadcast %min3A_1680 : i32 to vector<16xi32>
      %min3A_1682 = arith.minsi %add3A_1679, %min3A_1681 : vector<16xi32>
      %swap3A_1683 = arith.constant 48 : index
      %swap3A_1684 = tpu.vector_load %arg13[%swap3A_1683] {strides = array<i32>} : memref<128xi32, #tpu.memory_space<vmem>>, vector<16xi32>,
      tpu.vector_store %arg13[%swap3A_1683], %min3A_1682 {strides = array<i32>} : memref<128xi32, #tpu.memory_space<vmem>>, vector<16xi32>,
      %add3A_1685 = vector.broadcast %max3A_1553 : i32 to vector<16xi32>
      %add3A_1686 = arith.addi %add3A_1685, %while3A_1600#14 : vector<16xi32>
      %min3A_1687 = arith.constant 4095 : i32
      %min3A_1688 = vector.broadcast %min3A_1687 : i32 to vector<16xi32>
      %min3A_1689 = arith.minsi %add3A_1686, %min3A_1688 : vector<16xi32>
      %swap3A_1690 = arith.constant 64 : index
      %swap3A_1691 = tpu.vector_load %arg13[%swap3A_1690] {strides = array<i32>} : memref<128xi32, #tpu.memory_space<vmem>>, vector<16xi32>,
      tpu.vector_store %arg13[%swap3A_1690], %min3A_1689 {strides = array<i32>} : memref<128xi32, #tpu.memory_space<vmem>>, vector<16xi32>,
      %add3A_1692 = vector.broadcast %max3A_1553 : i32 to vector<16xi32>
      %add3A_1693 = arith.addi %add3A_1692, %while3A_1600#15 : vector<16xi32>
      %min3A_1694 = arith.constant 4095 : i32
      %min3A_1695 = vector.broadcast %min3A_1694 : i32 to vector<16xi32>
      %min3A_1696 = arith.minsi %add3A_1693, %min3A_1695 : vector<16xi32>
      %swap3A_1697 = arith.constant 80 : index
      %swap3A_1698 = tpu.vector_load %arg13[%swap3A_1697] {strides = array<i32>} : memref<128xi32, #tpu.memory_space<vmem>>, vector<16xi32>,
      tpu.vector_store %arg13[%swap3A_1697], %min3A_1696 {strides = array<i32>} : memref<128xi32, #tpu.memory_space<vmem>>, vector<16xi32>,
      %add3A_1699 = vector.broadcast %max3A_1553 : i32 to vector<16xi32>
      %add3A_1700 = arith.addi %add3A_1699, %while3A_1600#16 : vector<16xi32>
      %min3A_1701 = arith.constant 4095 : i32
      %min3A_1702 = vector.broadcast %min3A_1701 : i32 to vector<16xi32>
      %min3A_1703 = arith.minsi %add3A_1700, %min3A_1702 : vector<16xi32>
      %swap3A_1704 = arith.constant 96 : index
      %swap3A_1705 = tpu.vector_load %arg13[%swap3A_1704] {strides = array<i32>} : memref<128xi32, #tpu.memory_space<vmem>>, vector<16xi32>,
      tpu.vector_store %arg13[%swap3A_1704], %min3A_1703 {strides = array<i32>} : memref<128xi32, #tpu.memory_space<vmem>>, vector<16xi32>,
      %add3A_1706 = vector.broadcast %max3A_1553 : i32 to vector<16xi32>
      %add3A_1707 = arith.addi %add3A_1706, %while3A_1600#17 : vector<16xi32>
      %min3A_1708 = arith.constant 4095 : i32
      %min3A_1709 = vector.broadcast %min3A_1708 : i32 to vector<16xi32>
      %min3A_1710 = arith.minsi %add3A_1707, %min3A_1709 : vector<16xi32>
      %swap3A_1711 = arith.constant 112 : index
      %swap3A_1712 = tpu.vector_load %arg13[%swap3A_1711] {strides = array<i32>} : memref<128xi32, #tpu.memory_space<vmem>>, vector<16xi32>,
      tpu.vector_store %arg13[%swap3A_1711], %min3A_1710 {strides = array<i32>} : memref<128xi32, #tpu.memory_space<vmem>>, vector<16xi32>,
      %dma_start3A_1713 = arith.constant 0 : i32
      %dma_start3A_1714 = arith.constant 0 : i32
      %dma_start3A_1715 = tpu.memref_slice %arg16[%dma_start3A_1713, %dma_start3A_1714] : memref<256x64xf32, #tpu.memory_space<vmem>> -> memref<128x64xf32, #tpu.memory_space<vmem>>
      %dma_start3A_1716 = arith.constant 0 : i32
      %dma_start3A_1717 = arith.constant 0 : i32
      %dma_start3A_1718 = tpu.memref_slice %arg17[%dma_start3A_1716, %dma_start3A_1717] : memref<4096x64xf32, #tpu.memory_space<vmem_shared>> -> memref<4096x64xf32, #tpu.memory_space<vmem_shared>>
      tpu.enqueue_indirect_dma source(%dma_start3A_1715 : memref<128x64xf32, #tpu.memory_space<vmem>>) target(%dma_start3A_1718 : memref<4096x64xf32, #tpu.memory_space<vmem_shared>>) offsets(%arg12 : memref<128xi32, #tpu.memory_space<vmem>>) semaphore(%arg23 : memref<!tpu.dma_semaphore, #tpu.memory_space<semaphore_mem>>) {add = true}
      %dma_start3A_1719 = arith.constant 128 : i32
      %dma_start3A_1720 = arith.constant 0 : i32
      %dma_start3A_1721 = tpu.memref_slice %arg16[%dma_start3A_1719, %dma_start3A_1720] : memref<256x64xf32, #tpu.memory_space<vmem>> -> memref<128x64xf32, #tpu.memory_space<vmem>>
      %dma_start3A_1722 = arith.constant 0 : i32
      %dma_start3A_1723 = arith.constant 0 : i32
      %dma_start3A_1724 = tpu.memref_slice %arg17[%dma_start3A_1722, %dma_start3A_1723] : memref<4096x64xf32, #tpu.memory_space<vmem_shared>> -> memref<4096x64xf32, #tpu.memory_space<vmem_shared>>
      tpu.enqueue_indirect_dma source(%dma_start3A_1721 : memref<128x64xf32, #tpu.memory_space<vmem>>) target(%dma_start3A_1724 : memref<4096x64xf32, #tpu.memory_space<vmem_shared>>) offsets(%arg13 : memref<128xi32, #tpu.memory_space<vmem>>) semaphore(%arg23 : memref<!tpu.dma_semaphore, #tpu.memory_space<semaphore_mem>>) {add = true}
      %add3A_1725 = arith.constant 1 : i32
      %add3A_1726 = arith.addi %add3A_1378, %add3A_1725 : i32
      %mul3A_1727 = arith.constant 256 : i32
      %mul3A_1728 = arith.muli %add3A_1726, %mul3A_1727 : i32
      %dma_wait3A_1729 = tpu.memref_slice %arg7[%mul3A_1728] : memref<6400xi32, #tpu.memory_space<vmem>> -> memref<256xi32, #tpu.memory_space<vmem>>
      %dma_wait3A_1730 = arith.constant 0 : i32
      %dma_wait3A_1731 = arith.constant 0 : i32
      %dma_wait3A_1732 = tpu.memref_slice %arg2[%dma_wait3A_1730, %dma_wait3A_1731] : memref<100000x64xf32, #tpu.memory_space<hbm>> -> memref<100000x64xf32, #tpu.memory_space<hbm>>
      tpu.wait_indirect_dma semaphore(%arg18 : memref<!tpu.dma_semaphore, #tpu.memory_space<semaphore_mem>>) src(%dma_wait3A_1732 : memref<100000x64xf32, #tpu.memory_space<hbm>>) dst(%arg14 : memref<256x64xf32, #tpu.memory_space<vmem>>)
      %dma_wait3A_1733 = arith.constant 0 : i32
      %dma_wait3A_1734 = arith.constant 0 : i32
      %dma_wait3A_1735 = tpu.memref_slice %arg15[%dma_wait3A_1733, %dma_wait3A_1734] : memref<256x64xf32, #tpu.memory_space<vmem>> -> memref<128x64xf32, #tpu.memory_space<vmem>>
      %dma_wait3A_1736 = arith.constant 0 : i32
      %dma_wait3A_1737 = arith.constant 0 : i32
      %dma_wait3A_1738 = tpu.memref_slice %arg17[%dma_wait3A_1736, %dma_wait3A_1737] : memref<4096x64xf32, #tpu.memory_space<vmem_shared>> -> memref<4096x64xf32, #tpu.memory_space<vmem_shared>>
      tpu.wait_indirect_dma semaphore(%arg22 : memref<!tpu.dma_semaphore, #tpu.memory_space<semaphore_mem>>) src(%dma_wait3A_1735 : memref<128x64xf32, #tpu.memory_space<vmem>>) dst(%dma_wait3A_1738 : memref<4096x64xf32, #tpu.memory_space<vmem_shared>>)
      %dma_wait3A_1739 = arith.constant 128 : i32
      %dma_wait3A_1740 = arith.constant 0 : i32
      %dma_wait3A_1741 = tpu.memref_slice %arg15[%dma_wait3A_1739, %dma_wait3A_1740] : memref<256x64xf32, #tpu.memory_space<vmem>> -> memref<128x64xf32, #tpu.memory_space<vmem>>
      %dma_wait3A_1742 = arith.constant 0 : i32
      %dma_wait3A_1743 = arith.constant 0 : i32
      %dma_wait3A_1744 = tpu.memref_slice %arg17[%dma_wait3A_1742, %dma_wait3A_1743] : memref<4096x64xf32, #tpu.memory_space<vmem_shared>> -> memref<4096x64xf32, #tpu.memory_space<vmem_shared>>
      tpu.wait_indirect_dma semaphore(%arg22 : memref<!tpu.dma_semaphore, #tpu.memory_space<semaphore_mem>>) src(%dma_wait3A_1741 : memref<128x64xf32, #tpu.memory_space<vmem>>) dst(%dma_wait3A_1744 : memref<4096x64xf32, #tpu.memory_space<vmem_shared>>)
      %add3A_1745 = arith.constant 1 : i32
      %add3A_1746 = arith.addi %add3A_1726, %add3A_1745 : i32
      %mul3A_1747 = arith.constant 256 : i32
      %mul3A_1748 = arith.muli %add3A_1746, %mul3A_1747 : i32
      %dma_start3A_1749 = tpu.memref_slice %arg7[%mul3A_1748] : memref<6400xi32, #tpu.memory_space<vmem>> -> memref<256xi32, #tpu.memory_space<vmem>>
      %dma_start3A_1750 = arith.constant 0 : i32
      %dma_start3A_1751 = arith.constant 0 : i32
      %dma_start3A_1752 = tpu.memref_slice %arg2[%dma_start3A_1750, %dma_start3A_1751] : memref<100000x64xf32, #tpu.memory_space<hbm>> -> memref<100000x64xf32, #tpu.memory_space<hbm>>
      tpu.enqueue_indirect_dma source(%dma_start3A_1752 : memref<100000x64xf32, #tpu.memory_space<hbm>>) target(%arg15 : memref<256x64xf32, #tpu.memory_space<vmem>>) offsets(%dma_start3A_1749 : memref<256xi32, #tpu.memory_space<vmem>>) semaphore(%arg19 : memref<!tpu.dma_semaphore, #tpu.memory_space<semaphore_mem>>)
      %mul3A_1753 = arith.constant 6400 : i32
      %mul3A_1754 = arith.muli %add3A, %mul3A_1753 : i32
      %mul3A_1755 = arith.constant 256 : i32
      %mul3A_1756 = arith.muli %add3A_1726, %mul3A_1755 : i32
      %add3A_1757 = arith.addi %mul3A_1754, %mul3A_1756 : i32
      %add3A_1758 = vector.broadcast %add3A_1757 : i32 to vector<16xi32>
      %add3A_1759 = arith.addi %add3A_1758, %iota3A : vector<16xi32>
      %broadcast_in_dim3A_1760 = arith.constant 0 : i32
      %broadcast_in_dim3A_1761 = vector.broadcast %broadcast_in_dim3A_1760 : i32 to vector<16xi32>
      %broadcast_in_dim3A_1762 = arith.constant 4096 : i32
      %broadcast_in_dim3A_1763 = vector.broadcast %broadcast_in_dim3A_1762 : i32 to vector<16xi32>
      %add3A_1764 = arith.addi %broadcast_in_dim3A_1761, %broadcast_in_dim3A_1763 : vector<16xi32>
      %shift_right_arithmetic3A_1765 = arith.constant 1 : i32
      %shift_right_arithmetic3A_1766 = vector.broadcast %shift_right_arithmetic3A_1765 : i32 to vector<16xi32>
      %shift_right_arithmetic3A_1767 = arith.shrsi %add3A_1764, %shift_right_arithmetic3A_1766 : vector<16xi32>
      %gather3A_1768 = tpu.vector_load_idx %arg6[%shift_right_arithmetic3A_1767] : memref<4096xi32, #tpu.memory_space<vmem>>[vector<16xi32>], vector<16xi32>,
      %le3A_1769 = arith.cmpi sle, %gather3A_1768, %add3A_1759 : vector<16xi32>
      %add3A_1770 = arith.constant 1 : i32
      %add3A_1771 = vector.broadcast %add3A_1770 : i32 to vector<16xi32>
      %add3A_1772 = arith.addi %shift_right_arithmetic3A_1767, %add3A_1771 : vector<16xi32>
      %select_n3A_1773 = arith.select %le3A_1769, %add3A_1772, %broadcast_in_dim3A_1761 : vector<16xi1>, vector<16xi32>
      %select_n3A_1774 = arith.select %le3A_1769, %broadcast_in_dim3A_1763, %shift_right_arithmetic3A_1767 : vector<16xi1>, vector<16xi32>
      %add3A_1775 = arith.addi %select_n3A_1773, %select_n3A_1774 : vector<16xi32>
      %shift_right_arithmetic3A_1776 = arith.constant 1 : i32
      %shift_right_arithmetic3A_1777 = vector.broadcast %shift_right_arithmetic3A_1776 : i32 to vector<16xi32>
      %shift_right_arithmetic3A_1778 = arith.shrsi %add3A_1775, %shift_right_arithmetic3A_1777 : vector<16xi32>
      %gather3A_1779 = tpu.vector_load_idx %arg6[%shift_right_arithmetic3A_1778] : memref<4096xi32, #tpu.memory_space<vmem>>[vector<16xi32>], vector<16xi32>,
      %le3A_1780 = arith.cmpi sle, %gather3A_1779, %add3A_1759 : vector<16xi32>
      %add3A_1781 = arith.constant 1 : i32
      %add3A_1782 = vector.broadcast %add3A_1781 : i32 to vector<16xi32>
      %add3A_1783 = arith.addi %shift_right_arithmetic3A_1778, %add3A_1782 : vector<16xi32>
      %select_n3A_1784 = arith.select %le3A_1780, %add3A_1783, %select_n3A_1773 : vector<16xi1>, vector<16xi32>
      %select_n3A_1785 = arith.select %le3A_1780, %select_n3A_1774, %shift_right_arithmetic3A_1778 : vector<16xi1>, vector<16xi32>
      %add3A_1786 = arith.addi %select_n3A_1784, %select_n3A_1785 : vector<16xi32>
      %shift_right_arithmetic3A_1787 = arith.constant 1 : i32
      %shift_right_arithmetic3A_1788 = vector.broadcast %shift_right_arithmetic3A_1787 : i32 to vector<16xi32>
      %shift_right_arithmetic3A_1789 = arith.shrsi %add3A_1786, %shift_right_arithmetic3A_1788 : vector<16xi32>
      %gather3A_1790 = tpu.vector_load_idx %arg6[%shift_right_arithmetic3A_1789] : memref<4096xi32, #tpu.memory_space<vmem>>[vector<16xi32>], vector<16xi32>,
      %le3A_1791 = arith.cmpi sle, %gather3A_1790, %add3A_1759 : vector<16xi32>
      %add3A_1792 = arith.constant 1 : i32
      %add3A_1793 = vector.broadcast %add3A_1792 : i32 to vector<16xi32>
      %add3A_1794 = arith.addi %shift_right_arithmetic3A_1789, %add3A_1793 : vector<16xi32>
      %select_n3A_1795 = arith.select %le3A_1791, %add3A_1794, %select_n3A_1784 : vector<16xi1>, vector<16xi32>
      %select_n3A_1796 = arith.select %le3A_1791, %select_n3A_1785, %shift_right_arithmetic3A_1789 : vector<16xi1>, vector<16xi32>
      %add3A_1797 = arith.addi %select_n3A_1795, %select_n3A_1796 : vector<16xi32>
      %shift_right_arithmetic3A_1798 = arith.constant 1 : i32
      %shift_right_arithmetic3A_1799 = vector.broadcast %shift_right_arithmetic3A_1798 : i32 to vector<16xi32>
      %shift_right_arithmetic3A_1800 = arith.shrsi %add3A_1797, %shift_right_arithmetic3A_1799 : vector<16xi32>
      %gather3A_1801 = tpu.vector_load_idx %arg6[%shift_right_arithmetic3A_1800] : memref<4096xi32, #tpu.memory_space<vmem>>[vector<16xi32>], vector<16xi32>,
      %le3A_1802 = arith.cmpi sle, %gather3A_1801, %add3A_1759 : vector<16xi32>
      %add3A_1803 = arith.constant 1 : i32
      %add3A_1804 = vector.broadcast %add3A_1803 : i32 to vector<16xi32>
      %add3A_1805 = arith.addi %shift_right_arithmetic3A_1800, %add3A_1804 : vector<16xi32>
      %select_n3A_1806 = arith.select %le3A_1802, %add3A_1805, %select_n3A_1795 : vector<16xi1>, vector<16xi32>
      %select_n3A_1807 = arith.select %le3A_1802, %select_n3A_1796, %shift_right_arithmetic3A_1800 : vector<16xi1>, vector<16xi32>
      %add3A_1808 = arith.addi %select_n3A_1806, %select_n3A_1807 : vector<16xi32>
      %shift_right_arithmetic3A_1809 = arith.constant 1 : i32
      %shift_right_arithmetic3A_1810 = vector.broadcast %shift_right_arithmetic3A_1809 : i32 to vector<16xi32>
      %shift_right_arithmetic3A_1811 = arith.shrsi %add3A_1808, %shift_right_arithmetic3A_1810 : vector<16xi32>
      %gather3A_1812 = tpu.vector_load_idx %arg6[%shift_right_arithmetic3A_1811] : memref<4096xi32, #tpu.memory_space<vmem>>[vector<16xi32>], vector<16xi32>,
      %le3A_1813 = arith.cmpi sle, %gather3A_1812, %add3A_1759 : vector<16xi32>
      %add3A_1814 = arith.constant 1 : i32
      %add3A_1815 = vector.broadcast %add3A_1814 : i32 to vector<16xi32>
      %add3A_1816 = arith.addi %shift_right_arithmetic3A_1811, %add3A_1815 : vector<16xi32>
      %select_n3A_1817 = arith.select %le3A_1813, %add3A_1816, %select_n3A_1806 : vector<16xi1>, vector<16xi32>
      %select_n3A_1818 = arith.select %le3A_1813, %select_n3A_1807, %shift_right_arithmetic3A_1811 : vector<16xi1>, vector<16xi32>
      %add3A_1819 = arith.addi %select_n3A_1817, %select_n3A_1818 : vector<16xi32>
      %shift_right_arithmetic3A_1820 = arith.constant 1 : i32
      %shift_right_arithmetic3A_1821 = vector.broadcast %shift_right_arithmetic3A_1820 : i32 to vector<16xi32>
      %shift_right_arithmetic3A_1822 = arith.shrsi %add3A_1819, %shift_right_arithmetic3A_1821 : vector<16xi32>
      %gather3A_1823 = tpu.vector_load_idx %arg6[%shift_right_arithmetic3A_1822] : memref<4096xi32, #tpu.memory_space<vmem>>[vector<16xi32>], vector<16xi32>,
      %le3A_1824 = arith.cmpi sle, %gather3A_1823, %add3A_1759 : vector<16xi32>
      %add3A_1825 = arith.constant 1 : i32
      %add3A_1826 = vector.broadcast %add3A_1825 : i32 to vector<16xi32>
      %add3A_1827 = arith.addi %shift_right_arithmetic3A_1822, %add3A_1826 : vector<16xi32>
      %select_n3A_1828 = arith.select %le3A_1824, %add3A_1827, %select_n3A_1817 : vector<16xi1>, vector<16xi32>
      %select_n3A_1829 = arith.select %le3A_1824, %select_n3A_1818, %shift_right_arithmetic3A_1822 : vector<16xi1>, vector<16xi32>
      %add3A_1830 = arith.addi %select_n3A_1828, %select_n3A_1829 : vector<16xi32>
      %shift_right_arithmetic3A_1831 = arith.constant 1 : i32
      %shift_right_arithmetic3A_1832 = vector.broadcast %shift_right_arithmetic3A_1831 : i32 to vector<16xi32>
      %shift_right_arithmetic3A_1833 = arith.shrsi %add3A_1830, %shift_right_arithmetic3A_1832 : vector<16xi32>
      %gather3A_1834 = tpu.vector_load_idx %arg6[%shift_right_arithmetic3A_1833] : memref<4096xi32, #tpu.memory_space<vmem>>[vector<16xi32>], vector<16xi32>,
      %le3A_1835 = arith.cmpi sle, %gather3A_1834, %add3A_1759 : vector<16xi32>
      %add3A_1836 = arith.constant 1 : i32
      %add3A_1837 = vector.broadcast %add3A_1836 : i32 to vector<16xi32>
      %add3A_1838 = arith.addi %shift_right_arithmetic3A_1833, %add3A_1837 : vector<16xi32>
      %select_n3A_1839 = arith.select %le3A_1835, %add3A_1838, %select_n3A_1828 : vector<16xi1>, vector<16xi32>
      %select_n3A_1840 = arith.select %le3A_1835, %select_n3A_1829, %shift_right_arithmetic3A_1833 : vector<16xi1>, vector<16xi32>
      %add3A_1841 = arith.addi %select_n3A_1839, %select_n3A_1840 : vector<16xi32>
      %shift_right_arithmetic3A_1842 = arith.constant 1 : i32
      %shift_right_arithmetic3A_1843 = vector.broadcast %shift_right_arithmetic3A_1842 : i32 to vector<16xi32>
      %shift_right_arithmetic3A_1844 = arith.shrsi %add3A_1841, %shift_right_arithmetic3A_1843 : vector<16xi32>
      %gather3A_1845 = tpu.vector_load_idx %arg6[%shift_right_arithmetic3A_1844] : memref<4096xi32, #tpu.memory_space<vmem>>[vector<16xi32>], vector<16xi32>,
      %le3A_1846 = arith.cmpi sle, %gather3A_1845, %add3A_1759 : vector<16xi32>
      %add3A_1847 = arith.constant 1 : i32
      %add3A_1848 = vector.broadcast %add3A_1847 : i32 to vector<16xi32>
      %add3A_1849 = arith.addi %shift_right_arithmetic3A_1844, %add3A_1848 : vector<16xi32>
      %select_n3A_1850 = arith.select %le3A_1846, %add3A_1849, %select_n3A_1839 : vector<16xi1>, vector<16xi32>
      %select_n3A_1851 = arith.select %le3A_1846, %select_n3A_1840, %shift_right_arithmetic3A_1844 : vector<16xi1>, vector<16xi32>
      %add3A_1852 = arith.addi %select_n3A_1850, %select_n3A_1851 : vector<16xi32>
      %shift_right_arithmetic3A_1853 = arith.constant 1 : i32
      %shift_right_arithmetic3A_1854 = vector.broadcast %shift_right_arithmetic3A_1853 : i32 to vector<16xi32>
      %shift_right_arithmetic3A_1855 = arith.shrsi %add3A_1852, %shift_right_arithmetic3A_1854 : vector<16xi32>
      %gather3A_1856 = tpu.vector_load_idx %arg6[%shift_right_arithmetic3A_1855] : memref<4096xi32, #tpu.memory_space<vmem>>[vector<16xi32>], vector<16xi32>,
      %le3A_1857 = arith.cmpi sle, %gather3A_1856, %add3A_1759 : vector<16xi32>
      %add3A_1858 = arith.constant 1 : i32
      %add3A_1859 = vector.broadcast %add3A_1858 : i32 to vector<16xi32>
      %add3A_1860 = arith.addi %shift_right_arithmetic3A_1855, %add3A_1859 : vector<16xi32>
      %select_n3A_1861 = arith.select %le3A_1857, %add3A_1860, %select_n3A_1850 : vector<16xi1>, vector<16xi32>
      %select_n3A_1862 = arith.select %le3A_1857, %select_n3A_1851, %shift_right_arithmetic3A_1855 : vector<16xi1>, vector<16xi32>
      %add3A_1863 = arith.addi %select_n3A_1861, %select_n3A_1862 : vector<16xi32>
      %shift_right_arithmetic3A_1864 = arith.constant 1 : i32
      %shift_right_arithmetic3A_1865 = vector.broadcast %shift_right_arithmetic3A_1864 : i32 to vector<16xi32>
      %shift_right_arithmetic3A_1866 = arith.shrsi %add3A_1863, %shift_right_arithmetic3A_1865 : vector<16xi32>
      %gather3A_1867 = tpu.vector_load_idx %arg6[%shift_right_arithmetic3A_1866] : memref<4096xi32, #tpu.memory_space<vmem>>[vector<16xi32>], vector<16xi32>,
      %le3A_1868 = arith.cmpi sle, %gather3A_1867, %add3A_1759 : vector<16xi32>
      %add3A_1869 = arith.constant 1 : i32
      %add3A_1870 = vector.broadcast %add3A_1869 : i32 to vector<16xi32>
      %add3A_1871 = arith.addi %shift_right_arithmetic3A_1866, %add3A_1870 : vector<16xi32>
      %select_n3A_1872 = arith.select %le3A_1868, %add3A_1871, %select_n3A_1861 : vector<16xi1>, vector<16xi32>
      %select_n3A_1873 = arith.select %le3A_1868, %select_n3A_1862, %shift_right_arithmetic3A_1866 : vector<16xi1>, vector<16xi32>
      %add3A_1874 = arith.addi %select_n3A_1872, %select_n3A_1873 : vector<16xi32>
      %shift_right_arithmetic3A_1875 = arith.constant 1 : i32
      %shift_right_arithmetic3A_1876 = vector.broadcast %shift_right_arithmetic3A_1875 : i32 to vector<16xi32>
      %shift_right_arithmetic3A_1877 = arith.shrsi %add3A_1874, %shift_right_arithmetic3A_1876 : vector<16xi32>
      %gather3A_1878 = tpu.vector_load_idx %arg6[%shift_right_arithmetic3A_1877] : memref<4096xi32, #tpu.memory_space<vmem>>[vector<16xi32>], vector<16xi32>,
      %le3A_1879 = arith.cmpi sle, %gather3A_1878, %add3A_1759 : vector<16xi32>
      %add3A_1880 = arith.constant 1 : i32
      %add3A_1881 = vector.broadcast %add3A_1880 : i32 to vector<16xi32>
      %add3A_1882 = arith.addi %shift_right_arithmetic3A_1877, %add3A_1881 : vector<16xi32>
      %select_n3A_1883 = arith.select %le3A_1879, %add3A_1882, %select_n3A_1872 : vector<16xi1>, vector<16xi32>
      %select_n3A_1884 = arith.select %le3A_1879, %select_n3A_1873, %shift_right_arithmetic3A_1877 : vector<16xi1>, vector<16xi32>
      %add3A_1885 = arith.addi %select_n3A_1883, %select_n3A_1884 : vector<16xi32>
      %shift_right_arithmetic3A_1886 = arith.constant 1 : i32
      %shift_right_arithmetic3A_1887 = vector.broadcast %shift_right_arithmetic3A_1886 : i32 to vector<16xi32>
      %shift_right_arithmetic3A_1888 = arith.shrsi %add3A_1885, %shift_right_arithmetic3A_1887 : vector<16xi32>
      %gather3A_1889 = tpu.vector_load_idx %arg6[%shift_right_arithmetic3A_1888] : memref<4096xi32, #tpu.memory_space<vmem>>[vector<16xi32>], vector<16xi32>,
      %le3A_1890 = arith.cmpi sle, %gather3A_1889, %add3A_1759 : vector<16xi32>
      %add3A_1891 = arith.constant 1 : i32
      %add3A_1892 = vector.broadcast %add3A_1891 : i32 to vector<16xi32>
      %add3A_1893 = arith.addi %shift_right_arithmetic3A_1888, %add3A_1892 : vector<16xi32>
      %select_n3A_1894 = arith.select %le3A_1890, %add3A_1893, %select_n3A_1883 : vector<16xi1>, vector<16xi32>
      %select_n3A_1895 = arith.select %le3A_1890, %select_n3A_1884, %shift_right_arithmetic3A_1888 : vector<16xi1>, vector<16xi32>
      %slice3A_1896 = vector.extract_strided_slice %select_n3A_1894 {offsets = [0], sizes = [1], strides = [1]} : vector<16xi32> to vector<1xi32>
      %squeeze3A_1897 = vector.extract %slice3A_1896[0] : i32 from vector<1xi32>
      %sub3A_1898 = arith.constant 1 : i32
      %sub3A_1899 = arith.subi %squeeze3A_1897, %sub3A_1898 : i32
      %max3A_1900 = arith.constant 0 : i32
      %max3A_1901 = arith.maxsi %sub3A_1899, %max3A_1900 : i32
      %add3A_1902 = arith.constant 256 : i32
      %add3A_1903 = arith.addi %add3A_1757, %add3A_1902 : i32
      %sub3A_1904 = arith.constant 1 : i32
      %sub3A_1905 = arith.subi %add3A_1903, %sub3A_1904 : i32
      %add3A_1906 = arith.constant 1 : i32
      %add3A_1907 = arith.addi %max3A_1901, %add3A_1906 : i32
      %add3A_1908 = arith.constant 1 : i32
      %add3A_1909 = arith.addi %max3A_1901, %add3A_1908 : i32
      %min3A_1910 = arith.constant 4095 : i32
      %min3A_1911 = arith.minsi %add3A_1909, %min3A_1910 : i32
      %broadcast_in_dim3A_1912 = vector.broadcast %min3A_1911 : i32 to vector<16xi32>
      %gather3A_1913 = tpu.vector_load_idx %arg6[%broadcast_in_dim3A_1912] : memref<4096xi32, #tpu.memory_space<vmem>>[vector<16xi32>], vector<16xi32>,
      %slice3A_1914 = vector.extract_strided_slice %gather3A_1913 {offsets = [0], sizes = [1], strides = [1]} : vector<16xi32> to vector<1xi32>
      %squeeze3A_1915 = vector.extract %slice3A_1914[0] : i32 from vector<1xi32>
      %broadcast_in_dim3A_1916 = arith.constant 0 : i32
      %broadcast_in_dim3A_1917 = vector.broadcast %broadcast_in_dim3A_1916 : i32 to vector<16xi32>
      %broadcast_in_dim3A_1918 = arith.constant 0 : i32
      %broadcast_in_dim3A_1919 = vector.broadcast %broadcast_in_dim3A_1918 : i32 to vector<16xi32>
      %broadcast_in_dim3A_1920 = arith.constant 0 : i32
      %broadcast_in_dim3A_1921 = vector.broadcast %broadcast_in_dim3A_1920 : i32 to vector<16xi32>
      %broadcast_in_dim3A_1922 = arith.constant 0 : i32
      %broadcast_in_dim3A_1923 = vector.broadcast %broadcast_in_dim3A_1922 : i32 to vector<16xi32>
      %broadcast_in_dim3A_1924 = arith.constant 0 : i32
      %broadcast_in_dim3A_1925 = vector.broadcast %broadcast_in_dim3A_1924 : i32 to vector<16xi32>
      %broadcast_in_dim3A_1926 = arith.constant 0 : i32
      %broadcast_in_dim3A_1927 = vector.broadcast %broadcast_in_dim3A_1926 : i32 to vector<16xi32>
      %broadcast_in_dim3A_1928 = arith.constant 0 : i32
      %broadcast_in_dim3A_1929 = vector.broadcast %broadcast_in_dim3A_1928 : i32 to vector<16xi32>
      %broadcast_in_dim3A_1930 = arith.constant 0 : i32
      %broadcast_in_dim3A_1931 = vector.broadcast %broadcast_in_dim3A_1930 : i32 to vector<16xi32>
      %broadcast_in_dim3A_1932 = arith.constant 0 : i32
      %broadcast_in_dim3A_1933 = vector.broadcast %broadcast_in_dim3A_1932 : i32 to vector<16xi32>
      %broadcast_in_dim3A_1934 = arith.constant 0 : i32
      %broadcast_in_dim3A_1935 = vector.broadcast %broadcast_in_dim3A_1934 : i32 to vector<16xi32>
      %broadcast_in_dim3A_1936 = arith.constant 0 : i32
      %broadcast_in_dim3A_1937 = vector.broadcast %broadcast_in_dim3A_1936 : i32 to vector<16xi32>
      %broadcast_in_dim3A_1938 = arith.constant 0 : i32
      %broadcast_in_dim3A_1939 = vector.broadcast %broadcast_in_dim3A_1938 : i32 to vector<16xi32>
      %broadcast_in_dim3A_1940 = arith.constant 0 : i32
      %broadcast_in_dim3A_1941 = vector.broadcast %broadcast_in_dim3A_1940 : i32 to vector<16xi32>
      %broadcast_in_dim3A_1942 = arith.constant 0 : i32
      %broadcast_in_dim3A_1943 = vector.broadcast %broadcast_in_dim3A_1942 : i32 to vector<16xi32>
      %broadcast_in_dim3A_1944 = arith.constant 0 : i32
      %broadcast_in_dim3A_1945 = vector.broadcast %broadcast_in_dim3A_1944 : i32 to vector<16xi32>
      %broadcast_in_dim3A_1946 = arith.constant 0 : i32
      %broadcast_in_dim3A_1947 = vector.broadcast %broadcast_in_dim3A_1946 : i32 to vector<16xi32>
      %while3A_1948:18 = scf.while (%while3A_2421 = %add3A_1907, %while3A_2422 = %squeeze3A_1915, %while3A_2423 = %broadcast_in_dim3A_1917, %while3A_2424 = %broadcast_in_dim3A_1919, %while3A_2425 = %broadcast_in_dim3A_1921, %while3A_2426 = %broadcast_in_dim3A_1923, %while3A_2427 = %broadcast_in_dim3A_1925, %while3A_2428 = %broadcast_in_dim3A_1927, %while3A_2429 = %broadcast_in_dim3A_1929, %while3A_2430 = %broadcast_in_dim3A_1931, %while3A_2431 = %broadcast_in_dim3A_1933, %while3A_2432 = %broadcast_in_dim3A_1935, %while3A_2433 = %broadcast_in_dim3A_1937, %while3A_2434 = %broadcast_in_dim3A_1939, %while3A_2435 = %broadcast_in_dim3A_1941, %while3A_2436 = %broadcast_in_dim3A_1943, %while3A_2437 = %broadcast_in_dim3A_1945, %while3A_2438 = %broadcast_in_dim3A_1947) : (i32, i32, vector<16xi32>, vector<16xi32>, vector<16xi32>, vector<16xi32>, vector<16xi32>, vector<16xi32>, vector<16xi32>, vector<16xi32>, vector<16xi32>, vector<16xi32>, vector<16xi32>, vector<16xi32>, vector<16xi32>, vector<16xi32>, vector<16xi32>, vector<16xi32>) -> (i32, i32, vector<16xi32>, vector<16xi32>, vector<16xi32>, vector<16xi32>, vector<16xi32>, vector<16xi32>, vector<16xi32>, vector<16xi32>, vector<16xi32>, vector<16xi32>, vector<16xi32>, vector<16xi32>, vector<16xi32>, vector<16xi32>, vector<16xi32>, vector<16xi32>) {
        %lt3A = arith.constant 4096 : i32
        %lt3A_2439 = arith.cmpi slt, %while3A_2421, %lt3A : i32
        %le3A_2440 = arith.cmpi sle, %while3A_2422, %sub3A_1905 : i32
        %and3A = arith.andi %lt3A_2439, %le3A_2440 : i1
        scf.condition(%and3A) %while3A_2421, %while3A_2422, %while3A_2423, %while3A_2424, %while3A_2425, %while3A_2426, %while3A_2427, %while3A_2428, %while3A_2429, %while3A_2430, %while3A_2431, %while3A_2432, %while3A_2433, %while3A_2434, %while3A_2435, %while3A_2436, %while3A_2437, %while3A_2438 : i32, i32, vector<16xi32>, vector<16xi32>, vector<16xi32>, vector<16xi32>, vector<16xi32>, vector<16xi32>, vector<16xi32>, vector<16xi32>, vector<16xi32>, vector<16xi32>, vector<16xi32>, vector<16xi32>, vector<16xi32>, vector<16xi32>, vector<16xi32>, vector<16xi32>
      } do {
      ^bb0(%while3A_2421: i32, %while3A_2422: i32, %while3A_2423: vector<16xi32>, %while3A_2424: vector<16xi32>, %while3A_2425: vector<16xi32>, %while3A_2426: vector<16xi32>, %while3A_2427: vector<16xi32>, %while3A_2428: vector<16xi32>, %while3A_2429: vector<16xi32>, %while3A_2430: vector<16xi32>, %while3A_2431: vector<16xi32>, %while3A_2432: vector<16xi32>, %while3A_2433: vector<16xi32>, %while3A_2434: vector<16xi32>, %while3A_2435: vector<16xi32>, %while3A_2436: vector<16xi32>, %while3A_2437: vector<16xi32>, %while3A_2438: vector<16xi32>):
        %broadcast_in_dim3A_2439 = vector.broadcast %while3A_2422 : i32 to vector<16xi32>
        %add3A_2440 = arith.constant 0 : i32
        %add3A_2441 = arith.addi %add3A_1757, %add3A_2440 : i32
        %add3A_2442 = vector.broadcast %add3A_2441 : i32 to vector<16xi32>
        %add3A_2443 = arith.addi %add3A_2442, %iota3A : vector<16xi32>
        %le3A_2444 = arith.cmpi sle, %broadcast_in_dim3A_2439, %add3A_2443 : vector<16xi32>
        %jit3A = arith.constant 1 : i32
        %jit3A_2445 = arith.constant 0 : i32
        %broadcast_in_dim3A_2446 = vector.broadcast %jit3A : i32 to vector<16xi32>
        %broadcast_in_dim3A_2447 = vector.broadcast %jit3A_2445 : i32 to vector<16xi32>
        %select_n3A_2448 = arith.select %le3A_2444, %broadcast_in_dim3A_2446, %broadcast_in_dim3A_2447 : vector<16xi1>, vector<16xi32>
        %add3A_2449 = arith.addi %while3A_2423, %select_n3A_2448 : vector<16xi32>
        %add3A_2450 = arith.constant 16 : i32
        %add3A_2451 = arith.addi %add3A_1757, %add3A_2450 : i32
        %add3A_2452 = vector.broadcast %add3A_2451 : i32 to vector<16xi32>
        %add3A_2453 = arith.addi %add3A_2452, %iota3A : vector<16xi32>
        %le3A_2454 = arith.cmpi sle, %broadcast_in_dim3A_2439, %add3A_2453 : vector<16xi32>
        %jit3A_2455 = arith.constant 1 : i32
        %jit3A_2456 = arith.constant 0 : i32
        %broadcast_in_dim3A_2457 = vector.broadcast %jit3A_2455 : i32 to vector<16xi32>
        %broadcast_in_dim3A_2458 = vector.broadcast %jit3A_2456 : i32 to vector<16xi32>
        %select_n3A_2459 = arith.select %le3A_2454, %broadcast_in_dim3A_2457, %broadcast_in_dim3A_2458 : vector<16xi1>, vector<16xi32>
        %add3A_2460 = arith.addi %while3A_2424, %select_n3A_2459 : vector<16xi32>
        %add3A_2461 = arith.constant 32 : i32
        %add3A_2462 = arith.addi %add3A_1757, %add3A_2461 : i32
        %add3A_2463 = vector.broadcast %add3A_2462 : i32 to vector<16xi32>
        %add3A_2464 = arith.addi %add3A_2463, %iota3A : vector<16xi32>
        %le3A_2465 = arith.cmpi sle, %broadcast_in_dim3A_2439, %add3A_2464 : vector<16xi32>
        %jit3A_2466 = arith.constant 1 : i32
        %jit3A_2467 = arith.constant 0 : i32
        %broadcast_in_dim3A_2468 = vector.broadcast %jit3A_2466 : i32 to vector<16xi32>
        %broadcast_in_dim3A_2469 = vector.broadcast %jit3A_2467 : i32 to vector<16xi32>
        %select_n3A_2470 = arith.select %le3A_2465, %broadcast_in_dim3A_2468, %broadcast_in_dim3A_2469 : vector<16xi1>, vector<16xi32>
        %add3A_2471 = arith.addi %while3A_2425, %select_n3A_2470 : vector<16xi32>
        %add3A_2472 = arith.constant 48 : i32
        %add3A_2473 = arith.addi %add3A_1757, %add3A_2472 : i32
        %add3A_2474 = vector.broadcast %add3A_2473 : i32 to vector<16xi32>
        %add3A_2475 = arith.addi %add3A_2474, %iota3A : vector<16xi32>
        %le3A_2476 = arith.cmpi sle, %broadcast_in_dim3A_2439, %add3A_2475 : vector<16xi32>
        %jit3A_2477 = arith.constant 1 : i32
        %jit3A_2478 = arith.constant 0 : i32
        %broadcast_in_dim3A_2479 = vector.broadcast %jit3A_2477 : i32 to vector<16xi32>
        %broadcast_in_dim3A_2480 = vector.broadcast %jit3A_2478 : i32 to vector<16xi32>
        %select_n3A_2481 = arith.select %le3A_2476, %broadcast_in_dim3A_2479, %broadcast_in_dim3A_2480 : vector<16xi1>, vector<16xi32>
        %add3A_2482 = arith.addi %while3A_2426, %select_n3A_2481 : vector<16xi32>
        %add3A_2483 = arith.constant 64 : i32
        %add3A_2484 = arith.addi %add3A_1757, %add3A_2483 : i32
        %add3A_2485 = vector.broadcast %add3A_2484 : i32 to vector<16xi32>
        %add3A_2486 = arith.addi %add3A_2485, %iota3A : vector<16xi32>
        %le3A_2487 = arith.cmpi sle, %broadcast_in_dim3A_2439, %add3A_2486 : vector<16xi32>
        %jit3A_2488 = arith.constant 1 : i32
        %jit3A_2489 = arith.constant 0 : i32
        %broadcast_in_dim3A_2490 = vector.broadcast %jit3A_2488 : i32 to vector<16xi32>
        %broadcast_in_dim3A_2491 = vector.broadcast %jit3A_2489 : i32 to vector<16xi32>
        %select_n3A_2492 = arith.select %le3A_2487, %broadcast_in_dim3A_2490, %broadcast_in_dim3A_2491 : vector<16xi1>, vector<16xi32>
        %add3A_2493 = arith.addi %while3A_2427, %select_n3A_2492 : vector<16xi32>
        %add3A_2494 = arith.constant 80 : i32
        %add3A_2495 = arith.addi %add3A_1757, %add3A_2494 : i32
        %add3A_2496 = vector.broadcast %add3A_2495 : i32 to vector<16xi32>
        %add3A_2497 = arith.addi %add3A_2496, %iota3A : vector<16xi32>
        %le3A_2498 = arith.cmpi sle, %broadcast_in_dim3A_2439, %add3A_2497 : vector<16xi32>
        %jit3A_2499 = arith.constant 1 : i32
        %jit3A_2500 = arith.constant 0 : i32
        %broadcast_in_dim3A_2501 = vector.broadcast %jit3A_2499 : i32 to vector<16xi32>
        %broadcast_in_dim3A_2502 = vector.broadcast %jit3A_2500 : i32 to vector<16xi32>
        %select_n3A_2503 = arith.select %le3A_2498, %broadcast_in_dim3A_2501, %broadcast_in_dim3A_2502 : vector<16xi1>, vector<16xi32>
        %add3A_2504 = arith.addi %while3A_2428, %select_n3A_2503 : vector<16xi32>
        %add3A_2505 = arith.constant 96 : i32
        %add3A_2506 = arith.addi %add3A_1757, %add3A_2505 : i32
        %add3A_2507 = vector.broadcast %add3A_2506 : i32 to vector<16xi32>
        %add3A_2508 = arith.addi %add3A_2507, %iota3A : vector<16xi32>
        %le3A_2509 = arith.cmpi sle, %broadcast_in_dim3A_2439, %add3A_2508 : vector<16xi32>
        %jit3A_2510 = arith.constant 1 : i32
        %jit3A_2511 = arith.constant 0 : i32
        %broadcast_in_dim3A_2512 = vector.broadcast %jit3A_2510 : i32 to vector<16xi32>
        %broadcast_in_dim3A_2513 = vector.broadcast %jit3A_2511 : i32 to vector<16xi32>
        %select_n3A_2514 = arith.select %le3A_2509, %broadcast_in_dim3A_2512, %broadcast_in_dim3A_2513 : vector<16xi1>, vector<16xi32>
        %add3A_2515 = arith.addi %while3A_2429, %select_n3A_2514 : vector<16xi32>
        %add3A_2516 = arith.constant 112 : i32
        %add3A_2517 = arith.addi %add3A_1757, %add3A_2516 : i32
        %add3A_2518 = vector.broadcast %add3A_2517 : i32 to vector<16xi32>
        %add3A_2519 = arith.addi %add3A_2518, %iota3A : vector<16xi32>
        %le3A_2520 = arith.cmpi sle, %broadcast_in_dim3A_2439, %add3A_2519 : vector<16xi32>
        %jit3A_2521 = arith.constant 1 : i32
        %jit3A_2522 = arith.constant 0 : i32
        %broadcast_in_dim3A_2523 = vector.broadcast %jit3A_2521 : i32 to vector<16xi32>
        %broadcast_in_dim3A_2524 = vector.broadcast %jit3A_2522 : i32 to vector<16xi32>
        %select_n3A_2525 = arith.select %le3A_2520, %broadcast_in_dim3A_2523, %broadcast_in_dim3A_2524 : vector<16xi1>, vector<16xi32>
        %add3A_2526 = arith.addi %while3A_2430, %select_n3A_2525 : vector<16xi32>
        %add3A_2527 = arith.constant 128 : i32
        %add3A_2528 = arith.addi %add3A_1757, %add3A_2527 : i32
        %add3A_2529 = vector.broadcast %add3A_2528 : i32 to vector<16xi32>
        %add3A_2530 = arith.addi %add3A_2529, %iota3A : vector<16xi32>
        %le3A_2531 = arith.cmpi sle, %broadcast_in_dim3A_2439, %add3A_2530 : vector<16xi32>
        %jit3A_2532 = arith.constant 1 : i32
        %jit3A_2533 = arith.constant 0 : i32
        %broadcast_in_dim3A_2534 = vector.broadcast %jit3A_2532 : i32 to vector<16xi32>
        %broadcast_in_dim3A_2535 = vector.broadcast %jit3A_2533 : i32 to vector<16xi32>
        %select_n3A_2536 = arith.select %le3A_2531, %broadcast_in_dim3A_2534, %broadcast_in_dim3A_2535 : vector<16xi1>, vector<16xi32>
        %add3A_2537 = arith.addi %while3A_2431, %select_n3A_2536 : vector<16xi32>
        %add3A_2538 = arith.constant 144 : i32
        %add3A_2539 = arith.addi %add3A_1757, %add3A_2538 : i32
        %add3A_2540 = vector.broadcast %add3A_2539 : i32 to vector<16xi32>
        %add3A_2541 = arith.addi %add3A_2540, %iota3A : vector<16xi32>
        %le3A_2542 = arith.cmpi sle, %broadcast_in_dim3A_2439, %add3A_2541 : vector<16xi32>
        %jit3A_2543 = arith.constant 1 : i32
        %jit3A_2544 = arith.constant 0 : i32
        %broadcast_in_dim3A_2545 = vector.broadcast %jit3A_2543 : i32 to vector<16xi32>
        %broadcast_in_dim3A_2546 = vector.broadcast %jit3A_2544 : i32 to vector<16xi32>
        %select_n3A_2547 = arith.select %le3A_2542, %broadcast_in_dim3A_2545, %broadcast_in_dim3A_2546 : vector<16xi1>, vector<16xi32>
        %add3A_2548 = arith.addi %while3A_2432, %select_n3A_2547 : vector<16xi32>
        %add3A_2549 = arith.constant 160 : i32
        %add3A_2550 = arith.addi %add3A_1757, %add3A_2549 : i32
        %add3A_2551 = vector.broadcast %add3A_2550 : i32 to vector<16xi32>
        %add3A_2552 = arith.addi %add3A_2551, %iota3A : vector<16xi32>
        %le3A_2553 = arith.cmpi sle, %broadcast_in_dim3A_2439, %add3A_2552 : vector<16xi32>
        %jit3A_2554 = arith.constant 1 : i32
        %jit3A_2555 = arith.constant 0 : i32
        %broadcast_in_dim3A_2556 = vector.broadcast %jit3A_2554 : i32 to vector<16xi32>
        %broadcast_in_dim3A_2557 = vector.broadcast %jit3A_2555 : i32 to vector<16xi32>
        %select_n3A_2558 = arith.select %le3A_2553, %broadcast_in_dim3A_2556, %broadcast_in_dim3A_2557 : vector<16xi1>, vector<16xi32>
        %add3A_2559 = arith.addi %while3A_2433, %select_n3A_2558 : vector<16xi32>
        %add3A_2560 = arith.constant 176 : i32
        %add3A_2561 = arith.addi %add3A_1757, %add3A_2560 : i32
        %add3A_2562 = vector.broadcast %add3A_2561 : i32 to vector<16xi32>
        %add3A_2563 = arith.addi %add3A_2562, %iota3A : vector<16xi32>
        %le3A_2564 = arith.cmpi sle, %broadcast_in_dim3A_2439, %add3A_2563 : vector<16xi32>
        %jit3A_2565 = arith.constant 1 : i32
        %jit3A_2566 = arith.constant 0 : i32
        %broadcast_in_dim3A_2567 = vector.broadcast %jit3A_2565 : i32 to vector<16xi32>
        %broadcast_in_dim3A_2568 = vector.broadcast %jit3A_2566 : i32 to vector<16xi32>
        %select_n3A_2569 = arith.select %le3A_2564, %broadcast_in_dim3A_2567, %broadcast_in_dim3A_2568 : vector<16xi1>, vector<16xi32>
        %add3A_2570 = arith.addi %while3A_2434, %select_n3A_2569 : vector<16xi32>
        %add3A_2571 = arith.constant 192 : i32
        %add3A_2572 = arith.addi %add3A_1757, %add3A_2571 : i32
        %add3A_2573 = vector.broadcast %add3A_2572 : i32 to vector<16xi32>
        %add3A_2574 = arith.addi %add3A_2573, %iota3A : vector<16xi32>
        %le3A_2575 = arith.cmpi sle, %broadcast_in_dim3A_2439, %add3A_2574 : vector<16xi32>
        %jit3A_2576 = arith.constant 1 : i32
        %jit3A_2577 = arith.constant 0 : i32
        %broadcast_in_dim3A_2578 = vector.broadcast %jit3A_2576 : i32 to vector<16xi32>
        %broadcast_in_dim3A_2579 = vector.broadcast %jit3A_2577 : i32 to vector<16xi32>
        %select_n3A_2580 = arith.select %le3A_2575, %broadcast_in_dim3A_2578, %broadcast_in_dim3A_2579 : vector<16xi1>, vector<16xi32>
        %add3A_2581 = arith.addi %while3A_2435, %select_n3A_2580 : vector<16xi32>
        %add3A_2582 = arith.constant 208 : i32
        %add3A_2583 = arith.addi %add3A_1757, %add3A_2582 : i32
        %add3A_2584 = vector.broadcast %add3A_2583 : i32 to vector<16xi32>
        %add3A_2585 = arith.addi %add3A_2584, %iota3A : vector<16xi32>
        %le3A_2586 = arith.cmpi sle, %broadcast_in_dim3A_2439, %add3A_2585 : vector<16xi32>
        %jit3A_2587 = arith.constant 1 : i32
        %jit3A_2588 = arith.constant 0 : i32
        %broadcast_in_dim3A_2589 = vector.broadcast %jit3A_2587 : i32 to vector<16xi32>
        %broadcast_in_dim3A_2590 = vector.broadcast %jit3A_2588 : i32 to vector<16xi32>
        %select_n3A_2591 = arith.select %le3A_2586, %broadcast_in_dim3A_2589, %broadcast_in_dim3A_2590 : vector<16xi1>, vector<16xi32>
        %add3A_2592 = arith.addi %while3A_2436, %select_n3A_2591 : vector<16xi32>
        %add3A_2593 = arith.constant 224 : i32
        %add3A_2594 = arith.addi %add3A_1757, %add3A_2593 : i32
        %add3A_2595 = vector.broadcast %add3A_2594 : i32 to vector<16xi32>
        %add3A_2596 = arith.addi %add3A_2595, %iota3A : vector<16xi32>
        %le3A_2597 = arith.cmpi sle, %broadcast_in_dim3A_2439, %add3A_2596 : vector<16xi32>
        %jit3A_2598 = arith.constant 1 : i32
        %jit3A_2599 = arith.constant 0 : i32
        %broadcast_in_dim3A_2600 = vector.broadcast %jit3A_2598 : i32 to vector<16xi32>
        %broadcast_in_dim3A_2601 = vector.broadcast %jit3A_2599 : i32 to vector<16xi32>
        %select_n3A_2602 = arith.select %le3A_2597, %broadcast_in_dim3A_2600, %broadcast_in_dim3A_2601 : vector<16xi1>, vector<16xi32>
        %add3A_2603 = arith.addi %while3A_2437, %select_n3A_2602 : vector<16xi32>
        %add3A_2604 = arith.constant 240 : i32
        %add3A_2605 = arith.addi %add3A_1757, %add3A_2604 : i32
        %add3A_2606 = vector.broadcast %add3A_2605 : i32 to vector<16xi32>
        %add3A_2607 = arith.addi %add3A_2606, %iota3A : vector<16xi32>
        %le3A_2608 = arith.cmpi sle, %broadcast_in_dim3A_2439, %add3A_2607 : vector<16xi32>
        %jit3A_2609 = arith.constant 1 : i32
        %jit3A_2610 = arith.constant 0 : i32
        %broadcast_in_dim3A_2611 = vector.broadcast %jit3A_2609 : i32 to vector<16xi32>
        %broadcast_in_dim3A_2612 = vector.broadcast %jit3A_2610 : i32 to vector<16xi32>
        %select_n3A_2613 = arith.select %le3A_2608, %broadcast_in_dim3A_2611, %broadcast_in_dim3A_2612 : vector<16xi1>, vector<16xi32>
        %add3A_2614 = arith.addi %while3A_2438, %select_n3A_2613 : vector<16xi32>
        %add3A_2615 = arith.constant 1 : i32
        %add3A_2616 = arith.addi %while3A_2421, %add3A_2615 : i32
        %add3A_2617 = arith.constant 1 : i32
        %add3A_2618 = arith.addi %while3A_2421, %add3A_2617 : i32
        %min3A_2619 = arith.constant 4095 : i32
        %min3A_2620 = arith.minsi %add3A_2618, %min3A_2619 : i32
        %broadcast_in_dim3A_2621 = vector.broadcast %min3A_2620 : i32 to vector<16xi32>
        %gather3A_2622 = tpu.vector_load_idx %arg6[%broadcast_in_dim3A_2621] : memref<4096xi32, #tpu.memory_space<vmem>>[vector<16xi32>], vector<16xi32>,
        %slice3A_2623 = vector.extract_strided_slice %gather3A_2622 {offsets = [0], sizes = [1], strides = [1]} : vector<16xi32> to vector<1xi32>
        %squeeze3A_2624 = vector.extract %slice3A_2623[0] : i32 from vector<1xi32>
        scf.yield %add3A_2616, %squeeze3A_2624, %add3A_2449, %add3A_2460, %add3A_2471, %add3A_2482, %add3A_2493, %add3A_2504, %add3A_2515, %add3A_2526, %add3A_2537, %add3A_2548, %add3A_2559, %add3A_2570, %add3A_2581, %add3A_2592, %add3A_2603, %add3A_2614 : i32, i32, vector<16xi32>, vector<16xi32>, vector<16xi32>, vector<16xi32>, vector<16xi32>, vector<16xi32>, vector<16xi32>, vector<16xi32>, vector<16xi32>, vector<16xi32>, vector<16xi32>, vector<16xi32>, vector<16xi32>, vector<16xi32>, vector<16xi32>, vector<16xi32>
      }
      %add3A_1949 = vector.broadcast %max3A_1901 : i32 to vector<16xi32>
      %add3A_1950 = arith.addi %add3A_1949, %while3A_1948#2 : vector<16xi32>
      %min3A_1951 = arith.constant 4095 : i32
      %min3A_1952 = vector.broadcast %min3A_1951 : i32 to vector<16xi32>
      %min3A_1953 = arith.minsi %add3A_1950, %min3A_1952 : vector<16xi32>
      %swap3A_1954 = arith.constant 0 : index
      %swap3A_1955 = tpu.vector_load %arg8[%swap3A_1954] {strides = array<i32>} : memref<128xi32, #tpu.memory_space<vmem>>, vector<16xi32>,
      tpu.vector_store %arg8[%swap3A_1954], %min3A_1953 {strides = array<i32>} : memref<128xi32, #tpu.memory_space<vmem>>, vector<16xi32>,
      %add3A_1956 = vector.broadcast %max3A_1901 : i32 to vector<16xi32>
      %add3A_1957 = arith.addi %add3A_1956, %while3A_1948#3 : vector<16xi32>
      %min3A_1958 = arith.constant 4095 : i32
      %min3A_1959 = vector.broadcast %min3A_1958 : i32 to vector<16xi32>
      %min3A_1960 = arith.minsi %add3A_1957, %min3A_1959 : vector<16xi32>
      %swap3A_1961 = arith.constant 16 : index
      %swap3A_1962 = tpu.vector_load %arg8[%swap3A_1961] {strides = array<i32>} : memref<128xi32, #tpu.memory_space<vmem>>, vector<16xi32>,
      tpu.vector_store %arg8[%swap3A_1961], %min3A_1960 {strides = array<i32>} : memref<128xi32, #tpu.memory_space<vmem>>, vector<16xi32>,
      %add3A_1963 = vector.broadcast %max3A_1901 : i32 to vector<16xi32>
      %add3A_1964 = arith.addi %add3A_1963, %while3A_1948#4 : vector<16xi32>
      %min3A_1965 = arith.constant 4095 : i32
      %min3A_1966 = vector.broadcast %min3A_1965 : i32 to vector<16xi32>
      %min3A_1967 = arith.minsi %add3A_1964, %min3A_1966 : vector<16xi32>
      %swap3A_1968 = arith.constant 32 : index
      %swap3A_1969 = tpu.vector_load %arg8[%swap3A_1968] {strides = array<i32>} : memref<128xi32, #tpu.memory_space<vmem>>, vector<16xi32>,
      tpu.vector_store %arg8[%swap3A_1968], %min3A_1967 {strides = array<i32>} : memref<128xi32, #tpu.memory_space<vmem>>, vector<16xi32>,
      %add3A_1970 = vector.broadcast %max3A_1901 : i32 to vector<16xi32>
      %add3A_1971 = arith.addi %add3A_1970, %while3A_1948#5 : vector<16xi32>
      %min3A_1972 = arith.constant 4095 : i32
      %min3A_1973 = vector.broadcast %min3A_1972 : i32 to vector<16xi32>
      %min3A_1974 = arith.minsi %add3A_1971, %min3A_1973 : vector<16xi32>
      %swap3A_1975 = arith.constant 48 : index
      %swap3A_1976 = tpu.vector_load %arg8[%swap3A_1975] {strides = array<i32>} : memref<128xi32, #tpu.memory_space<vmem>>, vector<16xi32>,
      tpu.vector_store %arg8[%swap3A_1975], %min3A_1974 {strides = array<i32>} : memref<128xi32, #tpu.memory_space<vmem>>, vector<16xi32>,
      %add3A_1977 = vector.broadcast %max3A_1901 : i32 to vector<16xi32>
      %add3A_1978 = arith.addi %add3A_1977, %while3A_1948#6 : vector<16xi32>
      %min3A_1979 = arith.constant 4095 : i32
      %min3A_1980 = vector.broadcast %min3A_1979 : i32 to vector<16xi32>
      %min3A_1981 = arith.minsi %add3A_1978, %min3A_1980 : vector<16xi32>
      %swap3A_1982 = arith.constant 64 : index
      %swap3A_1983 = tpu.vector_load %arg8[%swap3A_1982] {strides = array<i32>} : memref<128xi32, #tpu.memory_space<vmem>>, vector<16xi32>,
      tpu.vector_store %arg8[%swap3A_1982], %min3A_1981 {strides = array<i32>} : memref<128xi32, #tpu.memory_space<vmem>>, vector<16xi32>,
      %add3A_1984 = vector.broadcast %max3A_1901 : i32 to vector<16xi32>
      %add3A_1985 = arith.addi %add3A_1984, %while3A_1948#7 : vector<16xi32>
      %min3A_1986 = arith.constant 4095 : i32
      %min3A_1987 = vector.broadcast %min3A_1986 : i32 to vector<16xi32>
      %min3A_1988 = arith.minsi %add3A_1985, %min3A_1987 : vector<16xi32>
      %swap3A_1989 = arith.constant 80 : index
      %swap3A_1990 = tpu.vector_load %arg8[%swap3A_1989] {strides = array<i32>} : memref<128xi32, #tpu.memory_space<vmem>>, vector<16xi32>,
      tpu.vector_store %arg8[%swap3A_1989], %min3A_1988 {strides = array<i32>} : memref<128xi32, #tpu.memory_space<vmem>>, vector<16xi32>,
      %add3A_1991 = vector.broadcast %max3A_1901 : i32 to vector<16xi32>
      %add3A_1992 = arith.addi %add3A_1991, %while3A_1948#8 : vector<16xi32>
      %min3A_1993 = arith.constant 4095 : i32
      %min3A_1994 = vector.broadcast %min3A_1993 : i32 to vector<16xi32>
      %min3A_1995 = arith.minsi %add3A_1992, %min3A_1994 : vector<16xi32>
      %swap3A_1996 = arith.constant 96 : index
      %swap3A_1997 = tpu.vector_load %arg8[%swap3A_1996] {strides = array<i32>} : memref<128xi32, #tpu.memory_space<vmem>>, vector<16xi32>,
      tpu.vector_store %arg8[%swap3A_1996], %min3A_1995 {strides = array<i32>} : memref<128xi32, #tpu.memory_space<vmem>>, vector<16xi32>,
      %add3A_1998 = vector.broadcast %max3A_1901 : i32 to vector<16xi32>
      %add3A_1999 = arith.addi %add3A_1998, %while3A_1948#9 : vector<16xi32>
      %min3A_2000 = arith.constant 4095 : i32
      %min3A_2001 = vector.broadcast %min3A_2000 : i32 to vector<16xi32>
      %min3A_2002 = arith.minsi %add3A_1999, %min3A_2001 : vector<16xi32>
      %swap3A_2003 = arith.constant 112 : index
      %swap3A_2004 = tpu.vector_load %arg8[%swap3A_2003] {strides = array<i32>} : memref<128xi32, #tpu.memory_space<vmem>>, vector<16xi32>,
      tpu.vector_store %arg8[%swap3A_2003], %min3A_2002 {strides = array<i32>} : memref<128xi32, #tpu.memory_space<vmem>>, vector<16xi32>,
      %add3A_2005 = vector.broadcast %max3A_1901 : i32 to vector<16xi32>
      %add3A_2006 = arith.addi %add3A_2005, %while3A_1948#10 : vector<16xi32>
      %min3A_2007 = arith.constant 4095 : i32
      %min3A_2008 = vector.broadcast %min3A_2007 : i32 to vector<16xi32>
      %min3A_2009 = arith.minsi %add3A_2006, %min3A_2008 : vector<16xi32>
      %swap3A_2010 = arith.constant 0 : index
      %swap3A_2011 = tpu.vector_load %arg9[%swap3A_2010] {strides = array<i32>} : memref<128xi32, #tpu.memory_space<vmem>>, vector<16xi32>,
      tpu.vector_store %arg9[%swap3A_2010], %min3A_2009 {strides = array<i32>} : memref<128xi32, #tpu.memory_space<vmem>>, vector<16xi32>,
      %add3A_2012 = vector.broadcast %max3A_1901 : i32 to vector<16xi32>
      %add3A_2013 = arith.addi %add3A_2012, %while3A_1948#11 : vector<16xi32>
      %min3A_2014 = arith.constant 4095 : i32
      %min3A_2015 = vector.broadcast %min3A_2014 : i32 to vector<16xi32>
      %min3A_2016 = arith.minsi %add3A_2013, %min3A_2015 : vector<16xi32>
      %swap3A_2017 = arith.constant 16 : index
      %swap3A_2018 = tpu.vector_load %arg9[%swap3A_2017] {strides = array<i32>} : memref<128xi32, #tpu.memory_space<vmem>>, vector<16xi32>,
      tpu.vector_store %arg9[%swap3A_2017], %min3A_2016 {strides = array<i32>} : memref<128xi32, #tpu.memory_space<vmem>>, vector<16xi32>,
      %add3A_2019 = vector.broadcast %max3A_1901 : i32 to vector<16xi32>
      %add3A_2020 = arith.addi %add3A_2019, %while3A_1948#12 : vector<16xi32>
      %min3A_2021 = arith.constant 4095 : i32
      %min3A_2022 = vector.broadcast %min3A_2021 : i32 to vector<16xi32>
      %min3A_2023 = arith.minsi %add3A_2020, %min3A_2022 : vector<16xi32>
      %swap3A_2024 = arith.constant 32 : index
      %swap3A_2025 = tpu.vector_load %arg9[%swap3A_2024] {strides = array<i32>} : memref<128xi32, #tpu.memory_space<vmem>>, vector<16xi32>,
      tpu.vector_store %arg9[%swap3A_2024], %min3A_2023 {strides = array<i32>} : memref<128xi32, #tpu.memory_space<vmem>>, vector<16xi32>,
      %add3A_2026 = vector.broadcast %max3A_1901 : i32 to vector<16xi32>
      %add3A_2027 = arith.addi %add3A_2026, %while3A_1948#13 : vector<16xi32>
      %min3A_2028 = arith.constant 4095 : i32
      %min3A_2029 = vector.broadcast %min3A_2028 : i32 to vector<16xi32>
      %min3A_2030 = arith.minsi %add3A_2027, %min3A_2029 : vector<16xi32>
      %swap3A_2031 = arith.constant 48 : index
      %swap3A_2032 = tpu.vector_load %arg9[%swap3A_2031] {strides = array<i32>} : memref<128xi32, #tpu.memory_space<vmem>>, vector<16xi32>,
      tpu.vector_store %arg9[%swap3A_2031], %min3A_2030 {strides = array<i32>} : memref<128xi32, #tpu.memory_space<vmem>>, vector<16xi32>,
      %add3A_2033 = vector.broadcast %max3A_1901 : i32 to vector<16xi32>
      %add3A_2034 = arith.addi %add3A_2033, %while3A_1948#14 : vector<16xi32>
      %min3A_2035 = arith.constant 4095 : i32
      %min3A_2036 = vector.broadcast %min3A_2035 : i32 to vector<16xi32>
      %min3A_2037 = arith.minsi %add3A_2034, %min3A_2036 : vector<16xi32>
      %swap3A_2038 = arith.constant 64 : index
      %swap3A_2039 = tpu.vector_load %arg9[%swap3A_2038] {strides = array<i32>} : memref<128xi32, #tpu.memory_space<vmem>>, vector<16xi32>,
      tpu.vector_store %arg9[%swap3A_2038], %min3A_2037 {strides = array<i32>} : memref<128xi32, #tpu.memory_space<vmem>>, vector<16xi32>,
      %add3A_2040 = vector.broadcast %max3A_1901 : i32 to vector<16xi32>
      %add3A_2041 = arith.addi %add3A_2040, %while3A_1948#15 : vector<16xi32>
      %min3A_2042 = arith.constant 4095 : i32
      %min3A_2043 = vector.broadcast %min3A_2042 : i32 to vector<16xi32>
      %min3A_2044 = arith.minsi %add3A_2041, %min3A_2043 : vector<16xi32>
      %swap3A_2045 = arith.constant 80 : index
      %swap3A_2046 = tpu.vector_load %arg9[%swap3A_2045] {strides = array<i32>} : memref<128xi32, #tpu.memory_space<vmem>>, vector<16xi32>,
      tpu.vector_store %arg9[%swap3A_2045], %min3A_2044 {strides = array<i32>} : memref<128xi32, #tpu.memory_space<vmem>>, vector<16xi32>,
      %add3A_2047 = vector.broadcast %max3A_1901 : i32 to vector<16xi32>
      %add3A_2048 = arith.addi %add3A_2047, %while3A_1948#16 : vector<16xi32>
      %min3A_2049 = arith.constant 4095 : i32
      %min3A_2050 = vector.broadcast %min3A_2049 : i32 to vector<16xi32>
      %min3A_2051 = arith.minsi %add3A_2048, %min3A_2050 : vector<16xi32>
      %swap3A_2052 = arith.constant 96 : index
      %swap3A_2053 = tpu.vector_load %arg9[%swap3A_2052] {strides = array<i32>} : memref<128xi32, #tpu.memory_space<vmem>>, vector<16xi32>,
      tpu.vector_store %arg9[%swap3A_2052], %min3A_2051 {strides = array<i32>} : memref<128xi32, #tpu.memory_space<vmem>>, vector<16xi32>,
      %add3A_2054 = vector.broadcast %max3A_1901 : i32 to vector<16xi32>
      %add3A_2055 = arith.addi %add3A_2054, %while3A_1948#17 : vector<16xi32>
      %min3A_2056 = arith.constant 4095 : i32
      %min3A_2057 = vector.broadcast %min3A_2056 : i32 to vector<16xi32>
      %min3A_2058 = arith.minsi %add3A_2055, %min3A_2057 : vector<16xi32>
      %swap3A_2059 = arith.constant 112 : index
      %swap3A_2060 = tpu.vector_load %arg9[%swap3A_2059] {strides = array<i32>} : memref<128xi32, #tpu.memory_space<vmem>>, vector<16xi32>,
      tpu.vector_store %arg9[%swap3A_2059], %min3A_2058 {strides = array<i32>} : memref<128xi32, #tpu.memory_space<vmem>>, vector<16xi32>,
      %dma_start3A_2061 = arith.constant 0 : i32
      %dma_start3A_2062 = arith.constant 0 : i32
      %dma_start3A_2063 = tpu.memref_slice %arg14[%dma_start3A_2061, %dma_start3A_2062] : memref<256x64xf32, #tpu.memory_space<vmem>> -> memref<128x64xf32, #tpu.memory_space<vmem>>
      %dma_start3A_2064 = arith.constant 0 : i32
      %dma_start3A_2065 = arith.constant 0 : i32
      %dma_start3A_2066 = tpu.memref_slice %arg17[%dma_start3A_2064, %dma_start3A_2065] : memref<4096x64xf32, #tpu.memory_space<vmem_shared>> -> memref<4096x64xf32, #tpu.memory_space<vmem_shared>>
      tpu.enqueue_indirect_dma source(%dma_start3A_2063 : memref<128x64xf32, #tpu.memory_space<vmem>>) target(%dma_start3A_2066 : memref<4096x64xf32, #tpu.memory_space<vmem_shared>>) offsets(%arg8 : memref<128xi32, #tpu.memory_space<vmem>>) semaphore(%arg21 : memref<!tpu.dma_semaphore, #tpu.memory_space<semaphore_mem>>) {add = true}
      %dma_start3A_2067 = arith.constant 128 : i32
      %dma_start3A_2068 = arith.constant 0 : i32
      %dma_start3A_2069 = tpu.memref_slice %arg14[%dma_start3A_2067, %dma_start3A_2068] : memref<256x64xf32, #tpu.memory_space<vmem>> -> memref<128x64xf32, #tpu.memory_space<vmem>>
      %dma_start3A_2070 = arith.constant 0 : i32
      %dma_start3A_2071 = arith.constant 0 : i32
      %dma_start3A_2072 = tpu.memref_slice %arg17[%dma_start3A_2070, %dma_start3A_2071] : memref<4096x64xf32, #tpu.memory_space<vmem_shared>> -> memref<4096x64xf32, #tpu.memory_space<vmem_shared>>
      tpu.enqueue_indirect_dma source(%dma_start3A_2069 : memref<128x64xf32, #tpu.memory_space<vmem>>) target(%dma_start3A_2072 : memref<4096x64xf32, #tpu.memory_space<vmem_shared>>) offsets(%arg9 : memref<128xi32, #tpu.memory_space<vmem>>) semaphore(%arg21 : memref<!tpu.dma_semaphore, #tpu.memory_space<semaphore_mem>>) {add = true}
      %add3A_2073 = arith.constant 2 : i32
      %add3A_2074 = arith.addi %add3A_1378, %add3A_2073 : i32
      %mul3A_2075 = arith.constant 256 : i32
      %mul3A_2076 = arith.muli %add3A_2074, %mul3A_2075 : i32
      %dma_wait3A_2077 = tpu.memref_slice %arg7[%mul3A_2076] : memref<6400xi32, #tpu.memory_space<vmem>> -> memref<256xi32, #tpu.memory_space<vmem>>
      %dma_wait3A_2078 = arith.constant 0 : i32
      %dma_wait3A_2079 = arith.constant 0 : i32
      %dma_wait3A_2080 = tpu.memref_slice %arg2[%dma_wait3A_2078, %dma_wait3A_2079] : memref<100000x64xf32, #tpu.memory_space<hbm>> -> memref<100000x64xf32, #tpu.memory_space<hbm>>
      tpu.wait_indirect_dma semaphore(%arg19 : memref<!tpu.dma_semaphore, #tpu.memory_space<semaphore_mem>>) src(%dma_wait3A_2080 : memref<100000x64xf32, #tpu.memory_space<hbm>>) dst(%arg15 : memref<256x64xf32, #tpu.memory_space<vmem>>)
      %dma_wait3A_2081 = arith.constant 0 : i32
      %dma_wait3A_2082 = arith.constant 0 : i32
      %dma_wait3A_2083 = tpu.memref_slice %arg16[%dma_wait3A_2081, %dma_wait3A_2082] : memref<256x64xf32, #tpu.memory_space<vmem>> -> memref<128x64xf32, #tpu.memory_space<vmem>>
      %dma_wait3A_2084 = arith.constant 0 : i32
      %dma_wait3A_2085 = arith.constant 0 : i32
      %dma_wait3A_2086 = tpu.memref_slice %arg17[%dma_wait3A_2084, %dma_wait3A_2085] : memref<4096x64xf32, #tpu.memory_space<vmem_shared>> -> memref<4096x64xf32, #tpu.memory_space<vmem_shared>>
      tpu.wait_indirect_dma semaphore(%arg23 : memref<!tpu.dma_semaphore, #tpu.memory_space<semaphore_mem>>) src(%dma_wait3A_2083 : memref<128x64xf32, #tpu.memory_space<vmem>>) dst(%dma_wait3A_2086 : memref<4096x64xf32, #tpu.memory_space<vmem_shared>>)
      %dma_wait3A_2087 = arith.constant 128 : i32
      %dma_wait3A_2088 = arith.constant 0 : i32
      %dma_wait3A_2089 = tpu.memref_slice %arg16[%dma_wait3A_2087, %dma_wait3A_2088] : memref<256x64xf32, #tpu.memory_space<vmem>> -> memref<128x64xf32, #tpu.memory_space<vmem>>
      %dma_wait3A_2090 = arith.constant 0 : i32
      %dma_wait3A_2091 = arith.constant 0 : i32
      %dma_wait3A_2092 = tpu.memref_slice %arg17[%dma_wait3A_2090, %dma_wait3A_2091] : memref<4096x64xf32, #tpu.memory_space<vmem_shared>> -> memref<4096x64xf32, #tpu.memory_space<vmem_shared>>
      tpu.wait_indirect_dma semaphore(%arg23 : memref<!tpu.dma_semaphore, #tpu.memory_space<semaphore_mem>>) src(%dma_wait3A_2089 : memref<128x64xf32, #tpu.memory_space<vmem>>) dst(%dma_wait3A_2092 : memref<4096x64xf32, #tpu.memory_space<vmem_shared>>)
      %add3A_2093 = arith.constant 1 : i32
      %add3A_2094 = arith.addi %add3A_2074, %add3A_2093 : i32
      %mul3A_2095 = arith.constant 256 : i32
      %mul3A_2096 = arith.muli %add3A_2094, %mul3A_2095 : i32
      %dma_start3A_2097 = tpu.memref_slice %arg7[%mul3A_2096] : memref<6400xi32, #tpu.memory_space<vmem>> -> memref<256xi32, #tpu.memory_space<vmem>>
      %dma_start3A_2098 = arith.constant 0 : i32
      %dma_start3A_2099 = arith.constant 0 : i32
      %dma_start3A_2100 = tpu.memref_slice %arg2[%dma_start3A_2098, %dma_start3A_2099] : memref<100000x64xf32, #tpu.memory_space<hbm>> -> memref<100000x64xf32, #tpu.memory_space<hbm>>
      tpu.enqueue_indirect_dma source(%dma_start3A_2100 : memref<100000x64xf32, #tpu.memory_space<hbm>>) target(%arg16 : memref<256x64xf32, #tpu.memory_space<vmem>>) offsets(%dma_start3A_2097 : memref<256xi32, #tpu.memory_space<vmem>>) semaphore(%arg20 : memref<!tpu.dma_semaphore, #tpu.memory_space<semaphore_mem>>)
      %mul3A_2101 = arith.constant 6400 : i32
      %mul3A_2102 = arith.muli %add3A, %mul3A_2101 : i32
      %mul3A_2103 = arith.constant 256 : i32
      %mul3A_2104 = arith.muli %add3A_2074, %mul3A_2103 : i32
      %add3A_2105 = arith.addi %mul3A_2102, %mul3A_2104 : i32
      %add3A_2106 = vector.broadcast %add3A_2105 : i32 to vector<16xi32>
      %add3A_2107 = arith.addi %add3A_2106, %iota3A : vector<16xi32>
      %broadcast_in_dim3A_2108 = arith.constant 0 : i32
      %broadcast_in_dim3A_2109 = vector.broadcast %broadcast_in_dim3A_2108 : i32 to vector<16xi32>
      %broadcast_in_dim3A_2110 = arith.constant 4096 : i32
      %broadcast_in_dim3A_2111 = vector.broadcast %broadcast_in_dim3A_2110 : i32 to vector<16xi32>
      %add3A_2112 = arith.addi %broadcast_in_dim3A_2109, %broadcast_in_dim3A_2111 : vector<16xi32>
      %shift_right_arithmetic3A_2113 = arith.constant 1 : i32
      %shift_right_arithmetic3A_2114 = vector.broadcast %shift_right_arithmetic3A_2113 : i32 to vector<16xi32>
      %shift_right_arithmetic3A_2115 = arith.shrsi %add3A_2112, %shift_right_arithmetic3A_2114 : vector<16xi32>
      %gather3A_2116 = tpu.vector_load_idx %arg6[%shift_right_arithmetic3A_2115] : memref<4096xi32, #tpu.memory_space<vmem>>[vector<16xi32>], vector<16xi32>,
      %le3A_2117 = arith.cmpi sle, %gather3A_2116, %add3A_2107 : vector<16xi32>
      %add3A_2118 = arith.constant 1 : i32
      %add3A_2119 = vector.broadcast %add3A_2118 : i32 to vector<16xi32>
      %add3A_2120 = arith.addi %shift_right_arithmetic3A_2115, %add3A_2119 : vector<16xi32>
      %select_n3A_2121 = arith.select %le3A_2117, %add3A_2120, %broadcast_in_dim3A_2109 : vector<16xi1>, vector<16xi32>
      %select_n3A_2122 = arith.select %le3A_2117, %broadcast_in_dim3A_2111, %shift_right_arithmetic3A_2115 : vector<16xi1>, vector<16xi32>
      %add3A_2123 = arith.addi %select_n3A_2121, %select_n3A_2122 : vector<16xi32>
      %shift_right_arithmetic3A_2124 = arith.constant 1 : i32
      %shift_right_arithmetic3A_2125 = vector.broadcast %shift_right_arithmetic3A_2124 : i32 to vector<16xi32>
      %shift_right_arithmetic3A_2126 = arith.shrsi %add3A_2123, %shift_right_arithmetic3A_2125 : vector<16xi32>
      %gather3A_2127 = tpu.vector_load_idx %arg6[%shift_right_arithmetic3A_2126] : memref<4096xi32, #tpu.memory_space<vmem>>[vector<16xi32>], vector<16xi32>,
      %le3A_2128 = arith.cmpi sle, %gather3A_2127, %add3A_2107 : vector<16xi32>
      %add3A_2129 = arith.constant 1 : i32
      %add3A_2130 = vector.broadcast %add3A_2129 : i32 to vector<16xi32>
      %add3A_2131 = arith.addi %shift_right_arithmetic3A_2126, %add3A_2130 : vector<16xi32>
      %select_n3A_2132 = arith.select %le3A_2128, %add3A_2131, %select_n3A_2121 : vector<16xi1>, vector<16xi32>
      %select_n3A_2133 = arith.select %le3A_2128, %select_n3A_2122, %shift_right_arithmetic3A_2126 : vector<16xi1>, vector<16xi32>
      %add3A_2134 = arith.addi %select_n3A_2132, %select_n3A_2133 : vector<16xi32>
      %shift_right_arithmetic3A_2135 = arith.constant 1 : i32
      %shift_right_arithmetic3A_2136 = vector.broadcast %shift_right_arithmetic3A_2135 : i32 to vector<16xi32>
      %shift_right_arithmetic3A_2137 = arith.shrsi %add3A_2134, %shift_right_arithmetic3A_2136 : vector<16xi32>
      %gather3A_2138 = tpu.vector_load_idx %arg6[%shift_right_arithmetic3A_2137] : memref<4096xi32, #tpu.memory_space<vmem>>[vector<16xi32>], vector<16xi32>,
      %le3A_2139 = arith.cmpi sle, %gather3A_2138, %add3A_2107 : vector<16xi32>
      %add3A_2140 = arith.constant 1 : i32
      %add3A_2141 = vector.broadcast %add3A_2140 : i32 to vector<16xi32>
      %add3A_2142 = arith.addi %shift_right_arithmetic3A_2137, %add3A_2141 : vector<16xi32>
      %select_n3A_2143 = arith.select %le3A_2139, %add3A_2142, %select_n3A_2132 : vector<16xi1>, vector<16xi32>
      %select_n3A_2144 = arith.select %le3A_2139, %select_n3A_2133, %shift_right_arithmetic3A_2137 : vector<16xi1>, vector<16xi32>
      %add3A_2145 = arith.addi %select_n3A_2143, %select_n3A_2144 : vector<16xi32>
      %shift_right_arithmetic3A_2146 = arith.constant 1 : i32
      %shift_right_arithmetic3A_2147 = vector.broadcast %shift_right_arithmetic3A_2146 : i32 to vector<16xi32>
      %shift_right_arithmetic3A_2148 = arith.shrsi %add3A_2145, %shift_right_arithmetic3A_2147 : vector<16xi32>
      %gather3A_2149 = tpu.vector_load_idx %arg6[%shift_right_arithmetic3A_2148] : memref<4096xi32, #tpu.memory_space<vmem>>[vector<16xi32>], vector<16xi32>,
      %le3A_2150 = arith.cmpi sle, %gather3A_2149, %add3A_2107 : vector<16xi32>
      %add3A_2151 = arith.constant 1 : i32
      %add3A_2152 = vector.broadcast %add3A_2151 : i32 to vector<16xi32>
      %add3A_2153 = arith.addi %shift_right_arithmetic3A_2148, %add3A_2152 : vector<16xi32>
      %select_n3A_2154 = arith.select %le3A_2150, %add3A_2153, %select_n3A_2143 : vector<16xi1>, vector<16xi32>
      %select_n3A_2155 = arith.select %le3A_2150, %select_n3A_2144, %shift_right_arithmetic3A_2148 : vector<16xi1>, vector<16xi32>
      %add3A_2156 = arith.addi %select_n3A_2154, %select_n3A_2155 : vector<16xi32>
      %shift_right_arithmetic3A_2157 = arith.constant 1 : i32
      %shift_right_arithmetic3A_2158 = vector.broadcast %shift_right_arithmetic3A_2157 : i32 to vector<16xi32>
      %shift_right_arithmetic3A_2159 = arith.shrsi %add3A_2156, %shift_right_arithmetic3A_2158 : vector<16xi32>
      %gather3A_2160 = tpu.vector_load_idx %arg6[%shift_right_arithmetic3A_2159] : memref<4096xi32, #tpu.memory_space<vmem>>[vector<16xi32>], vector<16xi32>,
      %le3A_2161 = arith.cmpi sle, %gather3A_2160, %add3A_2107 : vector<16xi32>
      %add3A_2162 = arith.constant 1 : i32
      %add3A_2163 = vector.broadcast %add3A_2162 : i32 to vector<16xi32>
      %add3A_2164 = arith.addi %shift_right_arithmetic3A_2159, %add3A_2163 : vector<16xi32>
      %select_n3A_2165 = arith.select %le3A_2161, %add3A_2164, %select_n3A_2154 : vector<16xi1>, vector<16xi32>
      %select_n3A_2166 = arith.select %le3A_2161, %select_n3A_2155, %shift_right_arithmetic3A_2159 : vector<16xi1>, vector<16xi32>
      %add3A_2167 = arith.addi %select_n3A_2165, %select_n3A_2166 : vector<16xi32>
      %shift_right_arithmetic3A_2168 = arith.constant 1 : i32
      %shift_right_arithmetic3A_2169 = vector.broadcast %shift_right_arithmetic3A_2168 : i32 to vector<16xi32>
      %shift_right_arithmetic3A_2170 = arith.shrsi %add3A_2167, %shift_right_arithmetic3A_2169 : vector<16xi32>
      %gather3A_2171 = tpu.vector_load_idx %arg6[%shift_right_arithmetic3A_2170] : memref<4096xi32, #tpu.memory_space<vmem>>[vector<16xi32>], vector<16xi32>,
      %le3A_2172 = arith.cmpi sle, %gather3A_2171, %add3A_2107 : vector<16xi32>
      %add3A_2173 = arith.constant 1 : i32
      %add3A_2174 = vector.broadcast %add3A_2173 : i32 to vector<16xi32>
      %add3A_2175 = arith.addi %shift_right_arithmetic3A_2170, %add3A_2174 : vector<16xi32>
      %select_n3A_2176 = arith.select %le3A_2172, %add3A_2175, %select_n3A_2165 : vector<16xi1>, vector<16xi32>
      %select_n3A_2177 = arith.select %le3A_2172, %select_n3A_2166, %shift_right_arithmetic3A_2170 : vector<16xi1>, vector<16xi32>
      %add3A_2178 = arith.addi %select_n3A_2176, %select_n3A_2177 : vector<16xi32>
      %shift_right_arithmetic3A_2179 = arith.constant 1 : i32
      %shift_right_arithmetic3A_2180 = vector.broadcast %shift_right_arithmetic3A_2179 : i32 to vector<16xi32>
      %shift_right_arithmetic3A_2181 = arith.shrsi %add3A_2178, %shift_right_arithmetic3A_2180 : vector<16xi32>
      %gather3A_2182 = tpu.vector_load_idx %arg6[%shift_right_arithmetic3A_2181] : memref<4096xi32, #tpu.memory_space<vmem>>[vector<16xi32>], vector<16xi32>,
      %le3A_2183 = arith.cmpi sle, %gather3A_2182, %add3A_2107 : vector<16xi32>
      %add3A_2184 = arith.constant 1 : i32
      %add3A_2185 = vector.broadcast %add3A_2184 : i32 to vector<16xi32>
      %add3A_2186 = arith.addi %shift_right_arithmetic3A_2181, %add3A_2185 : vector<16xi32>
      %select_n3A_2187 = arith.select %le3A_2183, %add3A_2186, %select_n3A_2176 : vector<16xi1>, vector<16xi32>
      %select_n3A_2188 = arith.select %le3A_2183, %select_n3A_2177, %shift_right_arithmetic3A_2181 : vector<16xi1>, vector<16xi32>
      %add3A_2189 = arith.addi %select_n3A_2187, %select_n3A_2188 : vector<16xi32>
      %shift_right_arithmetic3A_2190 = arith.constant 1 : i32
      %shift_right_arithmetic3A_2191 = vector.broadcast %shift_right_arithmetic3A_2190 : i32 to vector<16xi32>
      %shift_right_arithmetic3A_2192 = arith.shrsi %add3A_2189, %shift_right_arithmetic3A_2191 : vector<16xi32>
      %gather3A_2193 = tpu.vector_load_idx %arg6[%shift_right_arithmetic3A_2192] : memref<4096xi32, #tpu.memory_space<vmem>>[vector<16xi32>], vector<16xi32>,
      %le3A_2194 = arith.cmpi sle, %gather3A_2193, %add3A_2107 : vector<16xi32>
      %add3A_2195 = arith.constant 1 : i32
      %add3A_2196 = vector.broadcast %add3A_2195 : i32 to vector<16xi32>
      %add3A_2197 = arith.addi %shift_right_arithmetic3A_2192, %add3A_2196 : vector<16xi32>
      %select_n3A_2198 = arith.select %le3A_2194, %add3A_2197, %select_n3A_2187 : vector<16xi1>, vector<16xi32>
      %select_n3A_2199 = arith.select %le3A_2194, %select_n3A_2188, %shift_right_arithmetic3A_2192 : vector<16xi1>, vector<16xi32>
      %add3A_2200 = arith.addi %select_n3A_2198, %select_n3A_2199 : vector<16xi32>
      %shift_right_arithmetic3A_2201 = arith.constant 1 : i32
      %shift_right_arithmetic3A_2202 = vector.broadcast %shift_right_arithmetic3A_2201 : i32 to vector<16xi32>
      %shift_right_arithmetic3A_2203 = arith.shrsi %add3A_2200, %shift_right_arithmetic3A_2202 : vector<16xi32>
      %gather3A_2204 = tpu.vector_load_idx %arg6[%shift_right_arithmetic3A_2203] : memref<4096xi32, #tpu.memory_space<vmem>>[vector<16xi32>], vector<16xi32>,
      %le3A_2205 = arith.cmpi sle, %gather3A_2204, %add3A_2107 : vector<16xi32>
      %add3A_2206 = arith.constant 1 : i32
      %add3A_2207 = vector.broadcast %add3A_2206 : i32 to vector<16xi32>
      %add3A_2208 = arith.addi %shift_right_arithmetic3A_2203, %add3A_2207 : vector<16xi32>
      %select_n3A_2209 = arith.select %le3A_2205, %add3A_2208, %select_n3A_2198 : vector<16xi1>, vector<16xi32>
      %select_n3A_2210 = arith.select %le3A_2205, %select_n3A_2199, %shift_right_arithmetic3A_2203 : vector<16xi1>, vector<16xi32>
      %add3A_2211 = arith.addi %select_n3A_2209, %select_n3A_2210 : vector<16xi32>
      %shift_right_arithmetic3A_2212 = arith.constant 1 : i32
      %shift_right_arithmetic3A_2213 = vector.broadcast %shift_right_arithmetic3A_2212 : i32 to vector<16xi32>
      %shift_right_arithmetic3A_2214 = arith.shrsi %add3A_2211, %shift_right_arithmetic3A_2213 : vector<16xi32>
      %gather3A_2215 = tpu.vector_load_idx %arg6[%shift_right_arithmetic3A_2214] : memref<4096xi32, #tpu.memory_space<vmem>>[vector<16xi32>], vector<16xi32>,
      %le3A_2216 = arith.cmpi sle, %gather3A_2215, %add3A_2107 : vector<16xi32>
      %add3A_2217 = arith.constant 1 : i32
      %add3A_2218 = vector.broadcast %add3A_2217 : i32 to vector<16xi32>
      %add3A_2219 = arith.addi %shift_right_arithmetic3A_2214, %add3A_2218 : vector<16xi32>
      %select_n3A_2220 = arith.select %le3A_2216, %add3A_2219, %select_n3A_2209 : vector<16xi1>, vector<16xi32>
      %select_n3A_2221 = arith.select %le3A_2216, %select_n3A_2210, %shift_right_arithmetic3A_2214 : vector<16xi1>, vector<16xi32>
      %add3A_2222 = arith.addi %select_n3A_2220, %select_n3A_2221 : vector<16xi32>
      %shift_right_arithmetic3A_2223 = arith.constant 1 : i32
      %shift_right_arithmetic3A_2224 = vector.broadcast %shift_right_arithmetic3A_2223 : i32 to vector<16xi32>
      %shift_right_arithmetic3A_2225 = arith.shrsi %add3A_2222, %shift_right_arithmetic3A_2224 : vector<16xi32>
      %gather3A_2226 = tpu.vector_load_idx %arg6[%shift_right_arithmetic3A_2225] : memref<4096xi32, #tpu.memory_space<vmem>>[vector<16xi32>], vector<16xi32>,
      %le3A_2227 = arith.cmpi sle, %gather3A_2226, %add3A_2107 : vector<16xi32>
      %add3A_2228 = arith.constant 1 : i32
      %add3A_2229 = vector.broadcast %add3A_2228 : i32 to vector<16xi32>
      %add3A_2230 = arith.addi %shift_right_arithmetic3A_2225, %add3A_2229 : vector<16xi32>
      %select_n3A_2231 = arith.select %le3A_2227, %add3A_2230, %select_n3A_2220 : vector<16xi1>, vector<16xi32>
      %select_n3A_2232 = arith.select %le3A_2227, %select_n3A_2221, %shift_right_arithmetic3A_2225 : vector<16xi1>, vector<16xi32>
      %add3A_2233 = arith.addi %select_n3A_2231, %select_n3A_2232 : vector<16xi32>
      %shift_right_arithmetic3A_2234 = arith.constant 1 : i32
      %shift_right_arithmetic3A_2235 = vector.broadcast %shift_right_arithmetic3A_2234 : i32 to vector<16xi32>
      %shift_right_arithmetic3A_2236 = arith.shrsi %add3A_2233, %shift_right_arithmetic3A_2235 : vector<16xi32>
      %gather3A_2237 = tpu.vector_load_idx %arg6[%shift_right_arithmetic3A_2236] : memref<4096xi32, #tpu.memory_space<vmem>>[vector<16xi32>], vector<16xi32>,
      %le3A_2238 = arith.cmpi sle, %gather3A_2237, %add3A_2107 : vector<16xi32>
      %add3A_2239 = arith.constant 1 : i32
      %add3A_2240 = vector.broadcast %add3A_2239 : i32 to vector<16xi32>
      %add3A_2241 = arith.addi %shift_right_arithmetic3A_2236, %add3A_2240 : vector<16xi32>
      %select_n3A_2242 = arith.select %le3A_2238, %add3A_2241, %select_n3A_2231 : vector<16xi1>, vector<16xi32>
      %select_n3A_2243 = arith.select %le3A_2238, %select_n3A_2232, %shift_right_arithmetic3A_2236 : vector<16xi1>, vector<16xi32>
      %slice3A_2244 = vector.extract_strided_slice %select_n3A_2242 {offsets = [0], sizes = [1], strides = [1]} : vector<16xi32> to vector<1xi32>
      %squeeze3A_2245 = vector.extract %slice3A_2244[0] : i32 from vector<1xi32>
      %sub3A_2246 = arith.constant 1 : i32
      %sub3A_2247 = arith.subi %squeeze3A_2245, %sub3A_2246 : i32
      %max3A_2248 = arith.constant 0 : i32
      %max3A_2249 = arith.maxsi %sub3A_2247, %max3A_2248 : i32
      %add3A_2250 = arith.constant 256 : i32
      %add3A_2251 = arith.addi %add3A_2105, %add3A_2250 : i32
      %sub3A_2252 = arith.constant 1 : i32
      %sub3A_2253 = arith.subi %add3A_2251, %sub3A_2252 : i32
      %add3A_2254 = arith.constant 1 : i32
      %add3A_2255 = arith.addi %max3A_2249, %add3A_2254 : i32
      %add3A_2256 = arith.constant 1 : i32
      %add3A_2257 = arith.addi %max3A_2249, %add3A_2256 : i32
      %min3A_2258 = arith.constant 4095 : i32
      %min3A_2259 = arith.minsi %add3A_2257, %min3A_2258 : i32
      %broadcast_in_dim3A_2260 = vector.broadcast %min3A_2259 : i32 to vector<16xi32>
      %gather3A_2261 = tpu.vector_load_idx %arg6[%broadcast_in_dim3A_2260] : memref<4096xi32, #tpu.memory_space<vmem>>[vector<16xi32>], vector<16xi32>,
      %slice3A_2262 = vector.extract_strided_slice %gather3A_2261 {offsets = [0], sizes = [1], strides = [1]} : vector<16xi32> to vector<1xi32>
      %squeeze3A_2263 = vector.extract %slice3A_2262[0] : i32 from vector<1xi32>
      %broadcast_in_dim3A_2264 = arith.constant 0 : i32
      %broadcast_in_dim3A_2265 = vector.broadcast %broadcast_in_dim3A_2264 : i32 to vector<16xi32>
      %broadcast_in_dim3A_2266 = arith.constant 0 : i32
      %broadcast_in_dim3A_2267 = vector.broadcast %broadcast_in_dim3A_2266 : i32 to vector<16xi32>
      %broadcast_in_dim3A_2268 = arith.constant 0 : i32
      %broadcast_in_dim3A_2269 = vector.broadcast %broadcast_in_dim3A_2268 : i32 to vector<16xi32>
      %broadcast_in_dim3A_2270 = arith.constant 0 : i32
      %broadcast_in_dim3A_2271 = vector.broadcast %broadcast_in_dim3A_2270 : i32 to vector<16xi32>
      %broadcast_in_dim3A_2272 = arith.constant 0 : i32
      %broadcast_in_dim3A_2273 = vector.broadcast %broadcast_in_dim3A_2272 : i32 to vector<16xi32>
      %broadcast_in_dim3A_2274 = arith.constant 0 : i32
      %broadcast_in_dim3A_2275 = vector.broadcast %broadcast_in_dim3A_2274 : i32 to vector<16xi32>
      %broadcast_in_dim3A_2276 = arith.constant 0 : i32
      %broadcast_in_dim3A_2277 = vector.broadcast %broadcast_in_dim3A_2276 : i32 to vector<16xi32>
      %broadcast_in_dim3A_2278 = arith.constant 0 : i32
      %broadcast_in_dim3A_2279 = vector.broadcast %broadcast_in_dim3A_2278 : i32 to vector<16xi32>
      %broadcast_in_dim3A_2280 = arith.constant 0 : i32
      %broadcast_in_dim3A_2281 = vector.broadcast %broadcast_in_dim3A_2280 : i32 to vector<16xi32>
      %broadcast_in_dim3A_2282 = arith.constant 0 : i32
      %broadcast_in_dim3A_2283 = vector.broadcast %broadcast_in_dim3A_2282 : i32 to vector<16xi32>
      %broadcast_in_dim3A_2284 = arith.constant 0 : i32
      %broadcast_in_dim3A_2285 = vector.broadcast %broadcast_in_dim3A_2284 : i32 to vector<16xi32>
      %broadcast_in_dim3A_2286 = arith.constant 0 : i32
      %broadcast_in_dim3A_2287 = vector.broadcast %broadcast_in_dim3A_2286 : i32 to vector<16xi32>
      %broadcast_in_dim3A_2288 = arith.constant 0 : i32
      %broadcast_in_dim3A_2289 = vector.broadcast %broadcast_in_dim3A_2288 : i32 to vector<16xi32>
      %broadcast_in_dim3A_2290 = arith.constant 0 : i32
      %broadcast_in_dim3A_2291 = vector.broadcast %broadcast_in_dim3A_2290 : i32 to vector<16xi32>
      %broadcast_in_dim3A_2292 = arith.constant 0 : i32
      %broadcast_in_dim3A_2293 = vector.broadcast %broadcast_in_dim3A_2292 : i32 to vector<16xi32>
      %broadcast_in_dim3A_2294 = arith.constant 0 : i32
      %broadcast_in_dim3A_2295 = vector.broadcast %broadcast_in_dim3A_2294 : i32 to vector<16xi32>
      %while3A_2296:18 = scf.while (%while3A_2421 = %add3A_2255, %while3A_2422 = %squeeze3A_2263, %while3A_2423 = %broadcast_in_dim3A_2265, %while3A_2424 = %broadcast_in_dim3A_2267, %while3A_2425 = %broadcast_in_dim3A_2269, %while3A_2426 = %broadcast_in_dim3A_2271, %while3A_2427 = %broadcast_in_dim3A_2273, %while3A_2428 = %broadcast_in_dim3A_2275, %while3A_2429 = %broadcast_in_dim3A_2277, %while3A_2430 = %broadcast_in_dim3A_2279, %while3A_2431 = %broadcast_in_dim3A_2281, %while3A_2432 = %broadcast_in_dim3A_2283, %while3A_2433 = %broadcast_in_dim3A_2285, %while3A_2434 = %broadcast_in_dim3A_2287, %while3A_2435 = %broadcast_in_dim3A_2289, %while3A_2436 = %broadcast_in_dim3A_2291, %while3A_2437 = %broadcast_in_dim3A_2293, %while3A_2438 = %broadcast_in_dim3A_2295) : (i32, i32, vector<16xi32>, vector<16xi32>, vector<16xi32>, vector<16xi32>, vector<16xi32>, vector<16xi32>, vector<16xi32>, vector<16xi32>, vector<16xi32>, vector<16xi32>, vector<16xi32>, vector<16xi32>, vector<16xi32>, vector<16xi32>, vector<16xi32>, vector<16xi32>) -> (i32, i32, vector<16xi32>, vector<16xi32>, vector<16xi32>, vector<16xi32>, vector<16xi32>, vector<16xi32>, vector<16xi32>, vector<16xi32>, vector<16xi32>, vector<16xi32>, vector<16xi32>, vector<16xi32>, vector<16xi32>, vector<16xi32>, vector<16xi32>, vector<16xi32>) {
        %lt3A = arith.constant 4096 : i32
        %lt3A_2439 = arith.cmpi slt, %while3A_2421, %lt3A : i32
        %le3A_2440 = arith.cmpi sle, %while3A_2422, %sub3A_2253 : i32
        %and3A = arith.andi %lt3A_2439, %le3A_2440 : i1
        scf.condition(%and3A) %while3A_2421, %while3A_2422, %while3A_2423, %while3A_2424, %while3A_2425, %while3A_2426, %while3A_2427, %while3A_2428, %while3A_2429, %while3A_2430, %while3A_2431, %while3A_2432, %while3A_2433, %while3A_2434, %while3A_2435, %while3A_2436, %while3A_2437, %while3A_2438 : i32, i32, vector<16xi32>, vector<16xi32>, vector<16xi32>, vector<16xi32>, vector<16xi32>, vector<16xi32>, vector<16xi32>, vector<16xi32>, vector<16xi32>, vector<16xi32>, vector<16xi32>, vector<16xi32>, vector<16xi32>, vector<16xi32>, vector<16xi32>, vector<16xi32>
      } do {
      ^bb0(%while3A_2421: i32, %while3A_2422: i32, %while3A_2423: vector<16xi32>, %while3A_2424: vector<16xi32>, %while3A_2425: vector<16xi32>, %while3A_2426: vector<16xi32>, %while3A_2427: vector<16xi32>, %while3A_2428: vector<16xi32>, %while3A_2429: vector<16xi32>, %while3A_2430: vector<16xi32>, %while3A_2431: vector<16xi32>, %while3A_2432: vector<16xi32>, %while3A_2433: vector<16xi32>, %while3A_2434: vector<16xi32>, %while3A_2435: vector<16xi32>, %while3A_2436: vector<16xi32>, %while3A_2437: vector<16xi32>, %while3A_2438: vector<16xi32>):
        %broadcast_in_dim3A_2439 = vector.broadcast %while3A_2422 : i32 to vector<16xi32>
        %add3A_2440 = arith.constant 0 : i32
        %add3A_2441 = arith.addi %add3A_2105, %add3A_2440 : i32
        %add3A_2442 = vector.broadcast %add3A_2441 : i32 to vector<16xi32>
        %add3A_2443 = arith.addi %add3A_2442, %iota3A : vector<16xi32>
        %le3A_2444 = arith.cmpi sle, %broadcast_in_dim3A_2439, %add3A_2443 : vector<16xi32>
        %jit3A = arith.constant 1 : i32
        %jit3A_2445 = arith.constant 0 : i32
        %broadcast_in_dim3A_2446 = vector.broadcast %jit3A : i32 to vector<16xi32>
        %broadcast_in_dim3A_2447 = vector.broadcast %jit3A_2445 : i32 to vector<16xi32>
        %select_n3A_2448 = arith.select %le3A_2444, %broadcast_in_dim3A_2446, %broadcast_in_dim3A_2447 : vector<16xi1>, vector<16xi32>
        %add3A_2449 = arith.addi %while3A_2423, %select_n3A_2448 : vector<16xi32>
        %add3A_2450 = arith.constant 16 : i32
        %add3A_2451 = arith.addi %add3A_2105, %add3A_2450 : i32
        %add3A_2452 = vector.broadcast %add3A_2451 : i32 to vector<16xi32>
        %add3A_2453 = arith.addi %add3A_2452, %iota3A : vector<16xi32>
        %le3A_2454 = arith.cmpi sle, %broadcast_in_dim3A_2439, %add3A_2453 : vector<16xi32>
        %jit3A_2455 = arith.constant 1 : i32
        %jit3A_2456 = arith.constant 0 : i32
        %broadcast_in_dim3A_2457 = vector.broadcast %jit3A_2455 : i32 to vector<16xi32>
        %broadcast_in_dim3A_2458 = vector.broadcast %jit3A_2456 : i32 to vector<16xi32>
        %select_n3A_2459 = arith.select %le3A_2454, %broadcast_in_dim3A_2457, %broadcast_in_dim3A_2458 : vector<16xi1>, vector<16xi32>
        %add3A_2460 = arith.addi %while3A_2424, %select_n3A_2459 : vector<16xi32>
        %add3A_2461 = arith.constant 32 : i32
        %add3A_2462 = arith.addi %add3A_2105, %add3A_2461 : i32
        %add3A_2463 = vector.broadcast %add3A_2462 : i32 to vector<16xi32>
        %add3A_2464 = arith.addi %add3A_2463, %iota3A : vector<16xi32>
        %le3A_2465 = arith.cmpi sle, %broadcast_in_dim3A_2439, %add3A_2464 : vector<16xi32>
        %jit3A_2466 = arith.constant 1 : i32
        %jit3A_2467 = arith.constant 0 : i32
        %broadcast_in_dim3A_2468 = vector.broadcast %jit3A_2466 : i32 to vector<16xi32>
        %broadcast_in_dim3A_2469 = vector.broadcast %jit3A_2467 : i32 to vector<16xi32>
        %select_n3A_2470 = arith.select %le3A_2465, %broadcast_in_dim3A_2468, %broadcast_in_dim3A_2469 : vector<16xi1>, vector<16xi32>
        %add3A_2471 = arith.addi %while3A_2425, %select_n3A_2470 : vector<16xi32>
        %add3A_2472 = arith.constant 48 : i32
        %add3A_2473 = arith.addi %add3A_2105, %add3A_2472 : i32
        %add3A_2474 = vector.broadcast %add3A_2473 : i32 to vector<16xi32>
        %add3A_2475 = arith.addi %add3A_2474, %iota3A : vector<16xi32>
        %le3A_2476 = arith.cmpi sle, %broadcast_in_dim3A_2439, %add3A_2475 : vector<16xi32>
        %jit3A_2477 = arith.constant 1 : i32
        %jit3A_2478 = arith.constant 0 : i32
        %broadcast_in_dim3A_2479 = vector.broadcast %jit3A_2477 : i32 to vector<16xi32>
        %broadcast_in_dim3A_2480 = vector.broadcast %jit3A_2478 : i32 to vector<16xi32>
        %select_n3A_2481 = arith.select %le3A_2476, %broadcast_in_dim3A_2479, %broadcast_in_dim3A_2480 : vector<16xi1>, vector<16xi32>
        %add3A_2482 = arith.addi %while3A_2426, %select_n3A_2481 : vector<16xi32>
        %add3A_2483 = arith.constant 64 : i32
        %add3A_2484 = arith.addi %add3A_2105, %add3A_2483 : i32
        %add3A_2485 = vector.broadcast %add3A_2484 : i32 to vector<16xi32>
        %add3A_2486 = arith.addi %add3A_2485, %iota3A : vector<16xi32>
        %le3A_2487 = arith.cmpi sle, %broadcast_in_dim3A_2439, %add3A_2486 : vector<16xi32>
        %jit3A_2488 = arith.constant 1 : i32
        %jit3A_2489 = arith.constant 0 : i32
        %broadcast_in_dim3A_2490 = vector.broadcast %jit3A_2488 : i32 to vector<16xi32>
        %broadcast_in_dim3A_2491 = vector.broadcast %jit3A_2489 : i32 to vector<16xi32>
        %select_n3A_2492 = arith.select %le3A_2487, %broadcast_in_dim3A_2490, %broadcast_in_dim3A_2491 : vector<16xi1>, vector<16xi32>
        %add3A_2493 = arith.addi %while3A_2427, %select_n3A_2492 : vector<16xi32>
        %add3A_2494 = arith.constant 80 : i32
        %add3A_2495 = arith.addi %add3A_2105, %add3A_2494 : i32
        %add3A_2496 = vector.broadcast %add3A_2495 : i32 to vector<16xi32>
        %add3A_2497 = arith.addi %add3A_2496, %iota3A : vector<16xi32>
        %le3A_2498 = arith.cmpi sle, %broadcast_in_dim3A_2439, %add3A_2497 : vector<16xi32>
        %jit3A_2499 = arith.constant 1 : i32
        %jit3A_2500 = arith.constant 0 : i32
        %broadcast_in_dim3A_2501 = vector.broadcast %jit3A_2499 : i32 to vector<16xi32>
        %broadcast_in_dim3A_2502 = vector.broadcast %jit3A_2500 : i32 to vector<16xi32>
        %select_n3A_2503 = arith.select %le3A_2498, %broadcast_in_dim3A_2501, %broadcast_in_dim3A_2502 : vector<16xi1>, vector<16xi32>
        %add3A_2504 = arith.addi %while3A_2428, %select_n3A_2503 : vector<16xi32>
        %add3A_2505 = arith.constant 96 : i32
        %add3A_2506 = arith.addi %add3A_2105, %add3A_2505 : i32
        %add3A_2507 = vector.broadcast %add3A_2506 : i32 to vector<16xi32>
        %add3A_2508 = arith.addi %add3A_2507, %iota3A : vector<16xi32>
        %le3A_2509 = arith.cmpi sle, %broadcast_in_dim3A_2439, %add3A_2508 : vector<16xi32>
        %jit3A_2510 = arith.constant 1 : i32
        %jit3A_2511 = arith.constant 0 : i32
        %broadcast_in_dim3A_2512 = vector.broadcast %jit3A_2510 : i32 to vector<16xi32>
        %broadcast_in_dim3A_2513 = vector.broadcast %jit3A_2511 : i32 to vector<16xi32>
        %select_n3A_2514 = arith.select %le3A_2509, %broadcast_in_dim3A_2512, %broadcast_in_dim3A_2513 : vector<16xi1>, vector<16xi32>
        %add3A_2515 = arith.addi %while3A_2429, %select_n3A_2514 : vector<16xi32>
        %add3A_2516 = arith.constant 112 : i32
        %add3A_2517 = arith.addi %add3A_2105, %add3A_2516 : i32
        %add3A_2518 = vector.broadcast %add3A_2517 : i32 to vector<16xi32>
        %add3A_2519 = arith.addi %add3A_2518, %iota3A : vector<16xi32>
        %le3A_2520 = arith.cmpi sle, %broadcast_in_dim3A_2439, %add3A_2519 : vector<16xi32>
        %jit3A_2521 = arith.constant 1 : i32
        %jit3A_2522 = arith.constant 0 : i32
        %broadcast_in_dim3A_2523 = vector.broadcast %jit3A_2521 : i32 to vector<16xi32>
        %broadcast_in_dim3A_2524 = vector.broadcast %jit3A_2522 : i32 to vector<16xi32>
        %select_n3A_2525 = arith.select %le3A_2520, %broadcast_in_dim3A_2523, %broadcast_in_dim3A_2524 : vector<16xi1>, vector<16xi32>
        %add3A_2526 = arith.addi %while3A_2430, %select_n3A_2525 : vector<16xi32>
        %add3A_2527 = arith.constant 128 : i32
        %add3A_2528 = arith.addi %add3A_2105, %add3A_2527 : i32
        %add3A_2529 = vector.broadcast %add3A_2528 : i32 to vector<16xi32>
        %add3A_2530 = arith.addi %add3A_2529, %iota3A : vector<16xi32>
        %le3A_2531 = arith.cmpi sle, %broadcast_in_dim3A_2439, %add3A_2530 : vector<16xi32>
        %jit3A_2532 = arith.constant 1 : i32
        %jit3A_2533 = arith.constant 0 : i32
        %broadcast_in_dim3A_2534 = vector.broadcast %jit3A_2532 : i32 to vector<16xi32>
        %broadcast_in_dim3A_2535 = vector.broadcast %jit3A_2533 : i32 to vector<16xi32>
        %select_n3A_2536 = arith.select %le3A_2531, %broadcast_in_dim3A_2534, %broadcast_in_dim3A_2535 : vector<16xi1>, vector<16xi32>
        %add3A_2537 = arith.addi %while3A_2431, %select_n3A_2536 : vector<16xi32>
        %add3A_2538 = arith.constant 144 : i32
        %add3A_2539 = arith.addi %add3A_2105, %add3A_2538 : i32
        %add3A_2540 = vector.broadcast %add3A_2539 : i32 to vector<16xi32>
        %add3A_2541 = arith.addi %add3A_2540, %iota3A : vector<16xi32>
        %le3A_2542 = arith.cmpi sle, %broadcast_in_dim3A_2439, %add3A_2541 : vector<16xi32>
        %jit3A_2543 = arith.constant 1 : i32
        %jit3A_2544 = arith.constant 0 : i32
        %broadcast_in_dim3A_2545 = vector.broadcast %jit3A_2543 : i32 to vector<16xi32>
        %broadcast_in_dim3A_2546 = vector.broadcast %jit3A_2544 : i32 to vector<16xi32>
        %select_n3A_2547 = arith.select %le3A_2542, %broadcast_in_dim3A_2545, %broadcast_in_dim3A_2546 : vector<16xi1>, vector<16xi32>
        %add3A_2548 = arith.addi %while3A_2432, %select_n3A_2547 : vector<16xi32>
        %add3A_2549 = arith.constant 160 : i32
        %add3A_2550 = arith.addi %add3A_2105, %add3A_2549 : i32
        %add3A_2551 = vector.broadcast %add3A_2550 : i32 to vector<16xi32>
        %add3A_2552 = arith.addi %add3A_2551, %iota3A : vector<16xi32>
        %le3A_2553 = arith.cmpi sle, %broadcast_in_dim3A_2439, %add3A_2552 : vector<16xi32>
        %jit3A_2554 = arith.constant 1 : i32
        %jit3A_2555 = arith.constant 0 : i32
        %broadcast_in_dim3A_2556 = vector.broadcast %jit3A_2554 : i32 to vector<16xi32>
        %broadcast_in_dim3A_2557 = vector.broadcast %jit3A_2555 : i32 to vector<16xi32>
        %select_n3A_2558 = arith.select %le3A_2553, %broadcast_in_dim3A_2556, %broadcast_in_dim3A_2557 : vector<16xi1>, vector<16xi32>
        %add3A_2559 = arith.addi %while3A_2433, %select_n3A_2558 : vector<16xi32>
        %add3A_2560 = arith.constant 176 : i32
        %add3A_2561 = arith.addi %add3A_2105, %add3A_2560 : i32
        %add3A_2562 = vector.broadcast %add3A_2561 : i32 to vector<16xi32>
        %add3A_2563 = arith.addi %add3A_2562, %iota3A : vector<16xi32>
        %le3A_2564 = arith.cmpi sle, %broadcast_in_dim3A_2439, %add3A_2563 : vector<16xi32>
        %jit3A_2565 = arith.constant 1 : i32
        %jit3A_2566 = arith.constant 0 : i32
        %broadcast_in_dim3A_2567 = vector.broadcast %jit3A_2565 : i32 to vector<16xi32>
        %broadcast_in_dim3A_2568 = vector.broadcast %jit3A_2566 : i32 to vector<16xi32>
        %select_n3A_2569 = arith.select %le3A_2564, %broadcast_in_dim3A_2567, %broadcast_in_dim3A_2568 : vector<16xi1>, vector<16xi32>
        %add3A_2570 = arith.addi %while3A_2434, %select_n3A_2569 : vector<16xi32>
        %add3A_2571 = arith.constant 192 : i32
        %add3A_2572 = arith.addi %add3A_2105, %add3A_2571 : i32
        %add3A_2573 = vector.broadcast %add3A_2572 : i32 to vector<16xi32>
        %add3A_2574 = arith.addi %add3A_2573, %iota3A : vector<16xi32>
        %le3A_2575 = arith.cmpi sle, %broadcast_in_dim3A_2439, %add3A_2574 : vector<16xi32>
        %jit3A_2576 = arith.constant 1 : i32
        %jit3A_2577 = arith.constant 0 : i32
        %broadcast_in_dim3A_2578 = vector.broadcast %jit3A_2576 : i32 to vector<16xi32>
        %broadcast_in_dim3A_2579 = vector.broadcast %jit3A_2577 : i32 to vector<16xi32>
        %select_n3A_2580 = arith.select %le3A_2575, %broadcast_in_dim3A_2578, %broadcast_in_dim3A_2579 : vector<16xi1>, vector<16xi32>
        %add3A_2581 = arith.addi %while3A_2435, %select_n3A_2580 : vector<16xi32>
        %add3A_2582 = arith.constant 208 : i32
        %add3A_2583 = arith.addi %add3A_2105, %add3A_2582 : i32
        %add3A_2584 = vector.broadcast %add3A_2583 : i32 to vector<16xi32>
        %add3A_2585 = arith.addi %add3A_2584, %iota3A : vector<16xi32>
        %le3A_2586 = arith.cmpi sle, %broadcast_in_dim3A_2439, %add3A_2585 : vector<16xi32>
        %jit3A_2587 = arith.constant 1 : i32
        %jit3A_2588 = arith.constant 0 : i32
        %broadcast_in_dim3A_2589 = vector.broadcast %jit3A_2587 : i32 to vector<16xi32>
        %broadcast_in_dim3A_2590 = vector.broadcast %jit3A_2588 : i32 to vector<16xi32>
        %select_n3A_2591 = arith.select %le3A_2586, %broadcast_in_dim3A_2589, %broadcast_in_dim3A_2590 : vector<16xi1>, vector<16xi32>
        %add3A_2592 = arith.addi %while3A_2436, %select_n3A_2591 : vector<16xi32>
        %add3A_2593 = arith.constant 224 : i32
        %add3A_2594 = arith.addi %add3A_2105, %add3A_2593 : i32
        %add3A_2595 = vector.broadcast %add3A_2594 : i32 to vector<16xi32>
        %add3A_2596 = arith.addi %add3A_2595, %iota3A : vector<16xi32>
        %le3A_2597 = arith.cmpi sle, %broadcast_in_dim3A_2439, %add3A_2596 : vector<16xi32>
        %jit3A_2598 = arith.constant 1 : i32
        %jit3A_2599 = arith.constant 0 : i32
        %broadcast_in_dim3A_2600 = vector.broadcast %jit3A_2598 : i32 to vector<16xi32>
        %broadcast_in_dim3A_2601 = vector.broadcast %jit3A_2599 : i32 to vector<16xi32>
        %select_n3A_2602 = arith.select %le3A_2597, %broadcast_in_dim3A_2600, %broadcast_in_dim3A_2601 : vector<16xi1>, vector<16xi32>
        %add3A_2603 = arith.addi %while3A_2437, %select_n3A_2602 : vector<16xi32>
        %add3A_2604 = arith.constant 240 : i32
        %add3A_2605 = arith.addi %add3A_2105, %add3A_2604 : i32
        %add3A_2606 = vector.broadcast %add3A_2605 : i32 to vector<16xi32>
        %add3A_2607 = arith.addi %add3A_2606, %iota3A : vector<16xi32>
        %le3A_2608 = arith.cmpi sle, %broadcast_in_dim3A_2439, %add3A_2607 : vector<16xi32>
        %jit3A_2609 = arith.constant 1 : i32
        %jit3A_2610 = arith.constant 0 : i32
        %broadcast_in_dim3A_2611 = vector.broadcast %jit3A_2609 : i32 to vector<16xi32>
        %broadcast_in_dim3A_2612 = vector.broadcast %jit3A_2610 : i32 to vector<16xi32>
        %select_n3A_2613 = arith.select %le3A_2608, %broadcast_in_dim3A_2611, %broadcast_in_dim3A_2612 : vector<16xi1>, vector<16xi32>
        %add3A_2614 = arith.addi %while3A_2438, %select_n3A_2613 : vector<16xi32>
        %add3A_2615 = arith.constant 1 : i32
        %add3A_2616 = arith.addi %while3A_2421, %add3A_2615 : i32
        %add3A_2617 = arith.constant 1 : i32
        %add3A_2618 = arith.addi %while3A_2421, %add3A_2617 : i32
        %min3A_2619 = arith.constant 4095 : i32
        %min3A_2620 = arith.minsi %add3A_2618, %min3A_2619 : i32
        %broadcast_in_dim3A_2621 = vector.broadcast %min3A_2620 : i32 to vector<16xi32>
        %gather3A_2622 = tpu.vector_load_idx %arg6[%broadcast_in_dim3A_2621] : memref<4096xi32, #tpu.memory_space<vmem>>[vector<16xi32>], vector<16xi32>,
        %slice3A_2623 = vector.extract_strided_slice %gather3A_2622 {offsets = [0], sizes = [1], strides = [1]} : vector<16xi32> to vector<1xi32>
        %squeeze3A_2624 = vector.extract %slice3A_2623[0] : i32 from vector<1xi32>
        scf.yield %add3A_2616, %squeeze3A_2624, %add3A_2449, %add3A_2460, %add3A_2471, %add3A_2482, %add3A_2493, %add3A_2504, %add3A_2515, %add3A_2526, %add3A_2537, %add3A_2548, %add3A_2559, %add3A_2570, %add3A_2581, %add3A_2592, %add3A_2603, %add3A_2614 : i32, i32, vector<16xi32>, vector<16xi32>, vector<16xi32>, vector<16xi32>, vector<16xi32>, vector<16xi32>, vector<16xi32>, vector<16xi32>, vector<16xi32>, vector<16xi32>, vector<16xi32>, vector<16xi32>, vector<16xi32>, vector<16xi32>, vector<16xi32>, vector<16xi32>
      }
      %add3A_2297 = vector.broadcast %max3A_2249 : i32 to vector<16xi32>
      %add3A_2298 = arith.addi %add3A_2297, %while3A_2296#2 : vector<16xi32>
      %min3A_2299 = arith.constant 4095 : i32
      %min3A_2300 = vector.broadcast %min3A_2299 : i32 to vector<16xi32>
      %min3A_2301 = arith.minsi %add3A_2298, %min3A_2300 : vector<16xi32>
      %swap3A_2302 = arith.constant 0 : index
      %swap3A_2303 = tpu.vector_load %arg10[%swap3A_2302] {strides = array<i32>} : memref<128xi32, #tpu.memory_space<vmem>>, vector<16xi32>,
      tpu.vector_store %arg10[%swap3A_2302], %min3A_2301 {strides = array<i32>} : memref<128xi32, #tpu.memory_space<vmem>>, vector<16xi32>,
      %add3A_2304 = vector.broadcast %max3A_2249 : i32 to vector<16xi32>
      %add3A_2305 = arith.addi %add3A_2304, %while3A_2296#3 : vector<16xi32>
      %min3A_2306 = arith.constant 4095 : i32
      %min3A_2307 = vector.broadcast %min3A_2306 : i32 to vector<16xi32>
      %min3A_2308 = arith.minsi %add3A_2305, %min3A_2307 : vector<16xi32>
      %swap3A_2309 = arith.constant 16 : index
      %swap3A_2310 = tpu.vector_load %arg10[%swap3A_2309] {strides = array<i32>} : memref<128xi32, #tpu.memory_space<vmem>>, vector<16xi32>,
      tpu.vector_store %arg10[%swap3A_2309], %min3A_2308 {strides = array<i32>} : memref<128xi32, #tpu.memory_space<vmem>>, vector<16xi32>,
      %add3A_2311 = vector.broadcast %max3A_2249 : i32 to vector<16xi32>
      %add3A_2312 = arith.addi %add3A_2311, %while3A_2296#4 : vector<16xi32>
      %min3A_2313 = arith.constant 4095 : i32
      %min3A_2314 = vector.broadcast %min3A_2313 : i32 to vector<16xi32>
      %min3A_2315 = arith.minsi %add3A_2312, %min3A_2314 : vector<16xi32>
      %swap3A_2316 = arith.constant 32 : index
      %swap3A_2317 = tpu.vector_load %arg10[%swap3A_2316] {strides = array<i32>} : memref<128xi32, #tpu.memory_space<vmem>>, vector<16xi32>,
      tpu.vector_store %arg10[%swap3A_2316], %min3A_2315 {strides = array<i32>} : memref<128xi32, #tpu.memory_space<vmem>>, vector<16xi32>,
      %add3A_2318 = vector.broadcast %max3A_2249 : i32 to vector<16xi32>
      %add3A_2319 = arith.addi %add3A_2318, %while3A_2296#5 : vector<16xi32>
      %min3A_2320 = arith.constant 4095 : i32
      %min3A_2321 = vector.broadcast %min3A_2320 : i32 to vector<16xi32>
      %min3A_2322 = arith.minsi %add3A_2319, %min3A_2321 : vector<16xi32>
      %swap3A_2323 = arith.constant 48 : index
      %swap3A_2324 = tpu.vector_load %arg10[%swap3A_2323] {strides = array<i32>} : memref<128xi32, #tpu.memory_space<vmem>>, vector<16xi32>,
      tpu.vector_store %arg10[%swap3A_2323], %min3A_2322 {strides = array<i32>} : memref<128xi32, #tpu.memory_space<vmem>>, vector<16xi32>,
      %add3A_2325 = vector.broadcast %max3A_2249 : i32 to vector<16xi32>
      %add3A_2326 = arith.addi %add3A_2325, %while3A_2296#6 : vector<16xi32>
      %min3A_2327 = arith.constant 4095 : i32
      %min3A_2328 = vector.broadcast %min3A_2327 : i32 to vector<16xi32>
      %min3A_2329 = arith.minsi %add3A_2326, %min3A_2328 : vector<16xi32>
      %swap3A_2330 = arith.constant 64 : index
      %swap3A_2331 = tpu.vector_load %arg10[%swap3A_2330] {strides = array<i32>} : memref<128xi32, #tpu.memory_space<vmem>>, vector<16xi32>,
      tpu.vector_store %arg10[%swap3A_2330], %min3A_2329 {strides = array<i32>} : memref<128xi32, #tpu.memory_space<vmem>>, vector<16xi32>,
      %add3A_2332 = vector.broadcast %max3A_2249 : i32 to vector<16xi32>
      %add3A_2333 = arith.addi %add3A_2332, %while3A_2296#7 : vector<16xi32>
      %min3A_2334 = arith.constant 4095 : i32
      %min3A_2335 = vector.broadcast %min3A_2334 : i32 to vector<16xi32>
      %min3A_2336 = arith.minsi %add3A_2333, %min3A_2335 : vector<16xi32>
      %swap3A_2337 = arith.constant 80 : index
      %swap3A_2338 = tpu.vector_load %arg10[%swap3A_2337] {strides = array<i32>} : memref<128xi32, #tpu.memory_space<vmem>>, vector<16xi32>,
      tpu.vector_store %arg10[%swap3A_2337], %min3A_2336 {strides = array<i32>} : memref<128xi32, #tpu.memory_space<vmem>>, vector<16xi32>,
      %add3A_2339 = vector.broadcast %max3A_2249 : i32 to vector<16xi32>
      %add3A_2340 = arith.addi %add3A_2339, %while3A_2296#8 : vector<16xi32>
      %min3A_2341 = arith.constant 4095 : i32
      %min3A_2342 = vector.broadcast %min3A_2341 : i32 to vector<16xi32>
      %min3A_2343 = arith.minsi %add3A_2340, %min3A_2342 : vector<16xi32>
      %swap3A_2344 = arith.constant 96 : index
      %swap3A_2345 = tpu.vector_load %arg10[%swap3A_2344] {strides = array<i32>} : memref<128xi32, #tpu.memory_space<vmem>>, vector<16xi32>,
      tpu.vector_store %arg10[%swap3A_2344], %min3A_2343 {strides = array<i32>} : memref<128xi32, #tpu.memory_space<vmem>>, vector<16xi32>,
      %add3A_2346 = vector.broadcast %max3A_2249 : i32 to vector<16xi32>
      %add3A_2347 = arith.addi %add3A_2346, %while3A_2296#9 : vector<16xi32>
      %min3A_2348 = arith.constant 4095 : i32
      %min3A_2349 = vector.broadcast %min3A_2348 : i32 to vector<16xi32>
      %min3A_2350 = arith.minsi %add3A_2347, %min3A_2349 : vector<16xi32>
      %swap3A_2351 = arith.constant 112 : index
      %swap3A_2352 = tpu.vector_load %arg10[%swap3A_2351] {strides = array<i32>} : memref<128xi32, #tpu.memory_space<vmem>>, vector<16xi32>,
      tpu.vector_store %arg10[%swap3A_2351], %min3A_2350 {strides = array<i32>} : memref<128xi32, #tpu.memory_space<vmem>>, vector<16xi32>,
      %add3A_2353 = vector.broadcast %max3A_2249 : i32 to vector<16xi32>
      %add3A_2354 = arith.addi %add3A_2353, %while3A_2296#10 : vector<16xi32>
      %min3A_2355 = arith.constant 4095 : i32
      %min3A_2356 = vector.broadcast %min3A_2355 : i32 to vector<16xi32>
      %min3A_2357 = arith.minsi %add3A_2354, %min3A_2356 : vector<16xi32>
      %swap3A_2358 = arith.constant 0 : index
      %swap3A_2359 = tpu.vector_load %arg11[%swap3A_2358] {strides = array<i32>} : memref<128xi32, #tpu.memory_space<vmem>>, vector<16xi32>,
      tpu.vector_store %arg11[%swap3A_2358], %min3A_2357 {strides = array<i32>} : memref<128xi32, #tpu.memory_space<vmem>>, vector<16xi32>,
      %add3A_2360 = vector.broadcast %max3A_2249 : i32 to vector<16xi32>
      %add3A_2361 = arith.addi %add3A_2360, %while3A_2296#11 : vector<16xi32>
      %min3A_2362 = arith.constant 4095 : i32
      %min3A_2363 = vector.broadcast %min3A_2362 : i32 to vector<16xi32>
      %min3A_2364 = arith.minsi %add3A_2361, %min3A_2363 : vector<16xi32>
      %swap3A_2365 = arith.constant 16 : index
      %swap3A_2366 = tpu.vector_load %arg11[%swap3A_2365] {strides = array<i32>} : memref<128xi32, #tpu.memory_space<vmem>>, vector<16xi32>,
      tpu.vector_store %arg11[%swap3A_2365], %min3A_2364 {strides = array<i32>} : memref<128xi32, #tpu.memory_space<vmem>>, vector<16xi32>,
      %add3A_2367 = vector.broadcast %max3A_2249 : i32 to vector<16xi32>
      %add3A_2368 = arith.addi %add3A_2367, %while3A_2296#12 : vector<16xi32>
      %min3A_2369 = arith.constant 4095 : i32
      %min3A_2370 = vector.broadcast %min3A_2369 : i32 to vector<16xi32>
      %min3A_2371 = arith.minsi %add3A_2368, %min3A_2370 : vector<16xi32>
      %swap3A_2372 = arith.constant 32 : index
      %swap3A_2373 = tpu.vector_load %arg11[%swap3A_2372] {strides = array<i32>} : memref<128xi32, #tpu.memory_space<vmem>>, vector<16xi32>,
      tpu.vector_store %arg11[%swap3A_2372], %min3A_2371 {strides = array<i32>} : memref<128xi32, #tpu.memory_space<vmem>>, vector<16xi32>,
      %add3A_2374 = vector.broadcast %max3A_2249 : i32 to vector<16xi32>
      %add3A_2375 = arith.addi %add3A_2374, %while3A_2296#13 : vector<16xi32>
      %min3A_2376 = arith.constant 4095 : i32
      %min3A_2377 = vector.broadcast %min3A_2376 : i32 to vector<16xi32>
      %min3A_2378 = arith.minsi %add3A_2375, %min3A_2377 : vector<16xi32>
      %swap3A_2379 = arith.constant 48 : index
      %swap3A_2380 = tpu.vector_load %arg11[%swap3A_2379] {strides = array<i32>} : memref<128xi32, #tpu.memory_space<vmem>>, vector<16xi32>,
      tpu.vector_store %arg11[%swap3A_2379], %min3A_2378 {strides = array<i32>} : memref<128xi32, #tpu.memory_space<vmem>>, vector<16xi32>,
      %add3A_2381 = vector.broadcast %max3A_2249 : i32 to vector<16xi32>
      %add3A_2382 = arith.addi %add3A_2381, %while3A_2296#14 : vector<16xi32>
      %min3A_2383 = arith.constant 4095 : i32
      %min3A_2384 = vector.broadcast %min3A_2383 : i32 to vector<16xi32>
      %min3A_2385 = arith.minsi %add3A_2382, %min3A_2384 : vector<16xi32>
      %swap3A_2386 = arith.constant 64 : index
      %swap3A_2387 = tpu.vector_load %arg11[%swap3A_2386] {strides = array<i32>} : memref<128xi32, #tpu.memory_space<vmem>>, vector<16xi32>,
      tpu.vector_store %arg11[%swap3A_2386], %min3A_2385 {strides = array<i32>} : memref<128xi32, #tpu.memory_space<vmem>>, vector<16xi32>,
      %add3A_2388 = vector.broadcast %max3A_2249 : i32 to vector<16xi32>
      %add3A_2389 = arith.addi %add3A_2388, %while3A_2296#15 : vector<16xi32>
      %min3A_2390 = arith.constant 4095 : i32
      %min3A_2391 = vector.broadcast %min3A_2390 : i32 to vector<16xi32>
      %min3A_2392 = arith.minsi %add3A_2389, %min3A_2391 : vector<16xi32>
      %swap3A_2393 = arith.constant 80 : index
      %swap3A_2394 = tpu.vector_load %arg11[%swap3A_2393] {strides = array<i32>} : memref<128xi32, #tpu.memory_space<vmem>>, vector<16xi32>,
      tpu.vector_store %arg11[%swap3A_2393], %min3A_2392 {strides = array<i32>} : memref<128xi32, #tpu.memory_space<vmem>>, vector<16xi32>,
      %add3A_2395 = vector.broadcast %max3A_2249 : i32 to vector<16xi32>
      %add3A_2396 = arith.addi %add3A_2395, %while3A_2296#16 : vector<16xi32>
      %min3A_2397 = arith.constant 4095 : i32
      %min3A_2398 = vector.broadcast %min3A_2397 : i32 to vector<16xi32>
      %min3A_2399 = arith.minsi %add3A_2396, %min3A_2398 : vector<16xi32>
      %swap3A_2400 = arith.constant 96 : index
      %swap3A_2401 = tpu.vector_load %arg11[%swap3A_2400] {strides = array<i32>} : memref<128xi32, #tpu.memory_space<vmem>>, vector<16xi32>,
      tpu.vector_store %arg11[%swap3A_2400], %min3A_2399 {strides = array<i32>} : memref<128xi32, #tpu.memory_space<vmem>>, vector<16xi32>,
      %add3A_2402 = vector.broadcast %max3A_2249 : i32 to vector<16xi32>
      %add3A_2403 = arith.addi %add3A_2402, %while3A_2296#17 : vector<16xi32>
      %min3A_2404 = arith.constant 4095 : i32
      %min3A_2405 = vector.broadcast %min3A_2404 : i32 to vector<16xi32>
      %min3A_2406 = arith.minsi %add3A_2403, %min3A_2405 : vector<16xi32>
      %swap3A_2407 = arith.constant 112 : index
      %swap3A_2408 = tpu.vector_load %arg11[%swap3A_2407] {strides = array<i32>} : memref<128xi32, #tpu.memory_space<vmem>>, vector<16xi32>,
      tpu.vector_store %arg11[%swap3A_2407], %min3A_2406 {strides = array<i32>} : memref<128xi32, #tpu.memory_space<vmem>>, vector<16xi32>,
      %dma_start3A_2409 = arith.constant 0 : i32
      %dma_start3A_2410 = arith.constant 0 : i32
      %dma_start3A_2411 = tpu.memref_slice %arg15[%dma_start3A_2409, %dma_start3A_2410] : memref<256x64xf32, #tpu.memory_space<vmem>> -> memref<128x64xf32, #tpu.memory_space<vmem>>
      %dma_start3A_2412 = arith.constant 0 : i32
      %dma_start3A_2413 = arith.constant 0 : i32
      %dma_start3A_2414 = tpu.memref_slice %arg17[%dma_start3A_2412, %dma_start3A_2413] : memref<4096x64xf32, #tpu.memory_space<vmem_shared>> -> memref<4096x64xf32, #tpu.memory_space<vmem_shared>>
      tpu.enqueue_indirect_dma source(%dma_start3A_2411 : memref<128x64xf32, #tpu.memory_space<vmem>>) target(%dma_start3A_2414 : memref<4096x64xf32, #tpu.memory_space<vmem_shared>>) offsets(%arg10 : memref<128xi32, #tpu.memory_space<vmem>>) semaphore(%arg22 : memref<!tpu.dma_semaphore, #tpu.memory_space<semaphore_mem>>) {add = true}
      %dma_start3A_2415 = arith.constant 128 : i32
      %dma_start3A_2416 = arith.constant 0 : i32
      %dma_start3A_2417 = tpu.memref_slice %arg15[%dma_start3A_2415, %dma_start3A_2416] : memref<256x64xf32, #tpu.memory_space<vmem>> -> memref<128x64xf32, #tpu.memory_space<vmem>>
      %dma_start3A_2418 = arith.constant 0 : i32
      %dma_start3A_2419 = arith.constant 0 : i32
      %dma_start3A_2420 = tpu.memref_slice %arg17[%dma_start3A_2418, %dma_start3A_2419] : memref<4096x64xf32, #tpu.memory_space<vmem_shared>> -> memref<4096x64xf32, #tpu.memory_space<vmem_shared>>
      tpu.enqueue_indirect_dma source(%dma_start3A_2417 : memref<128x64xf32, #tpu.memory_space<vmem>>) target(%dma_start3A_2420 : memref<4096x64xf32, #tpu.memory_space<vmem_shared>>) offsets(%arg11 : memref<128xi32, #tpu.memory_space<vmem>>) semaphore(%arg22 : memref<!tpu.dma_semaphore, #tpu.memory_space<semaphore_mem>>) {add = true}
    }
    %scan3A_664 = arith.constant 7 : i32
    %dma_wait3A_665 = arith.constant 5888 : i32
    %dma_wait3A_666 = tpu.memref_slice %arg7[%dma_wait3A_665] : memref<6400xi32, #tpu.memory_space<vmem>> -> memref<256xi32, #tpu.memory_space<vmem>>
    %dma_wait3A_667 = arith.constant 0 : i32
    %dma_wait3A_668 = arith.constant 0 : i32
    %dma_wait3A_669 = tpu.memref_slice %arg2[%dma_wait3A_667, %dma_wait3A_668] : memref<100000x64xf32, #tpu.memory_space<hbm>> -> memref<100000x64xf32, #tpu.memory_space<hbm>>
    tpu.wait_indirect_dma semaphore(%arg20 : memref<!tpu.dma_semaphore, #tpu.memory_space<semaphore_mem>>) src(%dma_wait3A_669 : memref<100000x64xf32, #tpu.memory_space<hbm>>) dst(%arg16 : memref<256x64xf32, #tpu.memory_space<vmem>>)
    %dma_wait3A_670 = arith.constant 0 : i32
    %dma_wait3A_671 = arith.constant 0 : i32
    %dma_wait3A_672 = tpu.memref_slice %arg14[%dma_wait3A_670, %dma_wait3A_671] : memref<256x64xf32, #tpu.memory_space<vmem>> -> memref<128x64xf32, #tpu.memory_space<vmem>>
    %dma_wait3A_673 = arith.constant 0 : i32
    %dma_wait3A_674 = arith.constant 0 : i32
    %dma_wait3A_675 = tpu.memref_slice %arg17[%dma_wait3A_673, %dma_wait3A_674] : memref<4096x64xf32, #tpu.memory_space<vmem_shared>> -> memref<4096x64xf32, #tpu.memory_space<vmem_shared>>
    tpu.wait_indirect_dma semaphore(%arg21 : memref<!tpu.dma_semaphore, #tpu.memory_space<semaphore_mem>>) src(%dma_wait3A_672 : memref<128x64xf32, #tpu.memory_space<vmem>>) dst(%dma_wait3A_675 : memref<4096x64xf32, #tpu.memory_space<vmem_shared>>)
    %dma_wait3A_676 = arith.constant 128 : i32
    %dma_wait3A_677 = arith.constant 0 : i32
    %dma_wait3A_678 = tpu.memref_slice %arg14[%dma_wait3A_676, %dma_wait3A_677] : memref<256x64xf32, #tpu.memory_space<vmem>> -> memref<128x64xf32, #tpu.memory_space<vmem>>
    %dma_wait3A_679 = arith.constant 0 : i32
    %dma_wait3A_680 = arith.constant 0 : i32
    %dma_wait3A_681 = tpu.memref_slice %arg17[%dma_wait3A_679, %dma_wait3A_680] : memref<4096x64xf32, #tpu.memory_space<vmem_shared>> -> memref<4096x64xf32, #tpu.memory_space<vmem_shared>>
    tpu.wait_indirect_dma semaphore(%arg21 : memref<!tpu.dma_semaphore, #tpu.memory_space<semaphore_mem>>) src(%dma_wait3A_678 : memref<128x64xf32, #tpu.memory_space<vmem>>) dst(%dma_wait3A_681 : memref<4096x64xf32, #tpu.memory_space<vmem_shared>>)
    %dma_start3A_682 = arith.constant 6144 : i32
    %dma_start3A_683 = tpu.memref_slice %arg7[%dma_start3A_682] : memref<6400xi32, #tpu.memory_space<vmem>> -> memref<256xi32, #tpu.memory_space<vmem>>
    %dma_start3A_684 = arith.constant 0 : i32
    %dma_start3A_685 = arith.constant 0 : i32
    %dma_start3A_686 = tpu.memref_slice %arg2[%dma_start3A_684, %dma_start3A_685] : memref<100000x64xf32, #tpu.memory_space<hbm>> -> memref<100000x64xf32, #tpu.memory_space<hbm>>
    tpu.enqueue_indirect_dma source(%dma_start3A_686 : memref<100000x64xf32, #tpu.memory_space<hbm>>) target(%arg14 : memref<256x64xf32, #tpu.memory_space<vmem>>) offsets(%dma_start3A_683 : memref<256xi32, #tpu.memory_space<vmem>>) semaphore(%arg18 : memref<!tpu.dma_semaphore, #tpu.memory_space<semaphore_mem>>)
    %mul3A_687 = arith.constant 6400 : i32
    %mul3A_688 = arith.muli %add3A, %mul3A_687 : i32
    %add3A_689 = arith.constant 5888 : i32
    %add3A_690 = arith.addi %mul3A_688, %add3A_689 : i32
    %add3A_691 = vector.broadcast %add3A_690 : i32 to vector<16xi32>
    %add3A_692 = arith.addi %add3A_691, %iota3A : vector<16xi32>
    %broadcast_in_dim3A_693 = arith.constant 0 : i32
    %broadcast_in_dim3A_694 = vector.broadcast %broadcast_in_dim3A_693 : i32 to vector<16xi32>
    %broadcast_in_dim3A_695 = arith.constant 4096 : i32
    %broadcast_in_dim3A_696 = vector.broadcast %broadcast_in_dim3A_695 : i32 to vector<16xi32>
    %add3A_697 = arith.addi %broadcast_in_dim3A_694, %broadcast_in_dim3A_696 : vector<16xi32>
    %shift_right_arithmetic3A_698 = arith.constant 1 : i32
    %shift_right_arithmetic3A_699 = vector.broadcast %shift_right_arithmetic3A_698 : i32 to vector<16xi32>
    %shift_right_arithmetic3A_700 = arith.shrsi %add3A_697, %shift_right_arithmetic3A_699 : vector<16xi32>
    %gather3A_701 = tpu.vector_load_idx %arg6[%shift_right_arithmetic3A_700] : memref<4096xi32, #tpu.memory_space<vmem>>[vector<16xi32>], vector<16xi32>,
    %le3A_702 = arith.cmpi sle, %gather3A_701, %add3A_692 : vector<16xi32>
    %add3A_703 = arith.constant 1 : i32
    %add3A_704 = vector.broadcast %add3A_703 : i32 to vector<16xi32>
    %add3A_705 = arith.addi %shift_right_arithmetic3A_700, %add3A_704 : vector<16xi32>
    %select_n3A_706 = arith.select %le3A_702, %add3A_705, %broadcast_in_dim3A_694 : vector<16xi1>, vector<16xi32>
    %select_n3A_707 = arith.select %le3A_702, %broadcast_in_dim3A_696, %shift_right_arithmetic3A_700 : vector<16xi1>, vector<16xi32>
    %add3A_708 = arith.addi %select_n3A_706, %select_n3A_707 : vector<16xi32>
    %shift_right_arithmetic3A_709 = arith.constant 1 : i32
    %shift_right_arithmetic3A_710 = vector.broadcast %shift_right_arithmetic3A_709 : i32 to vector<16xi32>
    %shift_right_arithmetic3A_711 = arith.shrsi %add3A_708, %shift_right_arithmetic3A_710 : vector<16xi32>
    %gather3A_712 = tpu.vector_load_idx %arg6[%shift_right_arithmetic3A_711] : memref<4096xi32, #tpu.memory_space<vmem>>[vector<16xi32>], vector<16xi32>,
    %le3A_713 = arith.cmpi sle, %gather3A_712, %add3A_692 : vector<16xi32>
    %add3A_714 = arith.constant 1 : i32
    %add3A_715 = vector.broadcast %add3A_714 : i32 to vector<16xi32>
    %add3A_716 = arith.addi %shift_right_arithmetic3A_711, %add3A_715 : vector<16xi32>
    %select_n3A_717 = arith.select %le3A_713, %add3A_716, %select_n3A_706 : vector<16xi1>, vector<16xi32>
    %select_n3A_718 = arith.select %le3A_713, %select_n3A_707, %shift_right_arithmetic3A_711 : vector<16xi1>, vector<16xi32>
    %add3A_719 = arith.addi %select_n3A_717, %select_n3A_718 : vector<16xi32>
    %shift_right_arithmetic3A_720 = arith.constant 1 : i32
    %shift_right_arithmetic3A_721 = vector.broadcast %shift_right_arithmetic3A_720 : i32 to vector<16xi32>
    %shift_right_arithmetic3A_722 = arith.shrsi %add3A_719, %shift_right_arithmetic3A_721 : vector<16xi32>
    %gather3A_723 = tpu.vector_load_idx %arg6[%shift_right_arithmetic3A_722] : memref<4096xi32, #tpu.memory_space<vmem>>[vector<16xi32>], vector<16xi32>,
    %le3A_724 = arith.cmpi sle, %gather3A_723, %add3A_692 : vector<16xi32>
    %add3A_725 = arith.constant 1 : i32
    %add3A_726 = vector.broadcast %add3A_725 : i32 to vector<16xi32>
    %add3A_727 = arith.addi %shift_right_arithmetic3A_722, %add3A_726 : vector<16xi32>
    %select_n3A_728 = arith.select %le3A_724, %add3A_727, %select_n3A_717 : vector<16xi1>, vector<16xi32>
    %select_n3A_729 = arith.select %le3A_724, %select_n3A_718, %shift_right_arithmetic3A_722 : vector<16xi1>, vector<16xi32>
    %add3A_730 = arith.addi %select_n3A_728, %select_n3A_729 : vector<16xi32>
    %shift_right_arithmetic3A_731 = arith.constant 1 : i32
    %shift_right_arithmetic3A_732 = vector.broadcast %shift_right_arithmetic3A_731 : i32 to vector<16xi32>
    %shift_right_arithmetic3A_733 = arith.shrsi %add3A_730, %shift_right_arithmetic3A_732 : vector<16xi32>
    %gather3A_734 = tpu.vector_load_idx %arg6[%shift_right_arithmetic3A_733] : memref<4096xi32, #tpu.memory_space<vmem>>[vector<16xi32>], vector<16xi32>,
    %le3A_735 = arith.cmpi sle, %gather3A_734, %add3A_692 : vector<16xi32>
    %add3A_736 = arith.constant 1 : i32
    %add3A_737 = vector.broadcast %add3A_736 : i32 to vector<16xi32>
    %add3A_738 = arith.addi %shift_right_arithmetic3A_733, %add3A_737 : vector<16xi32>
    %select_n3A_739 = arith.select %le3A_735, %add3A_738, %select_n3A_728 : vector<16xi1>, vector<16xi32>
    %select_n3A_740 = arith.select %le3A_735, %select_n3A_729, %shift_right_arithmetic3A_733 : vector<16xi1>, vector<16xi32>
    %add3A_741 = arith.addi %select_n3A_739, %select_n3A_740 : vector<16xi32>
    %shift_right_arithmetic3A_742 = arith.constant 1 : i32
    %shift_right_arithmetic3A_743 = vector.broadcast %shift_right_arithmetic3A_742 : i32 to vector<16xi32>
    %shift_right_arithmetic3A_744 = arith.shrsi %add3A_741, %shift_right_arithmetic3A_743 : vector<16xi32>
    %gather3A_745 = tpu.vector_load_idx %arg6[%shift_right_arithmetic3A_744] : memref<4096xi32, #tpu.memory_space<vmem>>[vector<16xi32>], vector<16xi32>,
    %le3A_746 = arith.cmpi sle, %gather3A_745, %add3A_692 : vector<16xi32>
    %add3A_747 = arith.constant 1 : i32
    %add3A_748 = vector.broadcast %add3A_747 : i32 to vector<16xi32>
    %add3A_749 = arith.addi %shift_right_arithmetic3A_744, %add3A_748 : vector<16xi32>
    %select_n3A_750 = arith.select %le3A_746, %add3A_749, %select_n3A_739 : vector<16xi1>, vector<16xi32>
    %select_n3A_751 = arith.select %le3A_746, %select_n3A_740, %shift_right_arithmetic3A_744 : vector<16xi1>, vector<16xi32>
    %add3A_752 = arith.addi %select_n3A_750, %select_n3A_751 : vector<16xi32>
    %shift_right_arithmetic3A_753 = arith.constant 1 : i32
    %shift_right_arithmetic3A_754 = vector.broadcast %shift_right_arithmetic3A_753 : i32 to vector<16xi32>
    %shift_right_arithmetic3A_755 = arith.shrsi %add3A_752, %shift_right_arithmetic3A_754 : vector<16xi32>
    %gather3A_756 = tpu.vector_load_idx %arg6[%shift_right_arithmetic3A_755] : memref<4096xi32, #tpu.memory_space<vmem>>[vector<16xi32>], vector<16xi32>,
    %le3A_757 = arith.cmpi sle, %gather3A_756, %add3A_692 : vector<16xi32>
    %add3A_758 = arith.constant 1 : i32
    %add3A_759 = vector.broadcast %add3A_758 : i32 to vector<16xi32>
    %add3A_760 = arith.addi %shift_right_arithmetic3A_755, %add3A_759 : vector<16xi32>
    %select_n3A_761 = arith.select %le3A_757, %add3A_760, %select_n3A_750 : vector<16xi1>, vector<16xi32>
    %select_n3A_762 = arith.select %le3A_757, %select_n3A_751, %shift_right_arithmetic3A_755 : vector<16xi1>, vector<16xi32>
    %add3A_763 = arith.addi %select_n3A_761, %select_n3A_762 : vector<16xi32>
    %shift_right_arithmetic3A_764 = arith.constant 1 : i32
    %shift_right_arithmetic3A_765 = vector.broadcast %shift_right_arithmetic3A_764 : i32 to vector<16xi32>
    %shift_right_arithmetic3A_766 = arith.shrsi %add3A_763, %shift_right_arithmetic3A_765 : vector<16xi32>
    %gather3A_767 = tpu.vector_load_idx %arg6[%shift_right_arithmetic3A_766] : memref<4096xi32, #tpu.memory_space<vmem>>[vector<16xi32>], vector<16xi32>,
    %le3A_768 = arith.cmpi sle, %gather3A_767, %add3A_692 : vector<16xi32>
    %add3A_769 = arith.constant 1 : i32
    %add3A_770 = vector.broadcast %add3A_769 : i32 to vector<16xi32>
    %add3A_771 = arith.addi %shift_right_arithmetic3A_766, %add3A_770 : vector<16xi32>
    %select_n3A_772 = arith.select %le3A_768, %add3A_771, %select_n3A_761 : vector<16xi1>, vector<16xi32>
    %select_n3A_773 = arith.select %le3A_768, %select_n3A_762, %shift_right_arithmetic3A_766 : vector<16xi1>, vector<16xi32>
    %add3A_774 = arith.addi %select_n3A_772, %select_n3A_773 : vector<16xi32>
    %shift_right_arithmetic3A_775 = arith.constant 1 : i32
    %shift_right_arithmetic3A_776 = vector.broadcast %shift_right_arithmetic3A_775 : i32 to vector<16xi32>
    %shift_right_arithmetic3A_777 = arith.shrsi %add3A_774, %shift_right_arithmetic3A_776 : vector<16xi32>
    %gather3A_778 = tpu.vector_load_idx %arg6[%shift_right_arithmetic3A_777] : memref<4096xi32, #tpu.memory_space<vmem>>[vector<16xi32>], vector<16xi32>,
    %le3A_779 = arith.cmpi sle, %gather3A_778, %add3A_692 : vector<16xi32>
    %add3A_780 = arith.constant 1 : i32
    %add3A_781 = vector.broadcast %add3A_780 : i32 to vector<16xi32>
    %add3A_782 = arith.addi %shift_right_arithmetic3A_777, %add3A_781 : vector<16xi32>
    %select_n3A_783 = arith.select %le3A_779, %add3A_782, %select_n3A_772 : vector<16xi1>, vector<16xi32>
    %select_n3A_784 = arith.select %le3A_779, %select_n3A_773, %shift_right_arithmetic3A_777 : vector<16xi1>, vector<16xi32>
    %add3A_785 = arith.addi %select_n3A_783, %select_n3A_784 : vector<16xi32>
    %shift_right_arithmetic3A_786 = arith.constant 1 : i32
    %shift_right_arithmetic3A_787 = vector.broadcast %shift_right_arithmetic3A_786 : i32 to vector<16xi32>
    %shift_right_arithmetic3A_788 = arith.shrsi %add3A_785, %shift_right_arithmetic3A_787 : vector<16xi32>
    %gather3A_789 = tpu.vector_load_idx %arg6[%shift_right_arithmetic3A_788] : memref<4096xi32, #tpu.memory_space<vmem>>[vector<16xi32>], vector<16xi32>,
    %le3A_790 = arith.cmpi sle, %gather3A_789, %add3A_692 : vector<16xi32>
    %add3A_791 = arith.constant 1 : i32
    %add3A_792 = vector.broadcast %add3A_791 : i32 to vector<16xi32>
    %add3A_793 = arith.addi %shift_right_arithmetic3A_788, %add3A_792 : vector<16xi32>
    %select_n3A_794 = arith.select %le3A_790, %add3A_793, %select_n3A_783 : vector<16xi1>, vector<16xi32>
    %select_n3A_795 = arith.select %le3A_790, %select_n3A_784, %shift_right_arithmetic3A_788 : vector<16xi1>, vector<16xi32>
    %add3A_796 = arith.addi %select_n3A_794, %select_n3A_795 : vector<16xi32>
    %shift_right_arithmetic3A_797 = arith.constant 1 : i32
    %shift_right_arithmetic3A_798 = vector.broadcast %shift_right_arithmetic3A_797 : i32 to vector<16xi32>
    %shift_right_arithmetic3A_799 = arith.shrsi %add3A_796, %shift_right_arithmetic3A_798 : vector<16xi32>
    %gather3A_800 = tpu.vector_load_idx %arg6[%shift_right_arithmetic3A_799] : memref<4096xi32, #tpu.memory_space<vmem>>[vector<16xi32>], vector<16xi32>,
    %le3A_801 = arith.cmpi sle, %gather3A_800, %add3A_692 : vector<16xi32>
    %add3A_802 = arith.constant 1 : i32
    %add3A_803 = vector.broadcast %add3A_802 : i32 to vector<16xi32>
    %add3A_804 = arith.addi %shift_right_arithmetic3A_799, %add3A_803 : vector<16xi32>
    %select_n3A_805 = arith.select %le3A_801, %add3A_804, %select_n3A_794 : vector<16xi1>, vector<16xi32>
    %select_n3A_806 = arith.select %le3A_801, %select_n3A_795, %shift_right_arithmetic3A_799 : vector<16xi1>, vector<16xi32>
    %add3A_807 = arith.addi %select_n3A_805, %select_n3A_806 : vector<16xi32>
    %shift_right_arithmetic3A_808 = arith.constant 1 : i32
    %shift_right_arithmetic3A_809 = vector.broadcast %shift_right_arithmetic3A_808 : i32 to vector<16xi32>
    %shift_right_arithmetic3A_810 = arith.shrsi %add3A_807, %shift_right_arithmetic3A_809 : vector<16xi32>
    %gather3A_811 = tpu.vector_load_idx %arg6[%shift_right_arithmetic3A_810] : memref<4096xi32, #tpu.memory_space<vmem>>[vector<16xi32>], vector<16xi32>,
    %le3A_812 = arith.cmpi sle, %gather3A_811, %add3A_692 : vector<16xi32>
    %add3A_813 = arith.constant 1 : i32
    %add3A_814 = vector.broadcast %add3A_813 : i32 to vector<16xi32>
    %add3A_815 = arith.addi %shift_right_arithmetic3A_810, %add3A_814 : vector<16xi32>
    %select_n3A_816 = arith.select %le3A_812, %add3A_815, %select_n3A_805 : vector<16xi1>, vector<16xi32>
    %select_n3A_817 = arith.select %le3A_812, %select_n3A_806, %shift_right_arithmetic3A_810 : vector<16xi1>, vector<16xi32>
    %add3A_818 = arith.addi %select_n3A_816, %select_n3A_817 : vector<16xi32>
    %shift_right_arithmetic3A_819 = arith.constant 1 : i32
    %shift_right_arithmetic3A_820 = vector.broadcast %shift_right_arithmetic3A_819 : i32 to vector<16xi32>
    %shift_right_arithmetic3A_821 = arith.shrsi %add3A_818, %shift_right_arithmetic3A_820 : vector<16xi32>
    %gather3A_822 = tpu.vector_load_idx %arg6[%shift_right_arithmetic3A_821] : memref<4096xi32, #tpu.memory_space<vmem>>[vector<16xi32>], vector<16xi32>,
    %le3A_823 = arith.cmpi sle, %gather3A_822, %add3A_692 : vector<16xi32>
    %add3A_824 = arith.constant 1 : i32
    %add3A_825 = vector.broadcast %add3A_824 : i32 to vector<16xi32>
    %add3A_826 = arith.addi %shift_right_arithmetic3A_821, %add3A_825 : vector<16xi32>
    %select_n3A_827 = arith.select %le3A_823, %add3A_826, %select_n3A_816 : vector<16xi1>, vector<16xi32>
    %select_n3A_828 = arith.select %le3A_823, %select_n3A_817, %shift_right_arithmetic3A_821 : vector<16xi1>, vector<16xi32>
    %slice3A_829 = vector.extract_strided_slice %select_n3A_827 {offsets = [0], sizes = [1], strides = [1]} : vector<16xi32> to vector<1xi32>
    %squeeze3A_830 = vector.extract %slice3A_829[0] : i32 from vector<1xi32>
    %sub3A_831 = arith.constant 1 : i32
    %sub3A_832 = arith.subi %squeeze3A_830, %sub3A_831 : i32
    %max3A_833 = arith.constant 0 : i32
    %max3A_834 = arith.maxsi %sub3A_832, %max3A_833 : i32
    %add3A_835 = arith.constant 256 : i32
    %add3A_836 = arith.addi %add3A_690, %add3A_835 : i32
    %sub3A_837 = arith.constant 1 : i32
    %sub3A_838 = arith.subi %add3A_836, %sub3A_837 : i32
    %add3A_839 = arith.constant 1 : i32
    %add3A_840 = arith.addi %max3A_834, %add3A_839 : i32
    %add3A_841 = arith.constant 1 : i32
    %add3A_842 = arith.addi %max3A_834, %add3A_841 : i32
    %min3A_843 = arith.constant 4095 : i32
    %min3A_844 = arith.minsi %add3A_842, %min3A_843 : i32
    %broadcast_in_dim3A_845 = vector.broadcast %min3A_844 : i32 to vector<16xi32>
    %gather3A_846 = tpu.vector_load_idx %arg6[%broadcast_in_dim3A_845] : memref<4096xi32, #tpu.memory_space<vmem>>[vector<16xi32>], vector<16xi32>,
    %slice3A_847 = vector.extract_strided_slice %gather3A_846 {offsets = [0], sizes = [1], strides = [1]} : vector<16xi32> to vector<1xi32>
    %squeeze3A_848 = vector.extract %slice3A_847[0] : i32 from vector<1xi32>
    %broadcast_in_dim3A_849 = arith.constant 0 : i32
    %broadcast_in_dim3A_850 = vector.broadcast %broadcast_in_dim3A_849 : i32 to vector<16xi32>
    %broadcast_in_dim3A_851 = arith.constant 0 : i32
    %broadcast_in_dim3A_852 = vector.broadcast %broadcast_in_dim3A_851 : i32 to vector<16xi32>
    %broadcast_in_dim3A_853 = arith.constant 0 : i32
    %broadcast_in_dim3A_854 = vector.broadcast %broadcast_in_dim3A_853 : i32 to vector<16xi32>
    %broadcast_in_dim3A_855 = arith.constant 0 : i32
    %broadcast_in_dim3A_856 = vector.broadcast %broadcast_in_dim3A_855 : i32 to vector<16xi32>
    %broadcast_in_dim3A_857 = arith.constant 0 : i32
    %broadcast_in_dim3A_858 = vector.broadcast %broadcast_in_dim3A_857 : i32 to vector<16xi32>
    %broadcast_in_dim3A_859 = arith.constant 0 : i32
    %broadcast_in_dim3A_860 = vector.broadcast %broadcast_in_dim3A_859 : i32 to vector<16xi32>
    %broadcast_in_dim3A_861 = arith.constant 0 : i32
    %broadcast_in_dim3A_862 = vector.broadcast %broadcast_in_dim3A_861 : i32 to vector<16xi32>
    %broadcast_in_dim3A_863 = arith.constant 0 : i32
    %broadcast_in_dim3A_864 = vector.broadcast %broadcast_in_dim3A_863 : i32 to vector<16xi32>
    %broadcast_in_dim3A_865 = arith.constant 0 : i32
    %broadcast_in_dim3A_866 = vector.broadcast %broadcast_in_dim3A_865 : i32 to vector<16xi32>
    %broadcast_in_dim3A_867 = arith.constant 0 : i32
    %broadcast_in_dim3A_868 = vector.broadcast %broadcast_in_dim3A_867 : i32 to vector<16xi32>
    %broadcast_in_dim3A_869 = arith.constant 0 : i32
    %broadcast_in_dim3A_870 = vector.broadcast %broadcast_in_dim3A_869 : i32 to vector<16xi32>
    %broadcast_in_dim3A_871 = arith.constant 0 : i32
    %broadcast_in_dim3A_872 = vector.broadcast %broadcast_in_dim3A_871 : i32 to vector<16xi32>
    %broadcast_in_dim3A_873 = arith.constant 0 : i32
    %broadcast_in_dim3A_874 = vector.broadcast %broadcast_in_dim3A_873 : i32 to vector<16xi32>
    %broadcast_in_dim3A_875 = arith.constant 0 : i32
    %broadcast_in_dim3A_876 = vector.broadcast %broadcast_in_dim3A_875 : i32 to vector<16xi32>
    %broadcast_in_dim3A_877 = arith.constant 0 : i32
    %broadcast_in_dim3A_878 = vector.broadcast %broadcast_in_dim3A_877 : i32 to vector<16xi32>
    %broadcast_in_dim3A_879 = arith.constant 0 : i32
    %broadcast_in_dim3A_880 = vector.broadcast %broadcast_in_dim3A_879 : i32 to vector<16xi32>
    %while3A_881:18 = scf.while (%while3A_1374 = %add3A_840, %while3A_1375 = %squeeze3A_848, %while3A_1376 = %broadcast_in_dim3A_850, %while3A_1377 = %broadcast_in_dim3A_852, %while3A_1378 = %broadcast_in_dim3A_854, %while3A_1379 = %broadcast_in_dim3A_856, %while3A_1380 = %broadcast_in_dim3A_858, %while3A_1381 = %broadcast_in_dim3A_860, %while3A_1382 = %broadcast_in_dim3A_862, %while3A_1383 = %broadcast_in_dim3A_864, %while3A_1384 = %broadcast_in_dim3A_866, %while3A_1385 = %broadcast_in_dim3A_868, %while3A_1386 = %broadcast_in_dim3A_870, %while3A_1387 = %broadcast_in_dim3A_872, %while3A_1388 = %broadcast_in_dim3A_874, %while3A_1389 = %broadcast_in_dim3A_876, %while3A_1390 = %broadcast_in_dim3A_878, %while3A_1391 = %broadcast_in_dim3A_880) : (i32, i32, vector<16xi32>, vector<16xi32>, vector<16xi32>, vector<16xi32>, vector<16xi32>, vector<16xi32>, vector<16xi32>, vector<16xi32>, vector<16xi32>, vector<16xi32>, vector<16xi32>, vector<16xi32>, vector<16xi32>, vector<16xi32>, vector<16xi32>, vector<16xi32>) -> (i32, i32, vector<16xi32>, vector<16xi32>, vector<16xi32>, vector<16xi32>, vector<16xi32>, vector<16xi32>, vector<16xi32>, vector<16xi32>, vector<16xi32>, vector<16xi32>, vector<16xi32>, vector<16xi32>, vector<16xi32>, vector<16xi32>, vector<16xi32>, vector<16xi32>) {
      %lt3A = arith.constant 4096 : i32
      %lt3A_1392 = arith.cmpi slt, %while3A_1374, %lt3A : i32
      %le3A_1393 = arith.cmpi sle, %while3A_1375, %sub3A_838 : i32
      %and3A = arith.andi %lt3A_1392, %le3A_1393 : i1
      scf.condition(%and3A) %while3A_1374, %while3A_1375, %while3A_1376, %while3A_1377, %while3A_1378, %while3A_1379, %while3A_1380, %while3A_1381, %while3A_1382, %while3A_1383, %while3A_1384, %while3A_1385, %while3A_1386, %while3A_1387, %while3A_1388, %while3A_1389, %while3A_1390, %while3A_1391 : i32, i32, vector<16xi32>, vector<16xi32>, vector<16xi32>, vector<16xi32>, vector<16xi32>, vector<16xi32>, vector<16xi32>, vector<16xi32>, vector<16xi32>, vector<16xi32>, vector<16xi32>, vector<16xi32>, vector<16xi32>, vector<16xi32>, vector<16xi32>, vector<16xi32>
    } do {
    ^bb0(%while3A_1374: i32, %while3A_1375: i32, %while3A_1376: vector<16xi32>, %while3A_1377: vector<16xi32>, %while3A_1378: vector<16xi32>, %while3A_1379: vector<16xi32>, %while3A_1380: vector<16xi32>, %while3A_1381: vector<16xi32>, %while3A_1382: vector<16xi32>, %while3A_1383: vector<16xi32>, %while3A_1384: vector<16xi32>, %while3A_1385: vector<16xi32>, %while3A_1386: vector<16xi32>, %while3A_1387: vector<16xi32>, %while3A_1388: vector<16xi32>, %while3A_1389: vector<16xi32>, %while3A_1390: vector<16xi32>, %while3A_1391: vector<16xi32>):
      %broadcast_in_dim3A_1392 = vector.broadcast %while3A_1375 : i32 to vector<16xi32>
      %add3A_1393 = arith.constant 0 : i32
      %add3A_1394 = arith.addi %add3A_690, %add3A_1393 : i32
      %add3A_1395 = vector.broadcast %add3A_1394 : i32 to vector<16xi32>
      %add3A_1396 = arith.addi %add3A_1395, %iota3A : vector<16xi32>
      %le3A_1397 = arith.cmpi sle, %broadcast_in_dim3A_1392, %add3A_1396 : vector<16xi32>
      %jit3A = arith.constant 1 : i32
      %jit3A_1398 = arith.constant 0 : i32
      %broadcast_in_dim3A_1399 = vector.broadcast %jit3A : i32 to vector<16xi32>
      %broadcast_in_dim3A_1400 = vector.broadcast %jit3A_1398 : i32 to vector<16xi32>
      %select_n3A_1401 = arith.select %le3A_1397, %broadcast_in_dim3A_1399, %broadcast_in_dim3A_1400 : vector<16xi1>, vector<16xi32>
      %add3A_1402 = arith.addi %while3A_1376, %select_n3A_1401 : vector<16xi32>
      %add3A_1403 = arith.constant 16 : i32
      %add3A_1404 = arith.addi %add3A_690, %add3A_1403 : i32
      %add3A_1405 = vector.broadcast %add3A_1404 : i32 to vector<16xi32>
      %add3A_1406 = arith.addi %add3A_1405, %iota3A : vector<16xi32>
      %le3A_1407 = arith.cmpi sle, %broadcast_in_dim3A_1392, %add3A_1406 : vector<16xi32>
      %jit3A_1408 = arith.constant 1 : i32
      %jit3A_1409 = arith.constant 0 : i32
      %broadcast_in_dim3A_1410 = vector.broadcast %jit3A_1408 : i32 to vector<16xi32>
      %broadcast_in_dim3A_1411 = vector.broadcast %jit3A_1409 : i32 to vector<16xi32>
      %select_n3A_1412 = arith.select %le3A_1407, %broadcast_in_dim3A_1410, %broadcast_in_dim3A_1411 : vector<16xi1>, vector<16xi32>
      %add3A_1413 = arith.addi %while3A_1377, %select_n3A_1412 : vector<16xi32>
      %add3A_1414 = arith.constant 32 : i32
      %add3A_1415 = arith.addi %add3A_690, %add3A_1414 : i32
      %add3A_1416 = vector.broadcast %add3A_1415 : i32 to vector<16xi32>
      %add3A_1417 = arith.addi %add3A_1416, %iota3A : vector<16xi32>
      %le3A_1418 = arith.cmpi sle, %broadcast_in_dim3A_1392, %add3A_1417 : vector<16xi32>
      %jit3A_1419 = arith.constant 1 : i32
      %jit3A_1420 = arith.constant 0 : i32
      %broadcast_in_dim3A_1421 = vector.broadcast %jit3A_1419 : i32 to vector<16xi32>
      %broadcast_in_dim3A_1422 = vector.broadcast %jit3A_1420 : i32 to vector<16xi32>
      %select_n3A_1423 = arith.select %le3A_1418, %broadcast_in_dim3A_1421, %broadcast_in_dim3A_1422 : vector<16xi1>, vector<16xi32>
      %add3A_1424 = arith.addi %while3A_1378, %select_n3A_1423 : vector<16xi32>
      %add3A_1425 = arith.constant 48 : i32
      %add3A_1426 = arith.addi %add3A_690, %add3A_1425 : i32
      %add3A_1427 = vector.broadcast %add3A_1426 : i32 to vector<16xi32>
      %add3A_1428 = arith.addi %add3A_1427, %iota3A : vector<16xi32>
      %le3A_1429 = arith.cmpi sle, %broadcast_in_dim3A_1392, %add3A_1428 : vector<16xi32>
      %jit3A_1430 = arith.constant 1 : i32
      %jit3A_1431 = arith.constant 0 : i32
      %broadcast_in_dim3A_1432 = vector.broadcast %jit3A_1430 : i32 to vector<16xi32>
      %broadcast_in_dim3A_1433 = vector.broadcast %jit3A_1431 : i32 to vector<16xi32>
      %select_n3A_1434 = arith.select %le3A_1429, %broadcast_in_dim3A_1432, %broadcast_in_dim3A_1433 : vector<16xi1>, vector<16xi32>
      %add3A_1435 = arith.addi %while3A_1379, %select_n3A_1434 : vector<16xi32>
      %add3A_1436 = arith.constant 64 : i32
      %add3A_1437 = arith.addi %add3A_690, %add3A_1436 : i32
      %add3A_1438 = vector.broadcast %add3A_1437 : i32 to vector<16xi32>
      %add3A_1439 = arith.addi %add3A_1438, %iota3A : vector<16xi32>
      %le3A_1440 = arith.cmpi sle, %broadcast_in_dim3A_1392, %add3A_1439 : vector<16xi32>
      %jit3A_1441 = arith.constant 1 : i32
      %jit3A_1442 = arith.constant 0 : i32
      %broadcast_in_dim3A_1443 = vector.broadcast %jit3A_1441 : i32 to vector<16xi32>
      %broadcast_in_dim3A_1444 = vector.broadcast %jit3A_1442 : i32 to vector<16xi32>
      %select_n3A_1445 = arith.select %le3A_1440, %broadcast_in_dim3A_1443, %broadcast_in_dim3A_1444 : vector<16xi1>, vector<16xi32>
      %add3A_1446 = arith.addi %while3A_1380, %select_n3A_1445 : vector<16xi32>
      %add3A_1447 = arith.constant 80 : i32
      %add3A_1448 = arith.addi %add3A_690, %add3A_1447 : i32
      %add3A_1449 = vector.broadcast %add3A_1448 : i32 to vector<16xi32>
      %add3A_1450 = arith.addi %add3A_1449, %iota3A : vector<16xi32>
      %le3A_1451 = arith.cmpi sle, %broadcast_in_dim3A_1392, %add3A_1450 : vector<16xi32>
      %jit3A_1452 = arith.constant 1 : i32
      %jit3A_1453 = arith.constant 0 : i32
      %broadcast_in_dim3A_1454 = vector.broadcast %jit3A_1452 : i32 to vector<16xi32>
      %broadcast_in_dim3A_1455 = vector.broadcast %jit3A_1453 : i32 to vector<16xi32>
      %select_n3A_1456 = arith.select %le3A_1451, %broadcast_in_dim3A_1454, %broadcast_in_dim3A_1455 : vector<16xi1>, vector<16xi32>
      %add3A_1457 = arith.addi %while3A_1381, %select_n3A_1456 : vector<16xi32>
      %add3A_1458 = arith.constant 96 : i32
      %add3A_1459 = arith.addi %add3A_690, %add3A_1458 : i32
      %add3A_1460 = vector.broadcast %add3A_1459 : i32 to vector<16xi32>
      %add3A_1461 = arith.addi %add3A_1460, %iota3A : vector<16xi32>
      %le3A_1462 = arith.cmpi sle, %broadcast_in_dim3A_1392, %add3A_1461 : vector<16xi32>
      %jit3A_1463 = arith.constant 1 : i32
      %jit3A_1464 = arith.constant 0 : i32
      %broadcast_in_dim3A_1465 = vector.broadcast %jit3A_1463 : i32 to vector<16xi32>
      %broadcast_in_dim3A_1466 = vector.broadcast %jit3A_1464 : i32 to vector<16xi32>
      %select_n3A_1467 = arith.select %le3A_1462, %broadcast_in_dim3A_1465, %broadcast_in_dim3A_1466 : vector<16xi1>, vector<16xi32>
      %add3A_1468 = arith.addi %while3A_1382, %select_n3A_1467 : vector<16xi32>
      %add3A_1469 = arith.constant 112 : i32
      %add3A_1470 = arith.addi %add3A_690, %add3A_1469 : i32
      %add3A_1471 = vector.broadcast %add3A_1470 : i32 to vector<16xi32>
      %add3A_1472 = arith.addi %add3A_1471, %iota3A : vector<16xi32>
      %le3A_1473 = arith.cmpi sle, %broadcast_in_dim3A_1392, %add3A_1472 : vector<16xi32>
      %jit3A_1474 = arith.constant 1 : i32
      %jit3A_1475 = arith.constant 0 : i32
      %broadcast_in_dim3A_1476 = vector.broadcast %jit3A_1474 : i32 to vector<16xi32>
      %broadcast_in_dim3A_1477 = vector.broadcast %jit3A_1475 : i32 to vector<16xi32>
      %select_n3A_1478 = arith.select %le3A_1473, %broadcast_in_dim3A_1476, %broadcast_in_dim3A_1477 : vector<16xi1>, vector<16xi32>
      %add3A_1479 = arith.addi %while3A_1383, %select_n3A_1478 : vector<16xi32>
      %add3A_1480 = arith.constant 128 : i32
      %add3A_1481 = arith.addi %add3A_690, %add3A_1480 : i32
      %add3A_1482 = vector.broadcast %add3A_1481 : i32 to vector<16xi32>
      %add3A_1483 = arith.addi %add3A_1482, %iota3A : vector<16xi32>
      %le3A_1484 = arith.cmpi sle, %broadcast_in_dim3A_1392, %add3A_1483 : vector<16xi32>
      %jit3A_1485 = arith.constant 1 : i32
      %jit3A_1486 = arith.constant 0 : i32
      %broadcast_in_dim3A_1487 = vector.broadcast %jit3A_1485 : i32 to vector<16xi32>
      %broadcast_in_dim3A_1488 = vector.broadcast %jit3A_1486 : i32 to vector<16xi32>
      %select_n3A_1489 = arith.select %le3A_1484, %broadcast_in_dim3A_1487, %broadcast_in_dim3A_1488 : vector<16xi1>, vector<16xi32>
      %add3A_1490 = arith.addi %while3A_1384, %select_n3A_1489 : vector<16xi32>
      %add3A_1491 = arith.constant 144 : i32
      %add3A_1492 = arith.addi %add3A_690, %add3A_1491 : i32
      %add3A_1493 = vector.broadcast %add3A_1492 : i32 to vector<16xi32>
      %add3A_1494 = arith.addi %add3A_1493, %iota3A : vector<16xi32>
      %le3A_1495 = arith.cmpi sle, %broadcast_in_dim3A_1392, %add3A_1494 : vector<16xi32>
      %jit3A_1496 = arith.constant 1 : i32
      %jit3A_1497 = arith.constant 0 : i32
      %broadcast_in_dim3A_1498 = vector.broadcast %jit3A_1496 : i32 to vector<16xi32>
      %broadcast_in_dim3A_1499 = vector.broadcast %jit3A_1497 : i32 to vector<16xi32>
      %select_n3A_1500 = arith.select %le3A_1495, %broadcast_in_dim3A_1498, %broadcast_in_dim3A_1499 : vector<16xi1>, vector<16xi32>
      %add3A_1501 = arith.addi %while3A_1385, %select_n3A_1500 : vector<16xi32>
      %add3A_1502 = arith.constant 160 : i32
      %add3A_1503 = arith.addi %add3A_690, %add3A_1502 : i32
      %add3A_1504 = vector.broadcast %add3A_1503 : i32 to vector<16xi32>
      %add3A_1505 = arith.addi %add3A_1504, %iota3A : vector<16xi32>
      %le3A_1506 = arith.cmpi sle, %broadcast_in_dim3A_1392, %add3A_1505 : vector<16xi32>
      %jit3A_1507 = arith.constant 1 : i32
      %jit3A_1508 = arith.constant 0 : i32
      %broadcast_in_dim3A_1509 = vector.broadcast %jit3A_1507 : i32 to vector<16xi32>
      %broadcast_in_dim3A_1510 = vector.broadcast %jit3A_1508 : i32 to vector<16xi32>
      %select_n3A_1511 = arith.select %le3A_1506, %broadcast_in_dim3A_1509, %broadcast_in_dim3A_1510 : vector<16xi1>, vector<16xi32>
      %add3A_1512 = arith.addi %while3A_1386, %select_n3A_1511 : vector<16xi32>
      %add3A_1513 = arith.constant 176 : i32
      %add3A_1514 = arith.addi %add3A_690, %add3A_1513 : i32
      %add3A_1515 = vector.broadcast %add3A_1514 : i32 to vector<16xi32>
      %add3A_1516 = arith.addi %add3A_1515, %iota3A : vector<16xi32>
      %le3A_1517 = arith.cmpi sle, %broadcast_in_dim3A_1392, %add3A_1516 : vector<16xi32>
      %jit3A_1518 = arith.constant 1 : i32
      %jit3A_1519 = arith.constant 0 : i32
      %broadcast_in_dim3A_1520 = vector.broadcast %jit3A_1518 : i32 to vector<16xi32>
      %broadcast_in_dim3A_1521 = vector.broadcast %jit3A_1519 : i32 to vector<16xi32>
      %select_n3A_1522 = arith.select %le3A_1517, %broadcast_in_dim3A_1520, %broadcast_in_dim3A_1521 : vector<16xi1>, vector<16xi32>
      %add3A_1523 = arith.addi %while3A_1387, %select_n3A_1522 : vector<16xi32>
      %add3A_1524 = arith.constant 192 : i32
      %add3A_1525 = arith.addi %add3A_690, %add3A_1524 : i32
      %add3A_1526 = vector.broadcast %add3A_1525 : i32 to vector<16xi32>
      %add3A_1527 = arith.addi %add3A_1526, %iota3A : vector<16xi32>
      %le3A_1528 = arith.cmpi sle, %broadcast_in_dim3A_1392, %add3A_1527 : vector<16xi32>
      %jit3A_1529 = arith.constant 1 : i32
      %jit3A_1530 = arith.constant 0 : i32
      %broadcast_in_dim3A_1531 = vector.broadcast %jit3A_1529 : i32 to vector<16xi32>
      %broadcast_in_dim3A_1532 = vector.broadcast %jit3A_1530 : i32 to vector<16xi32>
      %select_n3A_1533 = arith.select %le3A_1528, %broadcast_in_dim3A_1531, %broadcast_in_dim3A_1532 : vector<16xi1>, vector<16xi32>
      %add3A_1534 = arith.addi %while3A_1388, %select_n3A_1533 : vector<16xi32>
      %add3A_1535 = arith.constant 208 : i32
      %add3A_1536 = arith.addi %add3A_690, %add3A_1535 : i32
      %add3A_1537 = vector.broadcast %add3A_1536 : i32 to vector<16xi32>
      %add3A_1538 = arith.addi %add3A_1537, %iota3A : vector<16xi32>
      %le3A_1539 = arith.cmpi sle, %broadcast_in_dim3A_1392, %add3A_1538 : vector<16xi32>
      %jit3A_1540 = arith.constant 1 : i32
      %jit3A_1541 = arith.constant 0 : i32
      %broadcast_in_dim3A_1542 = vector.broadcast %jit3A_1540 : i32 to vector<16xi32>
      %broadcast_in_dim3A_1543 = vector.broadcast %jit3A_1541 : i32 to vector<16xi32>
      %select_n3A_1544 = arith.select %le3A_1539, %broadcast_in_dim3A_1542, %broadcast_in_dim3A_1543 : vector<16xi1>, vector<16xi32>
      %add3A_1545 = arith.addi %while3A_1389, %select_n3A_1544 : vector<16xi32>
      %add3A_1546 = arith.constant 224 : i32
      %add3A_1547 = arith.addi %add3A_690, %add3A_1546 : i32
      %add3A_1548 = vector.broadcast %add3A_1547 : i32 to vector<16xi32>
      %add3A_1549 = arith.addi %add3A_1548, %iota3A : vector<16xi32>
      %le3A_1550 = arith.cmpi sle, %broadcast_in_dim3A_1392, %add3A_1549 : vector<16xi32>
      %jit3A_1551 = arith.constant 1 : i32
      %jit3A_1552 = arith.constant 0 : i32
      %broadcast_in_dim3A_1553 = vector.broadcast %jit3A_1551 : i32 to vector<16xi32>
      %broadcast_in_dim3A_1554 = vector.broadcast %jit3A_1552 : i32 to vector<16xi32>
      %select_n3A_1555 = arith.select %le3A_1550, %broadcast_in_dim3A_1553, %broadcast_in_dim3A_1554 : vector<16xi1>, vector<16xi32>
      %add3A_1556 = arith.addi %while3A_1390, %select_n3A_1555 : vector<16xi32>
      %add3A_1557 = arith.constant 240 : i32
      %add3A_1558 = arith.addi %add3A_690, %add3A_1557 : i32
      %add3A_1559 = vector.broadcast %add3A_1558 : i32 to vector<16xi32>
      %add3A_1560 = arith.addi %add3A_1559, %iota3A : vector<16xi32>
      %le3A_1561 = arith.cmpi sle, %broadcast_in_dim3A_1392, %add3A_1560 : vector<16xi32>
      %jit3A_1562 = arith.constant 1 : i32
      %jit3A_1563 = arith.constant 0 : i32
      %broadcast_in_dim3A_1564 = vector.broadcast %jit3A_1562 : i32 to vector<16xi32>
      %broadcast_in_dim3A_1565 = vector.broadcast %jit3A_1563 : i32 to vector<16xi32>
      %select_n3A_1566 = arith.select %le3A_1561, %broadcast_in_dim3A_1564, %broadcast_in_dim3A_1565 : vector<16xi1>, vector<16xi32>
      %add3A_1567 = arith.addi %while3A_1391, %select_n3A_1566 : vector<16xi32>
      %add3A_1568 = arith.constant 1 : i32
      %add3A_1569 = arith.addi %while3A_1374, %add3A_1568 : i32
      %add3A_1570 = arith.constant 1 : i32
      %add3A_1571 = arith.addi %while3A_1374, %add3A_1570 : i32
      %min3A_1572 = arith.constant 4095 : i32
      %min3A_1573 = arith.minsi %add3A_1571, %min3A_1572 : i32
      %broadcast_in_dim3A_1574 = vector.broadcast %min3A_1573 : i32 to vector<16xi32>
      %gather3A_1575 = tpu.vector_load_idx %arg6[%broadcast_in_dim3A_1574] : memref<4096xi32, #tpu.memory_space<vmem>>[vector<16xi32>], vector<16xi32>,
      %slice3A_1576 = vector.extract_strided_slice %gather3A_1575 {offsets = [0], sizes = [1], strides = [1]} : vector<16xi32> to vector<1xi32>
      %squeeze3A_1577 = vector.extract %slice3A_1576[0] : i32 from vector<1xi32>
      scf.yield %add3A_1569, %squeeze3A_1577, %add3A_1402, %add3A_1413, %add3A_1424, %add3A_1435, %add3A_1446, %add3A_1457, %add3A_1468, %add3A_1479, %add3A_1490, %add3A_1501, %add3A_1512, %add3A_1523, %add3A_1534, %add3A_1545, %add3A_1556, %add3A_1567 : i32, i32, vector<16xi32>, vector<16xi32>, vector<16xi32>, vector<16xi32>, vector<16xi32>, vector<16xi32>, vector<16xi32>, vector<16xi32>, vector<16xi32>, vector<16xi32>, vector<16xi32>, vector<16xi32>, vector<16xi32>, vector<16xi32>, vector<16xi32>, vector<16xi32>
    }
    %add3A_882 = vector.broadcast %max3A_834 : i32 to vector<16xi32>
    %add3A_883 = arith.addi %add3A_882, %while3A_881#2 : vector<16xi32>
    %min3A_884 = arith.constant 4095 : i32
    %min3A_885 = vector.broadcast %min3A_884 : i32 to vector<16xi32>
    %min3A_886 = arith.minsi %add3A_883, %min3A_885 : vector<16xi32>
    %swap3A_887 = arith.constant 0 : index
    %swap3A_888 = tpu.vector_load %arg12[%swap3A_887] {strides = array<i32>} : memref<128xi32, #tpu.memory_space<vmem>>, vector<16xi32>,
    tpu.vector_store %arg12[%swap3A_887], %min3A_886 {strides = array<i32>} : memref<128xi32, #tpu.memory_space<vmem>>, vector<16xi32>,
    %add3A_889 = vector.broadcast %max3A_834 : i32 to vector<16xi32>
    %add3A_890 = arith.addi %add3A_889, %while3A_881#3 : vector<16xi32>
    %min3A_891 = arith.constant 4095 : i32
    %min3A_892 = vector.broadcast %min3A_891 : i32 to vector<16xi32>
    %min3A_893 = arith.minsi %add3A_890, %min3A_892 : vector<16xi32>
    %swap3A_894 = arith.constant 16 : index
    %swap3A_895 = tpu.vector_load %arg12[%swap3A_894] {strides = array<i32>} : memref<128xi32, #tpu.memory_space<vmem>>, vector<16xi32>,
    tpu.vector_store %arg12[%swap3A_894], %min3A_893 {strides = array<i32>} : memref<128xi32, #tpu.memory_space<vmem>>, vector<16xi32>,
    %add3A_896 = vector.broadcast %max3A_834 : i32 to vector<16xi32>
    %add3A_897 = arith.addi %add3A_896, %while3A_881#4 : vector<16xi32>
    %min3A_898 = arith.constant 4095 : i32
    %min3A_899 = vector.broadcast %min3A_898 : i32 to vector<16xi32>
    %min3A_900 = arith.minsi %add3A_897, %min3A_899 : vector<16xi32>
    %swap3A_901 = arith.constant 32 : index
    %swap3A_902 = tpu.vector_load %arg12[%swap3A_901] {strides = array<i32>} : memref<128xi32, #tpu.memory_space<vmem>>, vector<16xi32>,
    tpu.vector_store %arg12[%swap3A_901], %min3A_900 {strides = array<i32>} : memref<128xi32, #tpu.memory_space<vmem>>, vector<16xi32>,
    %add3A_903 = vector.broadcast %max3A_834 : i32 to vector<16xi32>
    %add3A_904 = arith.addi %add3A_903, %while3A_881#5 : vector<16xi32>
    %min3A_905 = arith.constant 4095 : i32
    %min3A_906 = vector.broadcast %min3A_905 : i32 to vector<16xi32>
    %min3A_907 = arith.minsi %add3A_904, %min3A_906 : vector<16xi32>
    %swap3A_908 = arith.constant 48 : index
    %swap3A_909 = tpu.vector_load %arg12[%swap3A_908] {strides = array<i32>} : memref<128xi32, #tpu.memory_space<vmem>>, vector<16xi32>,
    tpu.vector_store %arg12[%swap3A_908], %min3A_907 {strides = array<i32>} : memref<128xi32, #tpu.memory_space<vmem>>, vector<16xi32>,
    %add3A_910 = vector.broadcast %max3A_834 : i32 to vector<16xi32>
    %add3A_911 = arith.addi %add3A_910, %while3A_881#6 : vector<16xi32>
    %min3A_912 = arith.constant 4095 : i32
    %min3A_913 = vector.broadcast %min3A_912 : i32 to vector<16xi32>
    %min3A_914 = arith.minsi %add3A_911, %min3A_913 : vector<16xi32>
    %swap3A_915 = arith.constant 64 : index
    %swap3A_916 = tpu.vector_load %arg12[%swap3A_915] {strides = array<i32>} : memref<128xi32, #tpu.memory_space<vmem>>, vector<16xi32>,
    tpu.vector_store %arg12[%swap3A_915], %min3A_914 {strides = array<i32>} : memref<128xi32, #tpu.memory_space<vmem>>, vector<16xi32>,
    %add3A_917 = vector.broadcast %max3A_834 : i32 to vector<16xi32>
    %add3A_918 = arith.addi %add3A_917, %while3A_881#7 : vector<16xi32>
    %min3A_919 = arith.constant 4095 : i32
    %min3A_920 = vector.broadcast %min3A_919 : i32 to vector<16xi32>
    %min3A_921 = arith.minsi %add3A_918, %min3A_920 : vector<16xi32>
    %swap3A_922 = arith.constant 80 : index
    %swap3A_923 = tpu.vector_load %arg12[%swap3A_922] {strides = array<i32>} : memref<128xi32, #tpu.memory_space<vmem>>, vector<16xi32>,
    tpu.vector_store %arg12[%swap3A_922], %min3A_921 {strides = array<i32>} : memref<128xi32, #tpu.memory_space<vmem>>, vector<16xi32>,
    %add3A_924 = vector.broadcast %max3A_834 : i32 to vector<16xi32>
    %add3A_925 = arith.addi %add3A_924, %while3A_881#8 : vector<16xi32>
    %min3A_926 = arith.constant 4095 : i32
    %min3A_927 = vector.broadcast %min3A_926 : i32 to vector<16xi32>
    %min3A_928 = arith.minsi %add3A_925, %min3A_927 : vector<16xi32>
    %swap3A_929 = arith.constant 96 : index
    %swap3A_930 = tpu.vector_load %arg12[%swap3A_929] {strides = array<i32>} : memref<128xi32, #tpu.memory_space<vmem>>, vector<16xi32>,
    tpu.vector_store %arg12[%swap3A_929], %min3A_928 {strides = array<i32>} : memref<128xi32, #tpu.memory_space<vmem>>, vector<16xi32>,
    %add3A_931 = vector.broadcast %max3A_834 : i32 to vector<16xi32>
    %add3A_932 = arith.addi %add3A_931, %while3A_881#9 : vector<16xi32>
    %min3A_933 = arith.constant 4095 : i32
    %min3A_934 = vector.broadcast %min3A_933 : i32 to vector<16xi32>
    %min3A_935 = arith.minsi %add3A_932, %min3A_934 : vector<16xi32>
    %swap3A_936 = arith.constant 112 : index
    %swap3A_937 = tpu.vector_load %arg12[%swap3A_936] {strides = array<i32>} : memref<128xi32, #tpu.memory_space<vmem>>, vector<16xi32>,
    tpu.vector_store %arg12[%swap3A_936], %min3A_935 {strides = array<i32>} : memref<128xi32, #tpu.memory_space<vmem>>, vector<16xi32>,
    %add3A_938 = vector.broadcast %max3A_834 : i32 to vector<16xi32>
    %add3A_939 = arith.addi %add3A_938, %while3A_881#10 : vector<16xi32>
    %min3A_940 = arith.constant 4095 : i32
    %min3A_941 = vector.broadcast %min3A_940 : i32 to vector<16xi32>
    %min3A_942 = arith.minsi %add3A_939, %min3A_941 : vector<16xi32>
    %swap3A_943 = arith.constant 0 : index
    %swap3A_944 = tpu.vector_load %arg13[%swap3A_943] {strides = array<i32>} : memref<128xi32, #tpu.memory_space<vmem>>, vector<16xi32>,
    tpu.vector_store %arg13[%swap3A_943], %min3A_942 {strides = array<i32>} : memref<128xi32, #tpu.memory_space<vmem>>, vector<16xi32>,
    %add3A_945 = vector.broadcast %max3A_834 : i32 to vector<16xi32>
    %add3A_946 = arith.addi %add3A_945, %while3A_881#11 : vector<16xi32>
    %min3A_947 = arith.constant 4095 : i32
    %min3A_948 = vector.broadcast %min3A_947 : i32 to vector<16xi32>
    %min3A_949 = arith.minsi %add3A_946, %min3A_948 : vector<16xi32>
    %swap3A_950 = arith.constant 16 : index
    %swap3A_951 = tpu.vector_load %arg13[%swap3A_950] {strides = array<i32>} : memref<128xi32, #tpu.memory_space<vmem>>, vector<16xi32>,
    tpu.vector_store %arg13[%swap3A_950], %min3A_949 {strides = array<i32>} : memref<128xi32, #tpu.memory_space<vmem>>, vector<16xi32>,
    %add3A_952 = vector.broadcast %max3A_834 : i32 to vector<16xi32>
    %add3A_953 = arith.addi %add3A_952, %while3A_881#12 : vector<16xi32>
    %min3A_954 = arith.constant 4095 : i32
    %min3A_955 = vector.broadcast %min3A_954 : i32 to vector<16xi32>
    %min3A_956 = arith.minsi %add3A_953, %min3A_955 : vector<16xi32>
    %swap3A_957 = arith.constant 32 : index
    %swap3A_958 = tpu.vector_load %arg13[%swap3A_957] {strides = array<i32>} : memref<128xi32, #tpu.memory_space<vmem>>, vector<16xi32>,
    tpu.vector_store %arg13[%swap3A_957], %min3A_956 {strides = array<i32>} : memref<128xi32, #tpu.memory_space<vmem>>, vector<16xi32>,
    %add3A_959 = vector.broadcast %max3A_834 : i32 to vector<16xi32>
    %add3A_960 = arith.addi %add3A_959, %while3A_881#13 : vector<16xi32>
    %min3A_961 = arith.constant 4095 : i32
    %min3A_962 = vector.broadcast %min3A_961 : i32 to vector<16xi32>
    %min3A_963 = arith.minsi %add3A_960, %min3A_962 : vector<16xi32>
    %swap3A_964 = arith.constant 48 : index
    %swap3A_965 = tpu.vector_load %arg13[%swap3A_964] {strides = array<i32>} : memref<128xi32, #tpu.memory_space<vmem>>, vector<16xi32>,
    tpu.vector_store %arg13[%swap3A_964], %min3A_963 {strides = array<i32>} : memref<128xi32, #tpu.memory_space<vmem>>, vector<16xi32>,
    %add3A_966 = vector.broadcast %max3A_834 : i32 to vector<16xi32>
    %add3A_967 = arith.addi %add3A_966, %while3A_881#14 : vector<16xi32>
    %min3A_968 = arith.constant 4095 : i32
    %min3A_969 = vector.broadcast %min3A_968 : i32 to vector<16xi32>
    %min3A_970 = arith.minsi %add3A_967, %min3A_969 : vector<16xi32>
    %swap3A_971 = arith.constant 64 : index
    %swap3A_972 = tpu.vector_load %arg13[%swap3A_971] {strides = array<i32>} : memref<128xi32, #tpu.memory_space<vmem>>, vector<16xi32>,
    tpu.vector_store %arg13[%swap3A_971], %min3A_970 {strides = array<i32>} : memref<128xi32, #tpu.memory_space<vmem>>, vector<16xi32>,
    %add3A_973 = vector.broadcast %max3A_834 : i32 to vector<16xi32>
    %add3A_974 = arith.addi %add3A_973, %while3A_881#15 : vector<16xi32>
    %min3A_975 = arith.constant 4095 : i32
    %min3A_976 = vector.broadcast %min3A_975 : i32 to vector<16xi32>
    %min3A_977 = arith.minsi %add3A_974, %min3A_976 : vector<16xi32>
    %swap3A_978 = arith.constant 80 : index
    %swap3A_979 = tpu.vector_load %arg13[%swap3A_978] {strides = array<i32>} : memref<128xi32, #tpu.memory_space<vmem>>, vector<16xi32>,
    tpu.vector_store %arg13[%swap3A_978], %min3A_977 {strides = array<i32>} : memref<128xi32, #tpu.memory_space<vmem>>, vector<16xi32>,
    %add3A_980 = vector.broadcast %max3A_834 : i32 to vector<16xi32>
    %add3A_981 = arith.addi %add3A_980, %while3A_881#16 : vector<16xi32>
    %min3A_982 = arith.constant 4095 : i32
    %min3A_983 = vector.broadcast %min3A_982 : i32 to vector<16xi32>
    %min3A_984 = arith.minsi %add3A_981, %min3A_983 : vector<16xi32>
    %swap3A_985 = arith.constant 96 : index
    %swap3A_986 = tpu.vector_load %arg13[%swap3A_985] {strides = array<i32>} : memref<128xi32, #tpu.memory_space<vmem>>, vector<16xi32>,
    tpu.vector_store %arg13[%swap3A_985], %min3A_984 {strides = array<i32>} : memref<128xi32, #tpu.memory_space<vmem>>, vector<16xi32>,
    %add3A_987 = vector.broadcast %max3A_834 : i32 to vector<16xi32>
    %add3A_988 = arith.addi %add3A_987, %while3A_881#17 : vector<16xi32>
    %min3A_989 = arith.constant 4095 : i32
    %min3A_990 = vector.broadcast %min3A_989 : i32 to vector<16xi32>
    %min3A_991 = arith.minsi %add3A_988, %min3A_990 : vector<16xi32>
    %swap3A_992 = arith.constant 112 : index
    %swap3A_993 = tpu.vector_load %arg13[%swap3A_992] {strides = array<i32>} : memref<128xi32, #tpu.memory_space<vmem>>, vector<16xi32>,
    tpu.vector_store %arg13[%swap3A_992], %min3A_991 {strides = array<i32>} : memref<128xi32, #tpu.memory_space<vmem>>, vector<16xi32>,
    %dma_start3A_994 = arith.constant 0 : i32
    %dma_start3A_995 = arith.constant 0 : i32
    %dma_start3A_996 = tpu.memref_slice %arg16[%dma_start3A_994, %dma_start3A_995] : memref<256x64xf32, #tpu.memory_space<vmem>> -> memref<128x64xf32, #tpu.memory_space<vmem>>
    %dma_start3A_997 = arith.constant 0 : i32
    %dma_start3A_998 = arith.constant 0 : i32
    %dma_start3A_999 = tpu.memref_slice %arg17[%dma_start3A_997, %dma_start3A_998] : memref<4096x64xf32, #tpu.memory_space<vmem_shared>> -> memref<4096x64xf32, #tpu.memory_space<vmem_shared>>
    tpu.enqueue_indirect_dma source(%dma_start3A_996 : memref<128x64xf32, #tpu.memory_space<vmem>>) target(%dma_start3A_999 : memref<4096x64xf32, #tpu.memory_space<vmem_shared>>) offsets(%arg12 : memref<128xi32, #tpu.memory_space<vmem>>) semaphore(%arg23 : memref<!tpu.dma_semaphore, #tpu.memory_space<semaphore_mem>>) {add = true}
    %dma_start3A_1000 = arith.constant 128 : i32
    %dma_start3A_1001 = arith.constant 0 : i32
    %dma_start3A_1002 = tpu.memref_slice %arg16[%dma_start3A_1000, %dma_start3A_1001] : memref<256x64xf32, #tpu.memory_space<vmem>> -> memref<128x64xf32, #tpu.memory_space<vmem>>
    %dma_start3A_1003 = arith.constant 0 : i32
    %dma_start3A_1004 = arith.constant 0 : i32
    %dma_start3A_1005 = tpu.memref_slice %arg17[%dma_start3A_1003, %dma_start3A_1004] : memref<4096x64xf32, #tpu.memory_space<vmem_shared>> -> memref<4096x64xf32, #tpu.memory_space<vmem_shared>>
    tpu.enqueue_indirect_dma source(%dma_start3A_1002 : memref<128x64xf32, #tpu.memory_space<vmem>>) target(%dma_start3A_1005 : memref<4096x64xf32, #tpu.memory_space<vmem_shared>>) offsets(%arg13 : memref<128xi32, #tpu.memory_space<vmem>>) semaphore(%arg23 : memref<!tpu.dma_semaphore, #tpu.memory_space<semaphore_mem>>) {add = true}
    %dma_wait3A_1006 = arith.constant 6144 : i32
    %dma_wait3A_1007 = tpu.memref_slice %arg7[%dma_wait3A_1006] : memref<6400xi32, #tpu.memory_space<vmem>> -> memref<256xi32, #tpu.memory_space<vmem>>
    %dma_wait3A_1008 = arith.constant 0 : i32
    %dma_wait3A_1009 = arith.constant 0 : i32
    %dma_wait3A_1010 = tpu.memref_slice %arg2[%dma_wait3A_1008, %dma_wait3A_1009] : memref<100000x64xf32, #tpu.memory_space<hbm>> -> memref<100000x64xf32, #tpu.memory_space<hbm>>
    tpu.wait_indirect_dma semaphore(%arg18 : memref<!tpu.dma_semaphore, #tpu.memory_space<semaphore_mem>>) src(%dma_wait3A_1010 : memref<100000x64xf32, #tpu.memory_space<hbm>>) dst(%arg14 : memref<256x64xf32, #tpu.memory_space<vmem>>)
    %dma_wait3A_1011 = arith.constant 0 : i32
    %dma_wait3A_1012 = arith.constant 0 : i32
    %dma_wait3A_1013 = tpu.memref_slice %arg15[%dma_wait3A_1011, %dma_wait3A_1012] : memref<256x64xf32, #tpu.memory_space<vmem>> -> memref<128x64xf32, #tpu.memory_space<vmem>>
    %dma_wait3A_1014 = arith.constant 0 : i32
    %dma_wait3A_1015 = arith.constant 0 : i32
    %dma_wait3A_1016 = tpu.memref_slice %arg17[%dma_wait3A_1014, %dma_wait3A_1015] : memref<4096x64xf32, #tpu.memory_space<vmem_shared>> -> memref<4096x64xf32, #tpu.memory_space<vmem_shared>>
    tpu.wait_indirect_dma semaphore(%arg22 : memref<!tpu.dma_semaphore, #tpu.memory_space<semaphore_mem>>) src(%dma_wait3A_1013 : memref<128x64xf32, #tpu.memory_space<vmem>>) dst(%dma_wait3A_1016 : memref<4096x64xf32, #tpu.memory_space<vmem_shared>>)
    %dma_wait3A_1017 = arith.constant 128 : i32
    %dma_wait3A_1018 = arith.constant 0 : i32
    %dma_wait3A_1019 = tpu.memref_slice %arg15[%dma_wait3A_1017, %dma_wait3A_1018] : memref<256x64xf32, #tpu.memory_space<vmem>> -> memref<128x64xf32, #tpu.memory_space<vmem>>
    %dma_wait3A_1020 = arith.constant 0 : i32
    %dma_wait3A_1021 = arith.constant 0 : i32
    %dma_wait3A_1022 = tpu.memref_slice %arg17[%dma_wait3A_1020, %dma_wait3A_1021] : memref<4096x64xf32, #tpu.memory_space<vmem_shared>> -> memref<4096x64xf32, #tpu.memory_space<vmem_shared>>
    tpu.wait_indirect_dma semaphore(%arg22 : memref<!tpu.dma_semaphore, #tpu.memory_space<semaphore_mem>>) src(%dma_wait3A_1019 : memref<128x64xf32, #tpu.memory_space<vmem>>) dst(%dma_wait3A_1022 : memref<4096x64xf32, #tpu.memory_space<vmem_shared>>)
    %mul3A_1023 = arith.constant 6400 : i32
    %mul3A_1024 = arith.muli %add3A, %mul3A_1023 : i32
    %add3A_1025 = arith.constant 6144 : i32
    %add3A_1026 = arith.addi %mul3A_1024, %add3A_1025 : i32
    %add3A_1027 = vector.broadcast %add3A_1026 : i32 to vector<16xi32>
    %add3A_1028 = arith.addi %add3A_1027, %iota3A : vector<16xi32>
    %broadcast_in_dim3A_1029 = arith.constant 0 : i32
    %broadcast_in_dim3A_1030 = vector.broadcast %broadcast_in_dim3A_1029 : i32 to vector<16xi32>
    %broadcast_in_dim3A_1031 = arith.constant 4096 : i32
    %broadcast_in_dim3A_1032 = vector.broadcast %broadcast_in_dim3A_1031 : i32 to vector<16xi32>
    %add3A_1033 = arith.addi %broadcast_in_dim3A_1030, %broadcast_in_dim3A_1032 : vector<16xi32>
    %shift_right_arithmetic3A_1034 = arith.constant 1 : i32
    %shift_right_arithmetic3A_1035 = vector.broadcast %shift_right_arithmetic3A_1034 : i32 to vector<16xi32>
    %shift_right_arithmetic3A_1036 = arith.shrsi %add3A_1033, %shift_right_arithmetic3A_1035 : vector<16xi32>
    %gather3A_1037 = tpu.vector_load_idx %arg6[%shift_right_arithmetic3A_1036] : memref<4096xi32, #tpu.memory_space<vmem>>[vector<16xi32>], vector<16xi32>,
    %le3A_1038 = arith.cmpi sle, %gather3A_1037, %add3A_1028 : vector<16xi32>
    %add3A_1039 = arith.constant 1 : i32
    %add3A_1040 = vector.broadcast %add3A_1039 : i32 to vector<16xi32>
    %add3A_1041 = arith.addi %shift_right_arithmetic3A_1036, %add3A_1040 : vector<16xi32>
    %select_n3A_1042 = arith.select %le3A_1038, %add3A_1041, %broadcast_in_dim3A_1030 : vector<16xi1>, vector<16xi32>
    %select_n3A_1043 = arith.select %le3A_1038, %broadcast_in_dim3A_1032, %shift_right_arithmetic3A_1036 : vector<16xi1>, vector<16xi32>
    %add3A_1044 = arith.addi %select_n3A_1042, %select_n3A_1043 : vector<16xi32>
    %shift_right_arithmetic3A_1045 = arith.constant 1 : i32
    %shift_right_arithmetic3A_1046 = vector.broadcast %shift_right_arithmetic3A_1045 : i32 to vector<16xi32>
    %shift_right_arithmetic3A_1047 = arith.shrsi %add3A_1044, %shift_right_arithmetic3A_1046 : vector<16xi32>
    %gather3A_1048 = tpu.vector_load_idx %arg6[%shift_right_arithmetic3A_1047] : memref<4096xi32, #tpu.memory_space<vmem>>[vector<16xi32>], vector<16xi32>,
    %le3A_1049 = arith.cmpi sle, %gather3A_1048, %add3A_1028 : vector<16xi32>
    %add3A_1050 = arith.constant 1 : i32
    %add3A_1051 = vector.broadcast %add3A_1050 : i32 to vector<16xi32>
    %add3A_1052 = arith.addi %shift_right_arithmetic3A_1047, %add3A_1051 : vector<16xi32>
    %select_n3A_1053 = arith.select %le3A_1049, %add3A_1052, %select_n3A_1042 : vector<16xi1>, vector<16xi32>
    %select_n3A_1054 = arith.select %le3A_1049, %select_n3A_1043, %shift_right_arithmetic3A_1047 : vector<16xi1>, vector<16xi32>
    %add3A_1055 = arith.addi %select_n3A_1053, %select_n3A_1054 : vector<16xi32>
    %shift_right_arithmetic3A_1056 = arith.constant 1 : i32
    %shift_right_arithmetic3A_1057 = vector.broadcast %shift_right_arithmetic3A_1056 : i32 to vector<16xi32>
    %shift_right_arithmetic3A_1058 = arith.shrsi %add3A_1055, %shift_right_arithmetic3A_1057 : vector<16xi32>
    %gather3A_1059 = tpu.vector_load_idx %arg6[%shift_right_arithmetic3A_1058] : memref<4096xi32, #tpu.memory_space<vmem>>[vector<16xi32>], vector<16xi32>,
    %le3A_1060 = arith.cmpi sle, %gather3A_1059, %add3A_1028 : vector<16xi32>
    %add3A_1061 = arith.constant 1 : i32
    %add3A_1062 = vector.broadcast %add3A_1061 : i32 to vector<16xi32>
    %add3A_1063 = arith.addi %shift_right_arithmetic3A_1058, %add3A_1062 : vector<16xi32>
    %select_n3A_1064 = arith.select %le3A_1060, %add3A_1063, %select_n3A_1053 : vector<16xi1>, vector<16xi32>
    %select_n3A_1065 = arith.select %le3A_1060, %select_n3A_1054, %shift_right_arithmetic3A_1058 : vector<16xi1>, vector<16xi32>
    %add3A_1066 = arith.addi %select_n3A_1064, %select_n3A_1065 : vector<16xi32>
    %shift_right_arithmetic3A_1067 = arith.constant 1 : i32
    %shift_right_arithmetic3A_1068 = vector.broadcast %shift_right_arithmetic3A_1067 : i32 to vector<16xi32>
    %shift_right_arithmetic3A_1069 = arith.shrsi %add3A_1066, %shift_right_arithmetic3A_1068 : vector<16xi32>
    %gather3A_1070 = tpu.vector_load_idx %arg6[%shift_right_arithmetic3A_1069] : memref<4096xi32, #tpu.memory_space<vmem>>[vector<16xi32>], vector<16xi32>,
    %le3A_1071 = arith.cmpi sle, %gather3A_1070, %add3A_1028 : vector<16xi32>
    %add3A_1072 = arith.constant 1 : i32
    %add3A_1073 = vector.broadcast %add3A_1072 : i32 to vector<16xi32>
    %add3A_1074 = arith.addi %shift_right_arithmetic3A_1069, %add3A_1073 : vector<16xi32>
    %select_n3A_1075 = arith.select %le3A_1071, %add3A_1074, %select_n3A_1064 : vector<16xi1>, vector<16xi32>
    %select_n3A_1076 = arith.select %le3A_1071, %select_n3A_1065, %shift_right_arithmetic3A_1069 : vector<16xi1>, vector<16xi32>
    %add3A_1077 = arith.addi %select_n3A_1075, %select_n3A_1076 : vector<16xi32>
    %shift_right_arithmetic3A_1078 = arith.constant 1 : i32
    %shift_right_arithmetic3A_1079 = vector.broadcast %shift_right_arithmetic3A_1078 : i32 to vector<16xi32>
    %shift_right_arithmetic3A_1080 = arith.shrsi %add3A_1077, %shift_right_arithmetic3A_1079 : vector<16xi32>
    %gather3A_1081 = tpu.vector_load_idx %arg6[%shift_right_arithmetic3A_1080] : memref<4096xi32, #tpu.memory_space<vmem>>[vector<16xi32>], vector<16xi32>,
    %le3A_1082 = arith.cmpi sle, %gather3A_1081, %add3A_1028 : vector<16xi32>
    %add3A_1083 = arith.constant 1 : i32
    %add3A_1084 = vector.broadcast %add3A_1083 : i32 to vector<16xi32>
    %add3A_1085 = arith.addi %shift_right_arithmetic3A_1080, %add3A_1084 : vector<16xi32>
    %select_n3A_1086 = arith.select %le3A_1082, %add3A_1085, %select_n3A_1075 : vector<16xi1>, vector<16xi32>
    %select_n3A_1087 = arith.select %le3A_1082, %select_n3A_1076, %shift_right_arithmetic3A_1080 : vector<16xi1>, vector<16xi32>
    %add3A_1088 = arith.addi %select_n3A_1086, %select_n3A_1087 : vector<16xi32>
    %shift_right_arithmetic3A_1089 = arith.constant 1 : i32
    %shift_right_arithmetic3A_1090 = vector.broadcast %shift_right_arithmetic3A_1089 : i32 to vector<16xi32>
    %shift_right_arithmetic3A_1091 = arith.shrsi %add3A_1088, %shift_right_arithmetic3A_1090 : vector<16xi32>
    %gather3A_1092 = tpu.vector_load_idx %arg6[%shift_right_arithmetic3A_1091] : memref<4096xi32, #tpu.memory_space<vmem>>[vector<16xi32>], vector<16xi32>,
    %le3A_1093 = arith.cmpi sle, %gather3A_1092, %add3A_1028 : vector<16xi32>
    %add3A_1094 = arith.constant 1 : i32
    %add3A_1095 = vector.broadcast %add3A_1094 : i32 to vector<16xi32>
    %add3A_1096 = arith.addi %shift_right_arithmetic3A_1091, %add3A_1095 : vector<16xi32>
    %select_n3A_1097 = arith.select %le3A_1093, %add3A_1096, %select_n3A_1086 : vector<16xi1>, vector<16xi32>
    %select_n3A_1098 = arith.select %le3A_1093, %select_n3A_1087, %shift_right_arithmetic3A_1091 : vector<16xi1>, vector<16xi32>
    %add3A_1099 = arith.addi %select_n3A_1097, %select_n3A_1098 : vector<16xi32>
    %shift_right_arithmetic3A_1100 = arith.constant 1 : i32
    %shift_right_arithmetic3A_1101 = vector.broadcast %shift_right_arithmetic3A_1100 : i32 to vector<16xi32>
    %shift_right_arithmetic3A_1102 = arith.shrsi %add3A_1099, %shift_right_arithmetic3A_1101 : vector<16xi32>
    %gather3A_1103 = tpu.vector_load_idx %arg6[%shift_right_arithmetic3A_1102] : memref<4096xi32, #tpu.memory_space<vmem>>[vector<16xi32>], vector<16xi32>,
    %le3A_1104 = arith.cmpi sle, %gather3A_1103, %add3A_1028 : vector<16xi32>
    %add3A_1105 = arith.constant 1 : i32
    %add3A_1106 = vector.broadcast %add3A_1105 : i32 to vector<16xi32>
    %add3A_1107 = arith.addi %shift_right_arithmetic3A_1102, %add3A_1106 : vector<16xi32>
    %select_n3A_1108 = arith.select %le3A_1104, %add3A_1107, %select_n3A_1097 : vector<16xi1>, vector<16xi32>
    %select_n3A_1109 = arith.select %le3A_1104, %select_n3A_1098, %shift_right_arithmetic3A_1102 : vector<16xi1>, vector<16xi32>
    %add3A_1110 = arith.addi %select_n3A_1108, %select_n3A_1109 : vector<16xi32>
    %shift_right_arithmetic3A_1111 = arith.constant 1 : i32
    %shift_right_arithmetic3A_1112 = vector.broadcast %shift_right_arithmetic3A_1111 : i32 to vector<16xi32>
    %shift_right_arithmetic3A_1113 = arith.shrsi %add3A_1110, %shift_right_arithmetic3A_1112 : vector<16xi32>
    %gather3A_1114 = tpu.vector_load_idx %arg6[%shift_right_arithmetic3A_1113] : memref<4096xi32, #tpu.memory_space<vmem>>[vector<16xi32>], vector<16xi32>,
    %le3A_1115 = arith.cmpi sle, %gather3A_1114, %add3A_1028 : vector<16xi32>
    %add3A_1116 = arith.constant 1 : i32
    %add3A_1117 = vector.broadcast %add3A_1116 : i32 to vector<16xi32>
    %add3A_1118 = arith.addi %shift_right_arithmetic3A_1113, %add3A_1117 : vector<16xi32>
    %select_n3A_1119 = arith.select %le3A_1115, %add3A_1118, %select_n3A_1108 : vector<16xi1>, vector<16xi32>
    %select_n3A_1120 = arith.select %le3A_1115, %select_n3A_1109, %shift_right_arithmetic3A_1113 : vector<16xi1>, vector<16xi32>
    %add3A_1121 = arith.addi %select_n3A_1119, %select_n3A_1120 : vector<16xi32>
    %shift_right_arithmetic3A_1122 = arith.constant 1 : i32
    %shift_right_arithmetic3A_1123 = vector.broadcast %shift_right_arithmetic3A_1122 : i32 to vector<16xi32>
    %shift_right_arithmetic3A_1124 = arith.shrsi %add3A_1121, %shift_right_arithmetic3A_1123 : vector<16xi32>
    %gather3A_1125 = tpu.vector_load_idx %arg6[%shift_right_arithmetic3A_1124] : memref<4096xi32, #tpu.memory_space<vmem>>[vector<16xi32>], vector<16xi32>,
    %le3A_1126 = arith.cmpi sle, %gather3A_1125, %add3A_1028 : vector<16xi32>
    %add3A_1127 = arith.constant 1 : i32
    %add3A_1128 = vector.broadcast %add3A_1127 : i32 to vector<16xi32>
    %add3A_1129 = arith.addi %shift_right_arithmetic3A_1124, %add3A_1128 : vector<16xi32>
    %select_n3A_1130 = arith.select %le3A_1126, %add3A_1129, %select_n3A_1119 : vector<16xi1>, vector<16xi32>
    %select_n3A_1131 = arith.select %le3A_1126, %select_n3A_1120, %shift_right_arithmetic3A_1124 : vector<16xi1>, vector<16xi32>
    %add3A_1132 = arith.addi %select_n3A_1130, %select_n3A_1131 : vector<16xi32>
    %shift_right_arithmetic3A_1133 = arith.constant 1 : i32
    %shift_right_arithmetic3A_1134 = vector.broadcast %shift_right_arithmetic3A_1133 : i32 to vector<16xi32>
    %shift_right_arithmetic3A_1135 = arith.shrsi %add3A_1132, %shift_right_arithmetic3A_1134 : vector<16xi32>
    %gather3A_1136 = tpu.vector_load_idx %arg6[%shift_right_arithmetic3A_1135] : memref<4096xi32, #tpu.memory_space<vmem>>[vector<16xi32>], vector<16xi32>,
    %le3A_1137 = arith.cmpi sle, %gather3A_1136, %add3A_1028 : vector<16xi32>
    %add3A_1138 = arith.constant 1 : i32
    %add3A_1139 = vector.broadcast %add3A_1138 : i32 to vector<16xi32>
    %add3A_1140 = arith.addi %shift_right_arithmetic3A_1135, %add3A_1139 : vector<16xi32>
    %select_n3A_1141 = arith.select %le3A_1137, %add3A_1140, %select_n3A_1130 : vector<16xi1>, vector<16xi32>
    %select_n3A_1142 = arith.select %le3A_1137, %select_n3A_1131, %shift_right_arithmetic3A_1135 : vector<16xi1>, vector<16xi32>
    %add3A_1143 = arith.addi %select_n3A_1141, %select_n3A_1142 : vector<16xi32>
    %shift_right_arithmetic3A_1144 = arith.constant 1 : i32
    %shift_right_arithmetic3A_1145 = vector.broadcast %shift_right_arithmetic3A_1144 : i32 to vector<16xi32>
    %shift_right_arithmetic3A_1146 = arith.shrsi %add3A_1143, %shift_right_arithmetic3A_1145 : vector<16xi32>
    %gather3A_1147 = tpu.vector_load_idx %arg6[%shift_right_arithmetic3A_1146] : memref<4096xi32, #tpu.memory_space<vmem>>[vector<16xi32>], vector<16xi32>,
    %le3A_1148 = arith.cmpi sle, %gather3A_1147, %add3A_1028 : vector<16xi32>
    %add3A_1149 = arith.constant 1 : i32
    %add3A_1150 = vector.broadcast %add3A_1149 : i32 to vector<16xi32>
    %add3A_1151 = arith.addi %shift_right_arithmetic3A_1146, %add3A_1150 : vector<16xi32>
    %select_n3A_1152 = arith.select %le3A_1148, %add3A_1151, %select_n3A_1141 : vector<16xi1>, vector<16xi32>
    %select_n3A_1153 = arith.select %le3A_1148, %select_n3A_1142, %shift_right_arithmetic3A_1146 : vector<16xi1>, vector<16xi32>
    %add3A_1154 = arith.addi %select_n3A_1152, %select_n3A_1153 : vector<16xi32>
    %shift_right_arithmetic3A_1155 = arith.constant 1 : i32
    %shift_right_arithmetic3A_1156 = vector.broadcast %shift_right_arithmetic3A_1155 : i32 to vector<16xi32>
    %shift_right_arithmetic3A_1157 = arith.shrsi %add3A_1154, %shift_right_arithmetic3A_1156 : vector<16xi32>
    %gather3A_1158 = tpu.vector_load_idx %arg6[%shift_right_arithmetic3A_1157] : memref<4096xi32, #tpu.memory_space<vmem>>[vector<16xi32>], vector<16xi32>,
    %le3A_1159 = arith.cmpi sle, %gather3A_1158, %add3A_1028 : vector<16xi32>
    %add3A_1160 = arith.constant 1 : i32
    %add3A_1161 = vector.broadcast %add3A_1160 : i32 to vector<16xi32>
    %add3A_1162 = arith.addi %shift_right_arithmetic3A_1157, %add3A_1161 : vector<16xi32>
    %select_n3A_1163 = arith.select %le3A_1159, %add3A_1162, %select_n3A_1152 : vector<16xi1>, vector<16xi32>
    %select_n3A_1164 = arith.select %le3A_1159, %select_n3A_1153, %shift_right_arithmetic3A_1157 : vector<16xi1>, vector<16xi32>
    %slice3A_1165 = vector.extract_strided_slice %select_n3A_1163 {offsets = [0], sizes = [1], strides = [1]} : vector<16xi32> to vector<1xi32>
    %squeeze3A_1166 = vector.extract %slice3A_1165[0] : i32 from vector<1xi32>
    %sub3A_1167 = arith.constant 1 : i32
    %sub3A_1168 = arith.subi %squeeze3A_1166, %sub3A_1167 : i32
    %max3A_1169 = arith.constant 0 : i32
    %max3A_1170 = arith.maxsi %sub3A_1168, %max3A_1169 : i32
    %add3A_1171 = arith.constant 256 : i32
    %add3A_1172 = arith.addi %add3A_1026, %add3A_1171 : i32
    %sub3A_1173 = arith.constant 1 : i32
    %sub3A_1174 = arith.subi %add3A_1172, %sub3A_1173 : i32
    %add3A_1175 = arith.constant 1 : i32
    %add3A_1176 = arith.addi %max3A_1170, %add3A_1175 : i32
    %add3A_1177 = arith.constant 1 : i32
    %add3A_1178 = arith.addi %max3A_1170, %add3A_1177 : i32
    %min3A_1179 = arith.constant 4095 : i32
    %min3A_1180 = arith.minsi %add3A_1178, %min3A_1179 : i32
    %broadcast_in_dim3A_1181 = vector.broadcast %min3A_1180 : i32 to vector<16xi32>
    %gather3A_1182 = tpu.vector_load_idx %arg6[%broadcast_in_dim3A_1181] : memref<4096xi32, #tpu.memory_space<vmem>>[vector<16xi32>], vector<16xi32>,
    %slice3A_1183 = vector.extract_strided_slice %gather3A_1182 {offsets = [0], sizes = [1], strides = [1]} : vector<16xi32> to vector<1xi32>
    %squeeze3A_1184 = vector.extract %slice3A_1183[0] : i32 from vector<1xi32>
    %broadcast_in_dim3A_1185 = arith.constant 0 : i32
    %broadcast_in_dim3A_1186 = vector.broadcast %broadcast_in_dim3A_1185 : i32 to vector<16xi32>
    %broadcast_in_dim3A_1187 = arith.constant 0 : i32
    %broadcast_in_dim3A_1188 = vector.broadcast %broadcast_in_dim3A_1187 : i32 to vector<16xi32>
    %broadcast_in_dim3A_1189 = arith.constant 0 : i32
    %broadcast_in_dim3A_1190 = vector.broadcast %broadcast_in_dim3A_1189 : i32 to vector<16xi32>
    %broadcast_in_dim3A_1191 = arith.constant 0 : i32
    %broadcast_in_dim3A_1192 = vector.broadcast %broadcast_in_dim3A_1191 : i32 to vector<16xi32>
    %broadcast_in_dim3A_1193 = arith.constant 0 : i32
    %broadcast_in_dim3A_1194 = vector.broadcast %broadcast_in_dim3A_1193 : i32 to vector<16xi32>
    %broadcast_in_dim3A_1195 = arith.constant 0 : i32
    %broadcast_in_dim3A_1196 = vector.broadcast %broadcast_in_dim3A_1195 : i32 to vector<16xi32>
    %broadcast_in_dim3A_1197 = arith.constant 0 : i32
    %broadcast_in_dim3A_1198 = vector.broadcast %broadcast_in_dim3A_1197 : i32 to vector<16xi32>
    %broadcast_in_dim3A_1199 = arith.constant 0 : i32
    %broadcast_in_dim3A_1200 = vector.broadcast %broadcast_in_dim3A_1199 : i32 to vector<16xi32>
    %broadcast_in_dim3A_1201 = arith.constant 0 : i32
    %broadcast_in_dim3A_1202 = vector.broadcast %broadcast_in_dim3A_1201 : i32 to vector<16xi32>
    %broadcast_in_dim3A_1203 = arith.constant 0 : i32
    %broadcast_in_dim3A_1204 = vector.broadcast %broadcast_in_dim3A_1203 : i32 to vector<16xi32>
    %broadcast_in_dim3A_1205 = arith.constant 0 : i32
    %broadcast_in_dim3A_1206 = vector.broadcast %broadcast_in_dim3A_1205 : i32 to vector<16xi32>
    %broadcast_in_dim3A_1207 = arith.constant 0 : i32
    %broadcast_in_dim3A_1208 = vector.broadcast %broadcast_in_dim3A_1207 : i32 to vector<16xi32>
    %broadcast_in_dim3A_1209 = arith.constant 0 : i32
    %broadcast_in_dim3A_1210 = vector.broadcast %broadcast_in_dim3A_1209 : i32 to vector<16xi32>
    %broadcast_in_dim3A_1211 = arith.constant 0 : i32
    %broadcast_in_dim3A_1212 = vector.broadcast %broadcast_in_dim3A_1211 : i32 to vector<16xi32>
    %broadcast_in_dim3A_1213 = arith.constant 0 : i32
    %broadcast_in_dim3A_1214 = vector.broadcast %broadcast_in_dim3A_1213 : i32 to vector<16xi32>
    %broadcast_in_dim3A_1215 = arith.constant 0 : i32
    %broadcast_in_dim3A_1216 = vector.broadcast %broadcast_in_dim3A_1215 : i32 to vector<16xi32>
    %while3A_1217:18 = scf.while (%while3A_1374 = %add3A_1176, %while3A_1375 = %squeeze3A_1184, %while3A_1376 = %broadcast_in_dim3A_1186, %while3A_1377 = %broadcast_in_dim3A_1188, %while3A_1378 = %broadcast_in_dim3A_1190, %while3A_1379 = %broadcast_in_dim3A_1192, %while3A_1380 = %broadcast_in_dim3A_1194, %while3A_1381 = %broadcast_in_dim3A_1196, %while3A_1382 = %broadcast_in_dim3A_1198, %while3A_1383 = %broadcast_in_dim3A_1200, %while3A_1384 = %broadcast_in_dim3A_1202, %while3A_1385 = %broadcast_in_dim3A_1204, %while3A_1386 = %broadcast_in_dim3A_1206, %while3A_1387 = %broadcast_in_dim3A_1208, %while3A_1388 = %broadcast_in_dim3A_1210, %while3A_1389 = %broadcast_in_dim3A_1212, %while3A_1390 = %broadcast_in_dim3A_1214, %while3A_1391 = %broadcast_in_dim3A_1216) : (i32, i32, vector<16xi32>, vector<16xi32>, vector<16xi32>, vector<16xi32>, vector<16xi32>, vector<16xi32>, vector<16xi32>, vector<16xi32>, vector<16xi32>, vector<16xi32>, vector<16xi32>, vector<16xi32>, vector<16xi32>, vector<16xi32>, vector<16xi32>, vector<16xi32>) -> (i32, i32, vector<16xi32>, vector<16xi32>, vector<16xi32>, vector<16xi32>, vector<16xi32>, vector<16xi32>, vector<16xi32>, vector<16xi32>, vector<16xi32>, vector<16xi32>, vector<16xi32>, vector<16xi32>, vector<16xi32>, vector<16xi32>, vector<16xi32>, vector<16xi32>) {
      %lt3A = arith.constant 4096 : i32
      %lt3A_1392 = arith.cmpi slt, %while3A_1374, %lt3A : i32
      %le3A_1393 = arith.cmpi sle, %while3A_1375, %sub3A_1174 : i32
      %and3A = arith.andi %lt3A_1392, %le3A_1393 : i1
      scf.condition(%and3A) %while3A_1374, %while3A_1375, %while3A_1376, %while3A_1377, %while3A_1378, %while3A_1379, %while3A_1380, %while3A_1381, %while3A_1382, %while3A_1383, %while3A_1384, %while3A_1385, %while3A_1386, %while3A_1387, %while3A_1388, %while3A_1389, %while3A_1390, %while3A_1391 : i32, i32, vector<16xi32>, vector<16xi32>, vector<16xi32>, vector<16xi32>, vector<16xi32>, vector<16xi32>, vector<16xi32>, vector<16xi32>, vector<16xi32>, vector<16xi32>, vector<16xi32>, vector<16xi32>, vector<16xi32>, vector<16xi32>, vector<16xi32>, vector<16xi32>
    } do {
    ^bb0(%while3A_1374: i32, %while3A_1375: i32, %while3A_1376: vector<16xi32>, %while3A_1377: vector<16xi32>, %while3A_1378: vector<16xi32>, %while3A_1379: vector<16xi32>, %while3A_1380: vector<16xi32>, %while3A_1381: vector<16xi32>, %while3A_1382: vector<16xi32>, %while3A_1383: vector<16xi32>, %while3A_1384: vector<16xi32>, %while3A_1385: vector<16xi32>, %while3A_1386: vector<16xi32>, %while3A_1387: vector<16xi32>, %while3A_1388: vector<16xi32>, %while3A_1389: vector<16xi32>, %while3A_1390: vector<16xi32>, %while3A_1391: vector<16xi32>):
      %broadcast_in_dim3A_1392 = vector.broadcast %while3A_1375 : i32 to vector<16xi32>
      %add3A_1393 = arith.constant 0 : i32
      %add3A_1394 = arith.addi %add3A_1026, %add3A_1393 : i32
      %add3A_1395 = vector.broadcast %add3A_1394 : i32 to vector<16xi32>
      %add3A_1396 = arith.addi %add3A_1395, %iota3A : vector<16xi32>
      %le3A_1397 = arith.cmpi sle, %broadcast_in_dim3A_1392, %add3A_1396 : vector<16xi32>
      %jit3A = arith.constant 1 : i32
      %jit3A_1398 = arith.constant 0 : i32
      %broadcast_in_dim3A_1399 = vector.broadcast %jit3A : i32 to vector<16xi32>
      %broadcast_in_dim3A_1400 = vector.broadcast %jit3A_1398 : i32 to vector<16xi32>
      %select_n3A_1401 = arith.select %le3A_1397, %broadcast_in_dim3A_1399, %broadcast_in_dim3A_1400 : vector<16xi1>, vector<16xi32>
      %add3A_1402 = arith.addi %while3A_1376, %select_n3A_1401 : vector<16xi32>
      %add3A_1403 = arith.constant 16 : i32
      %add3A_1404 = arith.addi %add3A_1026, %add3A_1403 : i32
      %add3A_1405 = vector.broadcast %add3A_1404 : i32 to vector<16xi32>
      %add3A_1406 = arith.addi %add3A_1405, %iota3A : vector<16xi32>
      %le3A_1407 = arith.cmpi sle, %broadcast_in_dim3A_1392, %add3A_1406 : vector<16xi32>
      %jit3A_1408 = arith.constant 1 : i32
      %jit3A_1409 = arith.constant 0 : i32
      %broadcast_in_dim3A_1410 = vector.broadcast %jit3A_1408 : i32 to vector<16xi32>
      %broadcast_in_dim3A_1411 = vector.broadcast %jit3A_1409 : i32 to vector<16xi32>
      %select_n3A_1412 = arith.select %le3A_1407, %broadcast_in_dim3A_1410, %broadcast_in_dim3A_1411 : vector<16xi1>, vector<16xi32>
      %add3A_1413 = arith.addi %while3A_1377, %select_n3A_1412 : vector<16xi32>
      %add3A_1414 = arith.constant 32 : i32
      %add3A_1415 = arith.addi %add3A_1026, %add3A_1414 : i32
      %add3A_1416 = vector.broadcast %add3A_1415 : i32 to vector<16xi32>
      %add3A_1417 = arith.addi %add3A_1416, %iota3A : vector<16xi32>
      %le3A_1418 = arith.cmpi sle, %broadcast_in_dim3A_1392, %add3A_1417 : vector<16xi32>
      %jit3A_1419 = arith.constant 1 : i32
      %jit3A_1420 = arith.constant 0 : i32
      %broadcast_in_dim3A_1421 = vector.broadcast %jit3A_1419 : i32 to vector<16xi32>
      %broadcast_in_dim3A_1422 = vector.broadcast %jit3A_1420 : i32 to vector<16xi32>
      %select_n3A_1423 = arith.select %le3A_1418, %broadcast_in_dim3A_1421, %broadcast_in_dim3A_1422 : vector<16xi1>, vector<16xi32>
      %add3A_1424 = arith.addi %while3A_1378, %select_n3A_1423 : vector<16xi32>
      %add3A_1425 = arith.constant 48 : i32
      %add3A_1426 = arith.addi %add3A_1026, %add3A_1425 : i32
      %add3A_1427 = vector.broadcast %add3A_1426 : i32 to vector<16xi32>
      %add3A_1428 = arith.addi %add3A_1427, %iota3A : vector<16xi32>
      %le3A_1429 = arith.cmpi sle, %broadcast_in_dim3A_1392, %add3A_1428 : vector<16xi32>
      %jit3A_1430 = arith.constant 1 : i32
      %jit3A_1431 = arith.constant 0 : i32
      %broadcast_in_dim3A_1432 = vector.broadcast %jit3A_1430 : i32 to vector<16xi32>
      %broadcast_in_dim3A_1433 = vector.broadcast %jit3A_1431 : i32 to vector<16xi32>
      %select_n3A_1434 = arith.select %le3A_1429, %broadcast_in_dim3A_1432, %broadcast_in_dim3A_1433 : vector<16xi1>, vector<16xi32>
      %add3A_1435 = arith.addi %while3A_1379, %select_n3A_1434 : vector<16xi32>
      %add3A_1436 = arith.constant 64 : i32
      %add3A_1437 = arith.addi %add3A_1026, %add3A_1436 : i32
      %add3A_1438 = vector.broadcast %add3A_1437 : i32 to vector<16xi32>
      %add3A_1439 = arith.addi %add3A_1438, %iota3A : vector<16xi32>
      %le3A_1440 = arith.cmpi sle, %broadcast_in_dim3A_1392, %add3A_1439 : vector<16xi32>
      %jit3A_1441 = arith.constant 1 : i32
      %jit3A_1442 = arith.constant 0 : i32
      %broadcast_in_dim3A_1443 = vector.broadcast %jit3A_1441 : i32 to vector<16xi32>
      %broadcast_in_dim3A_1444 = vector.broadcast %jit3A_1442 : i32 to vector<16xi32>
      %select_n3A_1445 = arith.select %le3A_1440, %broadcast_in_dim3A_1443, %broadcast_in_dim3A_1444 : vector<16xi1>, vector<16xi32>
      %add3A_1446 = arith.addi %while3A_1380, %select_n3A_1445 : vector<16xi32>
      %add3A_1447 = arith.constant 80 : i32
      %add3A_1448 = arith.addi %add3A_1026, %add3A_1447 : i32
      %add3A_1449 = vector.broadcast %add3A_1448 : i32 to vector<16xi32>
      %add3A_1450 = arith.addi %add3A_1449, %iota3A : vector<16xi32>
      %le3A_1451 = arith.cmpi sle, %broadcast_in_dim3A_1392, %add3A_1450 : vector<16xi32>
      %jit3A_1452 = arith.constant 1 : i32
      %jit3A_1453 = arith.constant 0 : i32
      %broadcast_in_dim3A_1454 = vector.broadcast %jit3A_1452 : i32 to vector<16xi32>
      %broadcast_in_dim3A_1455 = vector.broadcast %jit3A_1453 : i32 to vector<16xi32>
      %select_n3A_1456 = arith.select %le3A_1451, %broadcast_in_dim3A_1454, %broadcast_in_dim3A_1455 : vector<16xi1>, vector<16xi32>
      %add3A_1457 = arith.addi %while3A_1381, %select_n3A_1456 : vector<16xi32>
      %add3A_1458 = arith.constant 96 : i32
      %add3A_1459 = arith.addi %add3A_1026, %add3A_1458 : i32
      %add3A_1460 = vector.broadcast %add3A_1459 : i32 to vector<16xi32>
      %add3A_1461 = arith.addi %add3A_1460, %iota3A : vector<16xi32>
      %le3A_1462 = arith.cmpi sle, %broadcast_in_dim3A_1392, %add3A_1461 : vector<16xi32>
      %jit3A_1463 = arith.constant 1 : i32
      %jit3A_1464 = arith.constant 0 : i32
      %broadcast_in_dim3A_1465 = vector.broadcast %jit3A_1463 : i32 to vector<16xi32>
      %broadcast_in_dim3A_1466 = vector.broadcast %jit3A_1464 : i32 to vector<16xi32>
      %select_n3A_1467 = arith.select %le3A_1462, %broadcast_in_dim3A_1465, %broadcast_in_dim3A_1466 : vector<16xi1>, vector<16xi32>
      %add3A_1468 = arith.addi %while3A_1382, %select_n3A_1467 : vector<16xi32>
      %add3A_1469 = arith.constant 112 : i32
      %add3A_1470 = arith.addi %add3A_1026, %add3A_1469 : i32
      %add3A_1471 = vector.broadcast %add3A_1470 : i32 to vector<16xi32>
      %add3A_1472 = arith.addi %add3A_1471, %iota3A : vector<16xi32>
      %le3A_1473 = arith.cmpi sle, %broadcast_in_dim3A_1392, %add3A_1472 : vector<16xi32>
      %jit3A_1474 = arith.constant 1 : i32
      %jit3A_1475 = arith.constant 0 : i32
      %broadcast_in_dim3A_1476 = vector.broadcast %jit3A_1474 : i32 to vector<16xi32>
      %broadcast_in_dim3A_1477 = vector.broadcast %jit3A_1475 : i32 to vector<16xi32>
      %select_n3A_1478 = arith.select %le3A_1473, %broadcast_in_dim3A_1476, %broadcast_in_dim3A_1477 : vector<16xi1>, vector<16xi32>
      %add3A_1479 = arith.addi %while3A_1383, %select_n3A_1478 : vector<16xi32>
      %add3A_1480 = arith.constant 128 : i32
      %add3A_1481 = arith.addi %add3A_1026, %add3A_1480 : i32
      %add3A_1482 = vector.broadcast %add3A_1481 : i32 to vector<16xi32>
      %add3A_1483 = arith.addi %add3A_1482, %iota3A : vector<16xi32>
      %le3A_1484 = arith.cmpi sle, %broadcast_in_dim3A_1392, %add3A_1483 : vector<16xi32>
      %jit3A_1485 = arith.constant 1 : i32
      %jit3A_1486 = arith.constant 0 : i32
      %broadcast_in_dim3A_1487 = vector.broadcast %jit3A_1485 : i32 to vector<16xi32>
      %broadcast_in_dim3A_1488 = vector.broadcast %jit3A_1486 : i32 to vector<16xi32>
      %select_n3A_1489 = arith.select %le3A_1484, %broadcast_in_dim3A_1487, %broadcast_in_dim3A_1488 : vector<16xi1>, vector<16xi32>
      %add3A_1490 = arith.addi %while3A_1384, %select_n3A_1489 : vector<16xi32>
      %add3A_1491 = arith.constant 144 : i32
      %add3A_1492 = arith.addi %add3A_1026, %add3A_1491 : i32
      %add3A_1493 = vector.broadcast %add3A_1492 : i32 to vector<16xi32>
      %add3A_1494 = arith.addi %add3A_1493, %iota3A : vector<16xi32>
      %le3A_1495 = arith.cmpi sle, %broadcast_in_dim3A_1392, %add3A_1494 : vector<16xi32>
      %jit3A_1496 = arith.constant 1 : i32
      %jit3A_1497 = arith.constant 0 : i32
      %broadcast_in_dim3A_1498 = vector.broadcast %jit3A_1496 : i32 to vector<16xi32>
      %broadcast_in_dim3A_1499 = vector.broadcast %jit3A_1497 : i32 to vector<16xi32>
      %select_n3A_1500 = arith.select %le3A_1495, %broadcast_in_dim3A_1498, %broadcast_in_dim3A_1499 : vector<16xi1>, vector<16xi32>
      %add3A_1501 = arith.addi %while3A_1385, %select_n3A_1500 : vector<16xi32>
      %add3A_1502 = arith.constant 160 : i32
      %add3A_1503 = arith.addi %add3A_1026, %add3A_1502 : i32
      %add3A_1504 = vector.broadcast %add3A_1503 : i32 to vector<16xi32>
      %add3A_1505 = arith.addi %add3A_1504, %iota3A : vector<16xi32>
      %le3A_1506 = arith.cmpi sle, %broadcast_in_dim3A_1392, %add3A_1505 : vector<16xi32>
      %jit3A_1507 = arith.constant 1 : i32
      %jit3A_1508 = arith.constant 0 : i32
      %broadcast_in_dim3A_1509 = vector.broadcast %jit3A_1507 : i32 to vector<16xi32>
      %broadcast_in_dim3A_1510 = vector.broadcast %jit3A_1508 : i32 to vector<16xi32>
      %select_n3A_1511 = arith.select %le3A_1506, %broadcast_in_dim3A_1509, %broadcast_in_dim3A_1510 : vector<16xi1>, vector<16xi32>
      %add3A_1512 = arith.addi %while3A_1386, %select_n3A_1511 : vector<16xi32>
      %add3A_1513 = arith.constant 176 : i32
      %add3A_1514 = arith.addi %add3A_1026, %add3A_1513 : i32
      %add3A_1515 = vector.broadcast %add3A_1514 : i32 to vector<16xi32>
      %add3A_1516 = arith.addi %add3A_1515, %iota3A : vector<16xi32>
      %le3A_1517 = arith.cmpi sle, %broadcast_in_dim3A_1392, %add3A_1516 : vector<16xi32>
      %jit3A_1518 = arith.constant 1 : i32
      %jit3A_1519 = arith.constant 0 : i32
      %broadcast_in_dim3A_1520 = vector.broadcast %jit3A_1518 : i32 to vector<16xi32>
      %broadcast_in_dim3A_1521 = vector.broadcast %jit3A_1519 : i32 to vector<16xi32>
      %select_n3A_1522 = arith.select %le3A_1517, %broadcast_in_dim3A_1520, %broadcast_in_dim3A_1521 : vector<16xi1>, vector<16xi32>
      %add3A_1523 = arith.addi %while3A_1387, %select_n3A_1522 : vector<16xi32>
      %add3A_1524 = arith.constant 192 : i32
      %add3A_1525 = arith.addi %add3A_1026, %add3A_1524 : i32
      %add3A_1526 = vector.broadcast %add3A_1525 : i32 to vector<16xi32>
      %add3A_1527 = arith.addi %add3A_1526, %iota3A : vector<16xi32>
      %le3A_1528 = arith.cmpi sle, %broadcast_in_dim3A_1392, %add3A_1527 : vector<16xi32>
      %jit3A_1529 = arith.constant 1 : i32
      %jit3A_1530 = arith.constant 0 : i32
      %broadcast_in_dim3A_1531 = vector.broadcast %jit3A_1529 : i32 to vector<16xi32>
      %broadcast_in_dim3A_1532 = vector.broadcast %jit3A_1530 : i32 to vector<16xi32>
      %select_n3A_1533 = arith.select %le3A_1528, %broadcast_in_dim3A_1531, %broadcast_in_dim3A_1532 : vector<16xi1>, vector<16xi32>
      %add3A_1534 = arith.addi %while3A_1388, %select_n3A_1533 : vector<16xi32>
      %add3A_1535 = arith.constant 208 : i32
      %add3A_1536 = arith.addi %add3A_1026, %add3A_1535 : i32
      %add3A_1537 = vector.broadcast %add3A_1536 : i32 to vector<16xi32>
      %add3A_1538 = arith.addi %add3A_1537, %iota3A : vector<16xi32>
      %le3A_1539 = arith.cmpi sle, %broadcast_in_dim3A_1392, %add3A_1538 : vector<16xi32>
      %jit3A_1540 = arith.constant 1 : i32
      %jit3A_1541 = arith.constant 0 : i32
      %broadcast_in_dim3A_1542 = vector.broadcast %jit3A_1540 : i32 to vector<16xi32>
      %broadcast_in_dim3A_1543 = vector.broadcast %jit3A_1541 : i32 to vector<16xi32>
      %select_n3A_1544 = arith.select %le3A_1539, %broadcast_in_dim3A_1542, %broadcast_in_dim3A_1543 : vector<16xi1>, vector<16xi32>
      %add3A_1545 = arith.addi %while3A_1389, %select_n3A_1544 : vector<16xi32>
      %add3A_1546 = arith.constant 224 : i32
      %add3A_1547 = arith.addi %add3A_1026, %add3A_1546 : i32
      %add3A_1548 = vector.broadcast %add3A_1547 : i32 to vector<16xi32>
      %add3A_1549 = arith.addi %add3A_1548, %iota3A : vector<16xi32>
      %le3A_1550 = arith.cmpi sle, %broadcast_in_dim3A_1392, %add3A_1549 : vector<16xi32>
      %jit3A_1551 = arith.constant 1 : i32
      %jit3A_1552 = arith.constant 0 : i32
      %broadcast_in_dim3A_1553 = vector.broadcast %jit3A_1551 : i32 to vector<16xi32>
      %broadcast_in_dim3A_1554 = vector.broadcast %jit3A_1552 : i32 to vector<16xi32>
      %select_n3A_1555 = arith.select %le3A_1550, %broadcast_in_dim3A_1553, %broadcast_in_dim3A_1554 : vector<16xi1>, vector<16xi32>
      %add3A_1556 = arith.addi %while3A_1390, %select_n3A_1555 : vector<16xi32>
      %add3A_1557 = arith.constant 240 : i32
      %add3A_1558 = arith.addi %add3A_1026, %add3A_1557 : i32
      %add3A_1559 = vector.broadcast %add3A_1558 : i32 to vector<16xi32>
      %add3A_1560 = arith.addi %add3A_1559, %iota3A : vector<16xi32>
      %le3A_1561 = arith.cmpi sle, %broadcast_in_dim3A_1392, %add3A_1560 : vector<16xi32>
      %jit3A_1562 = arith.constant 1 : i32
      %jit3A_1563 = arith.constant 0 : i32
      %broadcast_in_dim3A_1564 = vector.broadcast %jit3A_1562 : i32 to vector<16xi32>
      %broadcast_in_dim3A_1565 = vector.broadcast %jit3A_1563 : i32 to vector<16xi32>
      %select_n3A_1566 = arith.select %le3A_1561, %broadcast_in_dim3A_1564, %broadcast_in_dim3A_1565 : vector<16xi1>, vector<16xi32>
      %add3A_1567 = arith.addi %while3A_1391, %select_n3A_1566 : vector<16xi32>
      %add3A_1568 = arith.constant 1 : i32
      %add3A_1569 = arith.addi %while3A_1374, %add3A_1568 : i32
      %add3A_1570 = arith.constant 1 : i32
      %add3A_1571 = arith.addi %while3A_1374, %add3A_1570 : i32
      %min3A_1572 = arith.constant 4095 : i32
      %min3A_1573 = arith.minsi %add3A_1571, %min3A_1572 : i32
      %broadcast_in_dim3A_1574 = vector.broadcast %min3A_1573 : i32 to vector<16xi32>
      %gather3A_1575 = tpu.vector_load_idx %arg6[%broadcast_in_dim3A_1574] : memref<4096xi32, #tpu.memory_space<vmem>>[vector<16xi32>], vector<16xi32>,
      %slice3A_1576 = vector.extract_strided_slice %gather3A_1575 {offsets = [0], sizes = [1], strides = [1]} : vector<16xi32> to vector<1xi32>
      %squeeze3A_1577 = vector.extract %slice3A_1576[0] : i32 from vector<1xi32>
      scf.yield %add3A_1569, %squeeze3A_1577, %add3A_1402, %add3A_1413, %add3A_1424, %add3A_1435, %add3A_1446, %add3A_1457, %add3A_1468, %add3A_1479, %add3A_1490, %add3A_1501, %add3A_1512, %add3A_1523, %add3A_1534, %add3A_1545, %add3A_1556, %add3A_1567 : i32, i32, vector<16xi32>, vector<16xi32>, vector<16xi32>, vector<16xi32>, vector<16xi32>, vector<16xi32>, vector<16xi32>, vector<16xi32>, vector<16xi32>, vector<16xi32>, vector<16xi32>, vector<16xi32>, vector<16xi32>, vector<16xi32>, vector<16xi32>, vector<16xi32>
    }
    %add3A_1218 = vector.broadcast %max3A_1170 : i32 to vector<16xi32>
    %add3A_1219 = arith.addi %add3A_1218, %while3A_1217#2 : vector<16xi32>
    %min3A_1220 = arith.constant 4095 : i32
    %min3A_1221 = vector.broadcast %min3A_1220 : i32 to vector<16xi32>
    %min3A_1222 = arith.minsi %add3A_1219, %min3A_1221 : vector<16xi32>
    %swap3A_1223 = arith.constant 0 : index
    %swap3A_1224 = tpu.vector_load %arg8[%swap3A_1223] {strides = array<i32>} : memref<128xi32, #tpu.memory_space<vmem>>, vector<16xi32>,
    tpu.vector_store %arg8[%swap3A_1223], %min3A_1222 {strides = array<i32>} : memref<128xi32, #tpu.memory_space<vmem>>, vector<16xi32>,
    %add3A_1225 = vector.broadcast %max3A_1170 : i32 to vector<16xi32>
    %add3A_1226 = arith.addi %add3A_1225, %while3A_1217#3 : vector<16xi32>
    %min3A_1227 = arith.constant 4095 : i32
    %min3A_1228 = vector.broadcast %min3A_1227 : i32 to vector<16xi32>
    %min3A_1229 = arith.minsi %add3A_1226, %min3A_1228 : vector<16xi32>
    %swap3A_1230 = arith.constant 16 : index
    %swap3A_1231 = tpu.vector_load %arg8[%swap3A_1230] {strides = array<i32>} : memref<128xi32, #tpu.memory_space<vmem>>, vector<16xi32>,
    tpu.vector_store %arg8[%swap3A_1230], %min3A_1229 {strides = array<i32>} : memref<128xi32, #tpu.memory_space<vmem>>, vector<16xi32>,
    %add3A_1232 = vector.broadcast %max3A_1170 : i32 to vector<16xi32>
    %add3A_1233 = arith.addi %add3A_1232, %while3A_1217#4 : vector<16xi32>
    %min3A_1234 = arith.constant 4095 : i32
    %min3A_1235 = vector.broadcast %min3A_1234 : i32 to vector<16xi32>
    %min3A_1236 = arith.minsi %add3A_1233, %min3A_1235 : vector<16xi32>
    %swap3A_1237 = arith.constant 32 : index
    %swap3A_1238 = tpu.vector_load %arg8[%swap3A_1237] {strides = array<i32>} : memref<128xi32, #tpu.memory_space<vmem>>, vector<16xi32>,
    tpu.vector_store %arg8[%swap3A_1237], %min3A_1236 {strides = array<i32>} : memref<128xi32, #tpu.memory_space<vmem>>, vector<16xi32>,
    %add3A_1239 = vector.broadcast %max3A_1170 : i32 to vector<16xi32>
    %add3A_1240 = arith.addi %add3A_1239, %while3A_1217#5 : vector<16xi32>
    %min3A_1241 = arith.constant 4095 : i32
    %min3A_1242 = vector.broadcast %min3A_1241 : i32 to vector<16xi32>
    %min3A_1243 = arith.minsi %add3A_1240, %min3A_1242 : vector<16xi32>
    %swap3A_1244 = arith.constant 48 : index
    %swap3A_1245 = tpu.vector_load %arg8[%swap3A_1244] {strides = array<i32>} : memref<128xi32, #tpu.memory_space<vmem>>, vector<16xi32>,
    tpu.vector_store %arg8[%swap3A_1244], %min3A_1243 {strides = array<i32>} : memref<128xi32, #tpu.memory_space<vmem>>, vector<16xi32>,
    %add3A_1246 = vector.broadcast %max3A_1170 : i32 to vector<16xi32>
    %add3A_1247 = arith.addi %add3A_1246, %while3A_1217#6 : vector<16xi32>
    %min3A_1248 = arith.constant 4095 : i32
    %min3A_1249 = vector.broadcast %min3A_1248 : i32 to vector<16xi32>
    %min3A_1250 = arith.minsi %add3A_1247, %min3A_1249 : vector<16xi32>
    %swap3A_1251 = arith.constant 64 : index
    %swap3A_1252 = tpu.vector_load %arg8[%swap3A_1251] {strides = array<i32>} : memref<128xi32, #tpu.memory_space<vmem>>, vector<16xi32>,
    tpu.vector_store %arg8[%swap3A_1251], %min3A_1250 {strides = array<i32>} : memref<128xi32, #tpu.memory_space<vmem>>, vector<16xi32>,
    %add3A_1253 = vector.broadcast %max3A_1170 : i32 to vector<16xi32>
    %add3A_1254 = arith.addi %add3A_1253, %while3A_1217#7 : vector<16xi32>
    %min3A_1255 = arith.constant 4095 : i32
    %min3A_1256 = vector.broadcast %min3A_1255 : i32 to vector<16xi32>
    %min3A_1257 = arith.minsi %add3A_1254, %min3A_1256 : vector<16xi32>
    %swap3A_1258 = arith.constant 80 : index
    %swap3A_1259 = tpu.vector_load %arg8[%swap3A_1258] {strides = array<i32>} : memref<128xi32, #tpu.memory_space<vmem>>, vector<16xi32>,
    tpu.vector_store %arg8[%swap3A_1258], %min3A_1257 {strides = array<i32>} : memref<128xi32, #tpu.memory_space<vmem>>, vector<16xi32>,
    %add3A_1260 = vector.broadcast %max3A_1170 : i32 to vector<16xi32>
    %add3A_1261 = arith.addi %add3A_1260, %while3A_1217#8 : vector<16xi32>
    %min3A_1262 = arith.constant 4095 : i32
    %min3A_1263 = vector.broadcast %min3A_1262 : i32 to vector<16xi32>
    %min3A_1264 = arith.minsi %add3A_1261, %min3A_1263 : vector<16xi32>
    %swap3A_1265 = arith.constant 96 : index
    %swap3A_1266 = tpu.vector_load %arg8[%swap3A_1265] {strides = array<i32>} : memref<128xi32, #tpu.memory_space<vmem>>, vector<16xi32>,
    tpu.vector_store %arg8[%swap3A_1265], %min3A_1264 {strides = array<i32>} : memref<128xi32, #tpu.memory_space<vmem>>, vector<16xi32>,
    %add3A_1267 = vector.broadcast %max3A_1170 : i32 to vector<16xi32>
    %add3A_1268 = arith.addi %add3A_1267, %while3A_1217#9 : vector<16xi32>
    %min3A_1269 = arith.constant 4095 : i32
    %min3A_1270 = vector.broadcast %min3A_1269 : i32 to vector<16xi32>
    %min3A_1271 = arith.minsi %add3A_1268, %min3A_1270 : vector<16xi32>
    %swap3A_1272 = arith.constant 112 : index
    %swap3A_1273 = tpu.vector_load %arg8[%swap3A_1272] {strides = array<i32>} : memref<128xi32, #tpu.memory_space<vmem>>, vector<16xi32>,
    tpu.vector_store %arg8[%swap3A_1272], %min3A_1271 {strides = array<i32>} : memref<128xi32, #tpu.memory_space<vmem>>, vector<16xi32>,
    %add3A_1274 = vector.broadcast %max3A_1170 : i32 to vector<16xi32>
    %add3A_1275 = arith.addi %add3A_1274, %while3A_1217#10 : vector<16xi32>
    %min3A_1276 = arith.constant 4095 : i32
    %min3A_1277 = vector.broadcast %min3A_1276 : i32 to vector<16xi32>
    %min3A_1278 = arith.minsi %add3A_1275, %min3A_1277 : vector<16xi32>
    %swap3A_1279 = arith.constant 0 : index
    %swap3A_1280 = tpu.vector_load %arg9[%swap3A_1279] {strides = array<i32>} : memref<128xi32, #tpu.memory_space<vmem>>, vector<16xi32>,
    tpu.vector_store %arg9[%swap3A_1279], %min3A_1278 {strides = array<i32>} : memref<128xi32, #tpu.memory_space<vmem>>, vector<16xi32>,
    %add3A_1281 = vector.broadcast %max3A_1170 : i32 to vector<16xi32>
    %add3A_1282 = arith.addi %add3A_1281, %while3A_1217#11 : vector<16xi32>
    %min3A_1283 = arith.constant 4095 : i32
    %min3A_1284 = vector.broadcast %min3A_1283 : i32 to vector<16xi32>
    %min3A_1285 = arith.minsi %add3A_1282, %min3A_1284 : vector<16xi32>
    %swap3A_1286 = arith.constant 16 : index
    %swap3A_1287 = tpu.vector_load %arg9[%swap3A_1286] {strides = array<i32>} : memref<128xi32, #tpu.memory_space<vmem>>, vector<16xi32>,
    tpu.vector_store %arg9[%swap3A_1286], %min3A_1285 {strides = array<i32>} : memref<128xi32, #tpu.memory_space<vmem>>, vector<16xi32>,
    %add3A_1288 = vector.broadcast %max3A_1170 : i32 to vector<16xi32>
    %add3A_1289 = arith.addi %add3A_1288, %while3A_1217#12 : vector<16xi32>
    %min3A_1290 = arith.constant 4095 : i32
    %min3A_1291 = vector.broadcast %min3A_1290 : i32 to vector<16xi32>
    %min3A_1292 = arith.minsi %add3A_1289, %min3A_1291 : vector<16xi32>
    %swap3A_1293 = arith.constant 32 : index
    %swap3A_1294 = tpu.vector_load %arg9[%swap3A_1293] {strides = array<i32>} : memref<128xi32, #tpu.memory_space<vmem>>, vector<16xi32>,
    tpu.vector_store %arg9[%swap3A_1293], %min3A_1292 {strides = array<i32>} : memref<128xi32, #tpu.memory_space<vmem>>, vector<16xi32>,
    %add3A_1295 = vector.broadcast %max3A_1170 : i32 to vector<16xi32>
    %add3A_1296 = arith.addi %add3A_1295, %while3A_1217#13 : vector<16xi32>
    %min3A_1297 = arith.constant 4095 : i32
    %min3A_1298 = vector.broadcast %min3A_1297 : i32 to vector<16xi32>
    %min3A_1299 = arith.minsi %add3A_1296, %min3A_1298 : vector<16xi32>
    %swap3A_1300 = arith.constant 48 : index
    %swap3A_1301 = tpu.vector_load %arg9[%swap3A_1300] {strides = array<i32>} : memref<128xi32, #tpu.memory_space<vmem>>, vector<16xi32>,
    tpu.vector_store %arg9[%swap3A_1300], %min3A_1299 {strides = array<i32>} : memref<128xi32, #tpu.memory_space<vmem>>, vector<16xi32>,
    %add3A_1302 = vector.broadcast %max3A_1170 : i32 to vector<16xi32>
    %add3A_1303 = arith.addi %add3A_1302, %while3A_1217#14 : vector<16xi32>
    %min3A_1304 = arith.constant 4095 : i32
    %min3A_1305 = vector.broadcast %min3A_1304 : i32 to vector<16xi32>
    %min3A_1306 = arith.minsi %add3A_1303, %min3A_1305 : vector<16xi32>
    %swap3A_1307 = arith.constant 64 : index
    %swap3A_1308 = tpu.vector_load %arg9[%swap3A_1307] {strides = array<i32>} : memref<128xi32, #tpu.memory_space<vmem>>, vector<16xi32>,
    tpu.vector_store %arg9[%swap3A_1307], %min3A_1306 {strides = array<i32>} : memref<128xi32, #tpu.memory_space<vmem>>, vector<16xi32>,
    %add3A_1309 = vector.broadcast %max3A_1170 : i32 to vector<16xi32>
    %add3A_1310 = arith.addi %add3A_1309, %while3A_1217#15 : vector<16xi32>
    %min3A_1311 = arith.constant 4095 : i32
    %min3A_1312 = vector.broadcast %min3A_1311 : i32 to vector<16xi32>
    %min3A_1313 = arith.minsi %add3A_1310, %min3A_1312 : vector<16xi32>
    %swap3A_1314 = arith.constant 80 : index
    %swap3A_1315 = tpu.vector_load %arg9[%swap3A_1314] {strides = array<i32>} : memref<128xi32, #tpu.memory_space<vmem>>, vector<16xi32>,
    tpu.vector_store %arg9[%swap3A_1314], %min3A_1313 {strides = array<i32>} : memref<128xi32, #tpu.memory_space<vmem>>, vector<16xi32>,
    %add3A_1316 = vector.broadcast %max3A_1170 : i32 to vector<16xi32>
    %add3A_1317 = arith.addi %add3A_1316, %while3A_1217#16 : vector<16xi32>
    %min3A_1318 = arith.constant 4095 : i32
    %min3A_1319 = vector.broadcast %min3A_1318 : i32 to vector<16xi32>
    %min3A_1320 = arith.minsi %add3A_1317, %min3A_1319 : vector<16xi32>
    %swap3A_1321 = arith.constant 96 : index
    %swap3A_1322 = tpu.vector_load %arg9[%swap3A_1321] {strides = array<i32>} : memref<128xi32, #tpu.memory_space<vmem>>, vector<16xi32>,
    tpu.vector_store %arg9[%swap3A_1321], %min3A_1320 {strides = array<i32>} : memref<128xi32, #tpu.memory_space<vmem>>, vector<16xi32>,
    %add3A_1323 = vector.broadcast %max3A_1170 : i32 to vector<16xi32>
    %add3A_1324 = arith.addi %add3A_1323, %while3A_1217#17 : vector<16xi32>
    %min3A_1325 = arith.constant 4095 : i32
    %min3A_1326 = vector.broadcast %min3A_1325 : i32 to vector<16xi32>
    %min3A_1327 = arith.minsi %add3A_1324, %min3A_1326 : vector<16xi32>
    %swap3A_1328 = arith.constant 112 : index
    %swap3A_1329 = tpu.vector_load %arg9[%swap3A_1328] {strides = array<i32>} : memref<128xi32, #tpu.memory_space<vmem>>, vector<16xi32>,
    tpu.vector_store %arg9[%swap3A_1328], %min3A_1327 {strides = array<i32>} : memref<128xi32, #tpu.memory_space<vmem>>, vector<16xi32>,
    %dma_start3A_1330 = arith.constant 0 : i32
    %dma_start3A_1331 = arith.constant 0 : i32
    %dma_start3A_1332 = tpu.memref_slice %arg14[%dma_start3A_1330, %dma_start3A_1331] : memref<256x64xf32, #tpu.memory_space<vmem>> -> memref<128x64xf32, #tpu.memory_space<vmem>>
    %dma_start3A_1333 = arith.constant 0 : i32
    %dma_start3A_1334 = arith.constant 0 : i32
    %dma_start3A_1335 = tpu.memref_slice %arg17[%dma_start3A_1333, %dma_start3A_1334] : memref<4096x64xf32, #tpu.memory_space<vmem_shared>> -> memref<4096x64xf32, #tpu.memory_space<vmem_shared>>
    tpu.enqueue_indirect_dma source(%dma_start3A_1332 : memref<128x64xf32, #tpu.memory_space<vmem>>) target(%dma_start3A_1335 : memref<4096x64xf32, #tpu.memory_space<vmem_shared>>) offsets(%arg8 : memref<128xi32, #tpu.memory_space<vmem>>) semaphore(%arg21 : memref<!tpu.dma_semaphore, #tpu.memory_space<semaphore_mem>>) {add = true}
    %dma_start3A_1336 = arith.constant 128 : i32
    %dma_start3A_1337 = arith.constant 0 : i32
    %dma_start3A_1338 = tpu.memref_slice %arg14[%dma_start3A_1336, %dma_start3A_1337] : memref<256x64xf32, #tpu.memory_space<vmem>> -> memref<128x64xf32, #tpu.memory_space<vmem>>
    %dma_start3A_1339 = arith.constant 0 : i32
    %dma_start3A_1340 = arith.constant 0 : i32
    %dma_start3A_1341 = tpu.memref_slice %arg17[%dma_start3A_1339, %dma_start3A_1340] : memref<4096x64xf32, #tpu.memory_space<vmem_shared>> -> memref<4096x64xf32, #tpu.memory_space<vmem_shared>>
    tpu.enqueue_indirect_dma source(%dma_start3A_1338 : memref<128x64xf32, #tpu.memory_space<vmem>>) target(%dma_start3A_1341 : memref<4096x64xf32, #tpu.memory_space<vmem_shared>>) offsets(%arg9 : memref<128xi32, #tpu.memory_space<vmem>>) semaphore(%arg21 : memref<!tpu.dma_semaphore, #tpu.memory_space<semaphore_mem>>) {add = true}
    %dma_wait3A_1342 = arith.constant 0 : i32
    %dma_wait3A_1343 = arith.constant 0 : i32
    %dma_wait3A_1344 = tpu.memref_slice %arg16[%dma_wait3A_1342, %dma_wait3A_1343] : memref<256x64xf32, #tpu.memory_space<vmem>> -> memref<128x64xf32, #tpu.memory_space<vmem>>
    %dma_wait3A_1345 = arith.constant 0 : i32
    %dma_wait3A_1346 = arith.constant 0 : i32
    %dma_wait3A_1347 = tpu.memref_slice %arg17[%dma_wait3A_1345, %dma_wait3A_1346] : memref<4096x64xf32, #tpu.memory_space<vmem_shared>> -> memref<4096x64xf32, #tpu.memory_space<vmem_shared>>
    tpu.wait_indirect_dma semaphore(%arg23 : memref<!tpu.dma_semaphore, #tpu.memory_space<semaphore_mem>>) src(%dma_wait3A_1344 : memref<128x64xf32, #tpu.memory_space<vmem>>) dst(%dma_wait3A_1347 : memref<4096x64xf32, #tpu.memory_space<vmem_shared>>)
    %dma_wait3A_1348 = arith.constant 128 : i32
    %dma_wait3A_1349 = arith.constant 0 : i32
    %dma_wait3A_1350 = tpu.memref_slice %arg16[%dma_wait3A_1348, %dma_wait3A_1349] : memref<256x64xf32, #tpu.memory_space<vmem>> -> memref<128x64xf32, #tpu.memory_space<vmem>>
    %dma_wait3A_1351 = arith.constant 0 : i32
    %dma_wait3A_1352 = arith.constant 0 : i32
    %dma_wait3A_1353 = tpu.memref_slice %arg17[%dma_wait3A_1351, %dma_wait3A_1352] : memref<4096x64xf32, #tpu.memory_space<vmem_shared>> -> memref<4096x64xf32, #tpu.memory_space<vmem_shared>>
    tpu.wait_indirect_dma semaphore(%arg23 : memref<!tpu.dma_semaphore, #tpu.memory_space<semaphore_mem>>) src(%dma_wait3A_1350 : memref<128x64xf32, #tpu.memory_space<vmem>>) dst(%dma_wait3A_1353 : memref<4096x64xf32, #tpu.memory_space<vmem_shared>>)
    %dma_wait3A_1354 = arith.constant 0 : i32
    %dma_wait3A_1355 = arith.constant 0 : i32
    %dma_wait3A_1356 = tpu.memref_slice %arg14[%dma_wait3A_1354, %dma_wait3A_1355] : memref<256x64xf32, #tpu.memory_space<vmem>> -> memref<128x64xf32, #tpu.memory_space<vmem>>
    %dma_wait3A_1357 = arith.constant 0 : i32
    %dma_wait3A_1358 = arith.constant 0 : i32
    %dma_wait3A_1359 = tpu.memref_slice %arg17[%dma_wait3A_1357, %dma_wait3A_1358] : memref<4096x64xf32, #tpu.memory_space<vmem_shared>> -> memref<4096x64xf32, #tpu.memory_space<vmem_shared>>
    tpu.wait_indirect_dma semaphore(%arg21 : memref<!tpu.dma_semaphore, #tpu.memory_space<semaphore_mem>>) src(%dma_wait3A_1356 : memref<128x64xf32, #tpu.memory_space<vmem>>) dst(%dma_wait3A_1359 : memref<4096x64xf32, #tpu.memory_space<vmem_shared>>)
    %dma_wait3A_1360 = arith.constant 128 : i32
    %dma_wait3A_1361 = arith.constant 0 : i32
    %dma_wait3A_1362 = tpu.memref_slice %arg14[%dma_wait3A_1360, %dma_wait3A_1361] : memref<256x64xf32, #tpu.memory_space<vmem>> -> memref<128x64xf32, #tpu.memory_space<vmem>>
    %dma_wait3A_1363 = arith.constant 0 : i32
    %dma_wait3A_1364 = arith.constant 0 : i32
    %dma_wait3A_1365 = tpu.memref_slice %arg17[%dma_wait3A_1363, %dma_wait3A_1364] : memref<4096x64xf32, #tpu.memory_space<vmem_shared>> -> memref<4096x64xf32, #tpu.memory_space<vmem_shared>>
    tpu.wait_indirect_dma semaphore(%arg21 : memref<!tpu.dma_semaphore, #tpu.memory_space<semaphore_mem>>) src(%dma_wait3A_1362 : memref<128x64xf32, #tpu.memory_space<vmem>>) dst(%dma_wait3A_1365 : memref<4096x64xf32, #tpu.memory_space<vmem_shared>>)
    %barrier3A_1366 = arith.constant 0 : index
    tpu.barrier barrier_id(%barrier3A_1366)
    %mul3A_1367 = arith.constant 256 : i32
    %mul3A_1368 = arith.muli %arg1, %mul3A_1367 : i32
    %mul3A_1369 = arith.constant 4096 : i32
    %mul3A_1370 = arith.muli %arg0, %mul3A_1369 : i32
    %mul3A_1371 = arith.constant 256 : i32
    %mul3A_1372 = arith.muli %arg1, %mul3A_1371 : i32
    %add3A_1373 = arith.addi %mul3A_1370, %mul3A_1372 : i32
    "tpu.region"() ({
      %run_scoped3A = tpu.sem_alloc : memref<!tpu.dma_semaphore, #tpu.memory_space<semaphore_mem>>
      %dma_start3A_1374 = arith.constant 0 : i32
      %dma_start3A_1375 = tpu.memref_slice %arg5[%add3A_1373, %dma_start3A_1374] : memref<8192x64xf32, #tpu.memory_space<hbm>> -> memref<256x64xf32, #tpu.memory_space<hbm>>
      %dma_start3A_1376 = arith.constant 0 : i32
      %dma_start3A_1377 = tpu.memref_slice %arg17[%mul3A_1368, %dma_start3A_1376] : memref<4096x64xf32, #tpu.memory_space<vmem_shared>> -> memref<256x64xf32, #tpu.memory_space<vmem_shared>>
      tpu.enqueue_dma source(%dma_start3A_1377 : memref<256x64xf32, #tpu.memory_space<vmem_shared>>) target(%dma_start3A_1375 : memref<256x64xf32, #tpu.memory_space<hbm>>) target_semaphore(%run_scoped3A : memref<!tpu.dma_semaphore, #tpu.memory_space<semaphore_mem>>)
      %dma_wait3A_1378 = arith.constant 0 : i32
      %dma_wait3A_1379 = tpu.memref_slice %arg5[%add3A_1373, %dma_wait3A_1378] : memref<8192x64xf32, #tpu.memory_space<hbm>> -> memref<256x64xf32, #tpu.memory_space<hbm>>
      %dma_wait3A_1380 = arith.constant 0 : i32
      %dma_wait3A_1381 = tpu.memref_slice %arg17[%mul3A_1368, %dma_wait3A_1380] : memref<4096x64xf32, #tpu.memory_space<vmem_shared>> -> memref<256x64xf32, #tpu.memory_space<vmem_shared>>
      tpu.wait_dma2 semaphore(%run_scoped3A : memref<!tpu.dma_semaphore, #tpu.memory_space<semaphore_mem>>) src(%dma_wait3A_1381 : memref<256x64xf32, #tpu.memory_space<vmem_shared>>) dst(%dma_wait3A_1379 : memref<256x64xf32, #tpu.memory_space<hbm>>)
      tpu.yield
    }) : () -> ()
    return
  }
}

module attributes {stable_mosaic.version = 14 : i64} {
  func.func @_combine_body(%arg0: memref<4096x64xf32, #tpu.memory_space<vmem>>, %arg1: memref<4096x64xf32, #tpu.memory_space<vmem>>, %arg2: memref<4096x64xf32, #tpu.memory_space<vmem>>) attributes {dimension_semantics = [], scalar_prefetch = 0 : i64, scratch_operands = 0 : i64, tpu.core_type = #tpu.core_type<tc>} {
    %get3A = arith.constant 0 : index
    %get3A_0 = arith.constant 0 : index
    %get3A_1 = vector.load %arg0[%get3A, %get3A_0] : memref<4096x64xf32, #tpu.memory_space<vmem>>, vector<4096x64xf32>
    %get3A_2 = arith.constant 0 : index
    %get3A_3 = arith.constant 0 : index
    %get3A_4 = vector.load %arg1[%get3A_2, %get3A_3] : memref<4096x64xf32, #tpu.memory_space<vmem>>, vector<4096x64xf32>
    %add3A = arith.addf %get3A_1, %get3A_4 : vector<4096x64xf32>
    %swap3A = arith.constant 0 : index
    %swap3A_5 = arith.constant 0 : index
    %swap3A_6 = vector.load %arg2[%swap3A, %swap3A_5] : memref<4096x64xf32, #tpu.memory_space<vmem>>, vector<4096x64xf32>
    tpu.vector_store %arg2[%swap3A, %swap3A_5], %add3A {strides = array<i32>} : memref<4096x64xf32, #tpu.memory_space<vmem>>, vector<4096x64xf32>,
    return
  }
}

</mosaic_0001>

<sc_bundles>
// kernel: kernel.4.cloned.1.call-start
scs
__scs_entry_jumppad:
0x0: {  	(pc) =	sbr.rel $0x88, $3  }
0x1: {  	(tag) =	ssettag $0x0;
	lr =	simm.s32 $0x1  }
0x2: {  	[smem:$0x3F9E] =	sst lr;
	_ =	strace $0xD0000000  }
0x3: {  	_ = 	snop  }
0x4: {  	_ = 	snop  }
0x5: {  	_ = 	snop  }
0x6: {  	_ = 	snop  }
0x7: {  	_ = 	snop  }
__scs_overlays_trampoline_lowered:
0x8: {  	[smem:$0x3FAD] =	sst s0  }
0x9: {  	[smem:$0x3FAE] =	sst s1  }
0xa: {  	[smem:$0x3FAF] =	sst s2  }
0xb: {  	[smem:$0x3FB0] =	sst s3  }
0xc: {  	[smem:$0x3FB1] =	sst s4  }
0xd: {  	[smem:$0x3FB2] =	sst s5  }
0xe: {  	[smem:$0x3FB3] =	sst s6  }
0xf: {  	[smem:$0x3FB4] =	sst s7  }
0x10: {  	[smem:$0x3FB5] =	sst s8  }
0x11: {  	[smem:$0x3FB6] =	sst s9;
	s0 =	simm.s32 @!p0 $0x0  }
0x12: {  	s1 =	sld [smem:$0x3F9C];
	s0 =	simm.s32 @p0 $0x1  }
0x13: {  	[smem:$0x3FB7] =	sst s0;
	s0 =	simm.s32 @!p1 $0x0  }
0x14: {  	s2 =	sld [smem:$0x3F9B];
	s0 =	simm.s32 @p1 $0x1  }
0x15: {  	[smem:$0x3FB8] =	sst s0;
	s0 =	simm.s32 @!p2 $0x0  }
0x16: {  	s3 =	sld [smem:$0x3FDB];
	s0 =	simm.s32 @p2 $0x1  }
0x17: {  	s4 =	simm.s32 $0x1BF5;
	[smem:$0x3FBA] =	sst s0  }
0x18: {  	s0 =	sld [smem:$0x3F9D];
	_ =	swait.ge [sflag:s4], $0x0  }
0x19: {  	s7 =	sld [smem:$0x3F9E]  }
0x1a: {  	s8 =	sadd.s32 $0xFFFFE003, lr  }
0x1b: {  	s9 =	sadd.s32 $0xFFFFFEF7, lr;
	s5 =	simm.s32 $0xFFFFFFFF;
	p2 =	slt.u32 s8, $0xFFFFF086  }
0x1c: {  	p1 =	slt.u32 s9, $0xF7A;
	s5 =	simm.s32 @!p2 $0x0  }
0x1d: {  	s5 =	simm.s32 @p1 $0x1;
	p0 =	seq.s32 s7, s2  }
0x1e: {  	s7 =	smul.u32 @!p0 $0xF7A, s2;
	p2 =	seq.s32 @!p0 s5, $0x0  }
0x1f: {  	s9 =	smul.u32 $0xF7A, s1;
	s8 =	simm.s32 @!p0 $0x1BF5;
	p2 =	por !p2, p0  }
0x20: {  	[sflag:s8] =	ssyncset.s32 @!p0 $0xFFFFF086;
	s6 =	sadd.s32 @!p0 s3, s7;
	s7 =	simm.s32 @!p0 $0x108  }
0x21: {  	s3 =	sadd.s32 s3, s9;
	s6 =	sadd.s32 @!p0 $0x88, s6;
	s7 =	simm.s32 @p2 $0x1082  }
0x22: {  	[simem:s7], [sflag:s8] =	dma.local @!p0 [hbm:s6], $0xF7A  }
0x23: {  	s9 =	sor.u32 $0xD0000000, s2;
	s6 =	simm.s32 $0x108;
	_ =	swait.ge @!p0 [sflag:s8], $0x0  }
0x24: {  	s3 =	sadd.s32 $0x88, s3;
	s6 =	simm.s32 @!p1 $0x1082;
	[sflag:s4] =	ssyncset.s32 $0xFFFFF086  }
0x25: {  	[simem:s6], [sflag:s4] =	dma.local [hbm:s3], $0xF7A  }
0x26: {  	[smem:$0x3F9E] =	sst s1;
	(tag) =	ssettag s2;
	_ =	strace s9  }
0x27: {  	s1 =	sld [smem:$0x3FAE]  }
0x28: {  	s2 =	sld [smem:$0x3FAF]  }
0x29: {  	s4 =	sld [smem:$0x3FB1]  }
0x2a: {  	p0 =	seq.s32 s5, $0x0;
	s5 =	sld [smem:$0x3FB2]  }
0x2b: {  	s6 =	sld [smem:$0x3FB3]  }
0x2c: {  	s7 =	sld [smem:$0x3FB4]  }
0x2d: {  	s3 =	simm.s32 $0x108;
	s8 =	sld [smem:$0x3FB5]  }
0x2e: {  	s3 =	simm.s32 @!p0 $0x1082;
	s9 =	sld [smem:$0x3FB6]  }
0x2f: {  	lr =	sadd.s32 s0, s3;
	s0 =	sld [smem:$0x3FAD]  }
0x30: {  	s3 =	sld [smem:$0x3FB0]  }
0x31: {  	[smem:$0x3FB9] =	sst s10  }
0x32: {  	s10 =	sld [smem:$0x3FB7];
	_ =	sdelay $0x3  }
0x33: {  	p0 =	seq.s32 s10, $0x1;
	s10 =	sld [smem:$0x3FB9];
	_ =	sdelay $0x3  }
0x34: {  	[smem:$0x3FB9] =	sst s10  }
0x35: {  	s10 =	sld [smem:$0x3FB8];
	_ =	sdelay $0x3  }
0x36: {  	p1 =	seq.s32 s10, $0x1;
	s10 =	sld [smem:$0x3FB9];
	_ =	sdelay $0x3  }
0x37: {  	[smem:$0x3FB9] =	sst s10  }
0x38: {  	s10 =	sld [smem:$0x3FBA]  }
0x39: {  	_ = 	snop;
	(pc) =	sbr.ind lr, $3  }
0x3a: {  	_ = 	snop  }
0x3b: {  	_ = 	snop  }
0x3c: {  	p2 =	seq.s32 s10, $0x1;
	s10 =	sld [smem:$0x3FB9]  }
0x3d: {  	_ =	shalt  }
0x3e: {  	_ =	shalt  }
0x3f: {  	_ =	shalt  }
0x40: {  	_ =	shalt  }
0x41: {  	_ =	shalt  }
0x42: {  	_ =	shalt  }
0x43: {  	_ =	shalt  }
0x44: {  	_ =	shalt  }
0x45: {  	_ =	shalt  }
0x46: {  	_ =	shalt  }
0x47: {  	_ =	shalt  }
0x48: {  	_ =	shalt  }
0x49: {  	_ =	shalt  }
0x4a: {  	_ =	shalt  }
0x4b: {  	_ =	shalt  }
0x4c: {  	_ =	shalt  }
0x4d: {  	_ =	shalt  }
0x4e: {  	_ =	shalt  }
0x4f: {  	_ =	shalt  }
0x50: {  	_ =	shalt  }
0x51: {  	_ =	shalt  }
0x52: {  	_ =	shalt  }
0x53: {  	_ =	shalt  }
0x54: {  	_ =	shalt  }
0x55: {  	_ =	shalt  }
0x56: {  	_ =	shalt  }
0x57: {  	_ =	shalt  }
0x58: {  	_ =	shalt  }
0x59: {  	_ =	shalt  }
0x5a: {  	_ =	shalt  }
0x5b: {  	_ =	shalt  }
0x5c: {  	_ =	shalt  }
0x5d: {  	_ =	shalt  }
0x5e: {  	_ =	shalt  }
0x5f: {  	_ =	shalt  }
0x60: {  	_ =	shalt  }
0x61: {  	_ =	shalt  }
0x62: {  	_ =	shalt  }
0x63: {  	_ =	shalt  }
0x64: {  	_ =	shalt  }
0x65: {  	_ =	shalt  }
0x66: {  	_ =	shalt  }
0x67: {  	_ =	shalt  }
0x68: {  	_ =	shalt  }
0x69: {  	_ =	shalt  }
0x6a: {  	_ =	shalt  }
0x6b: {  	_ =	shalt  }
0x6c: {  	_ =	shalt  }
0x6d: {  	_ =	shalt  }
0x6e: {  	_ =	shalt  }
0x6f: {  	_ =	shalt  }
0x70: {  	_ =	shalt  }
0x71: {  	_ =	shalt  }
0x72: {  	_ =	shalt  }
0x73: {  	_ =	shalt  }
0x74: {  	_ =	shalt  }
0x75: {  	_ =	shalt  }
0x76: {  	_ =	shalt  }
0x77: {  	_ =	shalt  }
0x78: {  	_ =	shalt  }
0x79: {  	_ =	shalt  }
0x7a: {  	_ =	shalt  }
0x7b: {  	_ =	shalt  }
0x7c: {  	_ =	shalt  }
0x7d: {  	_ =	shalt  }
0x7e: {  	_ =	shalt  }
0x7f: {  	_ =	shalt  }
0x80: {  	_ =	shalt  }
0x81: {  	_ =	shalt  }
0x82: {  	_ =	shalt  }
0x83: {  	_ =	shalt  }
0x84: {  	_ =	shalt  }
0x85: {  	_ =	shalt  }
0x86: {  	_ =	shalt  }
0x87: {  	_ =	shalt  }
.Lfunc_end0:
.L_simem_size_0:
called_computation_lowered:
.L_overlay_start_0:
0x88: {  	s2 =	sld [smem:$0x3FD9]  }
0x89: {  	s3 =	sld [smem:$0x3FFE];
	_ =	sdelay $0x1  }
0x8a: {  	s1 =	srdreg.scid  }
0x8b: {  	s0 =	sand.u32 $0x1, s1  }
0x8c: {  	s17 =	sshll.u32 s0, $0xA;
	s2 =	sadd.s32 s3, s2  }
0x8d: {  	s2 =	sadd.s32 s2, s17  }
0x8e: {  	[smem:$0x3FC5] =	sst s2  }
0x8f: {  	_ = 	snop  }
0x90: {  	s2 =	sld [smem:$0x3FC8]  }
0x91: {  	s18 =	sld [smem:$0x3FC7];
	(tm) =	ssettm $0x1  }
0x92: {  	s4 =	sld [smem:$0x3FFB];
	_ =	sdelay $0x3  }
0x93: {  	_ =	strace s4  }
0x94: {  	s4 =	sld [smem:$0x3FFC];
	_ =	sdelay $0x3  }
0x95: {  	_ =	strace s4  }
0x96: {  	s4 =	sld [smem:$0x3FFD];
	_ =	sdelay $0x3  }
0x97: {  	_ =	strace s4  }
0x98: {  	_ =	strace $0x8FFFFFFF  }
0x99: {  	s19 =	sld [smem:$0x3FDB];
	_ =	sdelay $0x1  }
0x9a: {  	s5 =	simm.s32 $_scs_section_size  }
0x9b: {  	s6 =	simm.s32 $_size__tile_overlayer_lowered;
	s7 =	simm.s32 $_tile_overlayer_lowered  }
0x9c: {  	s22 =	simm.s32 $0x1BFF;
	s21 =	sshll.u32 s7, $0x1;
	s4 =	sadd.s32 s5, s19  }
0x9d: {  	s8 =	simm.s32 $0x0;
	s20 =	sshll.u32 s6, $0x1;
	s6 =	sadd.s32 s21, s4  }
0x9e: {  	[timem:s8], [sflag:s22] =	dma.local [hbm:s6], s20  }
0x9f: {  	_ =	swait.ge [sflag:s22], s20  }
0xa0: {  	s5 =	ssub.s32 $0x0, s20;
	[sflag:s22] =	ssyncset.done $0x0  }
0xa1: {  	[sflag:s22] =	ssyncadd.s32 s5;
	_ =	sdelay $0x1  }
0xa2: {  	s23 =	simm.s32 $0x1B8B  }
0xa3: {  	_ =	swait.ge [sflag:s23], $0x1  }
0xa4: {  	[sflag:s23] =	ssyncset.done $0x0  }
0xa5: {  	s25 =	simm.s32 $0x1B8E;
	s24 =	sld [smem:$0x3FFE];
	[sflag:s23] =	ssyncadd.s32 $0xFFFFFFFF  }
0xa6: {  	s26 =	simm.s32 $execute0_lowered;
	[smem:$0x3FD2] =	sst s25  }
0xa7: {  	s6 =	sshll.u32 s26, $0x1;
	_ =	strace $0x80000046;
	[dreg:$0x1] =	wrdreg $0xFFFFFFFF  }
0xa8: {  	s28 =	simm.s32 $_size_execute0_lowered;
	s4 =	sadd.s32 s4, s6;
	[dreg:$0x0] =	wrdreg $0x0  }
0xa9: {  	s6 =	sshll.u32 s28, $0x1;
	[dreg:$0x2] =	wrdreg s4  }
0xaa: {  	[dreg:$0x3] =	wrdreg s6  }
0xab: {  	[dreg:$0x4] =	wrdreg $0xC0  }
0xac: {  	_ =	task [dreg:s8], $0x5FFFF  }
0xad: {  	[dreg:$0x1] =	wrdreg $0xFFFFFFFF  }
0xae: {  	[dreg:$0x0] =	wrdreg $0x60  }
0xaf: {  	[dreg:$0x2] =	wrdreg s24  }
0xb0: {  	[dreg:$0x3] =	wrdreg s2  }
0xb1: {  	[dreg:$0x4] =	wrdreg s18  }
0xb2: {  	[dreg:$0x5] =	wrdreg $0xEC000  }
0xb3: {  	[dreg:$0x6] =	wrdreg $0x9  }
0xb4: {  	_ =	task.clear_ibuf [dreg:s8], $0x7FFFF;
	_ =	strace $0x90000046  }
0xb5: {  	s29 =	simm.s32 $0x9;
	_ =	strace $0x80000048  }
0xb6: {  	_ =	swait.ge [sflag:s29], $0x1  }
0xb7: {  	[sflag:s29] =	ssyncadd.s32 $0xFFFFFFFF  }
0xb8: {  	_ =	strace $0x90000048  }
0xb9: {  	_ =	sfence  }
0xba: {  	s30 =	sld [smem:$0x0];
	_ =	sdelay $0x2  }
0xbb: {  	s31 =	sshll.u32 s1, $0xD;
	s1 =	sshrl.u32 s1, $0x2  }
0xbc: {  	s3 =	sand.u32 $0x4000, s31;
	s1 =	sadd.s32 s1, s30  }
0xbd: {  	s0 =	sor.u32 s3, s0;
	s1 =	sshll.u32 s1, $0x11  }
0xbe: {  	s0 =	sor.u32 s1, s0  }
0xbf: {  	s0 =	sadd.s32 $0x8F2B, s0  }
0xc0: {  	[sflag:s0] =	ssyncadd.remote.s32 $0x1  }
0xc1: {  	_ =	sfence.sel $0xFFFF  }
0xc2: {  	[dreg:$0x0] =	wrdreg $0xFFFFFFFF;
	(pc) =	sbr.abs _section_cstart, $3  }
0xc3: {  	[dreg:$0x1] =	wrdreg $0xFFFFFFFF  }
0xc4: {  	_ =	task.clear_ibuf [dreg:s8], $0x2FFFF;
	_ =	strace $0x9FFFFFFF  }
0xc5: {  	(tm) =	ssettm $0x7FFFFFFF  }
tec
execute0_lowered:
.L_overlay_start_1:
0x0: {  	(tag) =	ssettag $0x1  }
0x1: {  	s10 =	stileid.u32;
	s2 =	srdreg.scid  }
0x2: {  	s0 =	rddreg [dreg:$0x0];
	s2 =	sand.u32 $0x1, s2;
	s5 =	sshll.u32 s10, $0x1  }
0x3: {  	s1 =	rddreg [dreg:$0x1];
	s5 =	sor.u32 s2, s5  }
0x4: {  	s3 =	rddreg [dreg:$0x3];
	s4 =	simm.s32 $0x0;
	s5 =	smul.u32 $0x1900, s5  }
0x5: {  	[smem:$0x7FF] =	sst s4;
	s6 =	sadd.s32 $0x187000, s0;
	s8 =	ssub.s32 $0x2, s2  }
0x6: {  	v0 =	vlaneseq.u32;
	s7 =	sshll.u32 s10, $0xB;
	s26 =	sshrl.u32 s8, $0x1;
	s22 =	sadd.s32 $0x110, s5  }
0x7: {  	s0 =	sadd.s32 s7, s0;
	s7 =	ssub.s32 s8, s26;
	s8 =	sor.u32 $0x10, s5;
	v1 =	vor.u32 s22, v0  }
0x8: {  	s31 =	sshll.u32 s10, $0xE;
	_ =	strace $0x80000047;
	s10 =	sor.u32 $0x20, s5;
	v30 =	vor.u32 s8, v0;
	[tilespmem:$0x1FD10] =	vst v1  }
0x9: {  	s11 =	sor.u32 $0x40, s5;
	v31 =	vor.u32 s10, v0;
	[tilespmem:$0x1FDB0] =	vst v30  }
0xa: {  	s13 =	sor.u32 $0x50, s5;
	v8 =	vor.u32 s11, v0;
	[tilespmem:$0x1FDC0] =	vst v31  }
0xb: {  	s14 =	sor.u32 $0x60, s5;
	v9 =	vor.u32 s13, v0;
	[tilespmem:$0x1FDE0] =	vst v8  }
0xc: {  	s15 =	sor.u32 $0x70, s5;
	v10 =	vor.u32 s14, v0;
	[tilespmem:$0x1FDF0] =	vst v9  }
0xd: {  	s16 =	sor.u32 $0x80, s5;
	v11 =	vor.u32 s15, v0;
	[tilespmem:$0x1FE00] =	vst v10  }
0xe: {  	s17 =	sor.u32 $0x90, s5;
	v12 =	vor.u32 s16, v0;
	[tilespmem:$0x1FE10] =	vst v11  }
0xf: {  	s18 =	sor.u32 $0xA0, s5;
	v13 =	vor.u32 s17, v0;
	[tilespmem:$0x1FE20] =	vst v12  }
0x10: {  	s19 =	sor.u32 $0xB0, s5;
	v14 =	vor.u32 s18, v0;
	[tilespmem:$0x1FE30] =	vst v13  }
0x11: {  	s2 =	sshll.u32 s2, $0xF;
	s20 =	sor.u32 $0xC0, s5;
	v15 =	vor.u32 s19, v0;
	[tilespmem:$0x1FE40] =	vst v14  }
0x12: {  	s0 =	sadd.s32 s2, s0;
	s21 =	sor.u32 $0xD0, s5;
	v17 =	vor.u32 s20, v0;
	[tilespmem:$0x1FE50] =	vst v15  }
0x13: {  	s0 =	sadd.s32 $0x600, s0;
	s2 =	sor.u32 $0xE0, s5;
	v18 =	vor.u32 s21, v0;
	[tilespmem:$0x1FE60] =	vst v17  }
0x14: {  	[dreg:$0x7] =	wrdreg s0;
	s0 =	sor.u32 $0xF0, s5;
	v19 =	vor.u32 s2, v0;
	[tilespmem:$0x1FE70] =	vst v18  }
0x15: {  	s25 =	sadd.s32 $0x140, s5;
	v20 =	vor.u32 s0, v0;
	[tilespmem:$0x1FE80] =	vst v19  }
0x16: {  	s26 =	sadd.s32 $0x160, s5;
	v21 =	vor.u32 s25, v0;
	[tilespmem:$0x1FE90] =	vst v20  }
0x17: {  	s28 =	sadd.s32 $0x170, s5;
	v23 =	vor.u32 s26, v0;
	[tilespmem:$0x1FEA0] =	vst v21  }
0x18: {  	s23 =	sadd.s32 $0x120, s5;
	v24 =	vor.u32 s28, v0;
	[tilespmem:$0x1FEC0] =	vst v23  }
0x19: {  	s8 =	sadd.s32 $0x180, s5;
	v1 =	vor.u32 s23, v0;
	[tilespmem:$0x1FED0] =	vst v24  }
0x1a: {  	s10 =	sadd.s32 $0x190, s5;
	v25 =	vor.u32 s8, v0;
	[tilespmem:$0x1FD20] =	vst v1  }
0x1b: {  	s11 =	sadd.s32 $0x1A0, s5;
	v26 =	vor.u32 s10, v0;
	[tilespmem:$0x1FEE0] =	vst v25  }
0x1c: {  	s15 =	sadd.s32 $0x1B0, s5;
	v27 =	vor.u32 s11, v0;
	[tilespmem:$0x1FEF0] =	vst v26  }
0x1d: {  	s0 =	sadd.s32 $0x1720, s5;
	v28 =	vor.u32 s15, v0;
	[tilespmem:$0x1FF00] =	vst v27  }
0x1e: {  	s12 =	smax.u32 s7, $0x1;
	s7 =	sadd.s32 $0x100, s5;
	s2 =	sadd.s32 $0x1730, s5;
	v35 =	vor.u32 s0, v0;
	[tilespmem:$0x1FF10] =	vst v28  }
0x1f: {  	v16 =	vor.u32 s7, v0;
	s7 =	sadd.s32 $0x1740, s5;
	v36 =	vor.u32 s2, v0;
	[tilespmem:$0x1FF20] =	vst v35  }
0x20: {  	s20 =	sadd.s32 $0x1750, s5;
	v37 =	vor.u32 s7, v0;
	[tilespmem:$0x1FF30] =	vst v36  }
0x21: {  	s21 =	sadd.s32 $0x1760, s5;
	v38 =	vor.u32 s20, v0;
	[tilespmem:$0x1FF40] =	vst v37  }
0x22: {  	s29 =	sadd.s32 $0x1C0, s5;
	s22 =	sadd.s32 $0x1770, s5;
	v39 =	vor.u32 s21, v0;
	[tilespmem:$0x1FF50] =	vst v38  }
0x23: {  	s9 =	sshrl.u32 s5, $0x3;
	s30 =	sadd.s32 $0x1D0, s5;
	v46 =	vor.u32 s29, v0;
	s29 =	sadd.s32 $0x1840, s5;
	v40 =	vor.u32 s22, v0;
	[tilespmem:$0x1FF60] =	vst v39  }
0x24: {  	s24 =	sadd.s32 $0x130, s5;
	s1 =	sadd.s32 s1, s9;
	v42 =	vor.u32 s30, v0;
	s30 =	sadd.s32 $0x1850, s5;
	v55 =	vor.u32 s29, v0;
	[tilespmem:$0x1FF70] =	vst v40  }
0x25: {  	s9 =	sor.u32 $0xFF, s5;
	[dreg:$0x8] =	wrdreg s12;
	s12 =	sadd.s32 $0x1FF, s5;
	v56 =	vor.u32 s30, v0;
	[tilespmem:$0x1FFD0] =	vst v55  }
0x26: {  	[dreg:$0x5] =	wrdreg s1;
	s1 =	sadd.s32 s31, s3;
	s31 =	sor.u32 $0x30, s5;
	v1 =	vor.u32 s24, v0;
	[tilespmem:$0x1FFE0] =	vst v56  }
0x27: {  	s16 =	sadd.s32 $0x1E0, s5;
	s17 =	sadd.s32 $0x1F0, s5;
	s23 =	sadd.s32 $0x1790, s5;
	v33 =	vor.u32 s31, v0;
	[tilespmem:$0x1FD30] =	vst v1  }
0x28: {  	s13 =	sadd.s32 $0x200, s5;
	s14 =	sadd.s32 $0x17FF, s5;
	s8 =	sadd.s32 $0x17B0, s5;
	v45 =	vor.u32 s23, v0;
	[tilespmem:$0x1FDD0] =	vst v33  }
0x29: {  	s19 =	sadd.s32 $0x1710, s5;
	s18 =	sadd.s32 $0x17C0, s5;
	s0 =	sadd.s32 $0x1830, s5;
	v29 =	vor.u32 s8, v0;
	[tilespmem:$0x1FF90] =	vst v45  }
0x2a: {  	s25 =	sadd.s32 $0x17D0, s5;
	s26 =	sadd.s32 $0x17F0, s5;
	s2 =	sadd.s32 $0x1860, s5;
	v53 =	vor.u32 s0, v0;
	[tilespmem:$0x1FFB0] =	vst v29  }
0x2b: {  	s28 =	sadd.s32 $0x1800, s5;
	s11 =	sadd.s32 $0x17E0, s5;
	s15 =	sadd.s32 $0x18FF, s5;
	v54 =	vor.u32 s2, v0;
	[tilespmem:$0x1FFC0] =	vst v53  }
0x2c: {  	v43 =	vor.u32 s16, v0;
	s16 =	sadd.s32 $0x1810, s5;
	[dreg:$0x6] =	wrdreg s1;
	s1 =	sadd.s32 $0x150, s5;
	v1 =	vor.u32 s18, v0;
	[tilespmem:$0x1FFF0] =	vst v54  }
0x2d: {  	v44 =	vor.u32 s17, v0;
	s17 =	sadd.s32 $0x1820, s5;
	s7 =	sadd.s32 $0x1870, s5;
	s24 =	sadd.s32 $0x17A0, s5;
	v22 =	vor.u32 s1, v0;
	[tilespmem:$0x1FD40] =	vst v1  }
0x2e: {  	s22 =	sadd.s32 $0x18A0, s5;
	s21 =	sadd.s32 $0x18B0, s5;
	s10 =	sadd.s32 $0x18D0, s5;
	v52 =	vor.u32 s24, v0;
	[tilespmem:$0x1FEB0] =	vst v22  }
0x2f: {  	v2 =	vimm.f32 $0.0e+00;
	v34 =	vor.u32 s19, v0;
	s19 =	simm.s32 $0x2C00;
	s20 =	simm.s32 $0x6C00;
	s1 =	sadd.s32 $0x1780, s5;
	v1 =	vor.u32 s25, v0;
	[tilespmem:$0x1FFA0] =	vst v52  }
0x30: {  	v5 =	vimm.s32 $0x800;
	v48 =	vor.u32 s28, v0;
	s28 =	simm.s32 $0x2;
	s30 =	simm.s32 $0xAC00;
	s29 =	simm.s32 $0x4;
	v41 =	vor.u32 s1, v0;
	[tilespmem:$0x1FD50] =	vst v1  }
0x31: {  	v58 =	vimm.s32 $0x801;
	v6 =	vimm.s32 $0xC00;
	s31 =	sadd.s32 $0x1700, s5;
	[dreg:$0xa] =	wrdreg s21;
	s8 =	sadd.s32 $0x18C0, s5;
	v1 =	vor.u32 s11, v0;
	[tilespmem:$0x1FF80] =	vst v41  }
.Ltmp0:
0x32: {  	v7 =	vimm.s32 $0x0;
	s21 =	simm.s32 $0x1;
	s23 =	simm.s32 $0x80;
	v61 =	vor.u32 s22, v0;
	[tilespmem:$0x1FD60] =	vst v1;
	v1 =	vor.u32 s26, v0;
	(pc) =	sbr.rel .LBB2_1-.Ltmp0, $4  }
0x33: {  	v57 =	vor.u32 s10, v0;
	s22 =	simm.s32 $0x3;
	s10 =	simm.s32 $0x0;
	v32 =	vor.u32 s31, v0;
	s31 =	sadd.s32 $0x1880, s5;
	[tilespmem:$0x1FD70] =	vst v1;
	v1 =	vor.u32 s16, v0  }
0x34: {  	s24 =	sadd.s32 $0x18E0, s5;
	s18 =	simm.s32 $0x100;
	v63 =	vor.u32 s8, v0;
	s1 =	sadd.s32 $0x1890, s5;
	v59 =	vor.u32 s31, v0;
	[tilespmem:$0x1FD80] =	vst v1;
	v1 =	vor.u32 s17, v0  }
0x35: {  	v47 =	vmovc v46;
	v49 =	vmovc v42;
	s25 =	sadd.s32 $0x18F0, s5;
	s31 =	rddreg [dreg:$0xa];
	v3 =	vor.u32 s24, v0;
	v60 =	vor.u32 s1, v0;
	s11 =	simm.s32 $0x5;
	[tilespmem:$0x1FD90] =	vst v1;
	v1 =	vor.u32 s7, v0  }
0x36: {  	v50 =	vmovc v43;
	v51 =	vmovc v44;
	v62 =	vor.u32 s31, v0;
	v4 =	vor.u32 s25, v0;
	s26 =	simm.s32 $0x4C00;
	s16 =	simm.s32 $0x6;
	s7 =	simm.s32 $0x7;
	[tilespmem:$0x1FDA0] =	vst v1;
	v1 =	vor.u32 s5, v0  }
.LBB2_41:
0x37: {  	v24 =	vpsel p0, $0x0, v8  }
0x38: {  	v23 =	vpsel p0, $0x0, v8;
	v22 =	vpsel p0, $0x0, v8;
	v21 =	vpsel p0, $0x0, v8  }
0x39: {  	v20 =	vpsel p0, $0x0, v8;
	v19 =	vpsel p0, $0x0, v8;
	v18 =	vpsel p0, $0x0, v8  }
0x3a: {  	v17 =	vpsel p0, $0x0, v8;
	v15 =	vpsel p0, $0x0, v8;
	v14 =	vpsel p0, $0x0, v8  }
0x3b: {  	v13 =	vpsel p0, $0x0, v8;
	v12 =	vpsel p0, $0x0, v8;
	v11 =	vpsel p0, $0x0, v8  }
0x3c: {  	v10 =	vpsel p0, $0x0, v8;
	v9 =	vpsel p0, $0x0, v8;
	v8 =	vpsel p0, $0x0, v8;
	s10 =	rddreg [dreg:$0x9]  }
.LBB2_36:
0x3d: {  	v24 =	vadd.s32 s8, v24  }
0x3e: {  	v23 =	vadd.s32 s8, v23;
	vm0 =	vlt.s32 v24, $0xFFF  }
0x3f: {  	v22 =	vadd.s32 s8, v22;
	vm13 =	vlt.s32 v23, $0xFFF;
	v24 =	vnsel vm0, $0xFFF, v24  }
0x40: {  	v21 =	vadd.s32 s8, v21;
	vm14 =	vlt.s32 v22, $0xFFF;
	v23 =	vnsel vm13, $0xFFF, v23;
	[tilespmem:$0x2900] =	vst v24  }
0x41: {  	v20 =	vadd.s32 s8, v20;
	vm15 =	vlt.s32 v21, $0xFFF;
	v22 =	vnsel vm14, $0xFFF, v22;
	[tilespmem:$0x2910] =	vst v23  }
0x42: {  	v19 =	vadd.s32 s8, v19;
	vm4 =	vlt.s32 v20, $0xFFF;
	v21 =	vnsel vm15, $0xFFF, v21;
	[tilespmem:$0x2920] =	vst v22  }
0x43: {  	v18 =	vadd.s32 s8, v18;
	vm5 =	vlt.s32 v19, $0xFFF;
	v20 =	vnsel vm4, $0xFFF, v20;
	[tilespmem:$0x2930] =	vst v21  }
0x44: {  	v17 =	vadd.s32 s8, v17;
	vm6 =	vlt.s32 v18, $0xFFF;
	v19 =	vnsel vm5, $0xFFF, v19;
	[tilespmem:$0x2940] =	vst v20  }
0x45: {  	v15 =	vadd.s32 s8, v15;
	vm7 =	vlt.s32 v17, $0xFFF;
	v18 =	vnsel vm6, $0xFFF, v18;
	[tilespmem:$0x2950] =	vst v19  }
0x46: {  	v14 =	vadd.s32 s8, v14;
	vm8 =	vlt.s32 v15, $0xFFF;
	v17 =	vnsel vm7, $0xFFF, v17;
	[tilespmem:$0x2960] =	vst v18  }
0x47: {  	v13 =	vadd.s32 s8, v13;
	vm9 =	vlt.s32 v14, $0xFFF;
	v15 =	vnsel vm8, $0xFFF, v15;
	[tilespmem:$0x2970] =	vst v17  }
0x48: {  	v12 =	vadd.s32 s8, v12;
	vm10 =	vlt.s32 v13, $0xFFF;
	v14 =	vnsel vm9, $0xFFF, v14;
	[tilespmem:$0x2980] =	vst v15  }
0x49: {  	v11 =	vadd.s32 s8, v11;
	vm11 =	vlt.s32 v12, $0xFFF;
	v13 =	vnsel vm10, $0xFFF, v13;
	[tilespmem:$0x2990] =	vst v14  }
0x4a: {  	v10 =	vadd.s32 s8, v10;
	vm12 =	vlt.s32 v11, $0xFFF;
	v12 =	vnsel vm11, $0xFFF, v12;
	[tilespmem:$0x29A0] =	vst v13  }
0x4b: {  	v9 =	vadd.s32 s8, v9;
	v11 =	vnsel vm12, $0xFFF, v11;
	vm13 =	vlt.s32 v10, $0xFFF;
	[tilespmem:$0x29B0] =	vst v12  }
0x4c: {  	v8 =	vadd.s32 s8, v8;
	vm14 =	vlt.s32 v9, $0xFFF;
	[tilespmem:$0x29C0] =	vst v11;
	v10 =	vnsel vm13, $0xFFF, v10  }
0x4d: {  	vm15 =	vlt.s32 v8, $0xFFF;
	v9 =	vnsel vm14, $0xFFF, v9;
	[tilespmem:$0x29D0] =	vst v10  }
0x4e: {  	v8 =	vnsel vm15, $0xFFF, v8;
	[tilespmem:$0x29E0] =	vst v9  }
0x4f: {  	s0 =	simm.s32 $0x2900;
	[tilespmem:$0x29F0] =	vst v8  }
0x50: {  	[spmem:s3] =	stream.indirect.scatter.add.f32 [tilespmem:s19], [sflag:$0x4], $0x40, s0, s23, $0xb8;
	[tilespmem:$0x12C00] =	vst v63  }
0x51: {  	s24 =	simm.s32 $0x2980  }
0x52: {  	[spmem:s3] =	stream.indirect.scatter.add.f32 [tilespmem:s26], [sflag:$0x4], $0x40, s24, s23, $0xb8;
	[tilespmem:$0x12C00] =	vst v63  }
0x53: {  	_ =	swait.ge [sflag:s16], $0x2000  }
0x54: {  	[sflag:s16] =	ssyncset.done $0x0  }
0x55: {  	[sflag:s16] =	ssyncadd.s32 $0xFFFFE000  }
0x56: {  	_ =	swait.ge [sflag:s16], $0x2000  }
0x57: {  	[sflag:s16] =	ssyncset.done $0x0  }
0x58: {  	[sflag:s16] =	ssyncadd.s32 $0xFFFFE000  }
0x59: {  	_ =	swait.ge [sflag:s29], $0x2000  }
0x5a: {  	[sflag:s29] =	ssyncset.done $0x0  }
0x5b: {  	[sflag:s29] =	ssyncadd.s32 $0xFFFFE000  }
0x5c: {  	_ =	swait.ge [sflag:s29], $0x2000  }
0x5d: {  	[sflag:s29] =	ssyncset.done $0x0  }
0x5e: {  	[sflag:s29] =	ssyncadd.s32 $0xFFFFE000  }
0x5f: {  	s25 =	stileid.u32;
	[bflag:$0x0] =	sbarrier.arrive $0xFFFF  }
0x60: {  	s7 =	simm.s32 $0x7;
	s0 =	sshll.u32 s25, $0x6;
	s1 =	rddreg [dreg:$0x6]  }
0x61: {  	s0 =	sor.u32 $0x1C07, s0;
	s2 =	rddreg [dreg:$0x7];
	s1 =	sshrl.u32 s1, $0x3  }
0x62: {  	[hbm:s2], [sflag:s0] =	dma.local [spmem:s1], $0x800  }
0x63: {  	_ =	swait.ge [sflag:s7], $0x800  }
0x64: {  	s10 =	sadd.s32 $0x1, s10;
	s31 =	rddreg [dreg:$0x8]  }
0x65: {  	p0 =	sne.s32 s10, s31  }
.Ltmp1:
0x66: {  	_ = 	snop;
	(pc) =	sbr.rel @!p0 .LBB2_37-.Ltmp1, $3  }
0x67: {  	_ =	sdelay $0x1  }
0x68: {  	[sflag:s7] =	ssyncset.done $0x0  }
0x69: {  	[sflag:s7] =	ssyncadd.s32 $0xFFFFF800  }
.LBB2_1:
0x6a: {  	[dreg:$0x9] =	wrdreg s10  }
0x6b: {  	s0 =	rddreg [dreg:$0x5];
	s1 =	simm.s32 $0x1000  }
0x6c: {  	[tilespmem:s1], [sflag:$0x7] =	stream.linear.gather [hbm4b:s0+s4], $0x1900, $0x38;
	[tilespmem:$0x12C00] =	vst v63  }
0x6d: {  	_ =	swait.ge [sflag:s7], $0x1900  }
0x6e: {  	[sflag:s7] =	ssyncset.done $0x0  }
0x6f: {  	[sflag:s7] =	ssyncadd.s32 $0xFFFFE700  }
0x70: {  	s31 =	rddreg [dreg:$0x2]  }
0x71: {  	[tilespmem:s4], [sflag:$0x7] =	stream.linear.gather [hbm4b:s31+s4], $0x1000, $0x38;
	[tilespmem:$0x12C00] =	vst v63  }
0x72: {  	_ =	swait.ge [sflag:s7], $0x1000  }
0x73: {  	[sflag:s7] =	ssyncset.done $0x0  }
0x74: {  	[sflag:s7] =	ssyncadd.s32 $0xFFFFF000  }
0x75: {  	[tilespmem:s19], [sflag:$0x1] =	stream.indirect.gather [hbm4b:s6+s18], $0x40, s1, s18, $0xb8;
	[tilespmem:$0x12C00] =	vst v63  }
0x76: {  	s0 =	simm.s32 $0x0;
	s1 =	simm.s32 $0x100  }
.LBB2_2:
0x77: {  	p0 =	sne.s32 s1, $0xFF00;
	[tilespmem:s0+$0x6C30] =	vst v2;
	s2 =	smov.u32 s1;
	s1 =	sadd.s32 $0x100, s1  }
.Ltmp2:
0x78: {  	[tilespmem:s0+$0x6C20] =	vst v2;
	(pc) =	sbr.rel @p0 .LBB2_2-.Ltmp2, $3  }
0x79: {  	[tilespmem:s0+$0x6C00] =	vst v2  }
0x7a: {  	[tilespmem:s0+$0x6C10] =	vst v2;
	_ =	sdelay $0x1  }
0x7b: {  	s0 =	sshra.s32 s2, $0x2  }
0x7c: {  	[tilespmem:s0+$0x6C30] =	vst v2  }
0x7d: {  	[tilespmem:s0+$0x6C20] =	vst v2  }
0x7e: {  	[tilespmem:s0+$0x6C00] =	vst v2  }
0x7f: {  	[tilespmem:s0+$0x6C10] =	vst v2;
	s24 =	rddreg [dreg:$0x6]  }
0x80: {  	[spmem:s24] =	stream.linear.scatter [tilespmem:s20], [sflag:$0x7], $0x4000, $0x38;
	[tilespmem:$0x12C00] =	vst v63  }
0x81: {  	_ =	swait.ge [sflag:s7], $0x4000  }
0x82: {  	[sflag:s7] =	ssyncset.done $0x0  }
0x83: {  	[sflag:s7] =	ssyncadd.s32 $0xFFFFC000  }
0x84: {  	[bflag:$0x0] =	sbarrier.arrive $0xFFFF  }
0x85: {  	_ =	swait.ge [sflag:s21], $0x4000  }
0x86: {  	[sflag:s21] =	ssyncset.done $0x0  }
0x87: {  	s25 =	simm.s32 $0x1100;
	[sflag:s21] =	ssyncadd.s32 $0xFFFFC000  }
0x88: {  	[tilespmem:s20], [sflag:$0x2] =	stream.indirect.gather [hbm4b:s6+s18], $0x40, s25, s18, $0xb8;
	[tilespmem:$0x12C00] =	vst v63  }
0x89: {  	v8 =	vld.idx.msk [tilespmem:v5+s4+$0x0], $0xffff;
	_ =	sdelay $0x4  }
0x8a: {  	vm0 =	vgt.s32 v8, v1  }
0x8b: {  	v8 =	vsel vm0, $0x400, v6;
	_ =	sdelay $0x4  }
0x8c: {  	v9 =	vld.idx.msk [tilespmem:v8+s4+$0x0], $0xffff;
	_ =	sdelay $0x3  }
0x8d: {  	v10 =	vimm.s32 $0x1000  }
0x8e: {  	v10 =	vsel vm0, $0x800, v10;
	vm1 =	vgt.s32 v9, v1  }
0x8f: {  	v11 =	vor.u32 $0x1, v8;
	v9 =	vsel vm0, $0x0, v58;
	v8 =	vsel vm1, v8, v10  }
0x90: {  	v9 =	vsel vm1, v9, v11;
	v10 =	vadd.s32 $0xFFFFFFFF, v8  }
0x91: {  	v11 =	vxor.u32 v10, v9  }
0x92: {  	v10 =	vor.u32 v10, v9;
	v11 =	vshrl.u32 v11, $0x1  }
0x93: {  	v10 =	vsub.s32 v10, v11;
	_ =	sdelay $0x4  }
0x94: {  	v11 =	vld.idx.msk [tilespmem:v10+s4+$0x0], $0xffff;
	_ =	sdelay $0x4  }
0x95: {  	vm6 =	vgt.s32 v11, v1;
	v11 =	vor.u32 $0x1, v10  }
0x96: {  	v9 =	vsel vm6, v9, v11;
	v8 =	vsel vm6, v10, v8  }
0x97: {  	v10 =	vxor.u32 v8, v9  }
0x98: {  	v11 =	vand.u32 v8, v9;
	v10 =	vshrl.u32 v10, $0x1  }
0x99: {  	v10 =	vadd.s32 v10, v11;
	_ =	sdelay $0x4  }
0x9a: {  	v11 =	vld.idx.msk [tilespmem:v10+s4+$0x0], $0xffff;
	_ =	sdelay $0x4  }
0x9b: {  	vm7 =	vgt.s32 v11, v1;
	v11 =	vadd.s32 $0x1, v10  }
0x9c: {  	v9 =	vsel vm7, v9, v11;
	v8 =	vsel vm7, v10, v8  }
0x9d: {  	v10 =	vadd.s32 v8, v9  }
0x9e: {  	v10 =	vshrl.u32 v10, $0x1;
	_ =	sdelay $0x4  }
0x9f: {  	v11 =	vld.idx.msk [tilespmem:v10+s4+$0x0], $0xffff;
	_ =	sdelay $0x4  }
0xa0: {  	vm8 =	vgt.s32 v11, v1;
	v11 =	vadd.s32 $0x1, v10  }
0xa1: {  	v9 =	vsel vm8, v9, v11;
	v8 =	vsel vm8, v10, v8  }
0xa2: {  	v10 =	vadd.s32 v8, v9  }
0xa3: {  	v10 =	vshrl.u32 v10, $0x1;
	_ =	sdelay $0x4  }
0xa4: {  	v11 =	vld.idx.msk [tilespmem:v10+s4+$0x0], $0xffff;
	_ =	sdelay $0x4  }
0xa5: {  	vm9 =	vgt.s32 v11, v1;
	v11 =	vadd.s32 $0x1, v10  }
0xa6: {  	v9 =	vsel vm9, v9, v11;
	v8 =	vsel vm9, v10, v8  }
0xa7: {  	v10 =	vadd.s32 v8, v9  }
0xa8: {  	v10 =	vshrl.u32 v10, $0x1;
	_ =	sdelay $0x4  }
0xa9: {  	v11 =	vld.idx.msk [tilespmem:v10+s4+$0x0], $0xffff;
	_ =	sdelay $0x4  }
0xaa: {  	vm10 =	vgt.s32 v11, v1;
	v11 =	vadd.s32 $0x1, v10  }
0xab: {  	v9 =	vsel vm10, v9, v11;
	v8 =	vsel vm10, v10, v8  }
0xac: {  	v10 =	vadd.s32 v8, v9  }
0xad: {  	v10 =	vshrl.u32 v10, $0x1;
	_ =	sdelay $0x4  }
0xae: {  	v11 =	vld.idx.msk [tilespmem:v10+s4+$0x0], $0xffff;
	_ =	sdelay $0x4  }
0xaf: {  	vm11 =	vgt.s32 v11, v1;
	v11 =	vadd.s32 $0x1, v10  }
0xb0: {  	v9 =	vsel vm11, v9, v11;
	v8 =	vsel vm11, v10, v8  }
0xb1: {  	v10 =	vadd.s32 v8, v9  }
0xb2: {  	v10 =	vshrl.u32 v10, $0x1;
	_ =	sdelay $0x4  }
0xb3: {  	v11 =	vld.idx.msk [tilespmem:v10+s4+$0x0], $0xffff;
	_ =	sdelay $0x4  }
0xb4: {  	vm12 =	vgt.s32 v11, v1;
	v11 =	vadd.s32 $0x1, v10  }
0xb5: {  	v9 =	vsel vm12, v9, v11;
	v8 =	vsel vm12, v10, v8  }
0xb6: {  	v10 =	vadd.s32 v8, v9  }
0xb7: {  	v10 =	vshrl.u32 v10, $0x1;
	_ =	sdelay $0x4  }
0xb8: {  	v11 =	vld.idx.msk [tilespmem:v10+s4+$0x0], $0xffff;
	_ =	sdelay $0x4  }
0xb9: {  	vm13 =	vgt.s32 v11, v1;
	v11 =	vadd.s32 $0x1, v10  }
0xba: {  	v9 =	vsel vm13, v9, v11;
	v8 =	vsel vm13, v10, v8  }
0xbb: {  	v10 =	vadd.s32 v8, v9  }
0xbc: {  	v10 =	vshrl.u32 v10, $0x1;
	_ =	sdelay $0x4  }
0xbd: {  	v11 =	vld.idx.msk [tilespmem:v10+s4+$0x0], $0xffff;
	_ =	sdelay $0x4  }
0xbe: {  	vm14 =	vgt.s32 v11, v1;
	v11 =	vadd.s32 $0x1, v10  }
0xbf: {  	v9 =	vsel vm14, v9, v11;
	v8 =	vsel vm14, v10, v8  }
0xc0: {  	v8 =	vadd.s32 v8, v9  }
0xc1: {  	v8 =	vshrl.u32 v8, $0x1;
	_ =	sdelay $0x4  }
0xc2: {  	v10 =	vld.idx.msk [tilespmem:v8+s4+$0x0], $0xffff;
	_ =	sdelay $0x4  }
0xc3: {  	v8 =	vadd.s32 $0x1, v8;
	vm15 =	vgt.s32 v10, v1  }
0xc4: {  	v8 =	vsel vm15, v9, v8  }
0xc5: {  	(v2sf) =	vpush v8, $0x0;
	_ =	sdelay $0xe  }
0xc6: {  	s31 =	spop (v2sf)  }
0xc7: {  	s8 =	sadd.s32 $0xFFFFFFFF, s31  }
0xc8: {  	p0 =	sgt.s32 s8, $0x0  }
0xc9: {  	s8 =	simm.s32 @!p0 $0x0  }
0xca: {  	s0 =	sadd.s32 $0x1, s8  }
0xcb: {  	p0 =	slt.s32 s0, $0xFFF;
	s1 =	smov.u32 s0  }
0xcc: {  	s1 =	simm.s32 @!p0 $0xFFF  }
0xcd: {  	v8 =	vmov s1;
	_ =	sdelay $0x4  }
0xce: {  	v8 =	vld.idx.msk [tilespmem:v8+s4+$0x0], $0xffff;
	_ =	sdelay $0x4  }
0xcf: {  	(v2sf) =	vpush v8, $0x0;
	_ =	sdelay $0xe  }
0xd0: {  	p0 =	sgt.s32 s0, $0xFFF;
	s1 =	spop (v2sf)  }
0xd1: {  	p1 =	sgt.s32 @!p0 s1, s9  }
0xd2: {  	p1 =	por p0, p1  }
.Ltmp3:
0xd3: {  	_ = 	snop;
	(pc) =	sbr.rel @p1 .LBB2_38-.Ltmp3, $2  }
0xd4: {  	_ =	sdelay $0x2  }
0xd5: {  	v52 =	vmov v34;
	v8 =	vimm.s32 $0x0  }
0xd6: {  	v34 =	vld [tilespmem:$0x1FDE0]  }
0xd7: {  	v35 =	vld [tilespmem:$0x1FDF0]  }
0xd8: {  	v36 =	vld [tilespmem:$0x1FE00]  }
0xd9: {  	v37 =	vld [tilespmem:$0x1FE10]  }
0xda: {  	v38 =	vld [tilespmem:$0x1FE20]  }
0xdb: {  	v39 =	vld [tilespmem:$0x1FE30]  }
0xdc: {  	v40 =	vld [tilespmem:$0x1FE40]  }
0xdd: {  	v9 =	vimm.s32 $0x0;
	v10 =	vimm.s32 $0x0;
	v11 =	vimm.s32 $0x0;
	v41 =	vld [tilespmem:$0x1FE50]  }
0xde: {  	v12 =	vimm.s32 $0x0;
	v13 =	vimm.s32 $0x0;
	v14 =	vimm.s32 $0x0;
	v42 =	vld [tilespmem:$0x1FE60]  }
0xdf: {  	v15 =	vimm.s32 $0x0;
	v17 =	vimm.s32 $0x0;
	v18 =	vimm.s32 $0x0;
	v43 =	vld [tilespmem:$0x1FE70]  }
0xe0: {  	v19 =	vimm.s32 $0x0;
	v20 =	vimm.s32 $0x0;
	v21 =	vimm.s32 $0x0;
	v44 =	vld [tilespmem:$0x1FE80]  }
0xe1: {  	v22 =	vimm.s32 $0x0;
	v23 =	vimm.s32 $0x0;
	v24 =	vimm.s32 $0x0;
	v45 =	vld [tilespmem:$0x1FE90]  }
.LBB2_5:
0xe2: {  	s2 =	smov.u32 s0;
	s0 =	sadd.s32 $0x1, s0  }
0xe3: {  	p0 =	slt.s32 s0, $0xFFF;
	s7 =	smov.u32 s0  }
0xe4: {  	s7 =	simm.s32 @!p0 $0xFFF  }
0xe5: {  	v25 =	vmov s7;
	_ =	sdelay $0x4  }
0xe6: {  	v25 =	vld.idx.msk [tilespmem:v25+s4+$0x0], $0xffff;
	_ =	sdelay $0x4  }
0xe7: {  	(v2sf) =	vpush v25, $0x0;
	_ =	sdelay $0x5  }
0xe8: {  	v25 =	vmov s1  }
0xe9: {  	vm0 =	vle.s32 v25, v1;
	vm14 =	vle.s32 v25, v30;
	vm15 =	vle.s32 v25, v31  }
0xea: {  	vm1 =	vle.s32 v25, v33;
	vm4 =	vle.s32 v25, v34;
	vm5 =	vle.s32 v25, v35  }
0xeb: {  	vm6 =	vle.s32 v25, v36;
	vm7 =	vle.s32 v25, v37;
	vm8 =	vle.s32 v25, v38  }
0xec: {  	vm9 =	vle.s32 v25, v39;
	vm10 =	vle.s32 v25, v40;
	vm11 =	vle.s32 v25, v41  }
0xed: {  	vm12 =	vle.s32 v25, v42;
	vm13 =	vle.s32 v25, v43;
	v26 =	vsel vm0, $0x1, v7  }
0xee: {  	v27 =	vsel vm14, $0x1, v7;
	v28 =	vsel vm15, $0x1, v7;
	v29 =	vsel vm1, $0x1, v7  }
0xef: {  	vm14 =	vle.s32 v25, v44;
	vm15 =	vle.s32 v25, v45;
	v24 =	vadd.s32 v26, v24  }
0xf0: {  	v26 =	vsel vm4, $0x1, v7;
	v23 =	vadd.s32 v27, v23;
	v27 =	vsel vm5, $0x1, v7  }
0xf1: {  	p0 =	sgt.s32 s2, $0xFFE;
	v22 =	vadd.s32 v28, v22;
	v28 =	vsel vm6, $0x1, v7;
	v21 =	vadd.s32 v29, v21;
	s1 =	spop (v2sf)  }
0xf2: {  	v29 =	vsel vm7, $0x1, v7;
	v25 =	vsel vm15, $0x1, v7;
	v20 =	vadd.s32 v26, v20;
	p1 =	sle.s32 @!p0 s1, s9  }
0xf3: {  	v26 =	vsel vm8, $0x1, v7;
	v19 =	vadd.s32 v27, v19;
	v27 =	vsel vm9, $0x1, v7;
	p1 =	por p0, !p1  }
.Ltmp4:
0xf4: {  	v18 =	vadd.s32 v28, v18;
	v28 =	vsel vm10, $0x1, v7;
	v17 =	vadd.s32 v29, v17;
	(pc) =	sbr.rel @!p1 .LBB2_5-.Ltmp4, $4  }
0xf5: {  	v29 =	vsel vm11, $0x1, v7;
	v8 =	vadd.s32 v25, v8;
	v15 =	vadd.s32 v26, v15  }
0xf6: {  	v26 =	vsel vm12, $0x1, v7;
	v14 =	vadd.s32 v27, v14;
	v27 =	vsel vm13, $0x1, v7  }
0xf7: {  	v13 =	vadd.s32 v28, v13;
	v28 =	vsel vm14, $0x1, v7;
	v12 =	vadd.s32 v29, v12  }
0xf8: {  	v11 =	vadd.s32 v26, v11;
	v10 =	vadd.s32 v27, v10;
	v9 =	vadd.s32 v28, v9  }
0xf9: {  	v24 =	vpsel p0, v24, v24;
	v23 =	vpsel p0, v23, v23  }
.Ltmp5:
0xfa: {  	v22 =	vpsel p0, v22, v22;
	v21 =	vpsel p0, v21, v21;
	v20 =	vpsel p0, v20, v20;
	(pc) =	sbr.rel .LBB2_7-.Ltmp5, $4  }
0xfb: {  	v19 =	vpsel p0, v19, v19;
	v18 =	vpsel p0, v18, v18;
	v17 =	vpsel p0, v17, v17  }
0xfc: {  	v15 =	vpsel p0, v15, v15;
	v14 =	vpsel p0, v14, v14;
	v13 =	vpsel p0, v13, v13  }
0xfd: {  	v12 =	vpsel p0, v12, v12;
	v11 =	vpsel p0, v11, v11;
	v10 =	vpsel p0, v10, v10  }
0xfe: {  	v9 =	vpsel p0, v9, v9;
	v8 =	vpsel p0, v8, v8;
	v42 =	vmovc v49;
	v43 =	vmovc v50;
	v44 =	vmov v51  }
.LBB2_38:
0xff: {  	v24 =	vpsel p0, $0x0, v8  }
0x100: {  	v23 =	vpsel p0, $0x0, v8;
	v22 =	vpsel p0, $0x0, v8;
	v21 =	vpsel p0, $0x0, v8  }
0x101: {  	v20 =	vpsel p0, $0x0, v8;
	v19 =	vpsel p0, $0x0, v8;
	v18 =	vpsel p0, $0x0, v8  }
0x102: {  	v17 =	vpsel p0, $0x0, v8;
	v15 =	vpsel p0, $0x0, v8;
	v14 =	vpsel p0, $0x0, v8  }
0x103: {  	v13 =	vpsel p0, $0x0, v8;
	v12 =	vpsel p0, $0x0, v8;
	v11 =	vpsel p0, $0x0, v8  }
0x104: {  	v10 =	vpsel p0, $0x0, v8;
	v9 =	vpsel p0, $0x0, v8;
	v8 =	vpsel p0, $0x0, v8  }
.LBB2_7:
0x105: {  	v24 =	vadd.s32 s8, v24  }
0x106: {  	v23 =	vadd.s32 s8, v23;
	vm0 =	vlt.s32 v24, $0xFFF  }
0x107: {  	v22 =	vadd.s32 s8, v22;
	vm14 =	vlt.s32 v23, $0xFFF;
	v24 =	vnsel vm0, $0xFFF, v24  }
0x108: {  	v21 =	vadd.s32 s8, v21;
	vm15 =	vlt.s32 v22, $0xFFF;
	v23 =	vnsel vm14, $0xFFF, v23;
	[tilespmem:$0x2900] =	vst v24  }
0x109: {  	v20 =	vadd.s32 s8, v20;
	vm4 =	vlt.s32 v21, $0xFFF;
	v22 =	vnsel vm15, $0xFFF, v22;
	[tilespmem:$0x2910] =	vst v23  }
0x10a: {  	v19 =	vadd.s32 s8, v19;
	vm5 =	vlt.s32 v20, $0xFFF;
	v21 =	vnsel vm4, $0xFFF, v21;
	[tilespmem:$0x2920] =	vst v22  }
0x10b: {  	v18 =	vadd.s32 s8, v18;
	vm6 =	vlt.s32 v19, $0xFFF;
	v20 =	vnsel vm5, $0xFFF, v20;
	[tilespmem:$0x2930] =	vst v21  }
0x10c: {  	v17 =	vadd.s32 s8, v17;
	vm7 =	vlt.s32 v18, $0xFFF;
	v19 =	vnsel vm6, $0xFFF, v19;
	[tilespmem:$0x2940] =	vst v20  }
0x10d: {  	v15 =	vadd.s32 s8, v15;
	vm8 =	vlt.s32 v17, $0xFFF;
	v18 =	vnsel vm7, $0xFFF, v18;
	[tilespmem:$0x2950] =	vst v19  }
0x10e: {  	v14 =	vadd.s32 s8, v14;
	vm9 =	vlt.s32 v15, $0xFFF;
	v17 =	vnsel vm8, $0xFFF, v17;
	[tilespmem:$0x2960] =	vst v18  }
0x10f: {  	v13 =	vadd.s32 s8, v13;
	vm10 =	vlt.s32 v14, $0xFFF;
	v15 =	vnsel vm9, $0xFFF, v15;
	[tilespmem:$0x2970] =	vst v17  }
0x110: {  	v12 =	vadd.s32 s8, v12;
	vm11 =	vlt.s32 v13, $0xFFF;
	v14 =	vnsel vm10, $0xFFF, v14;
	[tilespmem:$0x2980] =	vst v15  }
0x111: {  	v11 =	vadd.s32 s8, v11;
	vm12 =	vlt.s32 v12, $0xFFF;
	v13 =	vnsel vm11, $0xFFF, v13;
	[tilespmem:$0x2990] =	vst v14  }
0x112: {  	v10 =	vadd.s32 s8, v10;
	vm13 =	vlt.s32 v11, $0xFFF;
	v12 =	vnsel vm12, $0xFFF, v12;
	[tilespmem:$0x29A0] =	vst v13  }
0x113: {  	v9 =	vadd.s32 s8, v9;
	v11 =	vnsel vm13, $0xFFF, v11;
	vm14 =	vlt.s32 v10, $0xFFF;
	[tilespmem:$0x29B0] =	vst v12  }
0x114: {  	v8 =	vadd.s32 s8, v8;
	vm15 =	vlt.s32 v9, $0xFFF;
	[tilespmem:$0x29C0] =	vst v11;
	v10 =	vnsel vm14, $0xFFF, v10  }
0x115: {  	vm4 =	vlt.s32 v8, $0xFFF;
	v9 =	vnsel vm15, $0xFFF, v9;
	[tilespmem:$0x29D0] =	vst v10  }
0x116: {  	v8 =	vnsel vm4, $0xFFF, v8;
	[tilespmem:$0x29E0] =	vst v9  }
0x117: {  	s0 =	simm.s32 $0x2900;
	[tilespmem:$0x29F0] =	vst v8  }
0x118: {  	[spmem:s3] =	stream.indirect.scatter.add.f32 [tilespmem:s19], [sflag:$0x4], $0x40, s0, s23, $0xb8;
	[tilespmem:$0x12C00] =	vst v63  }
0x119: {  	s24 =	simm.s32 $0x2980  }
0x11a: {  	[spmem:s3] =	stream.indirect.scatter.add.f32 [tilespmem:s26], [sflag:$0x4], $0x40, s24, s23, $0xb8;
	[tilespmem:$0x12C00] =	vst v63  }
0x11b: {  	_ =	swait.ge [sflag:s28], $0x4000  }
0x11c: {  	[sflag:s28] =	ssyncset.done $0x0  }
0x11d: {  	s25 =	simm.s32 $0x1200;
	[sflag:s28] =	ssyncadd.s32 $0xFFFFC000  }
0x11e: {  	[tilespmem:s30], [sflag:$0x3] =	stream.indirect.gather [hbm4b:s6+s18], $0x40, s25, s18, $0xb8;
	[tilespmem:$0x12C00] =	vst v63  }
0x11f: {  	v8 =	vld.idx.msk [tilespmem:v5+s4+$0x0], $0xffff;
	_ =	sdelay $0x4  }
0x120: {  	vm5 =	vgt.s32 v8, v16  }
0x121: {  	v8 =	vsel vm5, $0x400, v6;
	_ =	sdelay $0x4  }
0x122: {  	v9 =	vld.idx.msk [tilespmem:v8+s4+$0x0], $0xffff;
	_ =	sdelay $0x3  }
0x123: {  	v10 =	vimm.s32 $0x1000  }
0x124: {  	v10 =	vsel vm5, $0x800, v10;
	vm1 =	vgt.s32 v9, v16  }
0x125: {  	v11 =	vor.u32 $0x1, v8;
	v9 =	vsel vm5, $0x0, v58;
	v8 =	vsel vm1, v8, v10  }
0x126: {  	v9 =	vsel vm1, v9, v11;
	v10 =	vadd.s32 $0xFFFFFFFF, v8  }
0x127: {  	v11 =	vxor.u32 v10, v9  }
0x128: {  	v10 =	vor.u32 v10, v9;
	v11 =	vshrl.u32 v11, $0x1  }
0x129: {  	v10 =	vsub.s32 v10, v11;
	_ =	sdelay $0x4  }
0x12a: {  	v11 =	vld.idx.msk [tilespmem:v10+s4+$0x0], $0xffff;
	_ =	sdelay $0x4  }
0x12b: {  	vm6 =	vgt.s32 v11, v16;
	v11 =	vor.u32 $0x1, v10  }
0x12c: {  	v9 =	vsel vm6, v9, v11;
	v8 =	vsel vm6, v10, v8  }
0x12d: {  	v10 =	vxor.u32 v8, v9  }
0x12e: {  	v11 =	vand.u32 v8, v9;
	v10 =	vshrl.u32 v10, $0x1  }
0x12f: {  	v10 =	vadd.s32 v10, v11;
	_ =	sdelay $0x4  }
0x130: {  	v11 =	vld.idx.msk [tilespmem:v10+s4+$0x0], $0xffff;
	_ =	sdelay $0x4  }
0x131: {  	vm7 =	vgt.s32 v11, v16;
	v11 =	vadd.s32 $0x1, v10  }
0x132: {  	v9 =	vsel vm7, v9, v11;
	v8 =	vsel vm7, v10, v8  }
0x133: {  	v10 =	vadd.s32 v8, v9  }
0x134: {  	v10 =	vshrl.u32 v10, $0x1;
	_ =	sdelay $0x4  }
0x135: {  	v11 =	vld.idx.msk [tilespmem:v10+s4+$0x0], $0xffff;
	_ =	sdelay $0x4  }
0x136: {  	vm8 =	vgt.s32 v11, v16;
	v11 =	vadd.s32 $0x1, v10  }
0x137: {  	v9 =	vsel vm8, v9, v11;
	v8 =	vsel vm8, v10, v8  }
0x138: {  	v10 =	vadd.s32 v8, v9  }
0x139: {  	v10 =	vshrl.u32 v10, $0x1;
	_ =	sdelay $0x4  }
0x13a: {  	v11 =	vld.idx.msk [tilespmem:v10+s4+$0x0], $0xffff;
	_ =	sdelay $0x4  }
0x13b: {  	vm9 =	vgt.s32 v11, v16;
	v11 =	vadd.s32 $0x1, v10  }
0x13c: {  	v9 =	vsel vm9, v9, v11;
	v8 =	vsel vm9, v10, v8  }
0x13d: {  	v10 =	vadd.s32 v8, v9  }
0x13e: {  	v10 =	vshrl.u32 v10, $0x1;
	_ =	sdelay $0x4  }
0x13f: {  	v11 =	vld.idx.msk [tilespmem:v10+s4+$0x0], $0xffff;
	_ =	sdelay $0x4  }
0x140: {  	vm10 =	vgt.s32 v11, v16;
	v11 =	vadd.s32 $0x1, v10  }
0x141: {  	v9 =	vsel vm10, v9, v11;
	v8 =	vsel vm10, v10, v8  }
0x142: {  	v10 =	vadd.s32 v8, v9  }
0x143: {  	v10 =	vshrl.u32 v10, $0x1;
	_ =	sdelay $0x4  }
0x144: {  	v11 =	vld.idx.msk [tilespmem:v10+s4+$0x0], $0xffff;
	_ =	sdelay $0x4  }
0x145: {  	vm11 =	vgt.s32 v11, v16;
	v11 =	vadd.s32 $0x1, v10  }
0x146: {  	v9 =	vsel vm11, v9, v11;
	v8 =	vsel vm11, v10, v8  }
0x147: {  	v10 =	vadd.s32 v8, v9  }
0x148: {  	v10 =	vshrl.u32 v10, $0x1;
	_ =	sdelay $0x4  }
0x149: {  	v11 =	vld.idx.msk [tilespmem:v10+s4+$0x0], $0xffff;
	_ =	sdelay $0x4  }
0x14a: {  	vm12 =	vgt.s32 v11, v16;
	v11 =	vadd.s32 $0x1, v10  }
0x14b: {  	v9 =	vsel vm12, v9, v11;
	v8 =	vsel vm12, v10, v8  }
0x14c: {  	v10 =	vadd.s32 v8, v9  }
0x14d: {  	v10 =	vshrl.u32 v10, $0x1;
	_ =	sdelay $0x4  }
0x14e: {  	v11 =	vld.idx.msk [tilespmem:v10+s4+$0x0], $0xffff;
	_ =	sdelay $0x4  }
0x14f: {  	vm13 =	vgt.s32 v11, v16;
	v11 =	vadd.s32 $0x1, v10  }
0x150: {  	v9 =	vsel vm13, v9, v11;
	v8 =	vsel vm13, v10, v8  }
0x151: {  	v10 =	vadd.s32 v8, v9  }
0x152: {  	v10 =	vshrl.u32 v10, $0x1;
	_ =	sdelay $0x4  }
0x153: {  	v11 =	vld.idx.msk [tilespmem:v10+s4+$0x0], $0xffff;
	_ =	sdelay $0x4  }
0x154: {  	vm14 =	vgt.s32 v11, v16;
	v11 =	vadd.s32 $0x1, v10  }
0x155: {  	v9 =	vsel vm14, v9, v11;
	v8 =	vsel vm14, v10, v8  }
0x156: {  	v8 =	vadd.s32 v8, v9  }
0x157: {  	v8 =	vshrl.u32 v8, $0x1;
	_ =	sdelay $0x4  }
0x158: {  	v10 =	vld.idx.msk [tilespmem:v8+s4+$0x0], $0xffff;
	_ =	sdelay $0x4  }
0x159: {  	v8 =	vadd.s32 $0x1, v8;
	vm15 =	vgt.s32 v10, v16  }
0x15a: {  	v8 =	vsel vm15, v9, v8  }
0x15b: {  	(v2sf) =	vpush v8, $0x0;
	_ =	sdelay $0xe  }
0x15c: {  	s31 =	spop (v2sf)  }
0x15d: {  	s8 =	sadd.s32 $0xFFFFFFFF, s31  }
0x15e: {  	p0 =	sgt.s32 s8, $0x0  }
0x15f: {  	s8 =	simm.s32 @!p0 $0x0  }
0x160: {  	s0 =	sadd.s32 $0x1, s8  }
0x161: {  	p0 =	slt.s32 s0, $0xFFF;
	s1 =	smov.u32 s0  }
0x162: {  	s1 =	simm.s32 @!p0 $0xFFF  }
0x163: {  	v8 =	vmov s1;
	_ =	sdelay $0x4  }
0x164: {  	v8 =	vld.idx.msk [tilespmem:v8+s4+$0x0], $0xffff;
	_ =	sdelay $0x4  }
0x165: {  	(v2sf) =	vpush v8, $0x0;
	_ =	sdelay $0xe  }
0x166: {  	p0 =	sgt.s32 s0, $0xFFF;
	s1 =	spop (v2sf)  }
0x167: {  	p1 =	sgt.s32 @!p0 s1, s12  }
0x168: {  	p1 =	por p0, p1  }
.Ltmp6:
0x169: {  	_ = 	snop;
	(pc) =	sbr.rel @p1 .LBB2_39-.Ltmp6, $4  }
0x16a: {  	_ = 	snop  }
0x16b: {  	v30 =	vld [tilespmem:$0x1FD10]  }
0x16c: {  	v31 =	vld [tilespmem:$0x1FD20]  }
0x16d: {  	v33 =	vld [tilespmem:$0x1FD30];
	v8 =	vimm.s32 $0x0  }
0x16e: {  	v34 =	vld [tilespmem:$0x1FEA0]  }
0x16f: {  	v35 =	vld [tilespmem:$0x1FEB0]  }
0x170: {  	v36 =	vld [tilespmem:$0x1FEC0]  }
0x171: {  	v9 =	vimm.s32 $0x0;
	v10 =	vimm.s32 $0x0;
	v11 =	vimm.s32 $0x0;
	v37 =	vld [tilespmem:$0x1FED0]  }
0x172: {  	v12 =	vimm.s32 $0x0;
	v13 =	vimm.s32 $0x0;
	v14 =	vimm.s32 $0x0;
	v38 =	vld [tilespmem:$0x1FEE0]  }
0x173: {  	v15 =	vimm.s32 $0x0;
	v17 =	vimm.s32 $0x0;
	v18 =	vimm.s32 $0x0;
	v39 =	vld [tilespmem:$0x1FEF0]  }
0x174: {  	v19 =	vimm.s32 $0x0;
	v20 =	vimm.s32 $0x0;
	v21 =	vimm.s32 $0x0;
	v40 =	vld [tilespmem:$0x1FF00]  }
0x175: {  	v22 =	vimm.s32 $0x0;
	v23 =	vimm.s32 $0x0;
	v24 =	vimm.s32 $0x0;
	v41 =	vld [tilespmem:$0x1FF10]  }
.LBB2_9:
0x176: {  	s2 =	smov.u32 s0;
	s0 =	sadd.s32 $0x1, s0  }
0x177: {  	p0 =	slt.s32 s0, $0xFFF;
	s7 =	smov.u32 s0  }
0x178: {  	s7 =	simm.s32 @!p0 $0xFFF  }
0x179: {  	v25 =	vmov s7;
	_ =	sdelay $0x4  }
0x17a: {  	v25 =	vld.idx.msk [tilespmem:v25+s4+$0x0], $0xffff;
	_ =	sdelay $0x4  }
0x17b: {  	(v2sf) =	vpush v25, $0x0;
	_ =	sdelay $0x5  }
0x17c: {  	v25 =	vmov s1  }
0x17d: {  	vm0 =	vle.s32 v25, v16;
	vm14 =	vle.s32 v25, v30;
	vm15 =	vle.s32 v25, v31  }
0x17e: {  	vm1 =	vle.s32 v25, v33;
	vm4 =	vle.s32 v25, v34;
	vm5 =	vle.s32 v25, v35  }
0x17f: {  	vm6 =	vle.s32 v25, v36;
	vm7 =	vle.s32 v25, v37;
	vm8 =	vle.s32 v25, v38  }
0x180: {  	vm9 =	vle.s32 v25, v39;
	vm10 =	vle.s32 v25, v40;
	vm11 =	vle.s32 v25, v41  }
0x181: {  	vm12 =	vle.s32 v25, v46;
	vm13 =	vle.s32 v25, v42;
	v26 =	vsel vm0, $0x1, v7  }
0x182: {  	v27 =	vsel vm14, $0x1, v7;
	v28 =	vsel vm15, $0x1, v7;
	v29 =	vsel vm1, $0x1, v7  }
0x183: {  	vm14 =	vle.s32 v25, v43;
	vm15 =	vle.s32 v25, v44;
	v24 =	vadd.s32 v26, v24  }
0x184: {  	v26 =	vsel vm4, $0x1, v7;
	v23 =	vadd.s32 v27, v23;
	v27 =	vsel vm5, $0x1, v7  }
0x185: {  	p0 =	sgt.s32 s2, $0xFFE;
	v22 =	vadd.s32 v28, v22;
	v28 =	vsel vm6, $0x1, v7;
	v21 =	vadd.s32 v29, v21;
	s1 =	spop (v2sf)  }
0x186: {  	v29 =	vsel vm7, $0x1, v7;
	v25 =	vsel vm15, $0x1, v7;
	v20 =	vadd.s32 v26, v20;
	p1 =	sle.s32 @!p0 s1, s12  }
0x187: {  	v26 =	vsel vm8, $0x1, v7;
	v19 =	vadd.s32 v27, v19;
	v27 =	vsel vm9, $0x1, v7;
	p1 =	por p0, !p1  }
.Ltmp7:
0x188: {  	v18 =	vadd.s32 v28, v18;
	v28 =	vsel vm10, $0x1, v7;
	v17 =	vadd.s32 v29, v17;
	(pc) =	sbr.rel @!p1 .LBB2_9-.Ltmp7, $4  }
0x189: {  	v29 =	vsel vm11, $0x1, v7;
	v8 =	vadd.s32 v25, v8;
	v15 =	vadd.s32 v26, v15  }
0x18a: {  	v26 =	vsel vm12, $0x1, v7;
	v14 =	vadd.s32 v27, v14;
	v27 =	vsel vm13, $0x1, v7  }
0x18b: {  	v13 =	vadd.s32 v28, v13;
	v28 =	vsel vm14, $0x1, v7;
	v12 =	vadd.s32 v29, v12  }
0x18c: {  	v11 =	vadd.s32 v26, v11;
	v10 =	vadd.s32 v27, v10;
	v9 =	vadd.s32 v28, v9  }
0x18d: {  	v24 =	vpsel p0, v24, v24  }
.Ltmp8:
0x18e: {  	v23 =	vpsel p0, v23, v23;
	v22 =	vpsel p0, v22, v22;
	v21 =	vpsel p0, v21, v21;
	(pc) =	sbr.rel .LBB2_11-.Ltmp8, $4  }
0x18f: {  	v20 =	vpsel p0, v20, v20;
	v19 =	vpsel p0, v19, v19;
	v18 =	vpsel p0, v18, v18  }
0x190: {  	v17 =	vpsel p0, v17, v17;
	v15 =	vpsel p0, v15, v15;
	v14 =	vpsel p0, v14, v14  }
0x191: {  	v13 =	vpsel p0, v13, v13;
	v12 =	vpsel p0, v12, v12;
	v11 =	vpsel p0, v11, v11  }
0x192: {  	v10 =	vpsel p0, v10, v10;
	v9 =	vpsel p0, v9, v9;
	v8 =	vpsel p0, v8, v8  }
.LBB2_39:
0x193: {  	v24 =	vpsel p0, $0x0, v8  }
0x194: {  	v23 =	vpsel p0, $0x0, v8;
	v22 =	vpsel p0, $0x0, v8;
	v21 =	vpsel p0, $0x0, v8  }
0x195: {  	v20 =	vpsel p0, $0x0, v8;
	v19 =	vpsel p0, $0x0, v8;
	v18 =	vpsel p0, $0x0, v8  }
0x196: {  	v17 =	vpsel p0, $0x0, v8;
	v15 =	vpsel p0, $0x0, v8;
	v14 =	vpsel p0, $0x0, v8  }
0x197: {  	v13 =	vpsel p0, $0x0, v8;
	v12 =	vpsel p0, $0x0, v8;
	v11 =	vpsel p0, $0x0, v8  }
0x198: {  	v10 =	vpsel p0, $0x0, v8;
	v9 =	vpsel p0, $0x0, v8;
	v8 =	vpsel p0, $0x0, v8  }
.LBB2_11:
0x199: {  	v24 =	vadd.s32 s8, v24  }
0x19a: {  	v23 =	vadd.s32 s8, v23;
	vm0 =	vlt.s32 v24, $0xFFF  }
0x19b: {  	v22 =	vadd.s32 s8, v22;
	vm13 =	vlt.s32 v23, $0xFFF;
	v24 =	vnsel vm0, $0xFFF, v24  }
0x19c: {  	v21 =	vadd.s32 s8, v21;
	vm14 =	vlt.s32 v22, $0xFFF;
	v23 =	vnsel vm13, $0xFFF, v23;
	[tilespmem:$0x2A00] =	vst v24  }
0x19d: {  	v20 =	vadd.s32 s8, v20;
	vm15 =	vlt.s32 v21, $0xFFF;
	v22 =	vnsel vm14, $0xFFF, v22;
	[tilespmem:$0x2A10] =	vst v23  }
0x19e: {  	v19 =	vadd.s32 s8, v19;
	vm4 =	vlt.s32 v20, $0xFFF;
	v21 =	vnsel vm15, $0xFFF, v21;
	[tilespmem:$0x2A20] =	vst v22  }
0x19f: {  	v18 =	vadd.s32 s8, v18;
	vm5 =	vlt.s32 v19, $0xFFF;
	v20 =	vnsel vm4, $0xFFF, v20;
	[tilespmem:$0x2A30] =	vst v21  }
0x1a0: {  	v17 =	vadd.s32 s8, v17;
	vm6 =	vlt.s32 v18, $0xFFF;
	v19 =	vnsel vm5, $0xFFF, v19;
	[tilespmem:$0x2A40] =	vst v20  }
0x1a1: {  	v15 =	vadd.s32 s8, v15;
	vm7 =	vlt.s32 v17, $0xFFF;
	v18 =	vnsel vm6, $0xFFF, v18;
	[tilespmem:$0x2A50] =	vst v19  }
0x1a2: {  	v14 =	vadd.s32 s8, v14;
	vm8 =	vlt.s32 v15, $0xFFF;
	v17 =	vnsel vm7, $0xFFF, v17;
	[tilespmem:$0x2A60] =	vst v18  }
0x1a3: {  	v13 =	vadd.s32 s8, v13;
	vm9 =	vlt.s32 v14, $0xFFF;
	v15 =	vnsel vm8, $0xFFF, v15;
	[tilespmem:$0x2A70] =	vst v17  }
0x1a4: {  	v12 =	vadd.s32 s8, v12;
	vm10 =	vlt.s32 v13, $0xFFF;
	v14 =	vnsel vm9, $0xFFF, v14;
	[tilespmem:$0x2A80] =	vst v15  }
0x1a5: {  	v11 =	vadd.s32 s8, v11;
	vm11 =	vlt.s32 v12, $0xFFF;
	v13 =	vnsel vm10, $0xFFF, v13;
	[tilespmem:$0x2A90] =	vst v14  }
0x1a6: {  	v10 =	vadd.s32 s8, v10;
	vm12 =	vlt.s32 v11, $0xFFF;
	v12 =	vnsel vm11, $0xFFF, v12;
	[tilespmem:$0x2AA0] =	vst v13  }
0x1a7: {  	v9 =	vadd.s32 s8, v9;
	v11 =	vnsel vm12, $0xFFF, v11;
	vm13 =	vlt.s32 v10, $0xFFF;
	[tilespmem:$0x2AB0] =	vst v12  }
0x1a8: {  	v8 =	vadd.s32 s8, v8;
	vm14 =	vlt.s32 v9, $0xFFF;
	[tilespmem:$0x2AC0] =	vst v11;
	v10 =	vnsel vm13, $0xFFF, v10  }
0x1a9: {  	vm15 =	vlt.s32 v8, $0xFFF;
	v9 =	vnsel vm14, $0xFFF, v9;
	[tilespmem:$0x2AD0] =	vst v10  }
.Ltmp9:
0x1aa: {  	v8 =	vnsel vm15, $0xFFF, v8;
	[tilespmem:$0x2AE0] =	vst v9;
	(pc) =	sbr.rel .LBB2_12-.Ltmp9, $4  }
0x1ab: {  	s0 =	simm.s32 $0x2A00;
	[tilespmem:$0x2AF0] =	vst v8  }
0x1ac: {  	[spmem:s3] =	stream.indirect.scatter.add.f32 [tilespmem:s20], [sflag:$0x5], $0x40, s0, s23, $0xb8;
	[tilespmem:$0x12C00] =	vst v63  }
0x1ad: {  	s31 =	simm.s32 $0x2A80;
	s1 =	simm.s32 $0x8C00;
	s17 =	simm.s32 $0x0  }
0x1ae: {  	v34 =	vmov v52;
	[spmem:s3] =	stream.indirect.scatter.add.f32 [tilespmem:s1], [sflag:$0x5], $0x40, s31, s23, $0xb8;
	[tilespmem:$0x12C00] =	vst v63  }
.LBB2_23:
0x1af: {  	v31 =	vpsel p0, $0x0, v7  }
0x1b0: {  	v33 =	vpsel p0, $0x0, v7;
	v28 =	vpsel p0, $0x0, v7;
	v27 =	vpsel p0, $0x0, v7  }
0x1b1: {  	v25 =	vpsel p0, $0x0, v7;
	v22 =	vpsel p0, $0x0, v7;
	v21 =	vpsel p0, $0x0, v7  }
0x1b2: {  	v19 =	vpsel p0, $0x0, v7;
	v15 =	vpsel p0, $0x0, v7;
	v14 =	vpsel p0, $0x0, v7  }
0x1b3: {  	v13 =	vpsel p0, $0x0, v7;
	v12 =	vpsel p0, $0x0, v7;
	v11 =	vpsel p0, $0x0, v7  }
0x1b4: {  	v10 =	vpsel p0, $0x0, v7;
	v9 =	vpsel p0, $0x0, v7;
	v8 =	vpsel p0, $0x0, v7  }
.LBB2_27:
0x1b5: {  	v17 =	vadd.s32 s8, v31  }
0x1b6: {  	v15 =	vadd.s32 s8, v15;
	vm0 =	vlt.s32 v17, $0xFFF  }
0x1b7: {  	v14 =	vadd.s32 s8, v14;
	vm8 =	vlt.s32 v15, $0xFFF;
	v17 =	vnsel vm0, $0xFFF, v17  }
0x1b8: {  	v13 =	vadd.s32 s8, v13;
	vm9 =	vlt.s32 v14, $0xFFF;
	v15 =	vnsel vm8, $0xFFF, v15;
	[tilespmem:$0x2A00] =	vst v17  }
0x1b9: {  	v12 =	vadd.s32 s8, v12;
	vm10 =	vlt.s32 v13, $0xFFF;
	v14 =	vnsel vm9, $0xFFF, v14;
	[tilespmem:$0x2A80] =	vst v15  }
0x1ba: {  	v11 =	vadd.s32 s8, v11;
	vm11 =	vlt.s32 v12, $0xFFF;
	v13 =	vnsel vm10, $0xFFF, v13;
	[tilespmem:$0x2A90] =	vst v14  }
0x1bb: {  	v18 =	vadd.s32 s8, v33;
	vm12 =	vlt.s32 v11, $0xFFF;
	v12 =	vnsel vm11, $0xFFF, v12;
	[tilespmem:$0x2AA0] =	vst v13  }
0x1bc: {  	v20 =	vadd.s32 s8, v28;
	vm13 =	vlt.s32 v18, $0xFFF;
	v11 =	vnsel vm12, $0xFFF, v11;
	[tilespmem:$0x2AB0] =	vst v12  }
0x1bd: {  	v10 =	vadd.s32 s8, v10;
	vm14 =	vlt.s32 v20, $0xFFF;
	v17 =	vnsel vm13, $0xFFF, v18;
	[tilespmem:$0x2AC0] =	vst v11  }
0x1be: {  	v18 =	vadd.s32 s8, v27;
	vm13 =	vlt.s32 v10, $0xFFF;
	[tilespmem:$0x2A10] =	vst v17;
	v17 =	vnsel vm14, $0xFFF, v20  }
0x1bf: {  	v9 =	vadd.s32 s8, v9;
	vm15 =	vlt.s32 v18, $0xFFF;
	v10 =	vnsel vm13, $0xFFF, v10;
	[tilespmem:$0x2A20] =	vst v17  }
0x1c0: {  	v41 =	vadd.s32 s8, v25;
	vm14 =	vlt.s32 v9, $0xFFF;
	v17 =	vnsel vm15, $0xFFF, v18;
	[tilespmem:$0x2AD0] =	vst v10  }
0x1c1: {  	v8 =	vadd.s32 s8, v8;
	vm4 =	vlt.s32 v41, $0xFFF;
	v9 =	vnsel vm14, $0xFFF, v9;
	[tilespmem:$0x2A30] =	vst v17  }
0x1c2: {  	v18 =	vadd.s32 s8, v22;
	vm15 =	vlt.s32 v8, $0xFFF;
	v17 =	vnsel vm4, $0xFFF, v41;
	[tilespmem:$0x2AE0] =	vst v9  }
0x1c3: {  	v45 =	vadd.s32 s8, v21;
	vm5 =	vlt.s32 v18, $0xFFF;
	v8 =	vnsel vm15, $0xFFF, v8;
	[tilespmem:$0x2A40] =	vst v17  }
0x1c4: {  	s17 =	sadd.s32 $0x1, s17;
	vm6 =	vlt.s32 v45, $0xFFF;
	v17 =	vnsel vm5, $0xFFF, v18;
	v18 =	vadd.s32 s8, v19;
	[tilespmem:$0x2AF0] =	vst v8  }
0x1c5: {  	p0 =	sne.s32 s17, $0x7;
	[tilespmem:$0x2A50] =	vst v17;
	v17 =	vnsel vm6, $0xFFF, v45;
	vm7 =	vlt.s32 v18, $0xFFF  }
.Ltmp10:
0x1c6: {  	[tilespmem:$0x2A60] =	vst v17;
	v17 =	vnsel vm7, $0xFFF, v18;
	(pc) =	sbr.rel @!p0 .LBB2_28-.Ltmp10, $4  }
0x1c7: {  	s0 =	simm.s32 $0x2A00;
	[tilespmem:$0x2A70] =	vst v17  }
0x1c8: {  	[spmem:s3] =	stream.indirect.scatter.add.f32 [tilespmem:s20], [sflag:$0x5], $0x40, s0, s23, $0xb8;
	[tilespmem:$0x12C00] =	vst v63  }
0x1c9: {  	s31 =	simm.s32 $0x2A80;
	s1 =	simm.s32 $0x8C00  }
0x1ca: {  	[spmem:s3] =	stream.indirect.scatter.add.f32 [tilespmem:s1], [sflag:$0x5], $0x40, s31, s23, $0xb8;
	[tilespmem:$0x12C00] =	vst v63  }
.LBB2_12:
0x1cb: {  	_ =	swait.ge [sflag:s22], $0x4000  }
0x1cc: {  	[sflag:s22] =	ssyncset.done $0x0  }
0x1cd: {  	[sflag:s22] =	ssyncadd.s32 $0xFFFFC000  }
0x1ce: {  	_ =	swait.ge [sflag:s29], $0x2000  }
0x1cf: {  	[sflag:s29] =	ssyncset.done $0x0  }
0x1d0: {  	[sflag:s29] =	ssyncadd.s32 $0xFFFFE000  }
0x1d1: {  	s8 =	smul.u32 $0x300, s17;
	_ =	swait.ge [sflag:s29], $0x2000  }
0x1d2: {  	[sflag:s29] =	ssyncset.done $0x0  }
0x1d3: {  	s0 =	sadd.s32 $0x1300, s8;
	[sflag:s29] =	ssyncadd.s32 $0xFFFFE000  }
0x1d4: {  	[tilespmem:s19], [sflag:$0x1] =	stream.indirect.gather [hbm4b:s6+s18], $0x40, s0, s18, $0xb8;
	[tilespmem:$0x12C00] =	vst v63  }
0x1d5: {  	v9 =	vld.idx.msk [tilespmem:v5+s4+$0x0], $0xffff;
	_ =	sdelay $0x2  }
0x1d6: {  	s0 =	sadd.s32 s8, s13  }
0x1d7: {  	v8 =	vor.u32 s0, v0  }
0x1d8: {  	vm0 =	vgt.s32 v9, v8  }
0x1d9: {  	v9 =	vsel vm0, $0x400, v6;
	_ =	sdelay $0x4  }
0x1da: {  	v10 =	vld.idx.msk [tilespmem:v9+s4+$0x0], $0xffff;
	_ =	sdelay $0x3  }
0x1db: {  	v11 =	vimm.s32 $0x1000  }
0x1dc: {  	v11 =	vsel vm0, $0x800, v11;
	vm1 =	vgt.s32 v10, v8  }
0x1dd: {  	v12 =	vor.u32 $0x1, v9;
	v10 =	vsel vm0, $0x0, v58;
	v9 =	vsel vm1, v9, v11  }
0x1de: {  	v10 =	vsel vm1, v10, v12;
	v11 =	vadd.s32 $0xFFFFFFFF, v9  }
0x1df: {  	v12 =	vxor.u32 v11, v10  }
0x1e0: {  	v11 =	vor.u32 v11, v10;
	v12 =	vshrl.u32 v12, $0x1  }
0x1e1: {  	v11 =	vsub.s32 v11, v12;
	_ =	sdelay $0x4  }
0x1e2: {  	v12 =	vld.idx.msk [tilespmem:v11+s4+$0x0], $0xffff;
	_ =	sdelay $0x4  }
0x1e3: {  	v25 =	vor.u32 $0x1, v11;
	vm6 =	vgt.s32 v12, v8  }
0x1e4: {  	v10 =	vsel vm6, v10, v25;
	v9 =	vsel vm6, v11, v9  }
0x1e5: {  	v11 =	vxor.u32 v9, v10  }
0x1e6: {  	v12 =	vand.u32 v9, v10;
	v11 =	vshrl.u32 v11, $0x1  }
0x1e7: {  	v11 =	vadd.s32 v11, v12;
	_ =	sdelay $0x4  }
0x1e8: {  	v12 =	vld.idx.msk [tilespmem:v11+s4+$0x0], $0xffff;
	_ =	sdelay $0x4  }
0x1e9: {  	v26 =	vadd.s32 $0x1, v11;
	vm7 =	vgt.s32 v12, v8  }
0x1ea: {  	v10 =	vsel vm7, v10, v26;
	v9 =	vsel vm7, v11, v9  }
0x1eb: {  	v11 =	vadd.s32 v9, v10  }
0x1ec: {  	v11 =	vshrl.u32 v11, $0x1;
	_ =	sdelay $0x4  }
0x1ed: {  	v27 =	vld.idx.msk [tilespmem:v11+s4+$0x0], $0xffff;
	_ =	sdelay $0x4  }
0x1ee: {  	v28 =	vadd.s32 $0x1, v11;
	vm8 =	vgt.s32 v27, v8  }
0x1ef: {  	v10 =	vsel vm8, v10, v28;
	v9 =	vsel vm8, v11, v9  }
0x1f0: {  	v11 =	vadd.s32 v9, v10  }
0x1f1: {  	v11 =	vshrl.u32 v11, $0x1;
	_ =	sdelay $0x4  }
0x1f2: {  	v29 =	vld.idx.msk [tilespmem:v11+s4+$0x0], $0xffff;
	_ =	sdelay $0x4  }
0x1f3: {  	v30 =	vadd.s32 $0x1, v11;
	vm9 =	vgt.s32 v29, v8  }
0x1f4: {  	v10 =	vsel vm9, v10, v30;
	v9 =	vsel vm9, v11, v9  }
0x1f5: {  	v11 =	vadd.s32 v9, v10  }
0x1f6: {  	v11 =	vshrl.u32 v11, $0x1;
	_ =	sdelay $0x4  }
0x1f7: {  	v31 =	vld.idx.msk [tilespmem:v11+s4+$0x0], $0xffff;
	_ =	sdelay $0x4  }
0x1f8: {  	v33 =	vadd.s32 $0x1, v11;
	vm10 =	vgt.s32 v31, v8  }
0x1f9: {  	v10 =	vsel vm10, v10, v33;
	v9 =	vsel vm10, v11, v9  }
0x1fa: {  	v11 =	vadd.s32 v9, v10  }
0x1fb: {  	v11 =	vshrl.u32 v11, $0x1;
	_ =	sdelay $0x4  }
0x1fc: {  	v35 =	vld.idx.msk [tilespmem:v11+s4+$0x0], $0xffff;
	_ =	sdelay $0x4  }
0x1fd: {  	v36 =	vadd.s32 $0x1, v11;
	vm11 =	vgt.s32 v35, v8  }
0x1fe: {  	v10 =	vsel vm11, v10, v36;
	v9 =	vsel vm11, v11, v9  }
0x1ff: {  	v11 =	vadd.s32 v9, v10  }
0x200: {  	v11 =	vshrl.u32 v11, $0x1;
	_ =	sdelay $0x4  }
0x201: {  	v37 =	vld.idx.msk [tilespmem:v11+s4+$0x0], $0xffff;
	_ =	sdelay $0x4  }
0x202: {  	v38 =	vadd.s32 $0x1, v11;
	vm12 =	vgt.s32 v37, v8  }
0x203: {  	v10 =	vsel vm12, v10, v38;
	v9 =	vsel vm12, v11, v9  }
0x204: {  	v11 =	vadd.s32 v9, v10  }
0x205: {  	v11 =	vshrl.u32 v11, $0x1;
	_ =	sdelay $0x4  }
0x206: {  	v39 =	vld.idx.msk [tilespmem:v11+s4+$0x0], $0xffff;
	_ =	sdelay $0x4  }
0x207: {  	v40 =	vadd.s32 $0x1, v11;
	vm13 =	vgt.s32 v39, v8  }
0x208: {  	v10 =	vsel vm13, v10, v40;
	v9 =	vsel vm13, v11, v9  }
0x209: {  	v11 =	vadd.s32 v9, v10  }
0x20a: {  	v11 =	vshrl.u32 v11, $0x1;
	_ =	sdelay $0x4  }
0x20b: {  	v41 =	vld.idx.msk [tilespmem:v11+s4+$0x0], $0xffff;
	_ =	sdelay $0x4  }
0x20c: {  	v45 =	vadd.s32 $0x1, v11;
	vm14 =	vgt.s32 v41, v8  }
0x20d: {  	v10 =	vsel vm14, v10, v45;
	v9 =	vsel vm14, v11, v9  }
0x20e: {  	v9 =	vadd.s32 v9, v10  }
0x20f: {  	v9 =	vshrl.u32 v9, $0x1;
	_ =	sdelay $0x4  }
0x210: {  	v11 =	vld.idx.msk [tilespmem:v9+s4+$0x0], $0xffff;
	_ =	sdelay $0x4  }
0x211: {  	v9 =	vadd.s32 $0x1, v9;
	vm15 =	vgt.s32 v11, v8  }
0x212: {  	v9 =	vsel vm15, v10, v9  }
0x213: {  	(v2sf) =	vpush v9, $0x0;
	_ =	sdelay $0xe  }
0x214: {  	s1 =	spop (v2sf)  }
0x215: {  	s31 =	sadd.s32 $0xFFFFFFFF, s1  }
0x216: {  	p0 =	sgt.s32 s31, $0x0  }
0x217: {  	s31 =	simm.s32 @!p0 $0x0  }
0x218: {  	s2 =	sadd.s32 $0x1, s31  }
0x219: {  	p0 =	slt.s32 s2, $0xFFF;
	s1 =	smov.u32 s2  }
0x21a: {  	s1 =	simm.s32 @!p0 $0xFFF  }
0x21b: {  	v9 =	vmov s1;
	_ =	sdelay $0x4  }
0x21c: {  	v9 =	vld.idx.msk [tilespmem:v9+s4+$0x0], $0xffff;
	_ =	sdelay $0x4  }
0x21d: {  	(v2sf) =	vpush v9, $0x0;
	_ =	sdelay $0xe  }
0x21e: {  	p0 =	sgt.s32 s2, $0xFFF;
	s1 =	sor.u32 $0xFF, s0;
	s7 =	spop (v2sf)  }
0x21f: {  	p1 =	sgt.s32 @!p0 s7, s1  }
0x220: {  	p1 =	por p0, p1  }
.Ltmp11:
0x221: {  	_ = 	snop;
	(pc) =	sbr.rel @p1 .LBB2_13-.Ltmp11, $1  }
0x222: {  	_ =	sdelay $0x3  }
0x223: {  	v17 =	vimm.s32 $0x0  }
0x224: {  	v18 =	vimm.s32 $0x0;
	v20 =	vimm.s32 $0x0;
	v23 =	vimm.s32 $0x0  }
0x225: {  	v24 =	vimm.s32 $0x0;
	v26 =	vimm.s32 $0x0;
	v29 =	vimm.s32 $0x0  }
0x226: {  	v30 =	vimm.s32 $0x0;
	v34 =	vimm.s32 $0x0;
	v35 =	vimm.s32 $0x0  }
0x227: {  	v36 =	vimm.s32 $0x0;
	v37 =	vimm.s32 $0x0;
	v38 =	vimm.s32 $0x0  }
0x228: {  	s10 =	sor.u32 $0x10, s0;
	s24 =	sor.u32 $0x30, s0;
	s25 =	sor.u32 $0x40, s0;
	v39 =	vimm.s32 $0x0;
	v40 =	vimm.s32 $0x0;
	v41 =	vimm.s32 $0x0  }
0x229: {  	v9 =	vor.u32 s10, v0;
	s10 =	sor.u32 $0x20, s0;
	v11 =	vor.u32 s24, v0;
	v12 =	vor.u32 s25, v0;
	s24 =	sor.u32 $0x60, s0;
	s25 =	sor.u32 $0x70, s0  }
0x22a: {  	v10 =	vor.u32 s10, v0;
	s10 =	sor.u32 $0x50, s0;
	v14 =	vor.u32 s24, v0;
	v15 =	vor.u32 s25, v0;
	s24 =	sor.u32 $0x90, s0;
	s25 =	sor.u32 $0xA0, s0  }
0x22b: {  	v13 =	vor.u32 s10, v0;
	s10 =	sor.u32 $0x80, s0;
	v21 =	vor.u32 s24, v0;
	v22 =	vor.u32 s25, v0;
	s24 =	sor.u32 $0xC0, s0;
	s25 =	sor.u32 $0xD0, s0  }
0x22c: {  	v19 =	vor.u32 s10, v0;
	s10 =	sor.u32 $0xB0, s0;
	v27 =	vor.u32 s24, v0;
	v28 =	vor.u32 s25, v0;
	s24 =	sor.u32 $0xE0, s0;
	s25 =	sor.u32 $0xF0, s0  }
0x22d: {  	v25 =	vor.u32 s10, v0;
	v31 =	vor.u32 s24, v0;
	v33 =	vor.u32 s25, v0  }
.LBB2_15:
0x22e: {  	s0 =	smov.u32 s2;
	s2 =	sadd.s32 $0x1, s2  }
0x22f: {  	p0 =	slt.s32 s2, $0xFFF;
	s10 =	smov.u32 s2  }
0x230: {  	s10 =	simm.s32 @!p0 $0xFFF  }
0x231: {  	v42 =	vmov s10;
	_ =	sdelay $0x4  }
0x232: {  	v42 =	vld.idx.msk [tilespmem:v42+s4+$0x0], $0xffff;
	_ =	sdelay $0x4  }
0x233: {  	(v2sf) =	vpush v42, $0x0;
	_ =	sdelay $0x5  }
0x234: {  	v42 =	vmov s7  }
0x235: {  	vm0 =	vle.s32 v42, v8;
	vm14 =	vle.s32 v42, v9;
	vm15 =	vle.s32 v42, v10  }
0x236: {  	vm1 =	vle.s32 v42, v11;
	vm4 =	vle.s32 v42, v12;
	vm5 =	vle.s32 v42, v13  }
0x237: {  	vm6 =	vle.s32 v42, v14;
	vm7 =	vle.s32 v42, v15;
	vm8 =	vle.s32 v42, v19  }
0x238: {  	vm9 =	vle.s32 v42, v21;
	vm10 =	vle.s32 v42, v22;
	vm11 =	vle.s32 v42, v25  }
0x239: {  	vm12 =	vle.s32 v42, v27;
	vm13 =	vle.s32 v42, v28;
	v43 =	vsel vm0, $0x1, v7  }
0x23a: {  	v44 =	vsel vm14, $0x1, v7;
	v45 =	vsel vm15, $0x1, v7;
	v46 =	vsel vm1, $0x1, v7  }
0x23b: {  	vm14 =	vle.s32 v42, v31;
	vm15 =	vle.s32 v42, v33;
	v41 =	vadd.s32 v43, v41  }
0x23c: {  	v43 =	vsel vm4, $0x1, v7;
	v40 =	vadd.s32 v44, v40;
	v44 =	vsel vm5, $0x1, v7  }
0x23d: {  	p0 =	sgt.s32 s0, $0xFFE;
	v39 =	vadd.s32 v45, v39;
	v45 =	vsel vm6, $0x1, v7;
	v38 =	vadd.s32 v46, v38;
	s7 =	spop (v2sf)  }
0x23e: {  	v46 =	vsel vm7, $0x1, v7;
	v42 =	vsel vm15, $0x1, v7;
	v37 =	vadd.s32 v43, v37;
	p1 =	sle.s32 @!p0 s7, s1  }
0x23f: {  	v43 =	vsel vm8, $0x1, v7;
	v36 =	vadd.s32 v44, v36;
	v44 =	vsel vm9, $0x1, v7;
	p1 =	por p0, !p1  }
.Ltmp12:
0x240: {  	v35 =	vadd.s32 v45, v35;
	v45 =	vsel vm10, $0x1, v7;
	v34 =	vadd.s32 v46, v34;
	(pc) =	sbr.rel @!p1 .LBB2_15-.Ltmp12, $4  }
0x241: {  	v46 =	vsel vm11, $0x1, v7;
	v17 =	vadd.s32 v42, v17;
	v30 =	vadd.s32 v43, v30  }
0x242: {  	v43 =	vsel vm12, $0x1, v7;
	v29 =	vadd.s32 v44, v29;
	v44 =	vsel vm13, $0x1, v7  }
0x243: {  	v26 =	vadd.s32 v45, v26;
	v45 =	vsel vm14, $0x1, v7;
	v24 =	vadd.s32 v46, v24  }
0x244: {  	v23 =	vadd.s32 v43, v23;
	v20 =	vadd.s32 v44, v20;
	v18 =	vadd.s32 v45, v18  }
0x245: {  	v31 =	vpsel p0, v41, v41  }
0x246: {  	v33 =	vpsel p0, v40, v40;
	v28 =	vpsel p0, v39, v39;
	v27 =	vpsel p0, v38, v38  }
.Ltmp13:
0x247: {  	v25 =	vpsel p0, v37, v37;
	v22 =	vpsel p0, v36, v36;
	v21 =	vpsel p0, v35, v35;
	(pc) =	sbr.rel .LBB2_17-.Ltmp13, $4  }
0x248: {  	v19 =	vpsel p0, v34, v34;
	v15 =	vpsel p0, v30, v30;
	v14 =	vpsel p0, v29, v29  }
0x249: {  	v13 =	vpsel p0, v26, v26;
	v12 =	vpsel p0, v24, v24;
	v11 =	vpsel p0, v23, v23  }
0x24a: {  	v10 =	vpsel p0, v20, v20;
	v9 =	vpsel p0, v18, v18;
	v8 =	vpsel p0, v17, v17  }
0x24b: {  	v46 =	vmovc v47;
	v42 =	vmovc v49;
	v43 =	vmov v50;
	v44 =	vmov v51;
	v34 =	vmov v52  }
.LBB2_13:
0x24c: {  	v31 =	vpsel p0, $0x0, v7  }
0x24d: {  	v33 =	vpsel p0, $0x0, v7;
	v28 =	vpsel p0, $0x0, v7;
	v27 =	vpsel p0, $0x0, v7  }
0x24e: {  	v25 =	vpsel p0, $0x0, v7;
	v22 =	vpsel p0, $0x0, v7;
	v21 =	vpsel p0, $0x0, v7  }
0x24f: {  	v19 =	vpsel p0, $0x0, v7;
	v15 =	vpsel p0, $0x0, v7;
	v14 =	vpsel p0, $0x0, v7  }
0x250: {  	v13 =	vpsel p0, $0x0, v7;
	v12 =	vpsel p0, $0x0, v7;
	v11 =	vpsel p0, $0x0, v7  }
0x251: {  	v10 =	vpsel p0, $0x0, v7;
	v9 =	vpsel p0, $0x0, v7;
	v8 =	vpsel p0, $0x0, v7  }
.LBB2_17:
0x252: {  	v17 =	vadd.s32 s31, v31  }
0x253: {  	v15 =	vadd.s32 s31, v15;
	vm0 =	vlt.s32 v17, $0xFFF  }
0x254: {  	v14 =	vadd.s32 s31, v14;
	vm9 =	vlt.s32 v15, $0xFFF;
	v17 =	vnsel vm0, $0xFFF, v17  }
0x255: {  	v13 =	vadd.s32 s31, v13;
	vm10 =	vlt.s32 v14, $0xFFF;
	v15 =	vnsel vm9, $0xFFF, v15;
	[tilespmem:$0x2B00] =	vst v17  }
0x256: {  	v12 =	vadd.s32 s31, v12;
	vm11 =	vlt.s32 v13, $0xFFF;
	v14 =	vnsel vm10, $0xFFF, v14;
	[tilespmem:$0x2B80] =	vst v15  }
0x257: {  	v11 =	vadd.s32 s31, v11;
	vm12 =	vlt.s32 v12, $0xFFF;
	v13 =	vnsel vm11, $0xFFF, v13;
	[tilespmem:$0x2B90] =	vst v14  }
0x258: {  	v18 =	vadd.s32 s31, v33;
	vm13 =	vlt.s32 v11, $0xFFF;
	v12 =	vnsel vm12, $0xFFF, v12;
	[tilespmem:$0x2BA0] =	vst v13  }
0x259: {  	v20 =	vadd.s32 s31, v28;
	vm14 =	vlt.s32 v18, $0xFFF;
	v11 =	vnsel vm13, $0xFFF, v11;
	[tilespmem:$0x2BB0] =	vst v12  }
0x25a: {  	v10 =	vadd.s32 s31, v10;
	vm15 =	vlt.s32 v20, $0xFFF;
	v17 =	vnsel vm14, $0xFFF, v18;
	[tilespmem:$0x2BC0] =	vst v11  }
0x25b: {  	v18 =	vadd.s32 s31, v27;
	vm14 =	vlt.s32 v10, $0xFFF;
	[tilespmem:$0x2B10] =	vst v17;
	v17 =	vnsel vm15, $0xFFF, v20  }
0x25c: {  	v9 =	vadd.s32 s31, v9;
	vm4 =	vlt.s32 v18, $0xFFF;
	v10 =	vnsel vm14, $0xFFF, v10;
	[tilespmem:$0x2B20] =	vst v17  }
0x25d: {  	v41 =	vadd.s32 s31, v25;
	vm15 =	vlt.s32 v9, $0xFFF;
	v17 =	vnsel vm4, $0xFFF, v18;
	[tilespmem:$0x2BD0] =	vst v10  }
0x25e: {  	v8 =	vadd.s32 s31, v8;
	vm5 =	vlt.s32 v41, $0xFFF;
	v9 =	vnsel vm15, $0xFFF, v9;
	[tilespmem:$0x2B30] =	vst v17  }
0x25f: {  	v18 =	vadd.s32 s31, v22;
	vm4 =	vlt.s32 v8, $0xFFF;
	v17 =	vnsel vm5, $0xFFF, v41;
	[tilespmem:$0x2BE0] =	vst v9  }
0x260: {  	v45 =	vadd.s32 s31, v21;
	vm6 =	vlt.s32 v18, $0xFFF;
	v8 =	vnsel vm4, $0xFFF, v8;
	[tilespmem:$0x2B40] =	vst v17  }
0x261: {  	vm7 =	vlt.s32 v45, $0xFFF;
	v17 =	vnsel vm6, $0xFFF, v18;
	v18 =	vadd.s32 s31, v19;
	[tilespmem:$0x2BF0] =	vst v8  }
0x262: {  	[tilespmem:$0x2B50] =	vst v17;
	v17 =	vnsel vm7, $0xFFF, v45;
	vm8 =	vlt.s32 v18, $0xFFF  }
0x263: {  	[tilespmem:$0x2B60] =	vst v17;
	v17 =	vnsel vm8, $0xFFF, v18  }
0x264: {  	s0 =	simm.s32 $0x2B00;
	[tilespmem:$0x2B70] =	vst v17  }
0x265: {  	[spmem:s3] =	stream.indirect.scatter.add.f32 [tilespmem:s30], [sflag:$0x6], $0x40, s0, s23, $0xb8;
	[tilespmem:$0x12C00] =	vst v63  }
0x266: {  	s7 =	simm.s32 $0x2B80;
	s1 =	simm.s32 $0xCC00  }
0x267: {  	[spmem:s3] =	stream.indirect.scatter.add.f32 [tilespmem:s1], [sflag:$0x6], $0x40, s7, s23, $0xb8;
	[tilespmem:$0x12C00] =	vst v63  }
0x268: {  	_ =	swait.ge [sflag:s21], $0x4000  }
0x269: {  	[sflag:s21] =	ssyncset.done $0x0  }
0x26a: {  	[sflag:s21] =	ssyncadd.s32 $0xFFFFC000  }
0x26b: {  	_ =	swait.ge [sflag:s11], $0x2000  }
0x26c: {  	[sflag:s11] =	ssyncset.done $0x0  }
0x26d: {  	[sflag:s11] =	ssyncadd.s32 $0xFFFFE000  }
0x26e: {  	_ =	swait.ge [sflag:s11], $0x2000  }
0x26f: {  	[sflag:s11] =	ssyncset.done $0x0  }
0x270: {  	s10 =	sadd.s32 $0x1400, s8;
	[sflag:s11] =	ssyncadd.s32 $0xFFFFE000  }
0x271: {  	[tilespmem:s20], [sflag:$0x2] =	stream.indirect.gather [hbm4b:s6+s18], $0x40, s10, s18, $0xb8;
	[tilespmem:$0x12C00] =	vst v63  }
0x272: {  	v9 =	vld.idx.msk [tilespmem:v5+s4+$0x0], $0xffff;
	_ =	sdelay $0x1  }
0x273: {  	s24 =	sadd.s32 $0x300, s8  }
0x274: {  	s0 =	sadd.s32 s5, s24  }
0x275: {  	v8 =	vor.u32 s0, v0  }
0x276: {  	vm5 =	vgt.s32 v9, v8  }
0x277: {  	v9 =	vsel vm5, $0x400, v6;
	_ =	sdelay $0x4  }
0x278: {  	v10 =	vld.idx.msk [tilespmem:v9+s4+$0x0], $0xffff;
	_ =	sdelay $0x3  }
0x279: {  	v11 =	vimm.s32 $0x1000  }
0x27a: {  	v11 =	vsel vm5, $0x800, v11;
	vm1 =	vgt.s32 v10, v8  }
0x27b: {  	v24 =	vor.u32 $0x1, v9;
	v10 =	vsel vm5, $0x0, v58;
	v9 =	vsel vm1, v9, v11  }
0x27c: {  	v10 =	vsel vm1, v10, v24;
	v11 =	vadd.s32 $0xFFFFFFFF, v9  }
0x27d: {  	v12 =	vxor.u32 v11, v10  }
0x27e: {  	v11 =	vor.u32 v11, v10;
	v12 =	vshrl.u32 v12, $0x1  }
0x27f: {  	v11 =	vsub.s32 v11, v12;
	_ =	sdelay $0x4  }
0x280: {  	v12 =	vld.idx.msk [tilespmem:v11+s4+$0x0], $0xffff;
	_ =	sdelay $0x4  }
0x281: {  	v25 =	vor.u32 $0x1, v11;
	vm6 =	vgt.s32 v12, v8  }
0x282: {  	v10 =	vsel vm6, v10, v25;
	v9 =	vsel vm6, v11, v9  }
0x283: {  	v11 =	vxor.u32 v9, v10  }
0x284: {  	v12 =	vand.u32 v9, v10;
	v11 =	vshrl.u32 v11, $0x1  }
0x285: {  	v11 =	vadd.s32 v11, v12;
	_ =	sdelay $0x4  }
0x286: {  	v12 =	vld.idx.msk [tilespmem:v11+s4+$0x0], $0xffff;
	_ =	sdelay $0x4  }
0x287: {  	v26 =	vadd.s32 $0x1, v11;
	vm7 =	vgt.s32 v12, v8  }
0x288: {  	v10 =	vsel vm7, v10, v26;
	v9 =	vsel vm7, v11, v9  }
0x289: {  	v11 =	vadd.s32 v9, v10  }
0x28a: {  	v11 =	vshrl.u32 v11, $0x1;
	_ =	sdelay $0x4  }
0x28b: {  	v27 =	vld.idx.msk [tilespmem:v11+s4+$0x0], $0xffff;
	_ =	sdelay $0x4  }
0x28c: {  	v28 =	vadd.s32 $0x1, v11;
	vm8 =	vgt.s32 v27, v8  }
0x28d: {  	v10 =	vsel vm8, v10, v28;
	v9 =	vsel vm8, v11, v9  }
0x28e: {  	v11 =	vadd.s32 v9, v10  }
0x28f: {  	v11 =	vshrl.u32 v11, $0x1;
	_ =	sdelay $0x4  }
0x290: {  	v29 =	vld.idx.msk [tilespmem:v11+s4+$0x0], $0xffff;
	_ =	sdelay $0x4  }
0x291: {  	v30 =	vadd.s32 $0x1, v11;
	vm9 =	vgt.s32 v29, v8  }
0x292: {  	v10 =	vsel vm9, v10, v30;
	v9 =	vsel vm9, v11, v9  }
0x293: {  	v11 =	vadd.s32 v9, v10  }
0x294: {  	v11 =	vshrl.u32 v11, $0x1;
	_ =	sdelay $0x4  }
0x295: {  	v31 =	vld.idx.msk [tilespmem:v11+s4+$0x0], $0xffff;
	_ =	sdelay $0x4  }
0x296: {  	v33 =	vadd.s32 $0x1, v11;
	vm10 =	vgt.s32 v31, v8  }
0x297: {  	v10 =	vsel vm10, v10, v33;
	v9 =	vsel vm10, v11, v9  }
0x298: {  	v11 =	vadd.s32 v9, v10  }
0x299: {  	v11 =	vshrl.u32 v11, $0x1;
	_ =	sdelay $0x4  }
0x29a: {  	v35 =	vld.idx.msk [tilespmem:v11+s4+$0x0], $0xffff;
	_ =	sdelay $0x4  }
0x29b: {  	v36 =	vadd.s32 $0x1, v11;
	vm11 =	vgt.s32 v35, v8  }
0x29c: {  	v10 =	vsel vm11, v10, v36;
	v9 =	vsel vm11, v11, v9  }
0x29d: {  	v11 =	vadd.s32 v9, v10  }
0x29e: {  	v11 =	vshrl.u32 v11, $0x1;
	_ =	sdelay $0x4  }
0x29f: {  	v37 =	vld.idx.msk [tilespmem:v11+s4+$0x0], $0xffff;
	_ =	sdelay $0x4  }
0x2a0: {  	v38 =	vadd.s32 $0x1, v11;
	vm12 =	vgt.s32 v37, v8  }
0x2a1: {  	v10 =	vsel vm12, v10, v38;
	v9 =	vsel vm12, v11, v9  }
0x2a2: {  	v11 =	vadd.s32 v9, v10  }
0x2a3: {  	v11 =	vshrl.u32 v11, $0x1;
	_ =	sdelay $0x4  }
0x2a4: {  	v39 =	vld.idx.msk [tilespmem:v11+s4+$0x0], $0xffff;
	_ =	sdelay $0x4  }
0x2a5: {  	v40 =	vadd.s32 $0x1, v11;
	vm13 =	vgt.s32 v39, v8  }
0x2a6: {  	v10 =	vsel vm13, v10, v40;
	v9 =	vsel vm13, v11, v9  }
0x2a7: {  	v11 =	vadd.s32 v9, v10  }
0x2a8: {  	v11 =	vshrl.u32 v11, $0x1;
	_ =	sdelay $0x4  }
0x2a9: {  	v41 =	vld.idx.msk [tilespmem:v11+s4+$0x0], $0xffff;
	_ =	sdelay $0x4  }
0x2aa: {  	v45 =	vadd.s32 $0x1, v11;
	vm14 =	vgt.s32 v41, v8  }
0x2ab: {  	v10 =	vsel vm14, v10, v45;
	v9 =	vsel vm14, v11, v9  }
0x2ac: {  	v9 =	vadd.s32 v9, v10  }
0x2ad: {  	v9 =	vshrl.u32 v9, $0x1;
	_ =	sdelay $0x4  }
0x2ae: {  	v11 =	vld.idx.msk [tilespmem:v9+s4+$0x0], $0xffff;
	_ =	sdelay $0x4  }
0x2af: {  	v9 =	vadd.s32 $0x1, v9;
	vm15 =	vgt.s32 v11, v8  }
0x2b0: {  	v9 =	vsel vm15, v10, v9  }
0x2b1: {  	(v2sf) =	vpush v9, $0x0;
	_ =	sdelay $0xe  }
0x2b2: {  	s25 =	spop (v2sf)  }
0x2b3: {  	s31 =	sadd.s32 $0xFFFFFFFF, s25  }
0x2b4: {  	p0 =	sgt.s32 s31, $0x0  }
0x2b5: {  	s31 =	simm.s32 @!p0 $0x0  }
0x2b6: {  	s2 =	sadd.s32 $0x1, s31  }
0x2b7: {  	p0 =	slt.s32 s2, $0xFFF;
	s1 =	smov.u32 s2  }
0x2b8: {  	s1 =	simm.s32 @!p0 $0xFFF  }
0x2b9: {  	v9 =	vmov s1;
	_ =	sdelay $0x4  }
0x2ba: {  	v9 =	vld.idx.msk [tilespmem:v9+s4+$0x0], $0xffff;
	_ =	sdelay $0x4  }
0x2bb: {  	(v2sf) =	vpush v9, $0x0;
	_ =	sdelay $0xe  }
0x2bc: {  	p0 =	sgt.s32 s2, $0xFFF;
	s1 =	sor.u32 $0xFF, s0;
	s7 =	spop (v2sf)  }
0x2bd: {  	p1 =	sgt.s32 @!p0 s7, s1  }
0x2be: {  	p1 =	por p0, p1  }
.Ltmp14:
0x2bf: {  	_ = 	snop;
	(pc) =	sbr.rel @p1 .LBB2_18-.Ltmp14, $1  }
0x2c0: {  	_ =	sdelay $0x3  }
0x2c1: {  	v17 =	vimm.s32 $0x0  }
0x2c2: {  	v18 =	vimm.s32 $0x0;
	v20 =	vimm.s32 $0x0;
	v23 =	vimm.s32 $0x0  }
0x2c3: {  	v24 =	vimm.s32 $0x0;
	v26 =	vimm.s32 $0x0;
	v29 =	vimm.s32 $0x0  }
0x2c4: {  	v30 =	vimm.s32 $0x0;
	v34 =	vimm.s32 $0x0;
	v35 =	vimm.s32 $0x0  }
0x2c5: {  	v36 =	vimm.s32 $0x0;
	v37 =	vimm.s32 $0x0;
	v38 =	vimm.s32 $0x0  }
0x2c6: {  	s10 =	sor.u32 $0x10, s0;
	s24 =	sor.u32 $0x30, s0;
	s25 =	sor.u32 $0x40, s0;
	v39 =	vimm.s32 $0x0;
	v40 =	vimm.s32 $0x0;
	v41 =	vimm.s32 $0x0  }
0x2c7: {  	v9 =	vor.u32 s10, v0;
	s10 =	sor.u32 $0x20, s0;
	v11 =	vor.u32 s24, v0;
	v12 =	vor.u32 s25, v0;
	s24 =	sor.u32 $0x60, s0;
	s25 =	sor.u32 $0x70, s0  }
0x2c8: {  	v10 =	vor.u32 s10, v0;
	s10 =	sor.u32 $0x50, s0;
	v14 =	vor.u32 s24, v0;
	v15 =	vor.u32 s25, v0;
	s24 =	sor.u32 $0x90, s0;
	s25 =	sor.u32 $0xA0, s0  }
0x2c9: {  	v13 =	vor.u32 s10, v0;
	s10 =	sor.u32 $0x80, s0;
	v21 =	vor.u32 s24, v0;
	v22 =	vor.u32 s25, v0;
	s24 =	sor.u32 $0xC0, s0;
	s25 =	sor.u32 $0xD0, s0  }
0x2ca: {  	v19 =	vor.u32 s10, v0;
	s10 =	sor.u32 $0xB0, s0;
	v27 =	vor.u32 s24, v0;
	v28 =	vor.u32 s25, v0;
	s24 =	sor.u32 $0xE0, s0;
	s25 =	sor.u32 $0xF0, s0  }
0x2cb: {  	v25 =	vor.u32 s10, v0;
	v31 =	vor.u32 s24, v0;
	v33 =	vor.u32 s25, v0  }
.LBB2_20:
0x2cc: {  	s0 =	smov.u32 s2;
	s2 =	sadd.s32 $0x1, s2  }
0x2cd: {  	p0 =	slt.s32 s2, $0xFFF;
	s10 =	smov.u32 s2  }
0x2ce: {  	s10 =	simm.s32 @!p0 $0xFFF  }
0x2cf: {  	v42 =	vmov s10;
	_ =	sdelay $0x4  }
0x2d0: {  	v42 =	vld.idx.msk [tilespmem:v42+s4+$0x0], $0xffff;
	_ =	sdelay $0x4  }
0x2d1: {  	(v2sf) =	vpush v42, $0x0;
	_ =	sdelay $0x5  }
0x2d2: {  	v42 =	vmov s7  }
0x2d3: {  	vm0 =	vle.s32 v42, v8;
	vm14 =	vle.s32 v42, v9;
	vm15 =	vle.s32 v42, v10  }
0x2d4: {  	vm1 =	vle.s32 v42, v11;
	vm4 =	vle.s32 v42, v12;
	vm5 =	vle.s32 v42, v13  }
0x2d5: {  	vm6 =	vle.s32 v42, v14;
	vm7 =	vle.s32 v42, v15;
	vm8 =	vle.s32 v42, v19  }
0x2d6: {  	vm9 =	vle.s32 v42, v21;
	vm10 =	vle.s32 v42, v22;
	vm11 =	vle.s32 v42, v25  }
0x2d7: {  	vm12 =	vle.s32 v42, v27;
	vm13 =	vle.s32 v42, v28;
	v43 =	vsel vm0, $0x1, v7  }
0x2d8: {  	v44 =	vsel vm14, $0x1, v7;
	v45 =	vsel vm15, $0x1, v7;
	v46 =	vsel vm1, $0x1, v7  }
0x2d9: {  	vm14 =	vle.s32 v42, v31;
	vm15 =	vle.s32 v42, v33;
	v41 =	vadd.s32 v43, v41  }
0x2da: {  	v43 =	vsel vm4, $0x1, v7;
	v40 =	vadd.s32 v44, v40;
	v44 =	vsel vm5, $0x1, v7  }
0x2db: {  	p0 =	sgt.s32 s0, $0xFFE;
	v39 =	vadd.s32 v45, v39;
	v45 =	vsel vm6, $0x1, v7;
	v38 =	vadd.s32 v46, v38;
	s7 =	spop (v2sf)  }
0x2dc: {  	v46 =	vsel vm7, $0x1, v7;
	v42 =	vsel vm15, $0x1, v7;
	v37 =	vadd.s32 v43, v37;
	p1 =	sle.s32 @!p0 s7, s1  }
0x2dd: {  	v43 =	vsel vm8, $0x1, v7;
	v36 =	vadd.s32 v44, v36;
	v44 =	vsel vm9, $0x1, v7;
	p1 =	por p0, !p1  }
.Ltmp15:
0x2de: {  	v35 =	vadd.s32 v45, v35;
	v45 =	vsel vm10, $0x1, v7;
	v34 =	vadd.s32 v46, v34;
	(pc) =	sbr.rel @!p1 .LBB2_20-.Ltmp15, $4  }
0x2df: {  	v46 =	vsel vm11, $0x1, v7;
	v17 =	vadd.s32 v42, v17;
	v30 =	vadd.s32 v43, v30  }
0x2e0: {  	v43 =	vsel vm12, $0x1, v7;
	v29 =	vadd.s32 v44, v29;
	v44 =	vsel vm13, $0x1, v7  }
0x2e1: {  	v26 =	vadd.s32 v45, v26;
	v45 =	vsel vm14, $0x1, v7;
	v24 =	vadd.s32 v46, v24  }
0x2e2: {  	v23 =	vadd.s32 v43, v23;
	v20 =	vadd.s32 v44, v20;
	v18 =	vadd.s32 v45, v18  }
0x2e3: {  	v31 =	vpsel p0, v41, v41  }
0x2e4: {  	v33 =	vpsel p0, v40, v40;
	v28 =	vpsel p0, v39, v39;
	v27 =	vpsel p0, v38, v38  }
.Ltmp16:
0x2e5: {  	v25 =	vpsel p0, v37, v37;
	v22 =	vpsel p0, v36, v36;
	v21 =	vpsel p0, v35, v35;
	(pc) =	sbr.rel .LBB2_22-.Ltmp16, $4  }
0x2e6: {  	v19 =	vpsel p0, v34, v34;
	v15 =	vpsel p0, v30, v30;
	v14 =	vpsel p0, v29, v29  }
0x2e7: {  	v13 =	vpsel p0, v26, v26;
	v12 =	vpsel p0, v24, v24;
	v11 =	vpsel p0, v23, v23  }
0x2e8: {  	v10 =	vpsel p0, v20, v20;
	v9 =	vpsel p0, v18, v18;
	v8 =	vpsel p0, v17, v17  }
0x2e9: {  	v46 =	vmovc v47;
	v42 =	vmovc v49;
	v43 =	vmov v50;
	v44 =	vmov v51;
	v34 =	vmov v52  }
.LBB2_18:
0x2ea: {  	v31 =	vpsel p0, $0x0, v7  }
0x2eb: {  	v33 =	vpsel p0, $0x0, v7;
	v28 =	vpsel p0, $0x0, v7;
	v27 =	vpsel p0, $0x0, v7  }
0x2ec: {  	v25 =	vpsel p0, $0x0, v7;
	v22 =	vpsel p0, $0x0, v7;
	v21 =	vpsel p0, $0x0, v7  }
0x2ed: {  	v19 =	vpsel p0, $0x0, v7;
	v15 =	vpsel p0, $0x0, v7;
	v14 =	vpsel p0, $0x0, v7  }
0x2ee: {  	v13 =	vpsel p0, $0x0, v7;
	v12 =	vpsel p0, $0x0, v7;
	v11 =	vpsel p0, $0x0, v7  }
0x2ef: {  	v10 =	vpsel p0, $0x0, v7;
	v9 =	vpsel p0, $0x0, v7;
	v8 =	vpsel p0, $0x0, v7  }
.LBB2_22:
0x2f0: {  	v17 =	vadd.s32 s31, v31  }
0x2f1: {  	v15 =	vadd.s32 s31, v15;
	vm0 =	vlt.s32 v17, $0xFFF  }
0x2f2: {  	v14 =	vadd.s32 s31, v14;
	vm9 =	vlt.s32 v15, $0xFFF;
	v17 =	vnsel vm0, $0xFFF, v17  }
0x2f3: {  	v13 =	vadd.s32 s31, v13;
	vm10 =	vlt.s32 v14, $0xFFF;
	v15 =	vnsel vm9, $0xFFF, v15;
	[tilespmem:$0x2900] =	vst v17  }
0x2f4: {  	v12 =	vadd.s32 s31, v12;
	vm11 =	vlt.s32 v13, $0xFFF;
	v14 =	vnsel vm10, $0xFFF, v14;
	[tilespmem:$0x2980] =	vst v15  }
0x2f5: {  	v11 =	vadd.s32 s31, v11;
	vm12 =	vlt.s32 v12, $0xFFF;
	v13 =	vnsel vm11, $0xFFF, v13;
	[tilespmem:$0x2990] =	vst v14  }
0x2f6: {  	v18 =	vadd.s32 s31, v33;
	vm13 =	vlt.s32 v11, $0xFFF;
	v12 =	vnsel vm12, $0xFFF, v12;
	[tilespmem:$0x29A0] =	vst v13  }
0x2f7: {  	v20 =	vadd.s32 s31, v28;
	vm14 =	vlt.s32 v18, $0xFFF;
	v11 =	vnsel vm13, $0xFFF, v11;
	[tilespmem:$0x29B0] =	vst v12  }
0x2f8: {  	v10 =	vadd.s32 s31, v10;
	vm15 =	vlt.s32 v20, $0xFFF;
	v17 =	vnsel vm14, $0xFFF, v18;
	[tilespmem:$0x29C0] =	vst v11  }
0x2f9: {  	v18 =	vadd.s32 s31, v27;
	vm14 =	vlt.s32 v10, $0xFFF;
	[tilespmem:$0x2910] =	vst v17;
	v17 =	vnsel vm15, $0xFFF, v20  }
0x2fa: {  	v9 =	vadd.s32 s31, v9;
	vm4 =	vlt.s32 v18, $0xFFF;
	v10 =	vnsel vm14, $0xFFF, v10;
	[tilespmem:$0x2920] =	vst v17  }
0x2fb: {  	v41 =	vadd.s32 s31, v25;
	vm15 =	vlt.s32 v9, $0xFFF;
	v17 =	vnsel vm4, $0xFFF, v18;
	[tilespmem:$0x29D0] =	vst v10  }
0x2fc: {  	v8 =	vadd.s32 s31, v8;
	vm5 =	vlt.s32 v41, $0xFFF;
	v9 =	vnsel vm15, $0xFFF, v9;
	[tilespmem:$0x2930] =	vst v17  }
0x2fd: {  	v18 =	vadd.s32 s31, v22;
	vm4 =	vlt.s32 v8, $0xFFF;
	v17 =	vnsel vm5, $0xFFF, v41;
	[tilespmem:$0x29E0] =	vst v9  }
0x2fe: {  	v45 =	vadd.s32 s31, v21;
	vm6 =	vlt.s32 v18, $0xFFF;
	v8 =	vnsel vm4, $0xFFF, v8;
	[tilespmem:$0x2940] =	vst v17  }
0x2ff: {  	vm7 =	vlt.s32 v45, $0xFFF;
	v17 =	vnsel vm6, $0xFFF, v18;
	v18 =	vadd.s32 s31, v19;
	[tilespmem:$0x29F0] =	vst v8  }
0x300: {  	[tilespmem:$0x2950] =	vst v17;
	v17 =	vnsel vm7, $0xFFF, v45;
	vm8 =	vlt.s32 v18, $0xFFF  }
0x301: {  	[tilespmem:$0x2960] =	vst v17;
	v17 =	vnsel vm8, $0xFFF, v18  }
0x302: {  	s0 =	simm.s32 $0x2900;
	[tilespmem:$0x2970] =	vst v17  }
0x303: {  	[spmem:s3] =	stream.indirect.scatter.add.f32 [tilespmem:s19], [sflag:$0x4], $0x40, s0, s23, $0xb8;
	[tilespmem:$0x12C00] =	vst v63  }
0x304: {  	s24 =	simm.s32 $0x2980  }
0x305: {  	[spmem:s3] =	stream.indirect.scatter.add.f32 [tilespmem:s26], [sflag:$0x4], $0x40, s24, s23, $0xb8;
	[tilespmem:$0x12C00] =	vst v63  }
0x306: {  	_ =	swait.ge [sflag:s28], $0x4000  }
0x307: {  	[sflag:s28] =	ssyncset.done $0x0  }
0x308: {  	[sflag:s28] =	ssyncadd.s32 $0xFFFFC000  }
0x309: {  	_ =	swait.ge [sflag:s16], $0x2000  }
0x30a: {  	[sflag:s16] =	ssyncset.done $0x0  }
0x30b: {  	s25 =	smul.u32 $0xC00, s17;
	[sflag:s16] =	ssyncadd.s32 $0xFFFFE000  }
0x30c: {  	_ =	swait.ge [sflag:s16], $0x2000  }
0x30d: {  	s0 =	sshra.s32 s25, $0x2;
	[sflag:s16] =	ssyncset.done $0x0  }
0x30e: {  	s0 =	sadd.s32 $0x1500, s0;
	[sflag:s16] =	ssyncadd.s32 $0xFFFFE000  }
0x30f: {  	[tilespmem:s30], [sflag:$0x3] =	stream.indirect.gather [hbm4b:s6+s18], $0x40, s0, s18, $0xb8;
	[tilespmem:$0x12C00] =	vst v63  }
0x310: {  	v9 =	vld.idx.msk [tilespmem:v5+s4+$0x0], $0xffff;
	_ =	sdelay $0x1  }
0x311: {  	s31 =	sadd.s32 $0x400, s8  }
0x312: {  	s0 =	sadd.s32 s5, s31  }
0x313: {  	v8 =	vor.u32 s0, v0  }
0x314: {  	vm5 =	vgt.s32 v9, v8  }
0x315: {  	v9 =	vsel vm5, $0x400, v6;
	_ =	sdelay $0x4  }
0x316: {  	v10 =	vld.idx.msk [tilespmem:v9+s4+$0x0], $0xffff;
	_ =	sdelay $0x3  }
0x317: {  	v11 =	vimm.s32 $0x1000  }
0x318: {  	v11 =	vsel vm5, $0x800, v11;
	vm1 =	vgt.s32 v10, v8  }
0x319: {  	v24 =	vor.u32 $0x1, v9;
	v10 =	vsel vm5, $0x0, v58;
	v9 =	vsel vm1, v9, v11  }
0x31a: {  	v10 =	vsel vm1, v10, v24;
	v11 =	vadd.s32 $0xFFFFFFFF, v9  }
0x31b: {  	v12 =	vxor.u32 v11, v10  }
0x31c: {  	v11 =	vor.u32 v11, v10;
	v12 =	vshrl.u32 v12, $0x1  }
0x31d: {  	v11 =	vsub.s32 v11, v12;
	_ =	sdelay $0x4  }
0x31e: {  	v12 =	vld.idx.msk [tilespmem:v11+s4+$0x0], $0xffff;
	_ =	sdelay $0x4  }
0x31f: {  	v25 =	vor.u32 $0x1, v11;
	vm6 =	vgt.s32 v12, v8  }
0x320: {  	v10 =	vsel vm6, v10, v25;
	v9 =	vsel vm6, v11, v9  }
0x321: {  	v11 =	vxor.u32 v9, v10  }
0x322: {  	v12 =	vand.u32 v9, v10;
	v11 =	vshrl.u32 v11, $0x1  }
0x323: {  	v11 =	vadd.s32 v11, v12;
	_ =	sdelay $0x4  }
0x324: {  	v12 =	vld.idx.msk [tilespmem:v11+s4+$0x0], $0xffff;
	_ =	sdelay $0x4  }
0x325: {  	v26 =	vadd.s32 $0x1, v11;
	vm7 =	vgt.s32 v12, v8  }
0x326: {  	v10 =	vsel vm7, v10, v26;
	v9 =	vsel vm7, v11, v9  }
0x327: {  	v11 =	vadd.s32 v9, v10  }
0x328: {  	v11 =	vshrl.u32 v11, $0x1;
	_ =	sdelay $0x4  }
0x329: {  	v27 =	vld.idx.msk [tilespmem:v11+s4+$0x0], $0xffff;
	_ =	sdelay $0x4  }
0x32a: {  	v28 =	vadd.s32 $0x1, v11;
	vm8 =	vgt.s32 v27, v8  }
0x32b: {  	v10 =	vsel vm8, v10, v28;
	v9 =	vsel vm8, v11, v9  }
0x32c: {  	v11 =	vadd.s32 v9, v10  }
0x32d: {  	v11 =	vshrl.u32 v11, $0x1;
	_ =	sdelay $0x4  }
0x32e: {  	v29 =	vld.idx.msk [tilespmem:v11+s4+$0x0], $0xffff;
	_ =	sdelay $0x4  }
0x32f: {  	v30 =	vadd.s32 $0x1, v11;
	vm9 =	vgt.s32 v29, v8  }
0x330: {  	v10 =	vsel vm9, v10, v30;
	v9 =	vsel vm9, v11, v9  }
0x331: {  	v11 =	vadd.s32 v9, v10  }
0x332: {  	v11 =	vshrl.u32 v11, $0x1;
	_ =	sdelay $0x4  }
0x333: {  	v31 =	vld.idx.msk [tilespmem:v11+s4+$0x0], $0xffff;
	_ =	sdelay $0x4  }
0x334: {  	v33 =	vadd.s32 $0x1, v11;
	vm10 =	vgt.s32 v31, v8  }
0x335: {  	v10 =	vsel vm10, v10, v33;
	v9 =	vsel vm10, v11, v9  }
0x336: {  	v11 =	vadd.s32 v9, v10  }
0x337: {  	v11 =	vshrl.u32 v11, $0x1;
	_ =	sdelay $0x4  }
0x338: {  	v35 =	vld.idx.msk [tilespmem:v11+s4+$0x0], $0xffff;
	_ =	sdelay $0x4  }
0x339: {  	v36 =	vadd.s32 $0x1, v11;
	vm11 =	vgt.s32 v35, v8  }
0x33a: {  	v10 =	vsel vm11, v10, v36;
	v9 =	vsel vm11, v11, v9  }
0x33b: {  	v11 =	vadd.s32 v9, v10  }
0x33c: {  	v11 =	vshrl.u32 v11, $0x1;
	_ =	sdelay $0x4  }
0x33d: {  	v37 =	vld.idx.msk [tilespmem:v11+s4+$0x0], $0xffff;
	_ =	sdelay $0x4  }
0x33e: {  	v38 =	vadd.s32 $0x1, v11;
	vm12 =	vgt.s32 v37, v8  }
0x33f: {  	v10 =	vsel vm12, v10, v38;
	v9 =	vsel vm12, v11, v9  }
0x340: {  	v11 =	vadd.s32 v9, v10  }
0x341: {  	v11 =	vshrl.u32 v11, $0x1;
	_ =	sdelay $0x4  }
0x342: {  	v39 =	vld.idx.msk [tilespmem:v11+s4+$0x0], $0xffff;
	_ =	sdelay $0x4  }
0x343: {  	v40 =	vadd.s32 $0x1, v11;
	vm13 =	vgt.s32 v39, v8  }
0x344: {  	v10 =	vsel vm13, v10, v40;
	v9 =	vsel vm13, v11, v9  }
0x345: {  	v11 =	vadd.s32 v9, v10  }
0x346: {  	v11 =	vshrl.u32 v11, $0x1;
	_ =	sdelay $0x4  }
0x347: {  	v41 =	vld.idx.msk [tilespmem:v11+s4+$0x0], $0xffff;
	_ =	sdelay $0x4  }
0x348: {  	v45 =	vadd.s32 $0x1, v11;
	vm14 =	vgt.s32 v41, v8  }
0x349: {  	v10 =	vsel vm14, v10, v45;
	v9 =	vsel vm14, v11, v9  }
0x34a: {  	v9 =	vadd.s32 v9, v10  }
0x34b: {  	v9 =	vshrl.u32 v9, $0x1;
	_ =	sdelay $0x4  }
0x34c: {  	v11 =	vld.idx.msk [tilespmem:v9+s4+$0x0], $0xffff;
	_ =	sdelay $0x4  }
0x34d: {  	v9 =	vadd.s32 $0x1, v9;
	vm15 =	vgt.s32 v11, v8  }
0x34e: {  	v9 =	vsel vm15, v10, v9  }
0x34f: {  	(v2sf) =	vpush v9, $0x0;
	_ =	sdelay $0xe  }
0x350: {  	s1 =	spop (v2sf)  }
0x351: {  	s8 =	sadd.s32 $0xFFFFFFFF, s1  }
0x352: {  	p0 =	sgt.s32 s8, $0x0  }
0x353: {  	s8 =	simm.s32 @!p0 $0x0  }
0x354: {  	s2 =	sadd.s32 $0x1, s8  }
0x355: {  	p0 =	slt.s32 s2, $0xFFF;
	s1 =	smov.u32 s2  }
0x356: {  	s1 =	simm.s32 @!p0 $0xFFF  }
0x357: {  	v9 =	vmov s1;
	_ =	sdelay $0x4  }
0x358: {  	v9 =	vld.idx.msk [tilespmem:v9+s4+$0x0], $0xffff;
	_ =	sdelay $0x4  }
0x359: {  	(v2sf) =	vpush v9, $0x0;
	_ =	sdelay $0xe  }
0x35a: {  	p0 =	sgt.s32 s2, $0xFFF;
	s1 =	sor.u32 $0xFF, s0;
	s7 =	spop (v2sf)  }
0x35b: {  	p1 =	sgt.s32 @!p0 s7, s1  }
0x35c: {  	p1 =	por p0, p1  }
.Ltmp17:
0x35d: {  	_ = 	snop;
	(pc) =	sbr.rel @p1 .LBB2_23-.Ltmp17, $1  }
0x35e: {  	_ =	sdelay $0x3  }
0x35f: {  	v17 =	vimm.s32 $0x0  }
0x360: {  	v18 =	vimm.s32 $0x0;
	v20 =	vimm.s32 $0x0;
	v23 =	vimm.s32 $0x0  }
0x361: {  	v24 =	vimm.s32 $0x0;
	v26 =	vimm.s32 $0x0;
	v29 =	vimm.s32 $0x0  }
0x362: {  	v30 =	vimm.s32 $0x0;
	v34 =	vimm.s32 $0x0;
	v35 =	vimm.s32 $0x0  }
0x363: {  	v36 =	vimm.s32 $0x0;
	v37 =	vimm.s32 $0x0;
	v38 =	vimm.s32 $0x0  }
0x364: {  	s10 =	sor.u32 $0x10, s0;
	s31 =	sor.u32 $0x20, s0;
	s25 =	sor.u32 $0x40, s0;
	v39 =	vimm.s32 $0x0;
	v40 =	vimm.s32 $0x0;
	v41 =	vimm.s32 $0x0  }
0x365: {  	s24 =	sor.u32 $0x30, s0;
	v9 =	vor.u32 s10, v0;
	v10 =	vor.u32 s31, v0;
	v12 =	vor.u32 s25, v0;
	s25 =	sor.u32 $0x60, s0;
	s31 =	sor.u32 $0x70, s0  }
0x366: {  	v11 =	vor.u32 s24, v0;
	s24 =	sor.u32 $0x50, s0;
	v14 =	vor.u32 s25, v0;
	v15 =	vor.u32 s31, v0;
	s25 =	sor.u32 $0x90, s0;
	s31 =	sor.u32 $0xA0, s0  }
0x367: {  	v13 =	vor.u32 s24, v0;
	s24 =	sor.u32 $0x80, s0;
	v21 =	vor.u32 s25, v0;
	v22 =	vor.u32 s31, v0;
	s25 =	sor.u32 $0xC0, s0;
	s31 =	sor.u32 $0xD0, s0  }
0x368: {  	v19 =	vor.u32 s24, v0;
	s24 =	sor.u32 $0xB0, s0;
	v27 =	vor.u32 s25, v0;
	v28 =	vor.u32 s31, v0;
	s25 =	sor.u32 $0xE0, s0;
	s31 =	sor.u32 $0xF0, s0  }
0x369: {  	v25 =	vor.u32 s24, v0;
	v31 =	vor.u32 s25, v0;
	v33 =	vor.u32 s31, v0  }
.LBB2_25:
0x36a: {  	s0 =	smov.u32 s2;
	s2 =	sadd.s32 $0x1, s2  }
0x36b: {  	p0 =	slt.s32 s2, $0xFFF;
	s10 =	smov.u32 s2  }
0x36c: {  	s10 =	simm.s32 @!p0 $0xFFF  }
0x36d: {  	v42 =	vmov s10;
	_ =	sdelay $0x4  }
0x36e: {  	v42 =	vld.idx.msk [tilespmem:v42+s4+$0x0], $0xffff;
	_ =	sdelay $0x4  }
0x36f: {  	(v2sf) =	vpush v42, $0x0;
	_ =	sdelay $0x5  }
0x370: {  	v42 =	vmov s7  }
0x371: {  	vm0 =	vle.s32 v42, v8;
	vm14 =	vle.s32 v42, v9;
	vm15 =	vle.s32 v42, v10  }
0x372: {  	vm1 =	vle.s32 v42, v11;
	vm4 =	vle.s32 v42, v12;
	vm5 =	vle.s32 v42, v13  }
0x373: {  	vm6 =	vle.s32 v42, v14;
	vm7 =	vle.s32 v42, v15;
	vm8 =	vle.s32 v42, v19  }
0x374: {  	vm9 =	vle.s32 v42, v21;
	vm10 =	vle.s32 v42, v22;
	vm11 =	vle.s32 v42, v25  }
0x375: {  	vm12 =	vle.s32 v42, v27;
	vm13 =	vle.s32 v42, v28;
	v43 =	vsel vm0, $0x1, v7  }
0x376: {  	v44 =	vsel vm14, $0x1, v7;
	v45 =	vsel vm15, $0x1, v7;
	v46 =	vsel vm1, $0x1, v7  }
0x377: {  	vm14 =	vle.s32 v42, v31;
	vm15 =	vle.s32 v42, v33;
	v41 =	vadd.s32 v43, v41  }
0x378: {  	v43 =	vsel vm4, $0x1, v7;
	v40 =	vadd.s32 v44, v40;
	v44 =	vsel vm5, $0x1, v7  }
0x379: {  	p0 =	sgt.s32 s0, $0xFFE;
	v39 =	vadd.s32 v45, v39;
	v45 =	vsel vm6, $0x1, v7;
	v38 =	vadd.s32 v46, v38;
	s7 =	spop (v2sf)  }
0x37a: {  	v46 =	vsel vm7, $0x1, v7;
	v42 =	vsel vm15, $0x1, v7;
	v37 =	vadd.s32 v43, v37;
	p1 =	sle.s32 @!p0 s7, s1  }
0x37b: {  	v43 =	vsel vm8, $0x1, v7;
	v36 =	vadd.s32 v44, v36;
	v44 =	vsel vm9, $0x1, v7;
	p1 =	por p0, !p1  }
.Ltmp18:
0x37c: {  	v35 =	vadd.s32 v45, v35;
	v45 =	vsel vm10, $0x1, v7;
	v34 =	vadd.s32 v46, v34;
	(pc) =	sbr.rel @!p1 .LBB2_25-.Ltmp18, $4  }
0x37d: {  	v46 =	vsel vm11, $0x1, v7;
	v17 =	vadd.s32 v42, v17;
	v30 =	vadd.s32 v43, v30  }
0x37e: {  	v43 =	vsel vm12, $0x1, v7;
	v29 =	vadd.s32 v44, v29;
	v44 =	vsel vm13, $0x1, v7  }
0x37f: {  	v26 =	vadd.s32 v45, v26;
	v45 =	vsel vm14, $0x1, v7;
	v24 =	vadd.s32 v46, v24  }
0x380: {  	v23 =	vadd.s32 v43, v23;
	v20 =	vadd.s32 v44, v20;
	v18 =	vadd.s32 v45, v18  }
0x381: {  	v31 =	vpsel p0, v41, v41  }
0x382: {  	v33 =	vpsel p0, v40, v40;
	v28 =	vpsel p0, v39, v39;
	v27 =	vpsel p0, v38, v38  }
.Ltmp19:
0x383: {  	v25 =	vpsel p0, v37, v37;
	v22 =	vpsel p0, v36, v36;
	v21 =	vpsel p0, v35, v35;
	(pc) =	sbr.rel .LBB2_27-.Ltmp19, $4  }
0x384: {  	v19 =	vpsel p0, v34, v34;
	v15 =	vpsel p0, v30, v30;
	v14 =	vpsel p0, v29, v29  }
0x385: {  	v13 =	vpsel p0, v26, v26;
	v12 =	vpsel p0, v24, v24;
	v11 =	vpsel p0, v23, v23  }
0x386: {  	v10 =	vpsel p0, v20, v20;
	v9 =	vpsel p0, v18, v18;
	v8 =	vpsel p0, v17, v17  }
0x387: {  	v46 =	vmovc v47;
	v42 =	vmovc v49;
	v43 =	vmov v50;
	v44 =	vmov v51;
	v34 =	vmov v52  }
.LBB2_28:
0x388: {  	_ =	swait.ge [sflag:s22], $0x4000  }
0x389: {  	[sflag:s22] =	ssyncset.done $0x0  }
0x38a: {  	[sflag:s22] =	ssyncadd.s32 $0xFFFFC000  }
0x38b: {  	_ =	swait.ge [sflag:s29], $0x2000  }
0x38c: {  	[sflag:s29] =	ssyncset.done $0x0  }
0x38d: {  	[sflag:s29] =	ssyncadd.s32 $0xFFFFE000  }
0x38e: {  	_ =	swait.ge [sflag:s29], $0x2000  }
0x38f: {  	[sflag:s29] =	ssyncset.done $0x0  }
0x390: {  	s0 =	simm.s32 $0x2800;
	[sflag:s29] =	ssyncadd.s32 $0xFFFFE000  }
0x391: {  	[tilespmem:s19], [sflag:$0x1] =	stream.indirect.gather [hbm4b:s6+s18], $0x40, s0, s18, $0xb8;
	[tilespmem:$0x12C00] =	vst v63  }
0x392: {  	v8 =	vld.idx.msk [tilespmem:v5+s4+$0x0], $0xffff;
	_ =	sdelay $0x4  }
0x393: {  	vm0 =	vgt.s32 v8, v32  }
0x394: {  	v8 =	vsel vm0, $0x400, v6;
	_ =	sdelay $0x4  }
0x395: {  	v9 =	vld.idx.msk [tilespmem:v8+s4+$0x0], $0xffff;
	_ =	sdelay $0x3  }
0x396: {  	v10 =	vimm.s32 $0x1000  }
0x397: {  	v10 =	vsel vm0, $0x800, v10;
	vm1 =	vgt.s32 v9, v32  }
0x398: {  	v11 =	vor.u32 $0x1, v8;
	v9 =	vsel vm0, $0x0, v58;
	v8 =	vsel vm1, v8, v10  }
0x399: {  	v9 =	vsel vm1, v9, v11;
	v10 =	vadd.s32 $0xFFFFFFFF, v8  }
0x39a: {  	v11 =	vxor.u32 v10, v9  }
0x39b: {  	v10 =	vor.u32 v10, v9;
	v11 =	vshrl.u32 v11, $0x1  }
0x39c: {  	v10 =	vsub.s32 v10, v11;
	_ =	sdelay $0x4  }
0x39d: {  	v11 =	vld.idx.msk [tilespmem:v10+s4+$0x0], $0xffff;
	_ =	sdelay $0x4  }
0x39e: {  	vm6 =	vgt.s32 v11, v32;
	v11 =	vor.u32 $0x1, v10  }
0x39f: {  	v9 =	vsel vm6, v9, v11;
	v8 =	vsel vm6, v10, v8  }
0x3a0: {  	v10 =	vxor.u32 v8, v9  }
0x3a1: {  	v11 =	vand.u32 v8, v9;
	v10 =	vshrl.u32 v10, $0x1  }
0x3a2: {  	v10 =	vadd.s32 v10, v11;
	_ =	sdelay $0x4  }
0x3a3: {  	v11 =	vld.idx.msk [tilespmem:v10+s4+$0x0], $0xffff;
	_ =	sdelay $0x4  }
0x3a4: {  	vm7 =	vgt.s32 v11, v32;
	v11 =	vadd.s32 $0x1, v10  }
0x3a5: {  	v9 =	vsel vm7, v9, v11;
	v8 =	vsel vm7, v10, v8  }
0x3a6: {  	v10 =	vadd.s32 v8, v9  }
0x3a7: {  	v10 =	vshrl.u32 v10, $0x1;
	_ =	sdelay $0x4  }
0x3a8: {  	v11 =	vld.idx.msk [tilespmem:v10+s4+$0x0], $0xffff;
	_ =	sdelay $0x4  }
0x3a9: {  	vm8 =	vgt.s32 v11, v32;
	v11 =	vadd.s32 $0x1, v10  }
0x3aa: {  	v9 =	vsel vm8, v9, v11;
	v8 =	vsel vm8, v10, v8  }
0x3ab: {  	v10 =	vadd.s32 v8, v9  }
0x3ac: {  	v10 =	vshrl.u32 v10, $0x1;
	_ =	sdelay $0x4  }
0x3ad: {  	v11 =	vld.idx.msk [tilespmem:v10+s4+$0x0], $0xffff;
	_ =	sdelay $0x4  }
0x3ae: {  	vm9 =	vgt.s32 v11, v32;
	v11 =	vadd.s32 $0x1, v10  }
0x3af: {  	v9 =	vsel vm9, v9, v11;
	v8 =	vsel vm9, v10, v8  }
0x3b0: {  	v10 =	vadd.s32 v8, v9  }
0x3b1: {  	v10 =	vshrl.u32 v10, $0x1;
	_ =	sdelay $0x4  }
0x3b2: {  	v11 =	vld.idx.msk [tilespmem:v10+s4+$0x0], $0xffff;
	_ =	sdelay $0x4  }
0x3b3: {  	vm10 =	vgt.s32 v11, v32;
	v11 =	vadd.s32 $0x1, v10  }
0x3b4: {  	v9 =	vsel vm10, v9, v11;
	v8 =	vsel vm10, v10, v8  }
0x3b5: {  	v10 =	vadd.s32 v8, v9  }
0x3b6: {  	v10 =	vshrl.u32 v10, $0x1;
	_ =	sdelay $0x4  }
0x3b7: {  	v11 =	vld.idx.msk [tilespmem:v10+s4+$0x0], $0xffff;
	_ =	sdelay $0x4  }
0x3b8: {  	vm11 =	vgt.s32 v11, v32;
	v11 =	vadd.s32 $0x1, v10  }
0x3b9: {  	v9 =	vsel vm11, v9, v11;
	v8 =	vsel vm11, v10, v8  }
0x3ba: {  	v10 =	vadd.s32 v8, v9  }
0x3bb: {  	v10 =	vshrl.u32 v10, $0x1;
	_ =	sdelay $0x4  }
0x3bc: {  	v11 =	vld.idx.msk [tilespmem:v10+s4+$0x0], $0xffff;
	_ =	sdelay $0x4  }
0x3bd: {  	vm12 =	vgt.s32 v11, v32;
	v11 =	vadd.s32 $0x1, v10  }
0x3be: {  	v9 =	vsel vm12, v9, v11;
	v8 =	vsel vm12, v10, v8  }
0x3bf: {  	v10 =	vadd.s32 v8, v9  }
0x3c0: {  	v10 =	vshrl.u32 v10, $0x1;
	_ =	sdelay $0x4  }
0x3c1: {  	v11 =	vld.idx.msk [tilespmem:v10+s4+$0x0], $0xffff;
	_ =	sdelay $0x4  }
0x3c2: {  	vm13 =	vgt.s32 v11, v32;
	v11 =	vadd.s32 $0x1, v10  }
0x3c3: {  	v9 =	vsel vm13, v9, v11;
	v8 =	vsel vm13, v10, v8  }
0x3c4: {  	v10 =	vadd.s32 v8, v9  }
0x3c5: {  	v10 =	vshrl.u32 v10, $0x1;
	_ =	sdelay $0x4  }
0x3c6: {  	v11 =	vld.idx.msk [tilespmem:v10+s4+$0x0], $0xffff;
	_ =	sdelay $0x4  }
0x3c7: {  	vm14 =	vgt.s32 v11, v32;
	v11 =	vadd.s32 $0x1, v10  }
0x3c8: {  	v9 =	vsel vm14, v9, v11;
	v8 =	vsel vm14, v10, v8  }
0x3c9: {  	v8 =	vadd.s32 v8, v9  }
0x3ca: {  	v8 =	vshrl.u32 v8, $0x1;
	_ =	sdelay $0x4  }
0x3cb: {  	v10 =	vld.idx.msk [tilespmem:v8+s4+$0x0], $0xffff;
	_ =	sdelay $0x4  }
0x3cc: {  	v8 =	vadd.s32 $0x1, v8;
	vm15 =	vgt.s32 v10, v32  }
0x3cd: {  	v8 =	vsel vm15, v9, v8  }
0x3ce: {  	(v2sf) =	vpush v8, $0x0;
	_ =	sdelay $0xe  }
0x3cf: {  	s31 =	spop (v2sf)  }
0x3d0: {  	s8 =	sadd.s32 $0xFFFFFFFF, s31  }
0x3d1: {  	p0 =	sgt.s32 s8, $0x0  }
0x3d2: {  	s8 =	simm.s32 @!p0 $0x0  }
0x3d3: {  	s0 =	sadd.s32 $0x1, s8  }
0x3d4: {  	p0 =	slt.s32 s0, $0xFFF;
	s1 =	smov.u32 s0  }
0x3d5: {  	s1 =	simm.s32 @!p0 $0xFFF  }
0x3d6: {  	v8 =	vmov s1;
	_ =	sdelay $0x4  }
0x3d7: {  	v8 =	vld.idx.msk [tilespmem:v8+s4+$0x0], $0xffff;
	_ =	sdelay $0x4  }
0x3d8: {  	(v2sf) =	vpush v8, $0x0;
	_ =	sdelay $0xe  }
0x3d9: {  	p0 =	sgt.s32 s0, $0xFFF;
	s1 =	spop (v2sf)  }
0x3da: {  	p1 =	sgt.s32 @!p0 s1, s14  }
0x3db: {  	p1 =	por p0, p1  }
.Ltmp20:
0x3dc: {  	_ = 	snop;
	(pc) =	sbr.rel @p1 .LBB2_40-.Ltmp20, $2  }
0x3dd: {  	_ =	sdelay $0x2  }
0x3de: {  	v8 =	vimm.s32 $0x0  }
0x3df: {  	v30 =	vld [tilespmem:$0x1FDB0]  }
0x3e0: {  	v31 =	vld [tilespmem:$0x1FDC0]  }
0x3e1: {  	v33 =	vld [tilespmem:$0x1FDD0]  }
0x3e2: {  	v35 =	vld [tilespmem:$0x1FF20]  }
0x3e3: {  	v36 =	vld [tilespmem:$0x1FF30]  }
0x3e4: {  	v37 =	vld [tilespmem:$0x1FF40]  }
0x3e5: {  	v38 =	vld [tilespmem:$0x1FF50]  }
0x3e6: {  	v39 =	vld [tilespmem:$0x1FF60]  }
0x3e7: {  	v40 =	vld [tilespmem:$0x1FF70]  }
0x3e8: {  	v41 =	vld [tilespmem:$0x1FF80]  }
0x3e9: {  	v45 =	vld [tilespmem:$0x1FF90]  }
0x3ea: {  	v52 =	vld [tilespmem:$0x1FFA0]  }
0x3eb: {  	v58 =	vmovc v57;
	v9 =	vimm.s32 $0x0;
	v10 =	vimm.s32 $0x0;
	v11 =	vimm.s32 $0x0;
	v57 =	vld [tilespmem:$0x1FD60]  }
0x3ec: {  	v12 =	vimm.s32 $0x0;
	v13 =	vimm.s32 $0x0;
	v14 =	vimm.s32 $0x0;
	v56 =	vld [tilespmem:$0x1FD50]  }
0x3ed: {  	v15 =	vimm.s32 $0x0;
	v17 =	vimm.s32 $0x0;
	v18 =	vimm.s32 $0x0;
	v55 =	vld [tilespmem:$0x1FD70]  }
0x3ee: {  	v19 =	vimm.s32 $0x0;
	v20 =	vimm.s32 $0x0;
	v21 =	vimm.s32 $0x0;
	v54 =	vld [tilespmem:$0x1FD40]  }
0x3ef: {  	v22 =	vimm.s32 $0x0;
	v23 =	vimm.s32 $0x0;
	v24 =	vimm.s32 $0x0;
	v53 =	vld [tilespmem:$0x1FFB0]  }
.LBB2_30:
0x3f0: {  	s2 =	smov.u32 s0;
	s0 =	sadd.s32 $0x1, s0  }
0x3f1: {  	p0 =	slt.s32 s0, $0xFFF;
	s7 =	smov.u32 s0  }
0x3f2: {  	s7 =	simm.s32 @!p0 $0xFFF  }
0x3f3: {  	v25 =	vmov s7;
	_ =	sdelay $0x4  }
0x3f4: {  	v25 =	vld.idx.msk [tilespmem:v25+s4+$0x0], $0xffff;
	_ =	sdelay $0x4  }
0x3f5: {  	(v2sf) =	vpush v25, $0x0;
	_ =	sdelay $0x5  }
0x3f6: {  	v25 =	vmov s1  }
0x3f7: {  	vm0 =	vle.s32 v25, v32;
	vm14 =	vle.s32 v25, v34;
	vm15 =	vle.s32 v25, v35  }
0x3f8: {  	vm1 =	vle.s32 v25, v36;
	vm4 =	vle.s32 v25, v37;
	vm5 =	vle.s32 v25, v38  }
0x3f9: {  	vm6 =	vle.s32 v25, v39;
	vm7 =	vle.s32 v25, v40;
	vm8 =	vle.s32 v25, v41  }
0x3fa: {  	vm9 =	vle.s32 v25, v45;
	vm10 =	vle.s32 v25, v52;
	vm11 =	vle.s32 v25, v53  }
0x3fb: {  	vm12 =	vle.s32 v25, v54;
	vm13 =	vle.s32 v25, v56;
	v26 =	vsel vm0, $0x1, v7  }
0x3fc: {  	v27 =	vsel vm14, $0x1, v7;
	v28 =	vsel vm15, $0x1, v7;
	v29 =	vsel vm1, $0x1, v7  }
0x3fd: {  	vm14 =	vle.s32 v25, v57;
	vm15 =	vle.s32 v25, v55;
	v24 =	vadd.s32 v26, v24  }
0x3fe: {  	v26 =	vsel vm4, $0x1, v7;
	v23 =	vadd.s32 v27, v23;
	v27 =	vsel vm5, $0x1, v7  }
0x3ff: {  	p0 =	sgt.s32 s2, $0xFFE;
	v22 =	vadd.s32 v28, v22;
	v28 =	vsel vm6, $0x1, v7;
	v21 =	vadd.s32 v29, v21;
	s1 =	spop (v2sf)  }
0x400: {  	v29 =	vsel vm7, $0x1, v7;
	v25 =	vsel vm15, $0x1, v7;
	v20 =	vadd.s32 v26, v20;
	p1 =	sle.s32 @!p0 s1, s14  }
0x401: {  	v26 =	vsel vm8, $0x1, v7;
	v19 =	vadd.s32 v27, v19;
	v27 =	vsel vm9, $0x1, v7;
	p1 =	por p0, !p1  }
.Ltmp21:
0x402: {  	v18 =	vadd.s32 v28, v18;
	v28 =	vsel vm10, $0x1, v7;
	v17 =	vadd.s32 v29, v17;
	(pc) =	sbr.rel @!p1 .LBB2_30-.Ltmp21, $4  }
0x403: {  	v29 =	vsel vm11, $0x1, v7;
	v8 =	vadd.s32 v25, v8;
	v15 =	vadd.s32 v26, v15  }
0x404: {  	v26 =	vsel vm12, $0x1, v7;
	v14 =	vadd.s32 v27, v14;
	v27 =	vsel vm13, $0x1, v7  }
0x405: {  	v13 =	vadd.s32 v28, v13;
	v28 =	vsel vm14, $0x1, v7;
	v12 =	vadd.s32 v29, v12  }
0x406: {  	v11 =	vadd.s32 v26, v11;
	v10 =	vadd.s32 v27, v10;
	v9 =	vadd.s32 v28, v9  }
0x407: {  	v24 =	vpsel p0, v24, v24;
	v23 =	vpsel p0, v23, v23  }
.Ltmp22:
0x408: {  	v22 =	vpsel p0, v22, v22;
	v21 =	vpsel p0, v21, v21;
	v20 =	vpsel p0, v20, v20;
	(pc) =	sbr.rel .LBB2_32-.Ltmp22, $4  }
0x409: {  	v19 =	vpsel p0, v19, v19;
	v18 =	vpsel p0, v18, v18;
	v17 =	vpsel p0, v17, v17;
	v53 =	vld [tilespmem:$0x1FFC0]  }
0x40a: {  	v15 =	vpsel p0, v15, v15;
	v14 =	vpsel p0, v14, v14;
	v13 =	vpsel p0, v13, v13;
	v55 =	vld [tilespmem:$0x1FFD0]  }
0x40b: {  	v12 =	vpsel p0, v12, v12;
	v11 =	vpsel p0, v11, v11;
	v10 =	vpsel p0, v10, v10;
	v56 =	vld [tilespmem:$0x1FFE0]  }
0x40c: {  	v9 =	vpsel p0, v9, v9;
	v8 =	vpsel p0, v8, v8;
	v54 =	vld [tilespmem:$0x1FFF0];
	v57 =	vmovc v58;
	v58 =	vimm.s32 $0x801  }
.LBB2_40:
0x40d: {  	v24 =	vpsel p0, $0x0, v8  }
0x40e: {  	v23 =	vpsel p0, $0x0, v8;
	v22 =	vpsel p0, $0x0, v8;
	v21 =	vpsel p0, $0x0, v8  }
0x40f: {  	v20 =	vpsel p0, $0x0, v8;
	v19 =	vpsel p0, $0x0, v8;
	v18 =	vpsel p0, $0x0, v8  }
0x410: {  	v17 =	vpsel p0, $0x0, v8;
	v15 =	vpsel p0, $0x0, v8;
	v14 =	vpsel p0, $0x0, v8;
	v30 =	vld [tilespmem:$0x1FDB0]  }
0x411: {  	v13 =	vpsel p0, $0x0, v8;
	v12 =	vpsel p0, $0x0, v8;
	v11 =	vpsel p0, $0x0, v8;
	v31 =	vld [tilespmem:$0x1FDC0]  }
0x412: {  	v10 =	vpsel p0, $0x0, v8;
	v9 =	vpsel p0, $0x0, v8;
	v8 =	vpsel p0, $0x0, v8;
	v33 =	vld [tilespmem:$0x1FDD0]  }
.LBB2_32:
0x413: {  	v24 =	vadd.s32 s8, v24  }
0x414: {  	v23 =	vadd.s32 s8, v23;
	vm0 =	vlt.s32 v24, $0xFFF  }
0x415: {  	v22 =	vadd.s32 s8, v22;
	vm14 =	vlt.s32 v23, $0xFFF;
	v24 =	vnsel vm0, $0xFFF, v24  }
0x416: {  	v21 =	vadd.s32 s8, v21;
	vm15 =	vlt.s32 v22, $0xFFF;
	v23 =	vnsel vm14, $0xFFF, v23;
	[tilespmem:$0x2B00] =	vst v24  }
0x417: {  	v20 =	vadd.s32 s8, v20;
	vm4 =	vlt.s32 v21, $0xFFF;
	v22 =	vnsel vm15, $0xFFF, v22;
	[tilespmem:$0x2B10] =	vst v23  }
0x418: {  	v19 =	vadd.s32 s8, v19;
	vm5 =	vlt.s32 v20, $0xFFF;
	v21 =	vnsel vm4, $0xFFF, v21;
	[tilespmem:$0x2B20] =	vst v22  }
0x419: {  	v18 =	vadd.s32 s8, v18;
	vm6 =	vlt.s32 v19, $0xFFF;
	v20 =	vnsel vm5, $0xFFF, v20;
	[tilespmem:$0x2B30] =	vst v21  }
0x41a: {  	v17 =	vadd.s32 s8, v17;
	vm7 =	vlt.s32 v18, $0xFFF;
	v19 =	vnsel vm6, $0xFFF, v19;
	[tilespmem:$0x2B40] =	vst v20  }
0x41b: {  	v15 =	vadd.s32 s8, v15;
	vm8 =	vlt.s32 v17, $0xFFF;
	v18 =	vnsel vm7, $0xFFF, v18;
	[tilespmem:$0x2B50] =	vst v19  }
0x41c: {  	v14 =	vadd.s32 s8, v14;
	vm9 =	vlt.s32 v15, $0xFFF;
	v17 =	vnsel vm8, $0xFFF, v17;
	[tilespmem:$0x2B60] =	vst v18  }
0x41d: {  	v13 =	vadd.s32 s8, v13;
	vm10 =	vlt.s32 v14, $0xFFF;
	v15 =	vnsel vm9, $0xFFF, v15;
	[tilespmem:$0x2B70] =	vst v17  }
0x41e: {  	v12 =	vadd.s32 s8, v12;
	vm11 =	vlt.s32 v13, $0xFFF;
	v14 =	vnsel vm10, $0xFFF, v14;
	[tilespmem:$0x2B80] =	vst v15  }
0x41f: {  	v11 =	vadd.s32 s8, v11;
	vm12 =	vlt.s32 v12, $0xFFF;
	v13 =	vnsel vm11, $0xFFF, v13;
	[tilespmem:$0x2B90] =	vst v14  }
0x420: {  	v10 =	vadd.s32 s8, v10;
	vm13 =	vlt.s32 v11, $0xFFF;
	v12 =	vnsel vm12, $0xFFF, v12;
	[tilespmem:$0x2BA0] =	vst v13  }
0x421: {  	v9 =	vadd.s32 s8, v9;
	v11 =	vnsel vm13, $0xFFF, v11;
	vm14 =	vlt.s32 v10, $0xFFF;
	[tilespmem:$0x2BB0] =	vst v12  }
0x422: {  	v8 =	vadd.s32 s8, v8;
	vm15 =	vlt.s32 v9, $0xFFF;
	[tilespmem:$0x2BC0] =	vst v11;
	v10 =	vnsel vm14, $0xFFF, v10  }
0x423: {  	vm4 =	vlt.s32 v8, $0xFFF;
	v9 =	vnsel vm15, $0xFFF, v9;
	[tilespmem:$0x2BD0] =	vst v10  }
0x424: {  	v8 =	vnsel vm4, $0xFFF, v8;
	[tilespmem:$0x2BE0] =	vst v9  }
0x425: {  	s0 =	simm.s32 $0x2B00;
	[tilespmem:$0x2BF0] =	vst v8  }
0x426: {  	[spmem:s3] =	stream.indirect.scatter.add.f32 [tilespmem:s30], [sflag:$0x6], $0x40, s0, s23, $0xb8;
	[tilespmem:$0x12C00] =	vst v63  }
0x427: {  	s25 =	simm.s32 $0x2B80;
	s1 =	simm.s32 $0xCC00  }
0x428: {  	[spmem:s3] =	stream.indirect.scatter.add.f32 [tilespmem:s1], [sflag:$0x6], $0x40, s25, s23, $0xb8;
	[tilespmem:$0x12C00] =	vst v63  }
0x429: {  	_ =	swait.ge [sflag:s21], $0x4000  }
0x42a: {  	[sflag:s21] =	ssyncset.done $0x0  }
0x42b: {  	[sflag:s21] =	ssyncadd.s32 $0xFFFFC000  }
0x42c: {  	_ =	swait.ge [sflag:s11], $0x2000  }
0x42d: {  	[sflag:s11] =	ssyncset.done $0x0  }
0x42e: {  	[sflag:s11] =	ssyncadd.s32 $0xFFFFE000  }
0x42f: {  	_ =	swait.ge [sflag:s11], $0x2000  }
0x430: {  	[sflag:s11] =	ssyncset.done $0x0  }
0x431: {  	[sflag:s11] =	ssyncadd.s32 $0xFFFFE000  }
0x432: {  	v8 =	vld.idx.msk [tilespmem:v5+s4+$0x0], $0xffff;
	_ =	sdelay $0x4  }
0x433: {  	v6 =	vimm.s32 $0xC00;
	vm5 =	vgt.s32 v8, v48  }
0x434: {  	v8 =	vsel vm5, $0x400, v6;
	_ =	sdelay $0x4  }
0x435: {  	v9 =	vld.idx.msk [tilespmem:v8+s4+$0x0], $0xffff;
	_ =	sdelay $0x3  }
0x436: {  	v10 =	vimm.s32 $0x1000  }
0x437: {  	v10 =	vsel vm5, $0x800, v10;
	vm1 =	vgt.s32 v9, v48  }
0x438: {  	v11 =	vor.u32 $0x1, v8;
	v9 =	vsel vm5, $0x0, v58;
	v8 =	vsel vm1, v8, v10  }
0x439: {  	v9 =	vsel vm1, v9, v11;
	v10 =	vadd.s32 $0xFFFFFFFF, v8  }
0x43a: {  	v11 =	vxor.u32 v10, v9  }
0x43b: {  	v10 =	vor.u32 v10, v9;
	v11 =	vshrl.u32 v11, $0x1  }
0x43c: {  	v10 =	vsub.s32 v10, v11;
	_ =	sdelay $0x4  }
0x43d: {  	v11 =	vld.idx.msk [tilespmem:v10+s4+$0x0], $0xffff;
	_ =	sdelay $0x4  }
0x43e: {  	vm6 =	vgt.s32 v11, v48;
	v11 =	vor.u32 $0x1, v10  }
0x43f: {  	v9 =	vsel vm6, v9, v11;
	v8 =	vsel vm6, v10, v8  }
0x440: {  	v10 =	vxor.u32 v8, v9  }
0x441: {  	v11 =	vand.u32 v8, v9;
	v10 =	vshrl.u32 v10, $0x1  }
0x442: {  	v10 =	vadd.s32 v10, v11;
	_ =	sdelay $0x4  }
0x443: {  	v11 =	vld.idx.msk [tilespmem:v10+s4+$0x0], $0xffff;
	_ =	sdelay $0x4  }
0x444: {  	vm7 =	vgt.s32 v11, v48;
	v11 =	vadd.s32 $0x1, v10  }
0x445: {  	v9 =	vsel vm7, v9, v11;
	v8 =	vsel vm7, v10, v8  }
0x446: {  	v10 =	vadd.s32 v8, v9  }
0x447: {  	v10 =	vshrl.u32 v10, $0x1;
	_ =	sdelay $0x4  }
0x448: {  	v11 =	vld.idx.msk [tilespmem:v10+s4+$0x0], $0xffff;
	_ =	sdelay $0x4  }
0x449: {  	vm8 =	vgt.s32 v11, v48;
	v11 =	vadd.s32 $0x1, v10  }
0x44a: {  	v9 =	vsel vm8, v9, v11;
	v8 =	vsel vm8, v10, v8  }
0x44b: {  	v10 =	vadd.s32 v8, v9  }
0x44c: {  	v10 =	vshrl.u32 v10, $0x1;
	_ =	sdelay $0x4  }
0x44d: {  	v11 =	vld.idx.msk [tilespmem:v10+s4+$0x0], $0xffff;
	_ =	sdelay $0x4  }
0x44e: {  	vm9 =	vgt.s32 v11, v48;
	v11 =	vadd.s32 $0x1, v10  }
0x44f: {  	v9 =	vsel vm9, v9, v11;
	v8 =	vsel vm9, v10, v8  }
0x450: {  	v10 =	vadd.s32 v8, v9  }
0x451: {  	v10 =	vshrl.u32 v10, $0x1;
	_ =	sdelay $0x4  }
0x452: {  	v11 =	vld.idx.msk [tilespmem:v10+s4+$0x0], $0xffff;
	_ =	sdelay $0x4  }
0x453: {  	vm10 =	vgt.s32 v11, v48;
	v11 =	vadd.s32 $0x1, v10  }
0x454: {  	v9 =	vsel vm10, v9, v11;
	v8 =	vsel vm10, v10, v8  }
0x455: {  	v10 =	vadd.s32 v8, v9  }
0x456: {  	v10 =	vshrl.u32 v10, $0x1;
	_ =	sdelay $0x4  }
0x457: {  	v11 =	vld.idx.msk [tilespmem:v10+s4+$0x0], $0xffff;
	_ =	sdelay $0x4  }
0x458: {  	vm11 =	vgt.s32 v11, v48;
	v11 =	vadd.s32 $0x1, v10  }
0x459: {  	v9 =	vsel vm11, v9, v11;
	v8 =	vsel vm11, v10, v8  }
0x45a: {  	v10 =	vadd.s32 v8, v9  }
0x45b: {  	v10 =	vshrl.u32 v10, $0x1;
	_ =	sdelay $0x4  }
0x45c: {  	v11 =	vld.idx.msk [tilespmem:v10+s4+$0x0], $0xffff;
	_ =	sdelay $0x4  }
0x45d: {  	vm12 =	vgt.s32 v11, v48;
	v11 =	vadd.s32 $0x1, v10  }
0x45e: {  	v9 =	vsel vm12, v9, v11;
	v8 =	vsel vm12, v10, v8  }
0x45f: {  	v10 =	vadd.s32 v8, v9  }
0x460: {  	v10 =	vshrl.u32 v10, $0x1;
	_ =	sdelay $0x4  }
0x461: {  	v11 =	vld.idx.msk [tilespmem:v10+s4+$0x0], $0xffff;
	_ =	sdelay $0x4  }
0x462: {  	vm13 =	vgt.s32 v11, v48;
	v11 =	vadd.s32 $0x1, v10  }
0x463: {  	v9 =	vsel vm13, v9, v11;
	v8 =	vsel vm13, v10, v8  }
0x464: {  	v10 =	vadd.s32 v8, v9  }
0x465: {  	v10 =	vshrl.u32 v10, $0x1;
	_ =	sdelay $0x4  }
0x466: {  	v11 =	vld.idx.msk [tilespmem:v10+s4+$0x0], $0xffff;
	_ =	sdelay $0x4  }
0x467: {  	vm14 =	vgt.s32 v11, v48;
	v11 =	vadd.s32 $0x1, v10  }
0x468: {  	v9 =	vsel vm14, v9, v11;
	v8 =	vsel vm14, v10, v8  }
0x469: {  	v8 =	vadd.s32 v8, v9  }
0x46a: {  	v8 =	vshrl.u32 v8, $0x1;
	_ =	sdelay $0x4  }
0x46b: {  	v10 =	vld.idx.msk [tilespmem:v8+s4+$0x0], $0xffff;
	_ =	sdelay $0x4  }
0x46c: {  	v8 =	vadd.s32 $0x1, v8;
	vm15 =	vgt.s32 v10, v48  }
0x46d: {  	v8 =	vsel vm15, v9, v8  }
0x46e: {  	(v2sf) =	vpush v8, $0x0;
	_ =	sdelay $0xe  }
0x46f: {  	s31 =	spop (v2sf)  }
0x470: {  	s8 =	sadd.s32 $0xFFFFFFFF, s31  }
0x471: {  	p0 =	sgt.s32 s8, $0x0  }
0x472: {  	s8 =	simm.s32 @!p0 $0x0  }
0x473: {  	s0 =	sadd.s32 $0x1, s8  }
0x474: {  	p0 =	slt.s32 s0, $0xFFF;
	s1 =	smov.u32 s0  }
0x475: {  	s1 =	simm.s32 @!p0 $0xFFF  }
0x476: {  	v8 =	vmov s1;
	_ =	sdelay $0x4  }
0x477: {  	v8 =	vld.idx.msk [tilespmem:v8+s4+$0x0], $0xffff;
	_ =	sdelay $0x4  }
0x478: {  	(v2sf) =	vpush v8, $0x0;
	_ =	sdelay $0xe  }
0x479: {  	p0 =	sgt.s32 s0, $0xFFF;
	s1 =	spop (v2sf)  }
0x47a: {  	p1 =	sgt.s32 @!p0 s1, s15  }
0x47b: {  	p1 =	por p0, p1  }
.Ltmp23:
0x47c: {  	_ = 	snop;
	(pc) =	sbr.rel @p1 .LBB2_41-.Ltmp23, $2  }
0x47d: {  	_ =	sdelay $0x2  }
0x47e: {  	v8 =	vimm.s32 $0x0  }
0x47f: {  	v9 =	vimm.s32 $0x0;
	v10 =	vimm.s32 $0x0;
	v11 =	vimm.s32 $0x0  }
0x480: {  	v12 =	vimm.s32 $0x0;
	v13 =	vimm.s32 $0x0;
	v14 =	vimm.s32 $0x0  }
0x481: {  	v15 =	vimm.s32 $0x0;
	v17 =	vimm.s32 $0x0;
	v18 =	vimm.s32 $0x0  }
0x482: {  	v19 =	vimm.s32 $0x0;
	v20 =	vimm.s32 $0x0;
	v5 =	vmovc v4;
	v4 =	vmovc v3;
	v3 =	vmov v57  }
0x483: {  	v57 =	vmovc v63;
	v63 =	vmovc v62;
	v62 =	vmov v61;
	v61 =	vmov v60;
	v60 =	vmov v59;
	v59 =	vld [tilespmem:$0x1FDA0]  }
0x484: {  	v21 =	vimm.s32 $0x0;
	v58 =	vmovc v54;
	v54 =	vmovc v56;
	v56 =	vmov v55;
	v55 =	vmov v53;
	v53 =	vld [tilespmem:$0x1FD90]  }
0x485: {  	v22 =	vimm.s32 $0x0;
	v23 =	vimm.s32 $0x0;
	v24 =	vimm.s32 $0x0;
	v6 =	vld [tilespmem:$0x1FD80]  }
.LBB2_34:
0x486: {  	s2 =	smov.u32 s0;
	s0 =	sadd.s32 $0x1, s0  }
0x487: {  	p0 =	slt.s32 s0, $0xFFF;
	s7 =	smov.u32 s0  }
0x488: {  	s7 =	simm.s32 @!p0 $0xFFF  }
0x489: {  	v25 =	vmov s7;
	_ =	sdelay $0x4  }
0x48a: {  	v25 =	vld.idx.msk [tilespmem:v25+s4+$0x0], $0xffff;
	_ =	sdelay $0x4  }
0x48b: {  	(v2sf) =	vpush v25, $0x0;
	_ =	sdelay $0x5  }
0x48c: {  	v25 =	vmov s1  }
0x48d: {  	vm0 =	vle.s32 v25, v48;
	vm14 =	vle.s32 v25, v6;
	vm15 =	vle.s32 v25, v53  }
0x48e: {  	vm1 =	vle.s32 v25, v55;
	vm4 =	vle.s32 v25, v56;
	vm5 =	vle.s32 v25, v54  }
0x48f: {  	vm6 =	vle.s32 v25, v58;
	vm7 =	vle.s32 v25, v59;
	vm8 =	vle.s32 v25, v60  }
0x490: {  	vm9 =	vle.s32 v25, v61;
	vm10 =	vle.s32 v25, v62;
	vm11 =	vle.s32 v25, v63  }
0x491: {  	vm12 =	vle.s32 v25, v57;
	vm13 =	vle.s32 v25, v3;
	v26 =	vsel vm0, $0x1, v7  }
0x492: {  	v27 =	vsel vm14, $0x1, v7;
	v28 =	vsel vm15, $0x1, v7;
	v29 =	vsel vm1, $0x1, v7  }
0x493: {  	vm14 =	vle.s32 v25, v4;
	vm15 =	vle.s32 v25, v5;
	v24 =	vadd.s32 v26, v24  }
0x494: {  	v26 =	vsel vm4, $0x1, v7;
	v23 =	vadd.s32 v27, v23;
	v27 =	vsel vm5, $0x1, v7  }
0x495: {  	p0 =	sgt.s32 s2, $0xFFE;
	v22 =	vadd.s32 v28, v22;
	v28 =	vsel vm6, $0x1, v7;
	v21 =	vadd.s32 v29, v21;
	s1 =	spop (v2sf)  }
0x496: {  	v29 =	vsel vm7, $0x1, v7;
	v25 =	vsel vm15, $0x1, v7;
	v20 =	vadd.s32 v26, v20;
	p1 =	sle.s32 @!p0 s1, s15  }
0x497: {  	v26 =	vsel vm8, $0x1, v7;
	v19 =	vadd.s32 v27, v19;
	v27 =	vsel vm9, $0x1, v7;
	p1 =	por p0, !p1  }
.Ltmp24:
0x498: {  	v18 =	vadd.s32 v28, v18;
	v28 =	vsel vm10, $0x1, v7;
	v17 =	vadd.s32 v29, v17;
	(pc) =	sbr.rel @!p1 .LBB2_34-.Ltmp24, $4  }
0x499: {  	v29 =	vsel vm11, $0x1, v7;
	v8 =	vadd.s32 v25, v8;
	v15 =	vadd.s32 v26, v15  }
0x49a: {  	v26 =	vsel vm12, $0x1, v7;
	v14 =	vadd.s32 v27, v14;
	v27 =	vsel vm13, $0x1, v7  }
0x49b: {  	v13 =	vadd.s32 v28, v13;
	v28 =	vsel vm14, $0x1, v7;
	v12 =	vadd.s32 v29, v12  }
0x49c: {  	v11 =	vadd.s32 v26, v11;
	v10 =	vadd.s32 v27, v10;
	v9 =	vadd.s32 v28, v9  }
0x49d: {  	v24 =	vpsel p0, v24, v24  }
0x49e: {  	v23 =	vpsel p0, v23, v23;
	v22 =	vpsel p0, v22, v22;
	v21 =	vpsel p0, v21, v21  }
0x49f: {  	v20 =	vpsel p0, v20, v20;
	v19 =	vpsel p0, v19, v19;
	v18 =	vpsel p0, v18, v18  }
0x4a0: {  	v17 =	vpsel p0, v17, v17;
	v15 =	vpsel p0, v15, v15;
	v14 =	vpsel p0, v14, v14  }
.Ltmp25:
0x4a1: {  	v13 =	vpsel p0, v13, v13;
	v12 =	vpsel p0, v12, v12;
	v11 =	vpsel p0, v11, v11;
	(pc) =	sbr.rel .LBB2_36-.Ltmp25, $4  }
0x4a2: {  	v10 =	vpsel p0, v10, v10;
	v9 =	vpsel p0, v9, v9;
	v8 =	vpsel p0, v8, v8  }
0x4a3: {  	v53 =	vmovc v55;
	v55 =	vmovc v56;
	v56 =	vmov v54;
	v54 =	vmov v58;
	v59 =	vmov v60  }
0x4a4: {  	v60 =	vmovc v61;
	v61 =	vmovc v62;
	v62 =	vmov v63;
	v63 =	vmov v57;
	v57 =	vmov v3  }
0x4a5: {  	v3 =	vmovc v4;
	v4 =	vmovc v5;
	v5 =	vimm.s32 $0x800;
	v58 =	vimm.s32 $0x801;
	s10 =	rddreg [dreg:$0x9];
	v6 =	vimm.s32 $0xC00  }
.LBB2_37:
0x4a6: {  	_ =	sfence.sel $0x180000  }
0x4a7: {  	[bflag:$0x0] =	sbarrier.arrive $0xFFFF  }
0x4a8: {  	_ =	strace $0x90000047  }
0x4a9: {  	s0 =	stileid.u32;
	[bflag:$0x2] =	sbarrier.arrive $0xFFFF  }
0x4aa: {  	p0 =	sne.s32 s0, $0x0;
	s0 =	rddreg [dreg:$0x4]  }
0x4ab: {  	s0 =	sadd.s32 @!p0 $0x100000, s0  }
0x4ac: {  	[sflag:s0] =	ssyncadd.tile.s32 @!p0 $0x1;
	_ =	shalt  }
.Lfunc_end2:
_tile_overlayer_lowered:
.L_overlay_start_2:
0x4ad: {  	(tag) =	ssettag $0x2  }
0x4ae: {  	s0 =	rddreg [dreg:$0x0];
	s2 =	stileid.u32  }
0x4af: {  	s1 =	rddreg [dreg:$0x1];
	p0 =	sne.s32 s2, $0x0  }
0x4b0: {  	s3 =	rddreg [dreg:$0x2];
	[bflag:$0x3] =	sbarrier.arrive $0xFFFF;
	s2 =	simm.s32 @!p0 $0x1C07  }
0x4b1: {  	[timem:s3], [sflag:s2] =	dma.local @!p0 [hbm:s0], s1  }
0x4b2: {  	s0 =	simm.s32 @!p0 $0x7  }
0x4b3: {  	_ =	swait.ge @!p0 [sflag:s0], s1  }
0x4b4: {  	s1 =	ssub.s32 @!p0 $0x0, s1;
	[sflag:s0] =	ssyncset.done @!p0 $0x0  }
0x4b5: {  	[sflag:s0] =	ssyncadd.s32 @!p0 s1  }
0x4b6: {  	[bflag:$0x3] =	sbarrier.arrive $0xFFFF  }
0x4b7: {  	_ =	shalt  }

</sc_bundles>
